<compile_context>
chip_gen: v7x
topology: tpu7x:2x2x1
jax: 0.10.2.dev20260603
libtpu: 0.0.44.dev20260713+nightly
codegen_flags: <defaults>
</compile_context>

<pallas_src>
import functools

import jax
import jax.numpy as jnp
from jax import lax
from jax.experimental import pallas as pl
from jax.experimental.pallas import tpu as pltpu
from jax.experimental.pallas import tpu_sc as plsc

_NC = 2
_NS = 16
_NW = _NC * _NS

_K = 2
_WT = 128
_WU = 128
_CH = 80
_CS = 40
_NB = 6
_NS_B = 5


def _sc_mesh():
    return plsc.VectorSubcoreMesh(
        core_axis_name="c", subcore_axis_name="s",
        num_cores=_NC, num_subcores=_NS)


def _gather_sc(t, src2, dst2, n, e):
    epw = e // _NW
    nfull = epw // _CH
    tl = epw - nfull * _CH

    @functools.partial(
        pl.kernel,
        out_type=(
            jax.ShapeDtypeStruct((e, _WT), jnp.float32),
            jax.ShapeDtypeStruct((e, _WT), jnp.float32),
        ),
        mesh=_sc_mesh(),
        scratch_types=[
            pltpu.VMEM((epw,), jnp.int32),
            pltpu.VMEM((epw,), jnp.int32),
        ] + [pltpu.VMEM((_CH, _WT), jnp.float32)] * _NB
          + [pltpu.SemaphoreType.DMA] * (2 * _NB),
    )
    def k(t_hbm, src_hbm, dst_hbm, ts_hbm, td_hbm, idxs_v, idxd_v, *rest):
        rows = rest[:_NB]
        gsem = rest[_NB:2 * _NB]
        ssem = rest[2 * _NB:]
        wid = lax.axis_index("s") * _NC + lax.axis_index("c")
        base = wid * epw
        pltpu.sync_copy(src_hbm.at[wid], idxs_v)
        pltpu.sync_copy(dst_hbm.at[wid], idxd_v)

        def burst(i0, nch, sz):
            jobs = [(side, i0 + j)
                    for j in range(nch) for side in (0, 1)]
            gets = []
            for b, (side, i) in enumerate(jobs):
                ih = idxs_v if side == 0 else idxd_v
                iv = pl.ds(i * _CH, sz)
                gets.append(pltpu.async_copy(
                    t_hbm.at[ih.at[iv]], rows[b].at[pl.ds(0, sz)], gsem[b]))
            puts = []
            for b, (side, i) in enumerate(jobs):
                oh = ts_hbm if side == 0 else td_hbm
                gets[b].wait()
                puts.append(pltpu.async_copy(
                    rows[b].at[pl.ds(0, sz)],
                    oh.at[pl.ds(base + i * _CH, sz)], ssem[b]))
            for d in puts:
                d.wait()

        npc = _NB // 2
        def grp(p, _):
            burst(p * npc, npc, _CH)
            return _

        lax.fori_loop(0, nfull // npc, grp, 0)
        for i in range(nfull - nfull % npc, nfull):
            burst(i, 1, _CH)
        if tl:
            burst(nfull, 1, tl)

    return k(t, src2, dst2)


def _scatter_sc(u1, u2, dst3, zeros_nw, n, e):
    epw = e // _NW
    cpt = epw // _CS
    ngrp = cpt // _NS_B
    nleft = cpt - ngrp * _NS_B
    rpt = (n // _NS) // 8 * 8
    rem = n - _NS * rpt

    @functools.partial(
        pl.kernel,
        out_type=(
            jax.ShapeDtypeStruct((_NC, n, _WU), jnp.float32),
            jax.ShapeDtypeStruct((_NC, n, _WU), jnp.float32),
        ),
        mesh=_sc_mesh(),
        scratch_types=[
            pltpu.VMEM((cpt, _CS), jnp.int32),
        ] + [pltpu.VMEM((_CS, _WU), jnp.float32)] * _NS_B + [
            pltpu.VMEM_SHARED((n, _WU), jnp.float32),
        ] + [pltpu.SemaphoreType.DMA] * (2 * _NS_B),
    )
    def k(u1_hbm, u2_hbm, dst_hbm, z_hbm, s1_hbm, s2_hbm,
          idx_v, *rest):
        rows = rest[:_NS_B]
        acc = rest[_NS_B]
        lsem = rest[_NS_B + 1:_NS_B + 1 + _NS_B]
        asem = rest[_NS_B + 1 + _NS_B:]
        c = lax.axis_index("c")
        s = lax.axis_index("s")
        wid = s * _NC + c
        base = wid * epw
        mine = pl.ds(s * rpt, rpt)
        tail = pl.ds(_NS * rpt, rem)
        pltpu.sync_copy(dst_hbm.at[wid], idx_v)

        def phase(u_hbm, out_hbm):
            pltpu.sync_copy(z_hbm.at[mine], acc.at[mine])
            @pl.when(s == _NS - 1)
            def _zero_tail():
                pltpu.sync_copy(z_hbm.at[tail], acc.at[tail])
            plsc.subcore_barrier()

            def burst(i0, nb):
                loads = [pltpu.async_copy(
                    u_hbm.at[pl.ds(base + (i0 + b) * _CS, _CS)],
                    rows[b], lsem[b]) for b in range(nb)]
                adds = []
                for b in range(nb):
                    loads[b].wait()
                    adds.append(pltpu.async_copy(
                        rows[b], acc.at[idx_v.at[i0 + b]], asem[b],
                        add=True))
                for d in adds:
                    d.wait()

            def grp(p, _):
                burst(p * _NS_B, _NS_B)
                return _

            lax.fori_loop(0, ngrp, grp, 0)
            if nleft:
                burst(ngrp * _NS_B, nleft)
            plsc.subcore_barrier()
            pltpu.sync_copy(acc.at[mine], out_hbm.at[c].at[mine])
            @pl.when(s == _NS - 1)
            def _write_tail():
                pltpu.sync_copy(acc.at[tail], out_hbm.at[c].at[tail])
            plsc.subcore_barrier()

        phase(u1_hbm, s1_hbm)
        phase(u2_hbm, s2_hbm)

    return k(u1, u2, dst3, zeros_nw)


def _silu(v):
    return v * jax.nn.sigmoid(v)


def _edge_tc(ts, td, dist3, We1r, be1r, We2, be2r, Wn1s, Wn1d, Wn1e, bn1r,
             Wc1s, Wc1d, Wc1e, bc1r, Wc2r, e, be):
    g = e // be

    def unpack(pk):
        pu = jax.lax.bitcast_convert_type(pk, jnp.uint32)
        hi = jax.lax.bitcast_convert_type(
            (pu >> 16).astype(jnp.uint16), jnp.bfloat16)
        lo = jax.lax.bitcast_convert_type(
            pu.astype(jnp.uint16), jnp.bfloat16)
        return jnp.concatenate([hi, lo], axis=1)

    def body(ts_ref, td_ref, d_ref, we1_ref, be1_ref, we2_ref, be2_ref,
             wn1s_ref, wn1d_ref, wn1e_ref, bn1_ref,
             wc1s_ref, wc1d_ref, wc1e_ref, bc1_ref, wc2_ref,
             u1_ref, u2_ref):
        d = d_ref[0, 0, :]
        e1 = d[:, None] * we1_ref[0, :][None, :] + be1_ref[0, :]
        ea = jnp.dot(_silu(e1), we2_ref[...],
                     preferred_element_type=jnp.float32) + be2_ref[0, :]
        hs = unpack(ts_ref[:, 0:64])
        hd = unpack(td_ref[:, 0:64])
        pre_n = (jnp.dot(hs, wn1s_ref[...], preferred_element_type=jnp.float32)
                 + jnp.dot(hd, wn1d_ref[...], preferred_element_type=jnp.float32)
                 + jnp.dot(ea, wn1e_ref[...], preferred_element_type=jnp.float32)
                 + bn1_ref[0, :])
        u1_ref[...] = _silu(pre_n)
        pre_c = (jnp.dot(hs, wc1s_ref[...], preferred_element_type=jnp.float32)
                 + jnp.dot(hd, wc1d_ref[...], preferred_element_type=jnp.float32)
                 + jnp.dot(ea, wc1e_ref[...], preferred_element_type=jnp.float32)
                 + bc1_ref[0, :])
        u = _silu(pre_c)
        cw = jnp.sum(u * wc2_ref[0, :][None, :], axis=1, keepdims=True)
        dvec = ts_ref[:, 64:67] - td_ref[:, 64:67]
        dlen = jnp.maximum(
            jnp.sqrt(jnp.sum(dvec * dvec, axis=1, keepdims=True)), 1e-8)
        cu = cw * (dvec / dlen)
        ones = jnp.ones((be, 1), jnp.float32)
        pad = jnp.zeros((be, _WU - 4), jnp.float32)
        u2_ref[...] = jnp.concatenate([cu, ones, pad], axis=1)

    full = lambda shape: pl.BlockSpec(shape, lambda i: (0,) * len(shape))
    return pl.pallas_call(
        body,
        grid=(g,),
        in_specs=[
            pl.BlockSpec((be, _WT), lambda i: (i, 0)),
            pl.BlockSpec((be, _WT), lambda i: (i, 0)),
            pl.BlockSpec((1, 1, be), lambda i: (i, 0, 0)),
            full((1, 16)), full((1, 16)), full((16, 16)), full((1, 16)),
            full((128, 128)), full((128, 128)), full((16, 128)), full((1, 128)),
            full((128, 128)), full((128, 128)), full((16, 128)), full((1, 128)),
            full((1, 128)),
        ],
        out_specs=[
            pl.BlockSpec((be, _WU), lambda i: (i, 0)),
            pl.BlockSpec((be, _WU), lambda i: (i, 0)),
        ],
        out_shape=[
            jax.ShapeDtypeStruct((e, _WU), jnp.float32),
            jax.ShapeDtypeStruct((e, _WU), jnp.float32),
        ],
    )(ts, td, dist3, We1r, be1r, We2, be2r, Wn1s, Wn1d, Wn1e, bn1r,
      Wc1s, Wc1d, Wc1e, bc1r, Wc2r)


def _final_tc(h, x3, s1s, s2s, Wn2, bn2r, n, bn):
    g = n // bn
    np_ = len(s1s)

    def body(*refs):
        h_ref, x_ref = refs[0], refs[1]
        s1_refs = refs[2:2 + np_]
        s2_refs = refs[2 + np_:2 + 2 * np_]
        wn2_ref, bn2_ref, oh_ref, ox_ref = refs[2 + 2 * np_:]
        hidden = s1_refs[0][0] + s1_refs[0][1]
        s2 = s2_refs[0][0] + s2_refs[0][1]
        for r in s1_refs[1:]:
            hidden = hidden + r[0] + r[1]
        for r in s2_refs[1:]:
            s2 = s2 + r[0] + r[1]
        deg = s2[:, 3:4]
        xa = s2[:, 0:3]
        oh_ref[...] = (h_ref[...]
                       + jnp.dot(hidden, wn2_ref[...],
                                 preferred_element_type=jnp.float32)
                       + deg * bn2_ref[0, :])
        ox_ref[...] = x_ref[...] + xa

    part_spec = pl.BlockSpec((_NC, bn, _WU), lambda i: (0, i, 0))
    return pl.pallas_call(
        body,
        grid=(g,),
        in_specs=[
            pl.BlockSpec((bn, 128), lambda i: (i, 0)),
            pl.BlockSpec((bn, 3), lambda i: (i, 0)),
        ] + [part_spec] * (2 * np_) + [
            pl.BlockSpec((128, 128), lambda i: (0, 0)),
            pl.BlockSpec((1, 128), lambda i: (0, 0)),
        ],
        out_specs=[
            pl.BlockSpec((bn, 128), lambda i: (i, 0)),
            pl.BlockSpec((bn, 3), lambda i: (i, 0)),
        ],
        out_shape=[
            jax.ShapeDtypeStruct((n, 128), jnp.float32),
            jax.ShapeDtypeStruct((n, 3), jnp.float32),
        ],
    )(h, x3, *s1s, *s2s, Wn2, bn2r)


@jax.jit
def kernel(h, x, edge_index, edge_dist, We1, be1, We2, be2, Wn1, bn1, Wn2,
           bn2, Wc1, bc1, Wc2):
    n, nd = h.shape
    e = edge_dist.shape[0]
    e2 = e // _K
    epw = e2 // _NW
    assert nd == 128 and e2 % _NW == 0 and epw % 8 == 0
    assert epw % _CS == 0 and n % _NS == 0

    src = edge_index[0].reshape(_K, e2)
    dst = edge_index[1].reshape(_K, e2)
    src3g = src.reshape(_K, _NW, epw)
    dst3g = dst.reshape(_K, _NW, epw)
    dst3s = dst.reshape(_K, _NW, epw // _CS, _CS)

    hb = h.astype(jnp.bfloat16).reshape(n, 64, 2)
    hi16 = jax.lax.bitcast_convert_type(hb[:, :, 0], jnp.uint16)
    lo16 = jax.lax.bitcast_convert_type(hb[:, :, 1], jnp.uint16)
    packed = jax.lax.bitcast_convert_type(
        (hi16.astype(jnp.uint32) << 16) | lo16.astype(jnp.uint32),
        jnp.float32)
    t = jnp.concatenate(
        [packed, x, jnp.zeros((n, _WT - 67), jnp.float32)], axis=1)

    perm = jnp.concatenate(
        [jnp.arange(0, 128, 2), jnp.arange(1, 128, 2)])
    bf = jnp.bfloat16
    be = 3200
    dist3 = edge_dist.reshape(_K, e2 // be, 1, be)
    zeros_nw = jnp.zeros((n, _WU), jnp.float32)

    def chain(idx, tok):
        return idx + (tok * 0.0).astype(jnp.int32)

    gathered = []
    tok = None
    for k in range(_K):
        s3 = src3g[k] if tok is None else chain(src3g[k], tok)
        ts, td = _gather_sc(t, s3, dst3g[k], n, e2)
        tok = ts[0, 0]
        gathered.append((ts, td))
    parts = []
    for k in range(_K):
        ts, td = gathered[k]
        u1, u2 = _edge_tc(
            ts, td, dist3[k],
            We1.reshape(1, 16), be1.reshape(1, 16), We2, be2.reshape(1, 16),
            Wn1[0:128][perm].astype(bf), Wn1[128:256][perm].astype(bf),
            Wn1[256:272], bn1.reshape(1, 128),
            Wc1[0:128][perm].astype(bf), Wc1[128:256][perm].astype(bf),
            Wc1[256:272], bc1.reshape(1, 128),
            Wc2.reshape(1, 128), e2, be)
        p = _scatter_sc(u1, u2, chain(dst3s[k], tok), zeros_nw, n, e2)
        tok = p[0][0, 0, 0]
        parts.append(p)

    oh, ox = _final_tc(h, x, [p[0] for p in parts], [p[1] for p in parts],
                       Wn2, bn2.reshape(1, 128), n, 1000)
    return oh, ox

# --- scband reference (transcript-rebuilt; emitter-appended) ---
"""Pipeline reference for scband-csocssc-v41-11287174054533 (READ-ONLY COPY).

The authoritative reference and input builder live on the scoring server;
editing this copy changes nothing except your own understanding.
"""

import jax, jax.numpy as jnp
import numpy as np


def setup_inputs(seed: int = 0) -> dict:
    key = jax.random.key(seed)
    ks = jax.random.split(key, 16)
    N, E = 10000, 320000
    node_dim, hidden_dim, edge_dim = 128, 128, 16
    h = jax.random.normal(ks[0], (N, node_dim), dtype=jnp.float32)
    x = jax.random.normal(ks[1], (N, 3), dtype=jnp.float32)
    edge_index = jax.random.randint(ks[2], (2, E), 0, N, dtype=jnp.int32)
    edge_dist = jax.random.uniform(ks[3], (E,), dtype=jnp.float32)
    s = 0.05
    # edge_mlp: Linear(1, edge_dim) -> SiLU -> Linear(edge_dim, edge_dim)
    We1 = jax.random.normal(ks[4], (1, edge_dim), dtype=jnp.float32) * s
    be1 = jnp.zeros((edge_dim,), dtype=jnp.float32)
    We2 = jax.random.normal(ks[5], (edge_dim, edge_dim), dtype=jnp.float32) * s
    be2 = jnp.zeros((edge_dim,), dtype=jnp.float32)
    # node_mlp: Linear(2*node_dim+edge_dim, hidden_dim) -> SiLU -> Linear(hidden_dim, node_dim)
    Wn1 = jax.random.normal(ks[6], (2 * node_dim + edge_dim, hidden_dim), dtype=jnp.float32) * s
    bn1 = jnp.zeros((hidden_dim,), dtype=jnp.float32)
    Wn2 = jax.random.normal(ks[7], (hidden_dim, node_dim), dtype=jnp.float32) * s
    bn2 = jnp.zeros((node_dim,), dtype=jnp.float32)
    # coord_mlp: Linear(2*node_dim+edge_dim, hidden_dim) -> SiLU -> Linear(hidden_dim, 1, bias=False)
    Wc1 = jax.random.normal(ks[8], (2 * node_dim + edge_dim, hidden_dim), dtype=jnp.float32) * s
    bc1 = jnp.zeros((hidden_dim,), dtype=jnp.float32)
    Wc2 = jax.random.normal(ks[9], (hidden_dim, 1), dtype=jnp.float32) * s
    return {
        "h": h, "x": x, "edge_index": edge_index, "edge_dist": edge_dist,
        "We1": We1, "be1": be1, "We2": We2, "be2": be2,
        "Wn1": Wn1, "bn1": bn1, "Wn2": Wn2, "bn2": bn2,
        "Wc1": Wc1, "bc1": bc1, "Wc2": Wc2,
    }


def reference(h, x, edge_index, edge_dist, We1, be1, We2, be2, Wn1, bn1, Wn2, bn2, Wc1, bc1, Wc2):
    src = edge_index[0]
    dst = edge_index[1]
    # edge_mlp(edge_dist.unsqueeze(-1))
    e = edge_dist[:, None]
    edge_attr = jax.nn.silu(e @ We1 + be1) @ We2 + be2
    # m_input = cat([h[src], h[dst], edge_attr], dim=-1)
    m_input = jnp.concatenate([jnp.take(h, src, axis=0), jnp.take(h, dst, axis=0), edge_attr], axis=-1)
    # node_mlp
    m = jax.nn.silu(m_input @ Wn1 + bn1) @ Wn2 + bn2
    # h_agg = zeros_like(h).index_add(0, dst, m)
    h_agg = jnp.zeros_like(h).at[dst].add(m)
    # coord_mlp -> scalar weight per edge
    coord_weight = jax.nn.silu(m_input @ Wc1 + bc1) @ Wc2
    dir_vec = jnp.take(x, src, axis=0) - jnp.take(x, dst, axis=0)
    dir_len = jnp.maximum(jnp.linalg.norm(dir_vec, axis=-1, keepdims=True), 1e-08)
    dir_unit = dir_vec / dir_len
    coord_update = coord_weight * dir_unit
    x_agg = jnp.zeros_like(x).at[dst].add(coord_update)
    return (h + h_agg, x + x_agg)

if __name__ == "__main__":
    import jax
    _d = setup_inputs()
    print(jax.jit(kernel)(*tuple(_d.values())))

</pallas_src>

<mosaic_0001>
#map = affine_map<(d0, d1) -> (0, 0)>
module attributes {stable_mosaic.version = 14 : i64} {
  func.func @k(%arg0: i32, %arg1: i32, %arg2: memref<10000x128xf32, #tpu.memory_space<hbm>>, %arg3: memref<32x5000xi32, #tpu.memory_space<hbm>>, %arg4: memref<32x5000xi32, #tpu.memory_space<hbm>>, %arg5: memref<160000x128xf32, #tpu.memory_space<hbm>>, %arg6: memref<160000x128xf32, #tpu.memory_space<hbm>>, %arg7: memref<5000xi32, #tpu.memory_space<vmem>>, %arg8: memref<5000xi32, #tpu.memory_space<vmem>>, %arg9: memref<80x128xf32, #tpu.memory_space<vmem>>, %arg10: memref<80x128xf32, #tpu.memory_space<vmem>>, %arg11: memref<80x128xf32, #tpu.memory_space<vmem>>, %arg12: memref<80x128xf32, #tpu.memory_space<vmem>>, %arg13: memref<80x128xf32, #tpu.memory_space<vmem>>, %arg14: memref<80x128xf32, #tpu.memory_space<vmem>>, %arg15: memref<!tpu.dma_semaphore, #tpu.memory_space<semaphore_mem>>, %arg16: memref<!tpu.dma_semaphore, #tpu.memory_space<semaphore_mem>>, %arg17: memref<!tpu.dma_semaphore, #tpu.memory_space<semaphore_mem>>, %arg18: memref<!tpu.dma_semaphore, #tpu.memory_space<semaphore_mem>>, %arg19: memref<!tpu.dma_semaphore, #tpu.memory_space<semaphore_mem>>, %arg20: memref<!tpu.dma_semaphore, #tpu.memory_space<semaphore_mem>>, %arg21: memref<!tpu.dma_semaphore, #tpu.memory_space<semaphore_mem>>, %arg22: memref<!tpu.dma_semaphore, #tpu.memory_space<semaphore_mem>>, %arg23: memref<!tpu.dma_semaphore, #tpu.memory_space<semaphore_mem>>, %arg24: memref<!tpu.dma_semaphore, #tpu.memory_space<semaphore_mem>>, %arg25: memref<!tpu.dma_semaphore, #tpu.memory_space<semaphore_mem>>, %arg26: memref<!tpu.dma_semaphore, #tpu.memory_space<semaphore_mem>>) attributes {dimension_semantics = [#tpu.dimension_semantics<core_parallel>, #tpu.dimension_semantics<subcore_parallel>], iteration_bounds = array<i64: 2, 16>, scalar_prefetch = 0 : i64, scratch_operands = 20 : i64, tpu.core_type = #tpu.core_type<sc_vector_subcore>, window_params = [{transform_indices = #map}, {transform_indices = #map}, {transform_indices = #map}, {transform_indices = #map}, {transform_indices = #map}]} {
    %mul3A = arith.constant 2 : i32
    %mul3A_0 = arith.muli %arg1, %mul3A : i32
    %add3A = arith.addi %mul3A_0, %arg0 : i32
    %mul3A_1 = arith.constant 5000 : i32
    %mul3A_2 = arith.muli %add3A, %mul3A_1 : i32
    "tpu.region"() ({
      %run_scoped3A = tpu.sem_alloc : memref<!tpu.dma_semaphore, #tpu.memory_space<semaphore_mem>>
      %dma_start3A_234 = arith.constant 0 : i32
      %dma_start3A_235 = tpu.memref_slice %arg3[%add3A, %dma_start3A_234] : memref<32x5000xi32, #tpu.memory_space<hbm>> -> memref<1x5000xi32, #tpu.memory_space<hbm>>
      %dma_start3A_236 = tpu.memref_squeeze %dma_start3A_235 : memref<1x5000xi32, #tpu.memory_space<hbm>> -> memref<5000xi32, #tpu.memory_space<hbm>>
      %dma_start3A_237 = arith.constant 0 : i32
      %dma_start3A_238 = tpu.memref_slice %arg3[%add3A, %dma_start3A_237] : memref<32x5000xi32, #tpu.memory_space<hbm>> -> memref<1x5000xi32, #tpu.memory_space<hbm>>
      %dma_start3A_239 = tpu.memref_squeeze %dma_start3A_238 : memref<1x5000xi32, #tpu.memory_space<hbm>> -> memref<5000xi32, #tpu.memory_space<hbm>>
      tpu.enqueue_dma source(%dma_start3A_239 : memref<5000xi32, #tpu.memory_space<hbm>>) target(%arg7 : memref<5000xi32, #tpu.memory_space<vmem>>) target_semaphore(%run_scoped3A : memref<!tpu.dma_semaphore, #tpu.memory_space<semaphore_mem>>)
      %dma_wait3A_240 = arith.constant 0 : i32
      %dma_wait3A_241 = tpu.memref_slice %arg3[%add3A, %dma_wait3A_240] : memref<32x5000xi32, #tpu.memory_space<hbm>> -> memref<1x5000xi32, #tpu.memory_space<hbm>>
      %dma_wait3A_242 = tpu.memref_squeeze %dma_wait3A_241 : memref<1x5000xi32, #tpu.memory_space<hbm>> -> memref<5000xi32, #tpu.memory_space<hbm>>
      %dma_wait3A_243 = arith.constant 0 : i32
      %dma_wait3A_244 = tpu.memref_slice %arg3[%add3A, %dma_wait3A_243] : memref<32x5000xi32, #tpu.memory_space<hbm>> -> memref<1x5000xi32, #tpu.memory_space<hbm>>
      %dma_wait3A_245 = tpu.memref_squeeze %dma_wait3A_244 : memref<1x5000xi32, #tpu.memory_space<hbm>> -> memref<5000xi32, #tpu.memory_space<hbm>>
      tpu.wait_dma2 semaphore(%run_scoped3A : memref<!tpu.dma_semaphore, #tpu.memory_space<semaphore_mem>>) src(%dma_wait3A_245 : memref<5000xi32, #tpu.memory_space<hbm>>) dst(%arg7 : memref<5000xi32, #tpu.memory_space<vmem>>)
      tpu.yield
    }) : () -> ()
    "tpu.region"() ({
      %run_scoped3A = tpu.sem_alloc : memref<!tpu.dma_semaphore, #tpu.memory_space<semaphore_mem>>
      %dma_start3A_234 = arith.constant 0 : i32
      %dma_start3A_235 = tpu.memref_slice %arg4[%add3A, %dma_start3A_234] : memref<32x5000xi32, #tpu.memory_space<hbm>> -> memref<1x5000xi32, #tpu.memory_space<hbm>>
      %dma_start3A_236 = tpu.memref_squeeze %dma_start3A_235 : memref<1x5000xi32, #tpu.memory_space<hbm>> -> memref<5000xi32, #tpu.memory_space<hbm>>
      %dma_start3A_237 = arith.constant 0 : i32
      %dma_start3A_238 = tpu.memref_slice %arg4[%add3A, %dma_start3A_237] : memref<32x5000xi32, #tpu.memory_space<hbm>> -> memref<1x5000xi32, #tpu.memory_space<hbm>>
      %dma_start3A_239 = tpu.memref_squeeze %dma_start3A_238 : memref<1x5000xi32, #tpu.memory_space<hbm>> -> memref<5000xi32, #tpu.memory_space<hbm>>
      tpu.enqueue_dma source(%dma_start3A_239 : memref<5000xi32, #tpu.memory_space<hbm>>) target(%arg8 : memref<5000xi32, #tpu.memory_space<vmem>>) target_semaphore(%run_scoped3A : memref<!tpu.dma_semaphore, #tpu.memory_space<semaphore_mem>>)
      %dma_wait3A_240 = arith.constant 0 : i32
      %dma_wait3A_241 = tpu.memref_slice %arg4[%add3A, %dma_wait3A_240] : memref<32x5000xi32, #tpu.memory_space<hbm>> -> memref<1x5000xi32, #tpu.memory_space<hbm>>
      %dma_wait3A_242 = tpu.memref_squeeze %dma_wait3A_241 : memref<1x5000xi32, #tpu.memory_space<hbm>> -> memref<5000xi32, #tpu.memory_space<hbm>>
      %dma_wait3A_243 = arith.constant 0 : i32
      %dma_wait3A_244 = tpu.memref_slice %arg4[%add3A, %dma_wait3A_243] : memref<32x5000xi32, #tpu.memory_space<hbm>> -> memref<1x5000xi32, #tpu.memory_space<hbm>>
      %dma_wait3A_245 = tpu.memref_squeeze %dma_wait3A_244 : memref<1x5000xi32, #tpu.memory_space<hbm>> -> memref<5000xi32, #tpu.memory_space<hbm>>
      tpu.wait_dma2 semaphore(%run_scoped3A : memref<!tpu.dma_semaphore, #tpu.memory_space<semaphore_mem>>) src(%dma_wait3A_245 : memref<5000xi32, #tpu.memory_space<hbm>>) dst(%arg8 : memref<5000xi32, #tpu.memory_space<vmem>>)
      tpu.yield
    }) : () -> ()
    %scan3A = arith.constant 0 : i32
    %scan3A_3 = arith.constant 0 : i32
    %scan3A_4 = arith.constant 20 : i32
    %scan3A_5 = arith.addi %scan3A_3, %scan3A_4 : i32
    %scan3A_6 = arith.constant 1 : i32
    scf.for %scan3A_234 = %scan3A_3 to %scan3A_5 step %scan3A_6  : i32 {
      %mul3A_235 = arith.constant 3 : i32
      %mul3A_236 = arith.muli %scan3A_234, %mul3A_235 : i32
      %add3A_237 = arith.constant 0 : i32
      %add3A_238 = arith.addi %mul3A_236, %add3A_237 : i32
      %add3A_239 = arith.constant 0 : i32
      %add3A_240 = arith.addi %mul3A_236, %add3A_239 : i32
      %add3A_241 = arith.constant 1 : i32
      %add3A_242 = arith.addi %mul3A_236, %add3A_241 : i32
      %add3A_243 = arith.constant 1 : i32
      %add3A_244 = arith.addi %mul3A_236, %add3A_243 : i32
      %add3A_245 = arith.constant 2 : i32
      %add3A_246 = arith.addi %mul3A_236, %add3A_245 : i32
      %add3A_247 = arith.constant 2 : i32
      %add3A_248 = arith.addi %mul3A_236, %add3A_247 : i32
      %mul3A_249 = arith.constant 80 : i32
      %mul3A_250 = arith.muli %add3A_238, %mul3A_249 : i32
      %dma_start3A_251 = arith.constant 0 : i32
      %dma_start3A_252 = arith.constant 0 : i32
      %dma_start3A_253 = tpu.memref_slice %arg9[%dma_start3A_251, %dma_start3A_252] : memref<80x128xf32, #tpu.memory_space<vmem>> -> memref<80x128xf32, #tpu.memory_space<vmem>>
      %dma_start3A_254 = tpu.memref_slice %arg7[%mul3A_250] : memref<5000xi32, #tpu.memory_space<vmem>> -> memref<80xi32, #tpu.memory_space<vmem>>
      %dma_start3A_255 = arith.constant 0 : i32
      %dma_start3A_256 = arith.constant 0 : i32
      %dma_start3A_257 = tpu.memref_slice %arg2[%dma_start3A_255, %dma_start3A_256] : memref<10000x128xf32, #tpu.memory_space<hbm>> -> memref<10000x128xf32, #tpu.memory_space<hbm>>
      tpu.enqueue_indirect_dma source(%dma_start3A_257 : memref<10000x128xf32, #tpu.memory_space<hbm>>) target(%dma_start3A_253 : memref<80x128xf32, #tpu.memory_space<vmem>>) offsets(%dma_start3A_254 : memref<80xi32, #tpu.memory_space<vmem>>) semaphore(%arg15 : memref<!tpu.dma_semaphore, #tpu.memory_space<semaphore_mem>>)
      %mul3A_258 = arith.constant 80 : i32
      %mul3A_259 = arith.muli %add3A_240, %mul3A_258 : i32
      %dma_start3A_260 = arith.constant 0 : i32
      %dma_start3A_261 = arith.constant 0 : i32
      %dma_start3A_262 = tpu.memref_slice %arg10[%dma_start3A_260, %dma_start3A_261] : memref<80x128xf32, #tpu.memory_space<vmem>> -> memref<80x128xf32, #tpu.memory_space<vmem>>
      %dma_start3A_263 = tpu.memref_slice %arg8[%mul3A_259] : memref<5000xi32, #tpu.memory_space<vmem>> -> memref<80xi32, #tpu.memory_space<vmem>>
      %dma_start3A_264 = arith.constant 0 : i32
      %dma_start3A_265 = arith.constant 0 : i32
      %dma_start3A_266 = tpu.memref_slice %arg2[%dma_start3A_264, %dma_start3A_265] : memref<10000x128xf32, #tpu.memory_space<hbm>> -> memref<10000x128xf32, #tpu.memory_space<hbm>>
      tpu.enqueue_indirect_dma source(%dma_start3A_266 : memref<10000x128xf32, #tpu.memory_space<hbm>>) target(%dma_start3A_262 : memref<80x128xf32, #tpu.memory_space<vmem>>) offsets(%dma_start3A_263 : memref<80xi32, #tpu.memory_space<vmem>>) semaphore(%arg16 : memref<!tpu.dma_semaphore, #tpu.memory_space<semaphore_mem>>)
      %mul3A_267 = arith.constant 80 : i32
      %mul3A_268 = arith.muli %add3A_242, %mul3A_267 : i32
      %dma_start3A_269 = arith.constant 0 : i32
      %dma_start3A_270 = arith.constant 0 : i32
      %dma_start3A_271 = tpu.memref_slice %arg11[%dma_start3A_269, %dma_start3A_270] : memref<80x128xf32, #tpu.memory_space<vmem>> -> memref<80x128xf32, #tpu.memory_space<vmem>>
      %dma_start3A_272 = tpu.memref_slice %arg7[%mul3A_268] : memref<5000xi32, #tpu.memory_space<vmem>> -> memref<80xi32, #tpu.memory_space<vmem>>
      %dma_start3A_273 = arith.constant 0 : i32
      %dma_start3A_274 = arith.constant 0 : i32
      %dma_start3A_275 = tpu.memref_slice %arg2[%dma_start3A_273, %dma_start3A_274] : memref<10000x128xf32, #tpu.memory_space<hbm>> -> memref<10000x128xf32, #tpu.memory_space<hbm>>
      tpu.enqueue_indirect_dma source(%dma_start3A_275 : memref<10000x128xf32, #tpu.memory_space<hbm>>) target(%dma_start3A_271 : memref<80x128xf32, #tpu.memory_space<vmem>>) offsets(%dma_start3A_272 : memref<80xi32, #tpu.memory_space<vmem>>) semaphore(%arg17 : memref<!tpu.dma_semaphore, #tpu.memory_space<semaphore_mem>>)
      %mul3A_276 = arith.constant 80 : i32
      %mul3A_277 = arith.muli %add3A_244, %mul3A_276 : i32
      %dma_start3A_278 = arith.constant 0 : i32
      %dma_start3A_279 = arith.constant 0 : i32
      %dma_start3A_280 = tpu.memref_slice %arg12[%dma_start3A_278, %dma_start3A_279] : memref<80x128xf32, #tpu.memory_space<vmem>> -> memref<80x128xf32, #tpu.memory_space<vmem>>
      %dma_start3A_281 = tpu.memref_slice %arg8[%mul3A_277] : memref<5000xi32, #tpu.memory_space<vmem>> -> memref<80xi32, #tpu.memory_space<vmem>>
      %dma_start3A_282 = arith.constant 0 : i32
      %dma_start3A_283 = arith.constant 0 : i32
      %dma_start3A_284 = tpu.memref_slice %arg2[%dma_start3A_282, %dma_start3A_283] : memref<10000x128xf32, #tpu.memory_space<hbm>> -> memref<10000x128xf32, #tpu.memory_space<hbm>>
      tpu.enqueue_indirect_dma source(%dma_start3A_284 : memref<10000x128xf32, #tpu.memory_space<hbm>>) target(%dma_start3A_280 : memref<80x128xf32, #tpu.memory_space<vmem>>) offsets(%dma_start3A_281 : memref<80xi32, #tpu.memory_space<vmem>>) semaphore(%arg18 : memref<!tpu.dma_semaphore, #tpu.memory_space<semaphore_mem>>)
      %mul3A_285 = arith.constant 80 : i32
      %mul3A_286 = arith.muli %add3A_246, %mul3A_285 : i32
      %dma_start3A_287 = arith.constant 0 : i32
      %dma_start3A_288 = arith.constant 0 : i32
      %dma_start3A_289 = tpu.memref_slice %arg13[%dma_start3A_287, %dma_start3A_288] : memref<80x128xf32, #tpu.memory_space<vmem>> -> memref<80x128xf32, #tpu.memory_space<vmem>>
      %dma_start3A_290 = tpu.memref_slice %arg7[%mul3A_286] : memref<5000xi32, #tpu.memory_space<vmem>> -> memref<80xi32, #tpu.memory_space<vmem>>
      %dma_start3A_291 = arith.constant 0 : i32
      %dma_start3A_292 = arith.constant 0 : i32
      %dma_start3A_293 = tpu.memref_slice %arg2[%dma_start3A_291, %dma_start3A_292] : memref<10000x128xf32, #tpu.memory_space<hbm>> -> memref<10000x128xf32, #tpu.memory_space<hbm>>
      tpu.enqueue_indirect_dma source(%dma_start3A_293 : memref<10000x128xf32, #tpu.memory_space<hbm>>) target(%dma_start3A_289 : memref<80x128xf32, #tpu.memory_space<vmem>>) offsets(%dma_start3A_290 : memref<80xi32, #tpu.memory_space<vmem>>) semaphore(%arg19 : memref<!tpu.dma_semaphore, #tpu.memory_space<semaphore_mem>>)
      %mul3A_294 = arith.constant 80 : i32
      %mul3A_295 = arith.muli %add3A_248, %mul3A_294 : i32
      %dma_start3A_296 = arith.constant 0 : i32
      %dma_start3A_297 = arith.constant 0 : i32
      %dma_start3A_298 = tpu.memref_slice %arg14[%dma_start3A_296, %dma_start3A_297] : memref<80x128xf32, #tpu.memory_space<vmem>> -> memref<80x128xf32, #tpu.memory_space<vmem>>
      %dma_start3A_299 = tpu.memref_slice %arg8[%mul3A_295] : memref<5000xi32, #tpu.memory_space<vmem>> -> memref<80xi32, #tpu.memory_space<vmem>>
      %dma_start3A_300 = arith.constant 0 : i32
      %dma_start3A_301 = arith.constant 0 : i32
      %dma_start3A_302 = tpu.memref_slice %arg2[%dma_start3A_300, %dma_start3A_301] : memref<10000x128xf32, #tpu.memory_space<hbm>> -> memref<10000x128xf32, #tpu.memory_space<hbm>>
      tpu.enqueue_indirect_dma source(%dma_start3A_302 : memref<10000x128xf32, #tpu.memory_space<hbm>>) target(%dma_start3A_298 : memref<80x128xf32, #tpu.memory_space<vmem>>) offsets(%dma_start3A_299 : memref<80xi32, #tpu.memory_space<vmem>>) semaphore(%arg20 : memref<!tpu.dma_semaphore, #tpu.memory_space<semaphore_mem>>)
      %dma_wait3A_303 = arith.constant 0 : i32
      %dma_wait3A_304 = arith.constant 0 : i32
      %dma_wait3A_305 = tpu.memref_slice %arg9[%dma_wait3A_303, %dma_wait3A_304] : memref<80x128xf32, #tpu.memory_space<vmem>> -> memref<80x128xf32, #tpu.memory_space<vmem>>
      %dma_wait3A_306 = tpu.memref_slice %arg7[%mul3A_250] : memref<5000xi32, #tpu.memory_space<vmem>> -> memref<80xi32, #tpu.memory_space<vmem>>
      %dma_wait3A_307 = arith.constant 0 : i32
      %dma_wait3A_308 = arith.constant 0 : i32
      %dma_wait3A_309 = tpu.memref_slice %arg2[%dma_wait3A_307, %dma_wait3A_308] : memref<10000x128xf32, #tpu.memory_space<hbm>> -> memref<10000x128xf32, #tpu.memory_space<hbm>>
      tpu.wait_indirect_dma semaphore(%arg15 : memref<!tpu.dma_semaphore, #tpu.memory_space<semaphore_mem>>) src(%dma_wait3A_309 : memref<10000x128xf32, #tpu.memory_space<hbm>>) dst(%dma_wait3A_305 : memref<80x128xf32, #tpu.memory_space<vmem>>)
      %mul3A_310 = arith.constant 80 : i32
      %mul3A_311 = arith.muli %add3A_238, %mul3A_310 : i32
      %add3A_312 = arith.addi %mul3A_2, %mul3A_311 : i32
      %dma_start3A_313 = arith.constant 0 : i32
      %dma_start3A_314 = arith.constant 0 : i32
      %dma_start3A_315 = tpu.memref_slice %arg9[%dma_start3A_313, %dma_start3A_314] : memref<80x128xf32, #tpu.memory_space<vmem>> -> memref<80x128xf32, #tpu.memory_space<vmem>>
      %dma_start3A_316 = arith.constant 0 : i32
      %dma_start3A_317 = tpu.memref_slice %arg5[%add3A_312, %dma_start3A_316] : memref<160000x128xf32, #tpu.memory_space<hbm>> -> memref<80x128xf32, #tpu.memory_space<hbm>>
      %dma_start3A_318 = arith.constant 0 : i32
      %dma_start3A_319 = tpu.memref_slice %arg5[%add3A_312, %dma_start3A_318] : memref<160000x128xf32, #tpu.memory_space<hbm>> -> memref<80x128xf32, #tpu.memory_space<hbm>>
      %dma_start3A_320 = arith.constant 0 : i32
      %dma_start3A_321 = arith.constant 0 : i32
      %dma_start3A_322 = tpu.memref_slice %arg9[%dma_start3A_320, %dma_start3A_321] : memref<80x128xf32, #tpu.memory_space<vmem>> -> memref<80x128xf32, #tpu.memory_space<vmem>>
      tpu.enqueue_dma source(%dma_start3A_322 : memref<80x128xf32, #tpu.memory_space<vmem>>) target(%dma_start3A_319 : memref<80x128xf32, #tpu.memory_space<hbm>>) target_semaphore(%arg21 : memref<!tpu.dma_semaphore, #tpu.memory_space<semaphore_mem>>)
      %dma_wait3A_323 = arith.constant 0 : i32
      %dma_wait3A_324 = arith.constant 0 : i32
      %dma_wait3A_325 = tpu.memref_slice %arg10[%dma_wait3A_323, %dma_wait3A_324] : memref<80x128xf32, #tpu.memory_space<vmem>> -> memref<80x128xf32, #tpu.memory_space<vmem>>
      %dma_wait3A_326 = tpu.memref_slice %arg8[%mul3A_259] : memref<5000xi32, #tpu.memory_space<vmem>> -> memref<80xi32, #tpu.memory_space<vmem>>
      %dma_wait3A_327 = arith.constant 0 : i32
      %dma_wait3A_328 = arith.constant 0 : i32
      %dma_wait3A_329 = tpu.memref_slice %arg2[%dma_wait3A_327, %dma_wait3A_328] : memref<10000x128xf32, #tpu.memory_space<hbm>> -> memref<10000x128xf32, #tpu.memory_space<hbm>>
      tpu.wait_indirect_dma semaphore(%arg16 : memref<!tpu.dma_semaphore, #tpu.memory_space<semaphore_mem>>) src(%dma_wait3A_329 : memref<10000x128xf32, #tpu.memory_space<hbm>>) dst(%dma_wait3A_325 : memref<80x128xf32, #tpu.memory_space<vmem>>)
      %mul3A_330 = arith.constant 80 : i32
      %mul3A_331 = arith.muli %add3A_240, %mul3A_330 : i32
      %add3A_332 = arith.addi %mul3A_2, %mul3A_331 : i32
      %dma_start3A_333 = arith.constant 0 : i32
      %dma_start3A_334 = arith.constant 0 : i32
      %dma_start3A_335 = tpu.memref_slice %arg10[%dma_start3A_333, %dma_start3A_334] : memref<80x128xf32, #tpu.memory_space<vmem>> -> memref<80x128xf32, #tpu.memory_space<vmem>>
      %dma_start3A_336 = arith.constant 0 : i32
      %dma_start3A_337 = tpu.memref_slice %arg6[%add3A_332, %dma_start3A_336] : memref<160000x128xf32, #tpu.memory_space<hbm>> -> memref<80x128xf32, #tpu.memory_space<hbm>>
      %dma_start3A_338 = arith.constant 0 : i32
      %dma_start3A_339 = tpu.memref_slice %arg6[%add3A_332, %dma_start3A_338] : memref<160000x128xf32, #tpu.memory_space<hbm>> -> memref<80x128xf32, #tpu.memory_space<hbm>>
      %dma_start3A_340 = arith.constant 0 : i32
      %dma_start3A_341 = arith.constant 0 : i32
      %dma_start3A_342 = tpu.memref_slice %arg10[%dma_start3A_340, %dma_start3A_341] : memref<80x128xf32, #tpu.memory_space<vmem>> -> memref<80x128xf32, #tpu.memory_space<vmem>>
      tpu.enqueue_dma source(%dma_start3A_342 : memref<80x128xf32, #tpu.memory_space<vmem>>) target(%dma_start3A_339 : memref<80x128xf32, #tpu.memory_space<hbm>>) target_semaphore(%arg22 : memref<!tpu.dma_semaphore, #tpu.memory_space<semaphore_mem>>)
      %dma_wait3A_343 = arith.constant 0 : i32
      %dma_wait3A_344 = arith.constant 0 : i32
      %dma_wait3A_345 = tpu.memref_slice %arg11[%dma_wait3A_343, %dma_wait3A_344] : memref<80x128xf32, #tpu.memory_space<vmem>> -> memref<80x128xf32, #tpu.memory_space<vmem>>
      %dma_wait3A_346 = tpu.memref_slice %arg7[%mul3A_268] : memref<5000xi32, #tpu.memory_space<vmem>> -> memref<80xi32, #tpu.memory_space<vmem>>
      %dma_wait3A_347 = arith.constant 0 : i32
      %dma_wait3A_348 = arith.constant 0 : i32
      %dma_wait3A_349 = tpu.memref_slice %arg2[%dma_wait3A_347, %dma_wait3A_348] : memref<10000x128xf32, #tpu.memory_space<hbm>> -> memref<10000x128xf32, #tpu.memory_space<hbm>>
      tpu.wait_indirect_dma semaphore(%arg17 : memref<!tpu.dma_semaphore, #tpu.memory_space<semaphore_mem>>) src(%dma_wait3A_349 : memref<10000x128xf32, #tpu.memory_space<hbm>>) dst(%dma_wait3A_345 : memref<80x128xf32, #tpu.memory_space<vmem>>)
      %mul3A_350 = arith.constant 80 : i32
      %mul3A_351 = arith.muli %add3A_242, %mul3A_350 : i32
      %add3A_352 = arith.addi %mul3A_2, %mul3A_351 : i32
      %dma_start3A_353 = arith.constant 0 : i32
      %dma_start3A_354 = arith.constant 0 : i32
      %dma_start3A_355 = tpu.memref_slice %arg11[%dma_start3A_353, %dma_start3A_354] : memref<80x128xf32, #tpu.memory_space<vmem>> -> memref<80x128xf32, #tpu.memory_space<vmem>>
      %dma_start3A_356 = arith.constant 0 : i32
      %dma_start3A_357 = tpu.memref_slice %arg5[%add3A_352, %dma_start3A_356] : memref<160000x128xf32, #tpu.memory_space<hbm>> -> memref<80x128xf32, #tpu.memory_space<hbm>>
      %dma_start3A_358 = arith.constant 0 : i32
      %dma_start3A_359 = tpu.memref_slice %arg5[%add3A_352, %dma_start3A_358] : memref<160000x128xf32, #tpu.memory_space<hbm>> -> memref<80x128xf32, #tpu.memory_space<hbm>>
      %dma_start3A_360 = arith.constant 0 : i32
      %dma_start3A_361 = arith.constant 0 : i32
      %dma_start3A_362 = tpu.memref_slice %arg11[%dma_start3A_360, %dma_start3A_361] : memref<80x128xf32, #tpu.memory_space<vmem>> -> memref<80x128xf32, #tpu.memory_space<vmem>>
      tpu.enqueue_dma source(%dma_start3A_362 : memref<80x128xf32, #tpu.memory_space<vmem>>) target(%dma_start3A_359 : memref<80x128xf32, #tpu.memory_space<hbm>>) target_semaphore(%arg23 : memref<!tpu.dma_semaphore, #tpu.memory_space<semaphore_mem>>)
      %dma_wait3A_363 = arith.constant 0 : i32
      %dma_wait3A_364 = arith.constant 0 : i32
      %dma_wait3A_365 = tpu.memref_slice %arg12[%dma_wait3A_363, %dma_wait3A_364] : memref<80x128xf32, #tpu.memory_space<vmem>> -> memref<80x128xf32, #tpu.memory_space<vmem>>
      %dma_wait3A_366 = tpu.memref_slice %arg8[%mul3A_277] : memref<5000xi32, #tpu.memory_space<vmem>> -> memref<80xi32, #tpu.memory_space<vmem>>
      %dma_wait3A_367 = arith.constant 0 : i32
      %dma_wait3A_368 = arith.constant 0 : i32
      %dma_wait3A_369 = tpu.memref_slice %arg2[%dma_wait3A_367, %dma_wait3A_368] : memref<10000x128xf32, #tpu.memory_space<hbm>> -> memref<10000x128xf32, #tpu.memory_space<hbm>>
      tpu.wait_indirect_dma semaphore(%arg18 : memref<!tpu.dma_semaphore, #tpu.memory_space<semaphore_mem>>) src(%dma_wait3A_369 : memref<10000x128xf32, #tpu.memory_space<hbm>>) dst(%dma_wait3A_365 : memref<80x128xf32, #tpu.memory_space<vmem>>)
      %mul3A_370 = arith.constant 80 : i32
      %mul3A_371 = arith.muli %add3A_244, %mul3A_370 : i32
      %add3A_372 = arith.addi %mul3A_2, %mul3A_371 : i32
      %dma_start3A_373 = arith.constant 0 : i32
      %dma_start3A_374 = arith.constant 0 : i32
      %dma_start3A_375 = tpu.memref_slice %arg12[%dma_start3A_373, %dma_start3A_374] : memref<80x128xf32, #tpu.memory_space<vmem>> -> memref<80x128xf32, #tpu.memory_space<vmem>>
      %dma_start3A_376 = arith.constant 0 : i32
      %dma_start3A_377 = tpu.memref_slice %arg6[%add3A_372, %dma_start3A_376] : memref<160000x128xf32, #tpu.memory_space<hbm>> -> memref<80x128xf32, #tpu.memory_space<hbm>>
      %dma_start3A_378 = arith.constant 0 : i32
      %dma_start3A_379 = tpu.memref_slice %arg6[%add3A_372, %dma_start3A_378] : memref<160000x128xf32, #tpu.memory_space<hbm>> -> memref<80x128xf32, #tpu.memory_space<hbm>>
      %dma_start3A_380 = arith.constant 0 : i32
      %dma_start3A_381 = arith.constant 0 : i32
      %dma_start3A_382 = tpu.memref_slice %arg12[%dma_start3A_380, %dma_start3A_381] : memref<80x128xf32, #tpu.memory_space<vmem>> -> memref<80x128xf32, #tpu.memory_space<vmem>>
      tpu.enqueue_dma source(%dma_start3A_382 : memref<80x128xf32, #tpu.memory_space<vmem>>) target(%dma_start3A_379 : memref<80x128xf32, #tpu.memory_space<hbm>>) target_semaphore(%arg24 : memref<!tpu.dma_semaphore, #tpu.memory_space<semaphore_mem>>)
      %dma_wait3A_383 = arith.constant 0 : i32
      %dma_wait3A_384 = arith.constant 0 : i32
      %dma_wait3A_385 = tpu.memref_slice %arg13[%dma_wait3A_383, %dma_wait3A_384] : memref<80x128xf32, #tpu.memory_space<vmem>> -> memref<80x128xf32, #tpu.memory_space<vmem>>
      %dma_wait3A_386 = tpu.memref_slice %arg7[%mul3A_286] : memref<5000xi32, #tpu.memory_space<vmem>> -> memref<80xi32, #tpu.memory_space<vmem>>
      %dma_wait3A_387 = arith.constant 0 : i32
      %dma_wait3A_388 = arith.constant 0 : i32
      %dma_wait3A_389 = tpu.memref_slice %arg2[%dma_wait3A_387, %dma_wait3A_388] : memref<10000x128xf32, #tpu.memory_space<hbm>> -> memref<10000x128xf32, #tpu.memory_space<hbm>>
      tpu.wait_indirect_dma semaphore(%arg19 : memref<!tpu.dma_semaphore, #tpu.memory_space<semaphore_mem>>) src(%dma_wait3A_389 : memref<10000x128xf32, #tpu.memory_space<hbm>>) dst(%dma_wait3A_385 : memref<80x128xf32, #tpu.memory_space<vmem>>)
      %mul3A_390 = arith.constant 80 : i32
      %mul3A_391 = arith.muli %add3A_246, %mul3A_390 : i32
      %add3A_392 = arith.addi %mul3A_2, %mul3A_391 : i32
      %dma_start3A_393 = arith.constant 0 : i32
      %dma_start3A_394 = arith.constant 0 : i32
      %dma_start3A_395 = tpu.memref_slice %arg13[%dma_start3A_393, %dma_start3A_394] : memref<80x128xf32, #tpu.memory_space<vmem>> -> memref<80x128xf32, #tpu.memory_space<vmem>>
      %dma_start3A_396 = arith.constant 0 : i32
      %dma_start3A_397 = tpu.memref_slice %arg5[%add3A_392, %dma_start3A_396] : memref<160000x128xf32, #tpu.memory_space<hbm>> -> memref<80x128xf32, #tpu.memory_space<hbm>>
      %dma_start3A_398 = arith.constant 0 : i32
      %dma_start3A_399 = tpu.memref_slice %arg5[%add3A_392, %dma_start3A_398] : memref<160000x128xf32, #tpu.memory_space<hbm>> -> memref<80x128xf32, #tpu.memory_space<hbm>>
      %dma_start3A_400 = arith.constant 0 : i32
      %dma_start3A_401 = arith.constant 0 : i32
      %dma_start3A_402 = tpu.memref_slice %arg13[%dma_start3A_400, %dma_start3A_401] : memref<80x128xf32, #tpu.memory_space<vmem>> -> memref<80x128xf32, #tpu.memory_space<vmem>>
      tpu.enqueue_dma source(%dma_start3A_402 : memref<80x128xf32, #tpu.memory_space<vmem>>) target(%dma_start3A_399 : memref<80x128xf32, #tpu.memory_space<hbm>>) target_semaphore(%arg25 : memref<!tpu.dma_semaphore, #tpu.memory_space<semaphore_mem>>)
      %dma_wait3A_403 = arith.constant 0 : i32
      %dma_wait3A_404 = arith.constant 0 : i32
      %dma_wait3A_405 = tpu.memref_slice %arg14[%dma_wait3A_403, %dma_wait3A_404] : memref<80x128xf32, #tpu.memory_space<vmem>> -> memref<80x128xf32, #tpu.memory_space<vmem>>
      %dma_wait3A_406 = tpu.memref_slice %arg8[%mul3A_295] : memref<5000xi32, #tpu.memory_space<vmem>> -> memref<80xi32, #tpu.memory_space<vmem>>
      %dma_wait3A_407 = arith.constant 0 : i32
      %dma_wait3A_408 = arith.constant 0 : i32
      %dma_wait3A_409 = tpu.memref_slice %arg2[%dma_wait3A_407, %dma_wait3A_408] : memref<10000x128xf32, #tpu.memory_space<hbm>> -> memref<10000x128xf32, #tpu.memory_space<hbm>>
      tpu.wait_indirect_dma semaphore(%arg20 : memref<!tpu.dma_semaphore, #tpu.memory_space<semaphore_mem>>) src(%dma_wait3A_409 : memref<10000x128xf32, #tpu.memory_space<hbm>>) dst(%dma_wait3A_405 : memref<80x128xf32, #tpu.memory_space<vmem>>)
      %mul3A_410 = arith.constant 80 : i32
      %mul3A_411 = arith.muli %add3A_248, %mul3A_410 : i32
      %add3A_412 = arith.addi %mul3A_2, %mul3A_411 : i32
      %dma_start3A_413 = arith.constant 0 : i32
      %dma_start3A_414 = arith.constant 0 : i32
      %dma_start3A_415 = tpu.memref_slice %arg14[%dma_start3A_413, %dma_start3A_414] : memref<80x128xf32, #tpu.memory_space<vmem>> -> memref<80x128xf32, #tpu.memory_space<vmem>>
      %dma_start3A_416 = arith.constant 0 : i32
      %dma_start3A_417 = tpu.memref_slice %arg6[%add3A_412, %dma_start3A_416] : memref<160000x128xf32, #tpu.memory_space<hbm>> -> memref<80x128xf32, #tpu.memory_space<hbm>>
      %dma_start3A_418 = arith.constant 0 : i32
      %dma_start3A_419 = tpu.memref_slice %arg6[%add3A_412, %dma_start3A_418] : memref<160000x128xf32, #tpu.memory_space<hbm>> -> memref<80x128xf32, #tpu.memory_space<hbm>>
      %dma_start3A_420 = arith.constant 0 : i32
      %dma_start3A_421 = arith.constant 0 : i32
      %dma_start3A_422 = tpu.memref_slice %arg14[%dma_start3A_420, %dma_start3A_421] : memref<80x128xf32, #tpu.memory_space<vmem>> -> memref<80x128xf32, #tpu.memory_space<vmem>>
      tpu.enqueue_dma source(%dma_start3A_422 : memref<80x128xf32, #tpu.memory_space<vmem>>) target(%dma_start3A_419 : memref<80x128xf32, #tpu.memory_space<hbm>>) target_semaphore(%arg26 : memref<!tpu.dma_semaphore, #tpu.memory_space<semaphore_mem>>)
      %dma_wait3A_423 = arith.constant 0 : i32
      %dma_wait3A_424 = arith.constant 0 : i32
      %dma_wait3A_425 = tpu.memref_slice %arg9[%dma_wait3A_423, %dma_wait3A_424] : memref<80x128xf32, #tpu.memory_space<vmem>> -> memref<80x128xf32, #tpu.memory_space<vmem>>
      %dma_wait3A_426 = arith.constant 0 : i32
      %dma_wait3A_427 = tpu.memref_slice %arg5[%add3A_312, %dma_wait3A_426] : memref<160000x128xf32, #tpu.memory_space<hbm>> -> memref<80x128xf32, #tpu.memory_space<hbm>>
      %dma_wait3A_428 = arith.constant 0 : i32
      %dma_wait3A_429 = tpu.memref_slice %arg5[%add3A_312, %dma_wait3A_428] : memref<160000x128xf32, #tpu.memory_space<hbm>> -> memref<80x128xf32, #tpu.memory_space<hbm>>
      %dma_wait3A_430 = arith.constant 0 : i32
      %dma_wait3A_431 = arith.constant 0 : i32
      %dma_wait3A_432 = tpu.memref_slice %arg9[%dma_wait3A_430, %dma_wait3A_431] : memref<80x128xf32, #tpu.memory_space<vmem>> -> memref<80x128xf32, #tpu.memory_space<vmem>>
      tpu.wait_dma2 semaphore(%arg21 : memref<!tpu.dma_semaphore, #tpu.memory_space<semaphore_mem>>) src(%dma_wait3A_432 : memref<80x128xf32, #tpu.memory_space<vmem>>) dst(%dma_wait3A_429 : memref<80x128xf32, #tpu.memory_space<hbm>>)
      %dma_wait3A_433 = arith.constant 0 : i32
      %dma_wait3A_434 = arith.constant 0 : i32
      %dma_wait3A_435 = tpu.memref_slice %arg10[%dma_wait3A_433, %dma_wait3A_434] : memref<80x128xf32, #tpu.memory_space<vmem>> -> memref<80x128xf32, #tpu.memory_space<vmem>>
      %dma_wait3A_436 = arith.constant 0 : i32
      %dma_wait3A_437 = tpu.memref_slice %arg6[%add3A_332, %dma_wait3A_436] : memref<160000x128xf32, #tpu.memory_space<hbm>> -> memref<80x128xf32, #tpu.memory_space<hbm>>
      %dma_wait3A_438 = arith.constant 0 : i32
      %dma_wait3A_439 = tpu.memref_slice %arg6[%add3A_332, %dma_wait3A_438] : memref<160000x128xf32, #tpu.memory_space<hbm>> -> memref<80x128xf32, #tpu.memory_space<hbm>>
      %dma_wait3A_440 = arith.constant 0 : i32
      %dma_wait3A_441 = arith.constant 0 : i32
      %dma_wait3A_442 = tpu.memref_slice %arg10[%dma_wait3A_440, %dma_wait3A_441] : memref<80x128xf32, #tpu.memory_space<vmem>> -> memref<80x128xf32, #tpu.memory_space<vmem>>
      tpu.wait_dma2 semaphore(%arg22 : memref<!tpu.dma_semaphore, #tpu.memory_space<semaphore_mem>>) src(%dma_wait3A_442 : memref<80x128xf32, #tpu.memory_space<vmem>>) dst(%dma_wait3A_439 : memref<80x128xf32, #tpu.memory_space<hbm>>)
      %dma_wait3A_443 = arith.constant 0 : i32
      %dma_wait3A_444 = arith.constant 0 : i32
      %dma_wait3A_445 = tpu.memref_slice %arg11[%dma_wait3A_443, %dma_wait3A_444] : memref<80x128xf32, #tpu.memory_space<vmem>> -> memref<80x128xf32, #tpu.memory_space<vmem>>
      %dma_wait3A_446 = arith.constant 0 : i32
      %dma_wait3A_447 = tpu.memref_slice %arg5[%add3A_352, %dma_wait3A_446] : memref<160000x128xf32, #tpu.memory_space<hbm>> -> memref<80x128xf32, #tpu.memory_space<hbm>>
      %dma_wait3A_448 = arith.constant 0 : i32
      %dma_wait3A_449 = tpu.memref_slice %arg5[%add3A_352, %dma_wait3A_448] : memref<160000x128xf32, #tpu.memory_space<hbm>> -> memref<80x128xf32, #tpu.memory_space<hbm>>
      %dma_wait3A_450 = arith.constant 0 : i32
      %dma_wait3A_451 = arith.constant 0 : i32
      %dma_wait3A_452 = tpu.memref_slice %arg11[%dma_wait3A_450, %dma_wait3A_451] : memref<80x128xf32, #tpu.memory_space<vmem>> -> memref<80x128xf32, #tpu.memory_space<vmem>>
      tpu.wait_dma2 semaphore(%arg23 : memref<!tpu.dma_semaphore, #tpu.memory_space<semaphore_mem>>) src(%dma_wait3A_452 : memref<80x128xf32, #tpu.memory_space<vmem>>) dst(%dma_wait3A_449 : memref<80x128xf32, #tpu.memory_space<hbm>>)
      %dma_wait3A_453 = arith.constant 0 : i32
      %dma_wait3A_454 = arith.constant 0 : i32
      %dma_wait3A_455 = tpu.memref_slice %arg12[%dma_wait3A_453, %dma_wait3A_454] : memref<80x128xf32, #tpu.memory_space<vmem>> -> memref<80x128xf32, #tpu.memory_space<vmem>>
      %dma_wait3A_456 = arith.constant 0 : i32
      %dma_wait3A_457 = tpu.memref_slice %arg6[%add3A_372, %dma_wait3A_456] : memref<160000x128xf32, #tpu.memory_space<hbm>> -> memref<80x128xf32, #tpu.memory_space<hbm>>
      %dma_wait3A_458 = arith.constant 0 : i32
      %dma_wait3A_459 = tpu.memref_slice %arg6[%add3A_372, %dma_wait3A_458] : memref<160000x128xf32, #tpu.memory_space<hbm>> -> memref<80x128xf32, #tpu.memory_space<hbm>>
      %dma_wait3A_460 = arith.constant 0 : i32
      %dma_wait3A_461 = arith.constant 0 : i32
      %dma_wait3A_462 = tpu.memref_slice %arg12[%dma_wait3A_460, %dma_wait3A_461] : memref<80x128xf32, #tpu.memory_space<vmem>> -> memref<80x128xf32, #tpu.memory_space<vmem>>
      tpu.wait_dma2 semaphore(%arg24 : memref<!tpu.dma_semaphore, #tpu.memory_space<semaphore_mem>>) src(%dma_wait3A_462 : memref<80x128xf32, #tpu.memory_space<vmem>>) dst(%dma_wait3A_459 : memref<80x128xf32, #tpu.memory_space<hbm>>)
      %dma_wait3A_463 = arith.constant 0 : i32
      %dma_wait3A_464 = arith.constant 0 : i32
      %dma_wait3A_465 = tpu.memref_slice %arg13[%dma_wait3A_463, %dma_wait3A_464] : memref<80x128xf32, #tpu.memory_space<vmem>> -> memref<80x128xf32, #tpu.memory_space<vmem>>
      %dma_wait3A_466 = arith.constant 0 : i32
      %dma_wait3A_467 = tpu.memref_slice %arg5[%add3A_392, %dma_wait3A_466] : memref<160000x128xf32, #tpu.memory_space<hbm>> -> memref<80x128xf32, #tpu.memory_space<hbm>>
      %dma_wait3A_468 = arith.constant 0 : i32
      %dma_wait3A_469 = tpu.memref_slice %arg5[%add3A_392, %dma_wait3A_468] : memref<160000x128xf32, #tpu.memory_space<hbm>> -> memref<80x128xf32, #tpu.memory_space<hbm>>
      %dma_wait3A_470 = arith.constant 0 : i32
      %dma_wait3A_471 = arith.constant 0 : i32
      %dma_wait3A_472 = tpu.memref_slice %arg13[%dma_wait3A_470, %dma_wait3A_471] : memref<80x128xf32, #tpu.memory_space<vmem>> -> memref<80x128xf32, #tpu.memory_space<vmem>>
      tpu.wait_dma2 semaphore(%arg25 : memref<!tpu.dma_semaphore, #tpu.memory_space<semaphore_mem>>) src(%dma_wait3A_472 : memref<80x128xf32, #tpu.memory_space<vmem>>) dst(%dma_wait3A_469 : memref<80x128xf32, #tpu.memory_space<hbm>>)
      %dma_wait3A_473 = arith.constant 0 : i32
      %dma_wait3A_474 = arith.constant 0 : i32
      %dma_wait3A_475 = tpu.memref_slice %arg14[%dma_wait3A_473, %dma_wait3A_474] : memref<80x128xf32, #tpu.memory_space<vmem>> -> memref<80x128xf32, #tpu.memory_space<vmem>>
      %dma_wait3A_476 = arith.constant 0 : i32
      %dma_wait3A_477 = tpu.memref_slice %arg6[%add3A_412, %dma_wait3A_476] : memref<160000x128xf32, #tpu.memory_space<hbm>> -> memref<80x128xf32, #tpu.memory_space<hbm>>
      %dma_wait3A_478 = arith.constant 0 : i32
      %dma_wait3A_479 = tpu.memref_slice %arg6[%add3A_412, %dma_wait3A_478] : memref<160000x128xf32, #tpu.memory_space<hbm>> -> memref<80x128xf32, #tpu.memory_space<hbm>>
      %dma_wait3A_480 = arith.constant 0 : i32
      %dma_wait3A_481 = arith.constant 0 : i32
      %dma_wait3A_482 = tpu.memref_slice %arg14[%dma_wait3A_480, %dma_wait3A_481] : memref<80x128xf32, #tpu.memory_space<vmem>> -> memref<80x128xf32, #tpu.memory_space<vmem>>
      tpu.wait_dma2 semaphore(%arg26 : memref<!tpu.dma_semaphore, #tpu.memory_space<semaphore_mem>>) src(%dma_wait3A_482 : memref<80x128xf32, #tpu.memory_space<vmem>>) dst(%dma_wait3A_479 : memref<80x128xf32, #tpu.memory_space<hbm>>)
    }
    %scan3A_7 = arith.constant 20 : i32
    %dma_start3A = arith.constant 0 : i32
    %dma_start3A_8 = arith.constant 0 : i32
    %dma_start3A_9 = tpu.memref_slice %arg9[%dma_start3A, %dma_start3A_8] : memref<80x128xf32, #tpu.memory_space<vmem>> -> memref<80x128xf32, #tpu.memory_space<vmem>>
    %dma_start3A_10 = arith.constant 4800 : i32
    %dma_start3A_11 = tpu.memref_slice %arg7[%dma_start3A_10] : memref<5000xi32, #tpu.memory_space<vmem>> -> memref<80xi32, #tpu.memory_space<vmem>>
    %dma_start3A_12 = arith.constant 0 : i32
    %dma_start3A_13 = arith.constant 0 : i32
    %dma_start3A_14 = tpu.memref_slice %arg2[%dma_start3A_12, %dma_start3A_13] : memref<10000x128xf32, #tpu.memory_space<hbm>> -> memref<10000x128xf32, #tpu.memory_space<hbm>>
    tpu.enqueue_indirect_dma source(%dma_start3A_14 : memref<10000x128xf32, #tpu.memory_space<hbm>>) target(%dma_start3A_9 : memref<80x128xf32, #tpu.memory_space<vmem>>) offsets(%dma_start3A_11 : memref<80xi32, #tpu.memory_space<vmem>>) semaphore(%arg15 : memref<!tpu.dma_semaphore, #tpu.memory_space<semaphore_mem>>)
    %dma_start3A_15 = arith.constant 0 : i32
    %dma_start3A_16 = arith.constant 0 : i32
    %dma_start3A_17 = tpu.memref_slice %arg10[%dma_start3A_15, %dma_start3A_16] : memref<80x128xf32, #tpu.memory_space<vmem>> -> memref<80x128xf32, #tpu.memory_space<vmem>>
    %dma_start3A_18 = arith.constant 4800 : i32
    %dma_start3A_19 = tpu.memref_slice %arg8[%dma_start3A_18] : memref<5000xi32, #tpu.memory_space<vmem>> -> memref<80xi32, #tpu.memory_space<vmem>>
    %dma_start3A_20 = arith.constant 0 : i32
    %dma_start3A_21 = arith.constant 0 : i32
    %dma_start3A_22 = tpu.memref_slice %arg2[%dma_start3A_20, %dma_start3A_21] : memref<10000x128xf32, #tpu.memory_space<hbm>> -> memref<10000x128xf32, #tpu.memory_space<hbm>>
    tpu.enqueue_indirect_dma source(%dma_start3A_22 : memref<10000x128xf32, #tpu.memory_space<hbm>>) target(%dma_start3A_17 : memref<80x128xf32, #tpu.memory_space<vmem>>) offsets(%dma_start3A_19 : memref<80xi32, #tpu.memory_space<vmem>>) semaphore(%arg16 : memref<!tpu.dma_semaphore, #tpu.memory_space<semaphore_mem>>)
    %dma_wait3A = arith.constant 0 : i32
    %dma_wait3A_23 = arith.constant 0 : i32
    %dma_wait3A_24 = tpu.memref_slice %arg9[%dma_wait3A, %dma_wait3A_23] : memref<80x128xf32, #tpu.memory_space<vmem>> -> memref<80x128xf32, #tpu.memory_space<vmem>>
    %dma_wait3A_25 = arith.constant 4800 : i32
    %dma_wait3A_26 = tpu.memref_slice %arg7[%dma_wait3A_25] : memref<5000xi32, #tpu.memory_space<vmem>> -> memref<80xi32, #tpu.memory_space<vmem>>
    %dma_wait3A_27 = arith.constant 0 : i32
    %dma_wait3A_28 = arith.constant 0 : i32
    %dma_wait3A_29 = tpu.memref_slice %arg2[%dma_wait3A_27, %dma_wait3A_28] : memref<10000x128xf32, #tpu.memory_space<hbm>> -> memref<10000x128xf32, #tpu.memory_space<hbm>>
    tpu.wait_indirect_dma semaphore(%arg15 : memref<!tpu.dma_semaphore, #tpu.memory_space<semaphore_mem>>) src(%dma_wait3A_29 : memref<10000x128xf32, #tpu.memory_space<hbm>>) dst(%dma_wait3A_24 : memref<80x128xf32, #tpu.memory_space<vmem>>)
    %add3A_30 = arith.constant 4800 : i32
    %add3A_31 = arith.addi %mul3A_2, %add3A_30 : i32
    %dma_start3A_32 = arith.constant 0 : i32
    %dma_start3A_33 = arith.constant 0 : i32
    %dma_start3A_34 = tpu.memref_slice %arg9[%dma_start3A_32, %dma_start3A_33] : memref<80x128xf32, #tpu.memory_space<vmem>> -> memref<80x128xf32, #tpu.memory_space<vmem>>
    %dma_start3A_35 = arith.constant 0 : i32
    %dma_start3A_36 = tpu.memref_slice %arg5[%add3A_31, %dma_start3A_35] : memref<160000x128xf32, #tpu.memory_space<hbm>> -> memref<80x128xf32, #tpu.memory_space<hbm>>
    %dma_start3A_37 = arith.constant 0 : i32
    %dma_start3A_38 = tpu.memref_slice %arg5[%add3A_31, %dma_start3A_37] : memref<160000x128xf32, #tpu.memory_space<hbm>> -> memref<80x128xf32, #tpu.memory_space<hbm>>
    %dma_start3A_39 = arith.constant 0 : i32
    %dma_start3A_40 = arith.constant 0 : i32
    %dma_start3A_41 = tpu.memref_slice %arg9[%dma_start3A_39, %dma_start3A_40] : memref<80x128xf32, #tpu.memory_space<vmem>> -> memref<80x128xf32, #tpu.memory_space<vmem>>
    tpu.enqueue_dma source(%dma_start3A_41 : memref<80x128xf32, #tpu.memory_space<vmem>>) target(%dma_start3A_38 : memref<80x128xf32, #tpu.memory_space<hbm>>) target_semaphore(%arg21 : memref<!tpu.dma_semaphore, #tpu.memory_space<semaphore_mem>>)
    %dma_wait3A_42 = arith.constant 0 : i32
    %dma_wait3A_43 = arith.constant 0 : i32
    %dma_wait3A_44 = tpu.memref_slice %arg10[%dma_wait3A_42, %dma_wait3A_43] : memref<80x128xf32, #tpu.memory_space<vmem>> -> memref<80x128xf32, #tpu.memory_space<vmem>>
    %dma_wait3A_45 = arith.constant 4800 : i32
    %dma_wait3A_46 = tpu.memref_slice %arg8[%dma_wait3A_45] : memref<5000xi32, #tpu.memory_space<vmem>> -> memref<80xi32, #tpu.memory_space<vmem>>
    %dma_wait3A_47 = arith.constant 0 : i32
    %dma_wait3A_48 = arith.constant 0 : i32
    %dma_wait3A_49 = tpu.memref_slice %arg2[%dma_wait3A_47, %dma_wait3A_48] : memref<10000x128xf32, #tpu.memory_space<hbm>> -> memref<10000x128xf32, #tpu.memory_space<hbm>>
    tpu.wait_indirect_dma semaphore(%arg16 : memref<!tpu.dma_semaphore, #tpu.memory_space<semaphore_mem>>) src(%dma_wait3A_49 : memref<10000x128xf32, #tpu.memory_space<hbm>>) dst(%dma_wait3A_44 : memref<80x128xf32, #tpu.memory_space<vmem>>)
    %add3A_50 = arith.constant 4800 : i32
    %add3A_51 = arith.addi %mul3A_2, %add3A_50 : i32
    %dma_start3A_52 = arith.constant 0 : i32
    %dma_start3A_53 = arith.constant 0 : i32
    %dma_start3A_54 = tpu.memref_slice %arg10[%dma_start3A_52, %dma_start3A_53] : memref<80x128xf32, #tpu.memory_space<vmem>> -> memref<80x128xf32, #tpu.memory_space<vmem>>
    %dma_start3A_55 = arith.constant 0 : i32
    %dma_start3A_56 = tpu.memref_slice %arg6[%add3A_51, %dma_start3A_55] : memref<160000x128xf32, #tpu.memory_space<hbm>> -> memref<80x128xf32, #tpu.memory_space<hbm>>
    %dma_start3A_57 = arith.constant 0 : i32
    %dma_start3A_58 = tpu.memref_slice %arg6[%add3A_51, %dma_start3A_57] : memref<160000x128xf32, #tpu.memory_space<hbm>> -> memref<80x128xf32, #tpu.memory_space<hbm>>
    %dma_start3A_59 = arith.constant 0 : i32
    %dma_start3A_60 = arith.constant 0 : i32
    %dma_start3A_61 = tpu.memref_slice %arg10[%dma_start3A_59, %dma_start3A_60] : memref<80x128xf32, #tpu.memory_space<vmem>> -> memref<80x128xf32, #tpu.memory_space<vmem>>
    tpu.enqueue_dma source(%dma_start3A_61 : memref<80x128xf32, #tpu.memory_space<vmem>>) target(%dma_start3A_58 : memref<80x128xf32, #tpu.memory_space<hbm>>) target_semaphore(%arg22 : memref<!tpu.dma_semaphore, #tpu.memory_space<semaphore_mem>>)
    %dma_wait3A_62 = arith.constant 0 : i32
    %dma_wait3A_63 = arith.constant 0 : i32
    %dma_wait3A_64 = tpu.memref_slice %arg9[%dma_wait3A_62, %dma_wait3A_63] : memref<80x128xf32, #tpu.memory_space<vmem>> -> memref<80x128xf32, #tpu.memory_space<vmem>>
    %dma_wait3A_65 = arith.constant 0 : i32
    %dma_wait3A_66 = tpu.memref_slice %arg5[%add3A_31, %dma_wait3A_65] : memref<160000x128xf32, #tpu.memory_space<hbm>> -> memref<80x128xf32, #tpu.memory_space<hbm>>
    %dma_wait3A_67 = arith.constant 0 : i32
    %dma_wait3A_68 = tpu.memref_slice %arg5[%add3A_31, %dma_wait3A_67] : memref<160000x128xf32, #tpu.memory_space<hbm>> -> memref<80x128xf32, #tpu.memory_space<hbm>>
    %dma_wait3A_69 = arith.constant 0 : i32
    %dma_wait3A_70 = arith.constant 0 : i32
    %dma_wait3A_71 = tpu.memref_slice %arg9[%dma_wait3A_69, %dma_wait3A_70] : memref<80x128xf32, #tpu.memory_space<vmem>> -> memref<80x128xf32, #tpu.memory_space<vmem>>
    tpu.wait_dma2 semaphore(%arg21 : memref<!tpu.dma_semaphore, #tpu.memory_space<semaphore_mem>>) src(%dma_wait3A_71 : memref<80x128xf32, #tpu.memory_space<vmem>>) dst(%dma_wait3A_68 : memref<80x128xf32, #tpu.memory_space<hbm>>)
    %dma_wait3A_72 = arith.constant 0 : i32
    %dma_wait3A_73 = arith.constant 0 : i32
    %dma_wait3A_74 = tpu.memref_slice %arg10[%dma_wait3A_72, %dma_wait3A_73] : memref<80x128xf32, #tpu.memory_space<vmem>> -> memref<80x128xf32, #tpu.memory_space<vmem>>
    %dma_wait3A_75 = arith.constant 0 : i32
    %dma_wait3A_76 = tpu.memref_slice %arg6[%add3A_51, %dma_wait3A_75] : memref<160000x128xf32, #tpu.memory_space<hbm>> -> memref<80x128xf32, #tpu.memory_space<hbm>>
    %dma_wait3A_77 = arith.constant 0 : i32
    %dma_wait3A_78 = tpu.memref_slice %arg6[%add3A_51, %dma_wait3A_77] : memref<160000x128xf32, #tpu.memory_space<hbm>> -> memref<80x128xf32, #tpu.memory_space<hbm>>
    %dma_wait3A_79 = arith.constant 0 : i32
    %dma_wait3A_80 = arith.constant 0 : i32
    %dma_wait3A_81 = tpu.memref_slice %arg10[%dma_wait3A_79, %dma_wait3A_80] : memref<80x128xf32, #tpu.memory_space<vmem>> -> memref<80x128xf32, #tpu.memory_space<vmem>>
    tpu.wait_dma2 semaphore(%arg22 : memref<!tpu.dma_semaphore, #tpu.memory_space<semaphore_mem>>) src(%dma_wait3A_81 : memref<80x128xf32, #tpu.memory_space<vmem>>) dst(%dma_wait3A_78 : memref<80x128xf32, #tpu.memory_space<hbm>>)
    %dma_start3A_82 = arith.constant 0 : i32
    %dma_start3A_83 = arith.constant 0 : i32
    %dma_start3A_84 = tpu.memref_slice %arg9[%dma_start3A_82, %dma_start3A_83] : memref<80x128xf32, #tpu.memory_space<vmem>> -> memref<80x128xf32, #tpu.memory_space<vmem>>
    %dma_start3A_85 = arith.constant 4880 : i32
    %dma_start3A_86 = tpu.memref_slice %arg7[%dma_start3A_85] : memref<5000xi32, #tpu.memory_space<vmem>> -> memref<80xi32, #tpu.memory_space<vmem>>
    %dma_start3A_87 = arith.constant 0 : i32
    %dma_start3A_88 = arith.constant 0 : i32
    %dma_start3A_89 = tpu.memref_slice %arg2[%dma_start3A_87, %dma_start3A_88] : memref<10000x128xf32, #tpu.memory_space<hbm>> -> memref<10000x128xf32, #tpu.memory_space<hbm>>
    tpu.enqueue_indirect_dma source(%dma_start3A_89 : memref<10000x128xf32, #tpu.memory_space<hbm>>) target(%dma_start3A_84 : memref<80x128xf32, #tpu.memory_space<vmem>>) offsets(%dma_start3A_86 : memref<80xi32, #tpu.memory_space<vmem>>) semaphore(%arg15 : memref<!tpu.dma_semaphore, #tpu.memory_space<semaphore_mem>>)
    %dma_start3A_90 = arith.constant 0 : i32
    %dma_start3A_91 = arith.constant 0 : i32
    %dma_start3A_92 = tpu.memref_slice %arg10[%dma_start3A_90, %dma_start3A_91] : memref<80x128xf32, #tpu.memory_space<vmem>> -> memref<80x128xf32, #tpu.memory_space<vmem>>
    %dma_start3A_93 = arith.constant 4880 : i32
    %dma_start3A_94 = tpu.memref_slice %arg8[%dma_start3A_93] : memref<5000xi32, #tpu.memory_space<vmem>> -> memref<80xi32, #tpu.memory_space<vmem>>
    %dma_start3A_95 = arith.constant 0 : i32
    %dma_start3A_96 = arith.constant 0 : i32
    %dma_start3A_97 = tpu.memref_slice %arg2[%dma_start3A_95, %dma_start3A_96] : memref<10000x128xf32, #tpu.memory_space<hbm>> -> memref<10000x128xf32, #tpu.memory_space<hbm>>
    tpu.enqueue_indirect_dma source(%dma_start3A_97 : memref<10000x128xf32, #tpu.memory_space<hbm>>) target(%dma_start3A_92 : memref<80x128xf32, #tpu.memory_space<vmem>>) offsets(%dma_start3A_94 : memref<80xi32, #tpu.memory_space<vmem>>) semaphore(%arg16 : memref<!tpu.dma_semaphore, #tpu.memory_space<semaphore_mem>>)
    %dma_wait3A_98 = arith.constant 0 : i32
    %dma_wait3A_99 = arith.constant 0 : i32
    %dma_wait3A_100 = tpu.memref_slice %arg9[%dma_wait3A_98, %dma_wait3A_99] : memref<80x128xf32, #tpu.memory_space<vmem>> -> memref<80x128xf32, #tpu.memory_space<vmem>>
    %dma_wait3A_101 = arith.constant 4880 : i32
    %dma_wait3A_102 = tpu.memref_slice %arg7[%dma_wait3A_101] : memref<5000xi32, #tpu.memory_space<vmem>> -> memref<80xi32, #tpu.memory_space<vmem>>
    %dma_wait3A_103 = arith.constant 0 : i32
    %dma_wait3A_104 = arith.constant 0 : i32
    %dma_wait3A_105 = tpu.memref_slice %arg2[%dma_wait3A_103, %dma_wait3A_104] : memref<10000x128xf32, #tpu.memory_space<hbm>> -> memref<10000x128xf32, #tpu.memory_space<hbm>>
    tpu.wait_indirect_dma semaphore(%arg15 : memref<!tpu.dma_semaphore, #tpu.memory_space<semaphore_mem>>) src(%dma_wait3A_105 : memref<10000x128xf32, #tpu.memory_space<hbm>>) dst(%dma_wait3A_100 : memref<80x128xf32, #tpu.memory_space<vmem>>)
    %add3A_106 = arith.constant 4880 : i32
    %add3A_107 = arith.addi %mul3A_2, %add3A_106 : i32
    %dma_start3A_108 = arith.constant 0 : i32
    %dma_start3A_109 = arith.constant 0 : i32
    %dma_start3A_110 = tpu.memref_slice %arg9[%dma_start3A_108, %dma_start3A_109] : memref<80x128xf32, #tpu.memory_space<vmem>> -> memref<80x128xf32, #tpu.memory_space<vmem>>
    %dma_start3A_111 = arith.constant 0 : i32
    %dma_start3A_112 = tpu.memref_slice %arg5[%add3A_107, %dma_start3A_111] : memref<160000x128xf32, #tpu.memory_space<hbm>> -> memref<80x128xf32, #tpu.memory_space<hbm>>
    %dma_start3A_113 = arith.constant 0 : i32
    %dma_start3A_114 = tpu.memref_slice %arg5[%add3A_107, %dma_start3A_113] : memref<160000x128xf32, #tpu.memory_space<hbm>> -> memref<80x128xf32, #tpu.memory_space<hbm>>
    %dma_start3A_115 = arith.constant 0 : i32
    %dma_start3A_116 = arith.constant 0 : i32
    %dma_start3A_117 = tpu.memref_slice %arg9[%dma_start3A_115, %dma_start3A_116] : memref<80x128xf32, #tpu.memory_space<vmem>> -> memref<80x128xf32, #tpu.memory_space<vmem>>
    tpu.enqueue_dma source(%dma_start3A_117 : memref<80x128xf32, #tpu.memory_space<vmem>>) target(%dma_start3A_114 : memref<80x128xf32, #tpu.memory_space<hbm>>) target_semaphore(%arg21 : memref<!tpu.dma_semaphore, #tpu.memory_space<semaphore_mem>>)
    %dma_wait3A_118 = arith.constant 0 : i32
    %dma_wait3A_119 = arith.constant 0 : i32
    %dma_wait3A_120 = tpu.memref_slice %arg10[%dma_wait3A_118, %dma_wait3A_119] : memref<80x128xf32, #tpu.memory_space<vmem>> -> memref<80x128xf32, #tpu.memory_space<vmem>>
    %dma_wait3A_121 = arith.constant 4880 : i32
    %dma_wait3A_122 = tpu.memref_slice %arg8[%dma_wait3A_121] : memref<5000xi32, #tpu.memory_space<vmem>> -> memref<80xi32, #tpu.memory_space<vmem>>
    %dma_wait3A_123 = arith.constant 0 : i32
    %dma_wait3A_124 = arith.constant 0 : i32
    %dma_wait3A_125 = tpu.memref_slice %arg2[%dma_wait3A_123, %dma_wait3A_124] : memref<10000x128xf32, #tpu.memory_space<hbm>> -> memref<10000x128xf32, #tpu.memory_space<hbm>>
    tpu.wait_indirect_dma semaphore(%arg16 : memref<!tpu.dma_semaphore, #tpu.memory_space<semaphore_mem>>) src(%dma_wait3A_125 : memref<10000x128xf32, #tpu.memory_space<hbm>>) dst(%dma_wait3A_120 : memref<80x128xf32, #tpu.memory_space<vmem>>)
    %add3A_126 = arith.constant 4880 : i32
    %add3A_127 = arith.addi %mul3A_2, %add3A_126 : i32
    %dma_start3A_128 = arith.constant 0 : i32
    %dma_start3A_129 = arith.constant 0 : i32
    %dma_start3A_130 = tpu.memref_slice %arg10[%dma_start3A_128, %dma_start3A_129] : memref<80x128xf32, #tpu.memory_space<vmem>> -> memref<80x128xf32, #tpu.memory_space<vmem>>
    %dma_start3A_131 = arith.constant 0 : i32
    %dma_start3A_132 = tpu.memref_slice %arg6[%add3A_127, %dma_start3A_131] : memref<160000x128xf32, #tpu.memory_space<hbm>> -> memref<80x128xf32, #tpu.memory_space<hbm>>
    %dma_start3A_133 = arith.constant 0 : i32
    %dma_start3A_134 = tpu.memref_slice %arg6[%add3A_127, %dma_start3A_133] : memref<160000x128xf32, #tpu.memory_space<hbm>> -> memref<80x128xf32, #tpu.memory_space<hbm>>
    %dma_start3A_135 = arith.constant 0 : i32
    %dma_start3A_136 = arith.constant 0 : i32
    %dma_start3A_137 = tpu.memref_slice %arg10[%dma_start3A_135, %dma_start3A_136] : memref<80x128xf32, #tpu.memory_space<vmem>> -> memref<80x128xf32, #tpu.memory_space<vmem>>
    tpu.enqueue_dma source(%dma_start3A_137 : memref<80x128xf32, #tpu.memory_space<vmem>>) target(%dma_start3A_134 : memref<80x128xf32, #tpu.memory_space<hbm>>) target_semaphore(%arg22 : memref<!tpu.dma_semaphore, #tpu.memory_space<semaphore_mem>>)
    %dma_wait3A_138 = arith.constant 0 : i32
    %dma_wait3A_139 = arith.constant 0 : i32
    %dma_wait3A_140 = tpu.memref_slice %arg9[%dma_wait3A_138, %dma_wait3A_139] : memref<80x128xf32, #tpu.memory_space<vmem>> -> memref<80x128xf32, #tpu.memory_space<vmem>>
    %dma_wait3A_141 = arith.constant 0 : i32
    %dma_wait3A_142 = tpu.memref_slice %arg5[%add3A_107, %dma_wait3A_141] : memref<160000x128xf32, #tpu.memory_space<hbm>> -> memref<80x128xf32, #tpu.memory_space<hbm>>
    %dma_wait3A_143 = arith.constant 0 : i32
    %dma_wait3A_144 = tpu.memref_slice %arg5[%add3A_107, %dma_wait3A_143] : memref<160000x128xf32, #tpu.memory_space<hbm>> -> memref<80x128xf32, #tpu.memory_space<hbm>>
    %dma_wait3A_145 = arith.constant 0 : i32
    %dma_wait3A_146 = arith.constant 0 : i32
    %dma_wait3A_147 = tpu.memref_slice %arg9[%dma_wait3A_145, %dma_wait3A_146] : memref<80x128xf32, #tpu.memory_space<vmem>> -> memref<80x128xf32, #tpu.memory_space<vmem>>
    tpu.wait_dma2 semaphore(%arg21 : memref<!tpu.dma_semaphore, #tpu.memory_space<semaphore_mem>>) src(%dma_wait3A_147 : memref<80x128xf32, #tpu.memory_space<vmem>>) dst(%dma_wait3A_144 : memref<80x128xf32, #tpu.memory_space<hbm>>)
    %dma_wait3A_148 = arith.constant 0 : i32
    %dma_wait3A_149 = arith.constant 0 : i32
    %dma_wait3A_150 = tpu.memref_slice %arg10[%dma_wait3A_148, %dma_wait3A_149] : memref<80x128xf32, #tpu.memory_space<vmem>> -> memref<80x128xf32, #tpu.memory_space<vmem>>
    %dma_wait3A_151 = arith.constant 0 : i32
    %dma_wait3A_152 = tpu.memref_slice %arg6[%add3A_127, %dma_wait3A_151] : memref<160000x128xf32, #tpu.memory_space<hbm>> -> memref<80x128xf32, #tpu.memory_space<hbm>>
    %dma_wait3A_153 = arith.constant 0 : i32
    %dma_wait3A_154 = tpu.memref_slice %arg6[%add3A_127, %dma_wait3A_153] : memref<160000x128xf32, #tpu.memory_space<hbm>> -> memref<80x128xf32, #tpu.memory_space<hbm>>
    %dma_wait3A_155 = arith.constant 0 : i32
    %dma_wait3A_156 = arith.constant 0 : i32
    %dma_wait3A_157 = tpu.memref_slice %arg10[%dma_wait3A_155, %dma_wait3A_156] : memref<80x128xf32, #tpu.memory_space<vmem>> -> memref<80x128xf32, #tpu.memory_space<vmem>>
    tpu.wait_dma2 semaphore(%arg22 : memref<!tpu.dma_semaphore, #tpu.memory_space<semaphore_mem>>) src(%dma_wait3A_157 : memref<80x128xf32, #tpu.memory_space<vmem>>) dst(%dma_wait3A_154 : memref<80x128xf32, #tpu.memory_space<hbm>>)
    %dma_start3A_158 = arith.constant 0 : i32
    %dma_start3A_159 = arith.constant 0 : i32
    %dma_start3A_160 = tpu.memref_slice %arg9[%dma_start3A_158, %dma_start3A_159] : memref<80x128xf32, #tpu.memory_space<vmem>> -> memref<40x128xf32, #tpu.memory_space<vmem>>
    %dma_start3A_161 = arith.constant 4960 : i32
    %dma_start3A_162 = tpu.memref_slice %arg7[%dma_start3A_161] : memref<5000xi32, #tpu.memory_space<vmem>> -> memref<40xi32, #tpu.memory_space<vmem>>
    %dma_start3A_163 = arith.constant 0 : i32
    %dma_start3A_164 = arith.constant 0 : i32
    %dma_start3A_165 = tpu.memref_slice %arg2[%dma_start3A_163, %dma_start3A_164] : memref<10000x128xf32, #tpu.memory_space<hbm>> -> memref<10000x128xf32, #tpu.memory_space<hbm>>
    tpu.enqueue_indirect_dma source(%dma_start3A_165 : memref<10000x128xf32, #tpu.memory_space<hbm>>) target(%dma_start3A_160 : memref<40x128xf32, #tpu.memory_space<vmem>>) offsets(%dma_start3A_162 : memref<40xi32, #tpu.memory_space<vmem>>) semaphore(%arg15 : memref<!tpu.dma_semaphore, #tpu.memory_space<semaphore_mem>>)
    %dma_start3A_166 = arith.constant 0 : i32
    %dma_start3A_167 = arith.constant 0 : i32
    %dma_start3A_168 = tpu.memref_slice %arg10[%dma_start3A_166, %dma_start3A_167] : memref<80x128xf32, #tpu.memory_space<vmem>> -> memref<40x128xf32, #tpu.memory_space<vmem>>
    %dma_start3A_169 = arith.constant 4960 : i32
    %dma_start3A_170 = tpu.memref_slice %arg8[%dma_start3A_169] : memref<5000xi32, #tpu.memory_space<vmem>> -> memref<40xi32, #tpu.memory_space<vmem>>
    %dma_start3A_171 = arith.constant 0 : i32
    %dma_start3A_172 = arith.constant 0 : i32
    %dma_start3A_173 = tpu.memref_slice %arg2[%dma_start3A_171, %dma_start3A_172] : memref<10000x128xf32, #tpu.memory_space<hbm>> -> memref<10000x128xf32, #tpu.memory_space<hbm>>
    tpu.enqueue_indirect_dma source(%dma_start3A_173 : memref<10000x128xf32, #tpu.memory_space<hbm>>) target(%dma_start3A_168 : memref<40x128xf32, #tpu.memory_space<vmem>>) offsets(%dma_start3A_170 : memref<40xi32, #tpu.memory_space<vmem>>) semaphore(%arg16 : memref<!tpu.dma_semaphore, #tpu.memory_space<semaphore_mem>>)
    %dma_wait3A_174 = arith.constant 0 : i32
    %dma_wait3A_175 = arith.constant 0 : i32
    %dma_wait3A_176 = tpu.memref_slice %arg9[%dma_wait3A_174, %dma_wait3A_175] : memref<80x128xf32, #tpu.memory_space<vmem>> -> memref<40x128xf32, #tpu.memory_space<vmem>>
    %dma_wait3A_177 = arith.constant 4960 : i32
    %dma_wait3A_178 = tpu.memref_slice %arg7[%dma_wait3A_177] : memref<5000xi32, #tpu.memory_space<vmem>> -> memref<40xi32, #tpu.memory_space<vmem>>
    %dma_wait3A_179 = arith.constant 0 : i32
    %dma_wait3A_180 = arith.constant 0 : i32
    %dma_wait3A_181 = tpu.memref_slice %arg2[%dma_wait3A_179, %dma_wait3A_180] : memref<10000x128xf32, #tpu.memory_space<hbm>> -> memref<10000x128xf32, #tpu.memory_space<hbm>>
    tpu.wait_indirect_dma semaphore(%arg15 : memref<!tpu.dma_semaphore, #tpu.memory_space<semaphore_mem>>) src(%dma_wait3A_181 : memref<10000x128xf32, #tpu.memory_space<hbm>>) dst(%dma_wait3A_176 : memref<40x128xf32, #tpu.memory_space<vmem>>)
    %add3A_182 = arith.constant 4960 : i32
    %add3A_183 = arith.addi %mul3A_2, %add3A_182 : i32
    %dma_start3A_184 = arith.constant 0 : i32
    %dma_start3A_185 = arith.constant 0 : i32
    %dma_start3A_186 = tpu.memref_slice %arg9[%dma_start3A_184, %dma_start3A_185] : memref<80x128xf32, #tpu.memory_space<vmem>> -> memref<40x128xf32, #tpu.memory_space<vmem>>
    %dma_start3A_187 = arith.constant 0 : i32
    %dma_start3A_188 = tpu.memref_slice %arg5[%add3A_183, %dma_start3A_187] : memref<160000x128xf32, #tpu.memory_space<hbm>> -> memref<40x128xf32, #tpu.memory_space<hbm>>
    %dma_start3A_189 = arith.constant 0 : i32
    %dma_start3A_190 = tpu.memref_slice %arg5[%add3A_183, %dma_start3A_189] : memref<160000x128xf32, #tpu.memory_space<hbm>> -> memref<40x128xf32, #tpu.memory_space<hbm>>
    %dma_start3A_191 = arith.constant 0 : i32
    %dma_start3A_192 = arith.constant 0 : i32
    %dma_start3A_193 = tpu.memref_slice %arg9[%dma_start3A_191, %dma_start3A_192] : memref<80x128xf32, #tpu.memory_space<vmem>> -> memref<40x128xf32, #tpu.memory_space<vmem>>
    tpu.enqueue_dma source(%dma_start3A_193 : memref<40x128xf32, #tpu.memory_space<vmem>>) target(%dma_start3A_190 : memref<40x128xf32, #tpu.memory_space<hbm>>) target_semaphore(%arg21 : memref<!tpu.dma_semaphore, #tpu.memory_space<semaphore_mem>>)
    %dma_wait3A_194 = arith.constant 0 : i32
    %dma_wait3A_195 = arith.constant 0 : i32
    %dma_wait3A_196 = tpu.memref_slice %arg10[%dma_wait3A_194, %dma_wait3A_195] : memref<80x128xf32, #tpu.memory_space<vmem>> -> memref<40x128xf32, #tpu.memory_space<vmem>>
    %dma_wait3A_197 = arith.constant 4960 : i32
    %dma_wait3A_198 = tpu.memref_slice %arg8[%dma_wait3A_197] : memref<5000xi32, #tpu.memory_space<vmem>> -> memref<40xi32, #tpu.memory_space<vmem>>
    %dma_wait3A_199 = arith.constant 0 : i32
    %dma_wait3A_200 = arith.constant 0 : i32
    %dma_wait3A_201 = tpu.memref_slice %arg2[%dma_wait3A_199, %dma_wait3A_200] : memref<10000x128xf32, #tpu.memory_space<hbm>> -> memref<10000x128xf32, #tpu.memory_space<hbm>>
    tpu.wait_indirect_dma semaphore(%arg16 : memref<!tpu.dma_semaphore, #tpu.memory_space<semaphore_mem>>) src(%dma_wait3A_201 : memref<10000x128xf32, #tpu.memory_space<hbm>>) dst(%dma_wait3A_196 : memref<40x128xf32, #tpu.memory_space<vmem>>)
    %add3A_202 = arith.constant 4960 : i32
    %add3A_203 = arith.addi %mul3A_2, %add3A_202 : i32
    %dma_start3A_204 = arith.constant 0 : i32
    %dma_start3A_205 = arith.constant 0 : i32
    %dma_start3A_206 = tpu.memref_slice %arg10[%dma_start3A_204, %dma_start3A_205] : memref<80x128xf32, #tpu.memory_space<vmem>> -> memref<40x128xf32, #tpu.memory_space<vmem>>
    %dma_start3A_207 = arith.constant 0 : i32
    %dma_start3A_208 = tpu.memref_slice %arg6[%add3A_203, %dma_start3A_207] : memref<160000x128xf32, #tpu.memory_space<hbm>> -> memref<40x128xf32, #tpu.memory_space<hbm>>
    %dma_start3A_209 = arith.constant 0 : i32
    %dma_start3A_210 = tpu.memref_slice %arg6[%add3A_203, %dma_start3A_209] : memref<160000x128xf32, #tpu.memory_space<hbm>> -> memref<40x128xf32, #tpu.memory_space<hbm>>
    %dma_start3A_211 = arith.constant 0 : i32
    %dma_start3A_212 = arith.constant 0 : i32
    %dma_start3A_213 = tpu.memref_slice %arg10[%dma_start3A_211, %dma_start3A_212] : memref<80x128xf32, #tpu.memory_space<vmem>> -> memref<40x128xf32, #tpu.memory_space<vmem>>
    tpu.enqueue_dma source(%dma_start3A_213 : memref<40x128xf32, #tpu.memory_space<vmem>>) target(%dma_start3A_210 : memref<40x128xf32, #tpu.memory_space<hbm>>) target_semaphore(%arg22 : memref<!tpu.dma_semaphore, #tpu.memory_space<semaphore_mem>>)
    %dma_wait3A_214 = arith.constant 0 : i32
    %dma_wait3A_215 = arith.constant 0 : i32
    %dma_wait3A_216 = tpu.memref_slice %arg9[%dma_wait3A_214, %dma_wait3A_215] : memref<80x128xf32, #tpu.memory_space<vmem>> -> memref<40x128xf32, #tpu.memory_space<vmem>>
    %dma_wait3A_217 = arith.constant 0 : i32
    %dma_wait3A_218 = tpu.memref_slice %arg5[%add3A_183, %dma_wait3A_217] : memref<160000x128xf32, #tpu.memory_space<hbm>> -> memref<40x128xf32, #tpu.memory_space<hbm>>
    %dma_wait3A_219 = arith.constant 0 : i32
    %dma_wait3A_220 = tpu.memref_slice %arg5[%add3A_183, %dma_wait3A_219] : memref<160000x128xf32, #tpu.memory_space<hbm>> -> memref<40x128xf32, #tpu.memory_space<hbm>>
    %dma_wait3A_221 = arith.constant 0 : i32
    %dma_wait3A_222 = arith.constant 0 : i32
    %dma_wait3A_223 = tpu.memref_slice %arg9[%dma_wait3A_221, %dma_wait3A_222] : memref<80x128xf32, #tpu.memory_space<vmem>> -> memref<40x128xf32, #tpu.memory_space<vmem>>
    tpu.wait_dma2 semaphore(%arg21 : memref<!tpu.dma_semaphore, #tpu.memory_space<semaphore_mem>>) src(%dma_wait3A_223 : memref<40x128xf32, #tpu.memory_space<vmem>>) dst(%dma_wait3A_220 : memref<40x128xf32, #tpu.memory_space<hbm>>)
    %dma_wait3A_224 = arith.constant 0 : i32
    %dma_wait3A_225 = arith.constant 0 : i32
    %dma_wait3A_226 = tpu.memref_slice %arg10[%dma_wait3A_224, %dma_wait3A_225] : memref<80x128xf32, #tpu.memory_space<vmem>> -> memref<40x128xf32, #tpu.memory_space<vmem>>
    %dma_wait3A_227 = arith.constant 0 : i32
    %dma_wait3A_228 = tpu.memref_slice %arg6[%add3A_203, %dma_wait3A_227] : memref<160000x128xf32, #tpu.memory_space<hbm>> -> memref<40x128xf32, #tpu.memory_space<hbm>>
    %dma_wait3A_229 = arith.constant 0 : i32
    %dma_wait3A_230 = tpu.memref_slice %arg6[%add3A_203, %dma_wait3A_229] : memref<160000x128xf32, #tpu.memory_space<hbm>> -> memref<40x128xf32, #tpu.memory_space<hbm>>
    %dma_wait3A_231 = arith.constant 0 : i32
    %dma_wait3A_232 = arith.constant 0 : i32
    %dma_wait3A_233 = tpu.memref_slice %arg10[%dma_wait3A_231, %dma_wait3A_232] : memref<80x128xf32, #tpu.memory_space<vmem>> -> memref<40x128xf32, #tpu.memory_space<vmem>>
    tpu.wait_dma2 semaphore(%arg22 : memref<!tpu.dma_semaphore, #tpu.memory_space<semaphore_mem>>) src(%dma_wait3A_233 : memref<40x128xf32, #tpu.memory_space<vmem>>) dst(%dma_wait3A_230 : memref<40x128xf32, #tpu.memory_space<hbm>>)
    return
  }
}

#map = affine_map<(d0, d1) -> (0, 0)>
#map1 = affine_map<(d0, d1) -> (0, 0, 0)>
module attributes {stable_mosaic.version = 14 : i64} {
  func.func @k(%arg0: i32, %arg1: i32, %arg2: memref<160000x128xf32, #tpu.memory_space<hbm>>, %arg3: memref<160000x128xf32, #tpu.memory_space<hbm>>, %arg4: memref<32x125x40xi32, #tpu.memory_space<hbm>>, %arg5: memref<10000x128xf32, #tpu.memory_space<hbm>>, %arg6: memref<2x10000x128xf32, #tpu.memory_space<hbm>>, %arg7: memref<2x10000x128xf32, #tpu.memory_space<hbm>>, %arg8: memref<125x40xi32, #tpu.memory_space<vmem>>, %arg9: memref<40x128xf32, #tpu.memory_space<vmem>>, %arg10: memref<40x128xf32, #tpu.memory_space<vmem>>, %arg11: memref<40x128xf32, #tpu.memory_space<vmem>>, %arg12: memref<40x128xf32, #tpu.memory_space<vmem>>, %arg13: memref<40x128xf32, #tpu.memory_space<vmem>>, %arg14: memref<10000x128xf32, #tpu.memory_space<vmem_shared>>, %arg15: memref<!tpu.dma_semaphore, #tpu.memory_space<semaphore_mem>>, %arg16: memref<!tpu.dma_semaphore, #tpu.memory_space<semaphore_mem>>, %arg17: memref<!tpu.dma_semaphore, #tpu.memory_space<semaphore_mem>>, %arg18: memref<!tpu.dma_semaphore, #tpu.memory_space<semaphore_mem>>, %arg19: memref<!tpu.dma_semaphore, #tpu.memory_space<semaphore_mem>>, %arg20: memref<!tpu.dma_semaphore, #tpu.memory_space<semaphore_mem>>, %arg21: memref<!tpu.dma_semaphore, #tpu.memory_space<semaphore_mem>>, %arg22: memref<!tpu.dma_semaphore, #tpu.memory_space<semaphore_mem>>, %arg23: memref<!tpu.dma_semaphore, #tpu.memory_space<semaphore_mem>>, %arg24: memref<!tpu.dma_semaphore, #tpu.memory_space<semaphore_mem>>) attributes {dimension_semantics = [#tpu.dimension_semantics<core_parallel>, #tpu.dimension_semantics<subcore_parallel>], iteration_bounds = array<i64: 2, 16>, scalar_prefetch = 0 : i64, scratch_operands = 17 : i64, tpu.core_type = #tpu.core_type<sc_vector_subcore>, window_params = [{transform_indices = #map}, {transform_indices = #map}, {transform_indices = #map1}, {transform_indices = #map}, {transform_indices = #map1}, {transform_indices = #map1}]} {
    %mul3A = arith.constant 2 : i32
    %mul3A_0 = arith.muli %arg1, %mul3A : i32
    %add3A = arith.addi %mul3A_0, %arg0 : i32
    %mul3A_1 = arith.constant 5000 : i32
    %mul3A_2 = arith.muli %add3A, %mul3A_1 : i32
    %mul3A_3 = arith.constant 624 : i32
    %mul3A_4 = arith.muli %arg1, %mul3A_3 : i32
    "tpu.region"() ({
      %run_scoped3A = tpu.sem_alloc : memref<!tpu.dma_semaphore, #tpu.memory_space<semaphore_mem>>
      %dma_start3A = arith.constant 0 : i32
      %dma_start3A_38 = arith.constant 0 : i32
      %dma_start3A_39 = tpu.memref_slice %arg4[%add3A, %dma_start3A, %dma_start3A_38] : memref<32x125x40xi32, #tpu.memory_space<hbm>> -> memref<1x125x40xi32, #tpu.memory_space<hbm>>
      %dma_start3A_40 = tpu.memref_squeeze %dma_start3A_39 : memref<1x125x40xi32, #tpu.memory_space<hbm>> -> memref<125x40xi32, #tpu.memory_space<hbm>>
      %dma_start3A_41 = arith.constant 0 : i32
      %dma_start3A_42 = arith.constant 0 : i32
      %dma_start3A_43 = tpu.memref_slice %arg4[%add3A, %dma_start3A_41, %dma_start3A_42] : memref<32x125x40xi32, #tpu.memory_space<hbm>> -> memref<1x125x40xi32, #tpu.memory_space<hbm>>
      %dma_start3A_44 = tpu.memref_squeeze %dma_start3A_43 : memref<1x125x40xi32, #tpu.memory_space<hbm>> -> memref<125x40xi32, #tpu.memory_space<hbm>>
      tpu.enqueue_dma source(%dma_start3A_44 : memref<125x40xi32, #tpu.memory_space<hbm>>) target(%arg8 : memref<125x40xi32, #tpu.memory_space<vmem>>) target_semaphore(%run_scoped3A : memref<!tpu.dma_semaphore, #tpu.memory_space<semaphore_mem>>)
      %dma_wait3A = arith.constant 0 : i32
      %dma_wait3A_45 = arith.constant 0 : i32
      %dma_wait3A_46 = tpu.memref_slice %arg4[%add3A, %dma_wait3A, %dma_wait3A_45] : memref<32x125x40xi32, #tpu.memory_space<hbm>> -> memref<1x125x40xi32, #tpu.memory_space<hbm>>
      %dma_wait3A_47 = tpu.memref_squeeze %dma_wait3A_46 : memref<1x125x40xi32, #tpu.memory_space<hbm>> -> memref<125x40xi32, #tpu.memory_space<hbm>>
      %dma_wait3A_48 = arith.constant 0 : i32
      %dma_wait3A_49 = arith.constant 0 : i32
      %dma_wait3A_50 = tpu.memref_slice %arg4[%add3A, %dma_wait3A_48, %dma_wait3A_49] : memref<32x125x40xi32, #tpu.memory_space<hbm>> -> memref<1x125x40xi32, #tpu.memory_space<hbm>>
      %dma_wait3A_51 = tpu.memref_squeeze %dma_wait3A_50 : memref<1x125x40xi32, #tpu.memory_space<hbm>> -> memref<125x40xi32, #tpu.memory_space<hbm>>
      tpu.wait_dma2 semaphore(%run_scoped3A : memref<!tpu.dma_semaphore, #tpu.memory_space<semaphore_mem>>) src(%dma_wait3A_51 : memref<125x40xi32, #tpu.memory_space<hbm>>) dst(%arg8 : memref<125x40xi32, #tpu.memory_space<vmem>>)
      tpu.yield
    }) : () -> ()
    "tpu.region"() ({
      %run_scoped3A = tpu.sem_alloc : memref<!tpu.dma_semaphore, #tpu.memory_space<semaphore_mem>>
      %dma_start3A = arith.constant 0 : i32
      %dma_start3A_38 = tpu.memref_slice %arg14[%mul3A_4, %dma_start3A] : memref<10000x128xf32, #tpu.memory_space<vmem_shared>> -> memref<624x128xf32, #tpu.memory_space<vmem_shared>>
      %dma_start3A_39 = arith.constant 0 : i32
      %dma_start3A_40 = tpu.memref_slice %arg5[%mul3A_4, %dma_start3A_39] : memref<10000x128xf32, #tpu.memory_space<hbm>> -> memref<624x128xf32, #tpu.memory_space<hbm>>
      tpu.enqueue_dma source(%dma_start3A_40 : memref<624x128xf32, #tpu.memory_space<hbm>>) target(%dma_start3A_38 : memref<624x128xf32, #tpu.memory_space<vmem_shared>>) target_semaphore(%run_scoped3A : memref<!tpu.dma_semaphore, #tpu.memory_space<semaphore_mem>>)
      %dma_wait3A = arith.constant 0 : i32
      %dma_wait3A_41 = tpu.memref_slice %arg14[%mul3A_4, %dma_wait3A] : memref<10000x128xf32, #tpu.memory_space<vmem_shared>> -> memref<624x128xf32, #tpu.memory_space<vmem_shared>>
      %dma_wait3A_42 = arith.constant 0 : i32
      %dma_wait3A_43 = tpu.memref_slice %arg5[%mul3A_4, %dma_wait3A_42] : memref<10000x128xf32, #tpu.memory_space<hbm>> -> memref<624x128xf32, #tpu.memory_space<hbm>>
      tpu.wait_dma2 semaphore(%run_scoped3A : memref<!tpu.dma_semaphore, #tpu.memory_space<semaphore_mem>>) src(%dma_wait3A_43 : memref<624x128xf32, #tpu.memory_space<hbm>>) dst(%dma_wait3A_41 : memref<624x128xf32, #tpu.memory_space<vmem_shared>>)
      tpu.yield
    }) : () -> ()
    %eq3A = arith.constant 15 : i32
    %eq3A_5 = arith.cmpi eq, %arg1, %eq3A : i32
    %convert_element_type3A = arith.extui %eq3A_5 : i1 to i32
    %cond3A = arith.constant 0 : i32
    %cond3A_6 = arith.cmpi ne, %convert_element_type3A, %cond3A : i32
    scf.if %cond3A_6 {
      "tpu.region"() ({
        %run_scoped3A = tpu.sem_alloc : memref<!tpu.dma_semaphore, #tpu.memory_space<semaphore_mem>>
        %dma_start3A = arith.constant 9984 : i32
        %dma_start3A_38 = arith.constant 0 : i32
        %dma_start3A_39 = tpu.memref_slice %arg14[%dma_start3A, %dma_start3A_38] : memref<10000x128xf32, #tpu.memory_space<vmem_shared>> -> memref<16x128xf32, #tpu.memory_space<vmem_shared>>
        %dma_start3A_40 = arith.constant 9984 : i32
        %dma_start3A_41 = arith.constant 0 : i32
        %dma_start3A_42 = tpu.memref_slice %arg5[%dma_start3A_40, %dma_start3A_41] : memref<10000x128xf32, #tpu.memory_space<hbm>> -> memref<16x128xf32, #tpu.memory_space<hbm>>
        tpu.enqueue_dma source(%dma_start3A_42 : memref<16x128xf32, #tpu.memory_space<hbm>>) target(%dma_start3A_39 : memref<16x128xf32, #tpu.memory_space<vmem_shared>>) target_semaphore(%run_scoped3A : memref<!tpu.dma_semaphore, #tpu.memory_space<semaphore_mem>>)
        %dma_wait3A = arith.constant 9984 : i32
        %dma_wait3A_43 = arith.constant 0 : i32
        %dma_wait3A_44 = tpu.memref_slice %arg14[%dma_wait3A, %dma_wait3A_43] : memref<10000x128xf32, #tpu.memory_space<vmem_shared>> -> memref<16x128xf32, #tpu.memory_space<vmem_shared>>
        %dma_wait3A_45 = arith.constant 9984 : i32
        %dma_wait3A_46 = arith.constant 0 : i32
        %dma_wait3A_47 = tpu.memref_slice %arg5[%dma_wait3A_45, %dma_wait3A_46] : memref<10000x128xf32, #tpu.memory_space<hbm>> -> memref<16x128xf32, #tpu.memory_space<hbm>>
        tpu.wait_dma2 semaphore(%run_scoped3A : memref<!tpu.dma_semaphore, #tpu.memory_space<semaphore_mem>>) src(%dma_wait3A_47 : memref<16x128xf32, #tpu.memory_space<hbm>>) dst(%dma_wait3A_44 : memref<16x128xf32, #tpu.memory_space<vmem_shared>>)
        tpu.yield
      }) : () -> ()
    } else {
    }
    %barrier3A = arith.constant 0 : index
    tpu.barrier barrier_id(%barrier3A)
    %scan3A = arith.constant 0 : i32
    %scan3A_7 = arith.constant 0 : i32
    %scan3A_8 = arith.constant 25 : i32
    %scan3A_9 = arith.addi %scan3A_7, %scan3A_8 : i32
    %scan3A_10 = arith.constant 1 : i32
    scf.for %scan3A_38 = %scan3A_7 to %scan3A_9 step %scan3A_10  : i32 {
      %mul3A_39 = arith.constant 5 : i32
      %mul3A_40 = arith.muli %scan3A_38, %mul3A_39 : i32
      %add3A_41 = arith.constant 0 : i32
      %add3A_42 = arith.addi %mul3A_40, %add3A_41 : i32
      %mul3A_43 = arith.constant 40 : i32
      %mul3A_44 = arith.muli %add3A_42, %mul3A_43 : i32
      %add3A_45 = arith.addi %mul3A_2, %mul3A_44 : i32
      %dma_start3A = arith.constant 0 : i32
      %dma_start3A_46 = tpu.memref_slice %arg2[%add3A_45, %dma_start3A] : memref<160000x128xf32, #tpu.memory_space<hbm>> -> memref<40x128xf32, #tpu.memory_space<hbm>>
      %dma_start3A_47 = arith.constant 0 : i32
      %dma_start3A_48 = tpu.memref_slice %arg2[%add3A_45, %dma_start3A_47] : memref<160000x128xf32, #tpu.memory_space<hbm>> -> memref<40x128xf32, #tpu.memory_space<hbm>>
      tpu.enqueue_dma source(%dma_start3A_48 : memref<40x128xf32, #tpu.memory_space<hbm>>) target(%arg9 : memref<40x128xf32, #tpu.memory_space<vmem>>) target_semaphore(%arg15 : memref<!tpu.dma_semaphore, #tpu.memory_space<semaphore_mem>>)
      %add3A_49 = arith.constant 1 : i32
      %add3A_50 = arith.addi %mul3A_40, %add3A_49 : i32
      %mul3A_51 = arith.constant 40 : i32
      %mul3A_52 = arith.muli %add3A_50, %mul3A_51 : i32
      %add3A_53 = arith.addi %mul3A_2, %mul3A_52 : i32
      %dma_start3A_54 = arith.constant 0 : i32
      %dma_start3A_55 = tpu.memref_slice %arg2[%add3A_53, %dma_start3A_54] : memref<160000x128xf32, #tpu.memory_space<hbm>> -> memref<40x128xf32, #tpu.memory_space<hbm>>
      %dma_start3A_56 = arith.constant 0 : i32
      %dma_start3A_57 = tpu.memref_slice %arg2[%add3A_53, %dma_start3A_56] : memref<160000x128xf32, #tpu.memory_space<hbm>> -> memref<40x128xf32, #tpu.memory_space<hbm>>
      tpu.enqueue_dma source(%dma_start3A_57 : memref<40x128xf32, #tpu.memory_space<hbm>>) target(%arg10 : memref<40x128xf32, #tpu.memory_space<vmem>>) target_semaphore(%arg16 : memref<!tpu.dma_semaphore, #tpu.memory_space<semaphore_mem>>)
      %add3A_58 = arith.constant 2 : i32
      %add3A_59 = arith.addi %mul3A_40, %add3A_58 : i32
      %mul3A_60 = arith.constant 40 : i32
      %mul3A_61 = arith.muli %add3A_59, %mul3A_60 : i32
      %add3A_62 = arith.addi %mul3A_2, %mul3A_61 : i32
      %dma_start3A_63 = arith.constant 0 : i32
      %dma_start3A_64 = tpu.memref_slice %arg2[%add3A_62, %dma_start3A_63] : memref<160000x128xf32, #tpu.memory_space<hbm>> -> memref<40x128xf32, #tpu.memory_space<hbm>>
      %dma_start3A_65 = arith.constant 0 : i32
      %dma_start3A_66 = tpu.memref_slice %arg2[%add3A_62, %dma_start3A_65] : memref<160000x128xf32, #tpu.memory_space<hbm>> -> memref<40x128xf32, #tpu.memory_space<hbm>>
      tpu.enqueue_dma source(%dma_start3A_66 : memref<40x128xf32, #tpu.memory_space<hbm>>) target(%arg11 : memref<40x128xf32, #tpu.memory_space<vmem>>) target_semaphore(%arg17 : memref<!tpu.dma_semaphore, #tpu.memory_space<semaphore_mem>>)
      %add3A_67 = arith.constant 3 : i32
      %add3A_68 = arith.addi %mul3A_40, %add3A_67 : i32
      %mul3A_69 = arith.constant 40 : i32
      %mul3A_70 = arith.muli %add3A_68, %mul3A_69 : i32
      %add3A_71 = arith.addi %mul3A_2, %mul3A_70 : i32
      %dma_start3A_72 = arith.constant 0 : i32
      %dma_start3A_73 = tpu.memref_slice %arg2[%add3A_71, %dma_start3A_72] : memref<160000x128xf32, #tpu.memory_space<hbm>> -> memref<40x128xf32, #tpu.memory_space<hbm>>
      %dma_start3A_74 = arith.constant 0 : i32
      %dma_start3A_75 = tpu.memref_slice %arg2[%add3A_71, %dma_start3A_74] : memref<160000x128xf32, #tpu.memory_space<hbm>> -> memref<40x128xf32, #tpu.memory_space<hbm>>
      tpu.enqueue_dma source(%dma_start3A_75 : memref<40x128xf32, #tpu.memory_space<hbm>>) target(%arg12 : memref<40x128xf32, #tpu.memory_space<vmem>>) target_semaphore(%arg18 : memref<!tpu.dma_semaphore, #tpu.memory_space<semaphore_mem>>)
      %add3A_76 = arith.constant 4 : i32
      %add3A_77 = arith.addi %mul3A_40, %add3A_76 : i32
      %mul3A_78 = arith.constant 40 : i32
      %mul3A_79 = arith.muli %add3A_77, %mul3A_78 : i32
      %add3A_80 = arith.addi %mul3A_2, %mul3A_79 : i32
      %dma_start3A_81 = arith.constant 0 : i32
      %dma_start3A_82 = tpu.memref_slice %arg2[%add3A_80, %dma_start3A_81] : memref<160000x128xf32, #tpu.memory_space<hbm>> -> memref<40x128xf32, #tpu.memory_space<hbm>>
      %dma_start3A_83 = arith.constant 0 : i32
      %dma_start3A_84 = tpu.memref_slice %arg2[%add3A_80, %dma_start3A_83] : memref<160000x128xf32, #tpu.memory_space<hbm>> -> memref<40x128xf32, #tpu.memory_space<hbm>>
      tpu.enqueue_dma source(%dma_start3A_84 : memref<40x128xf32, #tpu.memory_space<hbm>>) target(%arg13 : memref<40x128xf32, #tpu.memory_space<vmem>>) target_semaphore(%arg19 : memref<!tpu.dma_semaphore, #tpu.memory_space<semaphore_mem>>)
      %dma_wait3A = arith.constant 0 : i32
      %dma_wait3A_85 = tpu.memref_slice %arg2[%add3A_45, %dma_wait3A] : memref<160000x128xf32, #tpu.memory_space<hbm>> -> memref<40x128xf32, #tpu.memory_space<hbm>>
      %dma_wait3A_86 = arith.constant 0 : i32
      %dma_wait3A_87 = tpu.memref_slice %arg2[%add3A_45, %dma_wait3A_86] : memref<160000x128xf32, #tpu.memory_space<hbm>> -> memref<40x128xf32, #tpu.memory_space<hbm>>
      tpu.wait_dma2 semaphore(%arg15 : memref<!tpu.dma_semaphore, #tpu.memory_space<semaphore_mem>>) src(%dma_wait3A_87 : memref<40x128xf32, #tpu.memory_space<hbm>>) dst(%arg9 : memref<40x128xf32, #tpu.memory_space<vmem>>)
      %add3A_88 = arith.constant 0 : i32
      %add3A_89 = arith.addi %mul3A_40, %add3A_88 : i32
      %dma_start3A_90 = arith.constant 0 : i32
      %dma_start3A_91 = tpu.memref_slice %arg8[%add3A_89, %dma_start3A_90] : memref<125x40xi32, #tpu.memory_space<vmem>> -> memref<1x40xi32, #tpu.memory_space<vmem>>
      %dma_start3A_92 = tpu.memref_squeeze %dma_start3A_91 : memref<1x40xi32, #tpu.memory_space<vmem>> -> memref<40xi32, #tpu.memory_space<vmem>>
      %dma_start3A_93 = arith.constant 0 : i32
      %dma_start3A_94 = arith.constant 0 : i32
      %dma_start3A_95 = tpu.memref_slice %arg14[%dma_start3A_93, %dma_start3A_94] : memref<10000x128xf32, #tpu.memory_space<vmem_shared>> -> memref<10000x128xf32, #tpu.memory_space<vmem_shared>>
      tpu.enqueue_indirect_dma source(%arg9 : memref<40x128xf32, #tpu.memory_space<vmem>>) target(%dma_start3A_95 : memref<10000x128xf32, #tpu.memory_space<vmem_shared>>) offsets(%dma_start3A_92 : memref<40xi32, #tpu.memory_space<vmem>>) semaphore(%arg20 : memref<!tpu.dma_semaphore, #tpu.memory_space<semaphore_mem>>) {add = true}
      %dma_wait3A_96 = arith.constant 0 : i32
      %dma_wait3A_97 = tpu.memref_slice %arg2[%add3A_53, %dma_wait3A_96] : memref<160000x128xf32, #tpu.memory_space<hbm>> -> memref<40x128xf32, #tpu.memory_space<hbm>>
      %dma_wait3A_98 = arith.constant 0 : i32
      %dma_wait3A_99 = tpu.memref_slice %arg2[%add3A_53, %dma_wait3A_98] : memref<160000x128xf32, #tpu.memory_space<hbm>> -> memref<40x128xf32, #tpu.memory_space<hbm>>
      tpu.wait_dma2 semaphore(%arg16 : memref<!tpu.dma_semaphore, #tpu.memory_space<semaphore_mem>>) src(%dma_wait3A_99 : memref<40x128xf32, #tpu.memory_space<hbm>>) dst(%arg10 : memref<40x128xf32, #tpu.memory_space<vmem>>)
      %add3A_100 = arith.constant 1 : i32
      %add3A_101 = arith.addi %mul3A_40, %add3A_100 : i32
      %dma_start3A_102 = arith.constant 0 : i32
      %dma_start3A_103 = tpu.memref_slice %arg8[%add3A_101, %dma_start3A_102] : memref<125x40xi32, #tpu.memory_space<vmem>> -> memref<1x40xi32, #tpu.memory_space<vmem>>
      %dma_start3A_104 = tpu.memref_squeeze %dma_start3A_103 : memref<1x40xi32, #tpu.memory_space<vmem>> -> memref<40xi32, #tpu.memory_space<vmem>>
      %dma_start3A_105 = arith.constant 0 : i32
      %dma_start3A_106 = arith.constant 0 : i32
      %dma_start3A_107 = tpu.memref_slice %arg14[%dma_start3A_105, %dma_start3A_106] : memref<10000x128xf32, #tpu.memory_space<vmem_shared>> -> memref<10000x128xf32, #tpu.memory_space<vmem_shared>>
      tpu.enqueue_indirect_dma source(%arg10 : memref<40x128xf32, #tpu.memory_space<vmem>>) target(%dma_start3A_107 : memref<10000x128xf32, #tpu.memory_space<vmem_shared>>) offsets(%dma_start3A_104 : memref<40xi32, #tpu.memory_space<vmem>>) semaphore(%arg21 : memref<!tpu.dma_semaphore, #tpu.memory_space<semaphore_mem>>) {add = true}
      %dma_wait3A_108 = arith.constant 0 : i32
      %dma_wait3A_109 = tpu.memref_slice %arg2[%add3A_62, %dma_wait3A_108] : memref<160000x128xf32, #tpu.memory_space<hbm>> -> memref<40x128xf32, #tpu.memory_space<hbm>>
      %dma_wait3A_110 = arith.constant 0 : i32
      %dma_wait3A_111 = tpu.memref_slice %arg2[%add3A_62, %dma_wait3A_110] : memref<160000x128xf32, #tpu.memory_space<hbm>> -> memref<40x128xf32, #tpu.memory_space<hbm>>
      tpu.wait_dma2 semaphore(%arg17 : memref<!tpu.dma_semaphore, #tpu.memory_space<semaphore_mem>>) src(%dma_wait3A_111 : memref<40x128xf32, #tpu.memory_space<hbm>>) dst(%arg11 : memref<40x128xf32, #tpu.memory_space<vmem>>)
      %add3A_112 = arith.constant 2 : i32
      %add3A_113 = arith.addi %mul3A_40, %add3A_112 : i32
      %dma_start3A_114 = arith.constant 0 : i32
      %dma_start3A_115 = tpu.memref_slice %arg8[%add3A_113, %dma_start3A_114] : memref<125x40xi32, #tpu.memory_space<vmem>> -> memref<1x40xi32, #tpu.memory_space<vmem>>
      %dma_start3A_116 = tpu.memref_squeeze %dma_start3A_115 : memref<1x40xi32, #tpu.memory_space<vmem>> -> memref<40xi32, #tpu.memory_space<vmem>>
      %dma_start3A_117 = arith.constant 0 : i32
      %dma_start3A_118 = arith.constant 0 : i32
      %dma_start3A_119 = tpu.memref_slice %arg14[%dma_start3A_117, %dma_start3A_118] : memref<10000x128xf32, #tpu.memory_space<vmem_shared>> -> memref<10000x128xf32, #tpu.memory_space<vmem_shared>>
      tpu.enqueue_indirect_dma source(%arg11 : memref<40x128xf32, #tpu.memory_space<vmem>>) target(%dma_start3A_119 : memref<10000x128xf32, #tpu.memory_space<vmem_shared>>) offsets(%dma_start3A_116 : memref<40xi32, #tpu.memory_space<vmem>>) semaphore(%arg22 : memref<!tpu.dma_semaphore, #tpu.memory_space<semaphore_mem>>) {add = true}
      %dma_wait3A_120 = arith.constant 0 : i32
      %dma_wait3A_121 = tpu.memref_slice %arg2[%add3A_71, %dma_wait3A_120] : memref<160000x128xf32, #tpu.memory_space<hbm>> -> memref<40x128xf32, #tpu.memory_space<hbm>>
      %dma_wait3A_122 = arith.constant 0 : i32
      %dma_wait3A_123 = tpu.memref_slice %arg2[%add3A_71, %dma_wait3A_122] : memref<160000x128xf32, #tpu.memory_space<hbm>> -> memref<40x128xf32, #tpu.memory_space<hbm>>
      tpu.wait_dma2 semaphore(%arg18 : memref<!tpu.dma_semaphore, #tpu.memory_space<semaphore_mem>>) src(%dma_wait3A_123 : memref<40x128xf32, #tpu.memory_space<hbm>>) dst(%arg12 : memref<40x128xf32, #tpu.memory_space<vmem>>)
      %add3A_124 = arith.constant 3 : i32
      %add3A_125 = arith.addi %mul3A_40, %add3A_124 : i32
      %dma_start3A_126 = arith.constant 0 : i32
      %dma_start3A_127 = tpu.memref_slice %arg8[%add3A_125, %dma_start3A_126] : memref<125x40xi32, #tpu.memory_space<vmem>> -> memref<1x40xi32, #tpu.memory_space<vmem>>
      %dma_start3A_128 = tpu.memref_squeeze %dma_start3A_127 : memref<1x40xi32, #tpu.memory_space<vmem>> -> memref<40xi32, #tpu.memory_space<vmem>>
      %dma_start3A_129 = arith.constant 0 : i32
      %dma_start3A_130 = arith.constant 0 : i32
      %dma_start3A_131 = tpu.memref_slice %arg14[%dma_start3A_129, %dma_start3A_130] : memref<10000x128xf32, #tpu.memory_space<vmem_shared>> -> memref<10000x128xf32, #tpu.memory_space<vmem_shared>>
      tpu.enqueue_indirect_dma source(%arg12 : memref<40x128xf32, #tpu.memory_space<vmem>>) target(%dma_start3A_131 : memref<10000x128xf32, #tpu.memory_space<vmem_shared>>) offsets(%dma_start3A_128 : memref<40xi32, #tpu.memory_space<vmem>>) semaphore(%arg23 : memref<!tpu.dma_semaphore, #tpu.memory_space<semaphore_mem>>) {add = true}
      %dma_wait3A_132 = arith.constant 0 : i32
      %dma_wait3A_133 = tpu.memref_slice %arg2[%add3A_80, %dma_wait3A_132] : memref<160000x128xf32, #tpu.memory_space<hbm>> -> memref<40x128xf32, #tpu.memory_space<hbm>>
      %dma_wait3A_134 = arith.constant 0 : i32
      %dma_wait3A_135 = tpu.memref_slice %arg2[%add3A_80, %dma_wait3A_134] : memref<160000x128xf32, #tpu.memory_space<hbm>> -> memref<40x128xf32, #tpu.memory_space<hbm>>
      tpu.wait_dma2 semaphore(%arg19 : memref<!tpu.dma_semaphore, #tpu.memory_space<semaphore_mem>>) src(%dma_wait3A_135 : memref<40x128xf32, #tpu.memory_space<hbm>>) dst(%arg13 : memref<40x128xf32, #tpu.memory_space<vmem>>)
      %add3A_136 = arith.constant 4 : i32
      %add3A_137 = arith.addi %mul3A_40, %add3A_136 : i32
      %dma_start3A_138 = arith.constant 0 : i32
      %dma_start3A_139 = tpu.memref_slice %arg8[%add3A_137, %dma_start3A_138] : memref<125x40xi32, #tpu.memory_space<vmem>> -> memref<1x40xi32, #tpu.memory_space<vmem>>
      %dma_start3A_140 = tpu.memref_squeeze %dma_start3A_139 : memref<1x40xi32, #tpu.memory_space<vmem>> -> memref<40xi32, #tpu.memory_space<vmem>>
      %dma_start3A_141 = arith.constant 0 : i32
      %dma_start3A_142 = arith.constant 0 : i32
      %dma_start3A_143 = tpu.memref_slice %arg14[%dma_start3A_141, %dma_start3A_142] : memref<10000x128xf32, #tpu.memory_space<vmem_shared>> -> memref<10000x128xf32, #tpu.memory_space<vmem_shared>>
      tpu.enqueue_indirect_dma source(%arg13 : memref<40x128xf32, #tpu.memory_space<vmem>>) target(%dma_start3A_143 : memref<10000x128xf32, #tpu.memory_space<vmem_shared>>) offsets(%dma_start3A_140 : memref<40xi32, #tpu.memory_space<vmem>>) semaphore(%arg24 : memref<!tpu.dma_semaphore, #tpu.memory_space<semaphore_mem>>) {add = true}
      %dma_wait3A_144 = arith.constant 0 : i32
      %dma_wait3A_145 = tpu.memref_slice %arg8[%add3A_89, %dma_wait3A_144] : memref<125x40xi32, #tpu.memory_space<vmem>> -> memref<1x40xi32, #tpu.memory_space<vmem>>
      %dma_wait3A_146 = tpu.memref_squeeze %dma_wait3A_145 : memref<1x40xi32, #tpu.memory_space<vmem>> -> memref<40xi32, #tpu.memory_space<vmem>>
      %dma_wait3A_147 = arith.constant 0 : i32
      %dma_wait3A_148 = arith.constant 0 : i32
      %dma_wait3A_149 = tpu.memref_slice %arg14[%dma_wait3A_147, %dma_wait3A_148] : memref<10000x128xf32, #tpu.memory_space<vmem_shared>> -> memref<10000x128xf32, #tpu.memory_space<vmem_shared>>
      tpu.wait_indirect_dma semaphore(%arg20 : memref<!tpu.dma_semaphore, #tpu.memory_space<semaphore_mem>>) src(%arg9 : memref<40x128xf32, #tpu.memory_space<vmem>>) dst(%dma_wait3A_149 : memref<10000x128xf32, #tpu.memory_space<vmem_shared>>)
      %dma_wait3A_150 = arith.constant 0 : i32
      %dma_wait3A_151 = tpu.memref_slice %arg8[%add3A_101, %dma_wait3A_150] : memref<125x40xi32, #tpu.memory_space<vmem>> -> memref<1x40xi32, #tpu.memory_space<vmem>>
      %dma_wait3A_152 = tpu.memref_squeeze %dma_wait3A_151 : memref<1x40xi32, #tpu.memory_space<vmem>> -> memref<40xi32, #tpu.memory_space<vmem>>
      %dma_wait3A_153 = arith.constant 0 : i32
      %dma_wait3A_154 = arith.constant 0 : i32
      %dma_wait3A_155 = tpu.memref_slice %arg14[%dma_wait3A_153, %dma_wait3A_154] : memref<10000x128xf32, #tpu.memory_space<vmem_shared>> -> memref<10000x128xf32, #tpu.memory_space<vmem_shared>>
      tpu.wait_indirect_dma semaphore(%arg21 : memref<!tpu.dma_semaphore, #tpu.memory_space<semaphore_mem>>) src(%arg10 : memref<40x128xf32, #tpu.memory_space<vmem>>) dst(%dma_wait3A_155 : memref<10000x128xf32, #tpu.memory_space<vmem_shared>>)
      %dma_wait3A_156 = arith.constant 0 : i32
      %dma_wait3A_157 = tpu.memref_slice %arg8[%add3A_113, %dma_wait3A_156] : memref<125x40xi32, #tpu.memory_space<vmem>> -> memref<1x40xi32, #tpu.memory_space<vmem>>
      %dma_wait3A_158 = tpu.memref_squeeze %dma_wait3A_157 : memref<1x40xi32, #tpu.memory_space<vmem>> -> memref<40xi32, #tpu.memory_space<vmem>>
      %dma_wait3A_159 = arith.constant 0 : i32
      %dma_wait3A_160 = arith.constant 0 : i32
      %dma_wait3A_161 = tpu.memref_slice %arg14[%dma_wait3A_159, %dma_wait3A_160] : memref<10000x128xf32, #tpu.memory_space<vmem_shared>> -> memref<10000x128xf32, #tpu.memory_space<vmem_shared>>
      tpu.wait_indirect_dma semaphore(%arg22 : memref<!tpu.dma_semaphore, #tpu.memory_space<semaphore_mem>>) src(%arg11 : memref<40x128xf32, #tpu.memory_space<vmem>>) dst(%dma_wait3A_161 : memref<10000x128xf32, #tpu.memory_space<vmem_shared>>)
      %dma_wait3A_162 = arith.constant 0 : i32
      %dma_wait3A_163 = tpu.memref_slice %arg8[%add3A_125, %dma_wait3A_162] : memref<125x40xi32, #tpu.memory_space<vmem>> -> memref<1x40xi32, #tpu.memory_space<vmem>>
      %dma_wait3A_164 = tpu.memref_squeeze %dma_wait3A_163 : memref<1x40xi32, #tpu.memory_space<vmem>> -> memref<40xi32, #tpu.memory_space<vmem>>
      %dma_wait3A_165 = arith.constant 0 : i32
      %dma_wait3A_166 = arith.constant 0 : i32
      %dma_wait3A_167 = tpu.memref_slice %arg14[%dma_wait3A_165, %dma_wait3A_166] : memref<10000x128xf32, #tpu.memory_space<vmem_shared>> -> memref<10000x128xf32, #tpu.memory_space<vmem_shared>>
      tpu.wait_indirect_dma semaphore(%arg23 : memref<!tpu.dma_semaphore, #tpu.memory_space<semaphore_mem>>) src(%arg12 : memref<40x128xf32, #tpu.memory_space<vmem>>) dst(%dma_wait3A_167 : memref<10000x128xf32, #tpu.memory_space<vmem_shared>>)
      %dma_wait3A_168 = arith.constant 0 : i32
      %dma_wait3A_169 = tpu.memref_slice %arg8[%add3A_137, %dma_wait3A_168] : memref<125x40xi32, #tpu.memory_space<vmem>> -> memref<1x40xi32, #tpu.memory_space<vmem>>
      %dma_wait3A_170 = tpu.memref_squeeze %dma_wait3A_169 : memref<1x40xi32, #tpu.memory_space<vmem>> -> memref<40xi32, #tpu.memory_space<vmem>>
      %dma_wait3A_171 = arith.constant 0 : i32
      %dma_wait3A_172 = arith.constant 0 : i32
      %dma_wait3A_173 = tpu.memref_slice %arg14[%dma_wait3A_171, %dma_wait3A_172] : memref<10000x128xf32, #tpu.memory_space<vmem_shared>> -> memref<10000x128xf32, #tpu.memory_space<vmem_shared>>
      tpu.wait_indirect_dma semaphore(%arg24 : memref<!tpu.dma_semaphore, #tpu.memory_space<semaphore_mem>>) src(%arg13 : memref<40x128xf32, #tpu.memory_space<vmem>>) dst(%dma_wait3A_173 : memref<10000x128xf32, #tpu.memory_space<vmem_shared>>)
    }
    %scan3A_11 = arith.constant 25 : i32
    %barrier3A_12 = arith.constant 0 : index
    tpu.barrier barrier_id(%barrier3A_12)
    "tpu.region"() ({
      %run_scoped3A = tpu.sem_alloc : memref<!tpu.dma_semaphore, #tpu.memory_space<semaphore_mem>>
      %dma_start3A = arith.constant 0 : i32
      %dma_start3A_38 = arith.constant 0 : i32
      %dma_start3A_39 = tpu.memref_slice %arg6[%arg0, %dma_start3A, %dma_start3A_38] : memref<2x10000x128xf32, #tpu.memory_space<hbm>> -> memref<1x10000x128xf32, #tpu.memory_space<hbm>>
      %dma_start3A_40 = tpu.memref_squeeze %dma_start3A_39 : memref<1x10000x128xf32, #tpu.memory_space<hbm>> -> memref<10000x128xf32, #tpu.memory_space<hbm>>
      %dma_start3A_41 = arith.constant 0 : i32
      %dma_start3A_42 = tpu.memref_slice %dma_start3A_40[%mul3A_4, %dma_start3A_41] : memref<10000x128xf32, #tpu.memory_space<hbm>> -> memref<624x128xf32, #tpu.memory_space<hbm>>
      %dma_start3A_43 = arith.constant 0 : i32
      %dma_start3A_44 = tpu.memref_slice %arg14[%mul3A_4, %dma_start3A_43] : memref<10000x128xf32, #tpu.memory_space<vmem_shared>> -> memref<624x128xf32, #tpu.memory_space<vmem_shared>>
      tpu.enqueue_dma source(%dma_start3A_44 : memref<624x128xf32, #tpu.memory_space<vmem_shared>>) target(%dma_start3A_42 : memref<624x128xf32, #tpu.memory_space<hbm>>) target_semaphore(%run_scoped3A : memref<!tpu.dma_semaphore, #tpu.memory_space<semaphore_mem>>)
      %dma_wait3A = arith.constant 0 : i32
      %dma_wait3A_45 = arith.constant 0 : i32
      %dma_wait3A_46 = tpu.memref_slice %arg6[%arg0, %dma_wait3A, %dma_wait3A_45] : memref<2x10000x128xf32, #tpu.memory_space<hbm>> -> memref<1x10000x128xf32, #tpu.memory_space<hbm>>
      %dma_wait3A_47 = tpu.memref_squeeze %dma_wait3A_46 : memref<1x10000x128xf32, #tpu.memory_space<hbm>> -> memref<10000x128xf32, #tpu.memory_space<hbm>>
      %dma_wait3A_48 = arith.constant 0 : i32
      %dma_wait3A_49 = tpu.memref_slice %dma_wait3A_47[%mul3A_4, %dma_wait3A_48] : memref<10000x128xf32, #tpu.memory_space<hbm>> -> memref<624x128xf32, #tpu.memory_space<hbm>>
      %dma_wait3A_50 = arith.constant 0 : i32
      %dma_wait3A_51 = tpu.memref_slice %arg14[%mul3A_4, %dma_wait3A_50] : memref<10000x128xf32, #tpu.memory_space<vmem_shared>> -> memref<624x128xf32, #tpu.memory_space<vmem_shared>>
      tpu.wait_dma2 semaphore(%run_scoped3A : memref<!tpu.dma_semaphore, #tpu.memory_space<semaphore_mem>>) src(%dma_wait3A_51 : memref<624x128xf32, #tpu.memory_space<vmem_shared>>) dst(%dma_wait3A_49 : memref<624x128xf32, #tpu.memory_space<hbm>>)
      tpu.yield
    }) : () -> ()
    %eq3A_13 = arith.constant 15 : i32
    %eq3A_14 = arith.cmpi eq, %arg1, %eq3A_13 : i32
    %convert_element_type3A_15 = arith.extui %eq3A_14 : i1 to i32
    %cond3A_16 = arith.constant 0 : i32
    %cond3A_17 = arith.cmpi ne, %convert_element_type3A_15, %cond3A_16 : i32
    scf.if %cond3A_17 {
      "tpu.region"() ({
        %run_scoped3A = tpu.sem_alloc : memref<!tpu.dma_semaphore, #tpu.memory_space<semaphore_mem>>
        %dma_start3A = arith.constant 0 : i32
        %dma_start3A_38 = arith.constant 0 : i32
        %dma_start3A_39 = tpu.memref_slice %arg6[%arg0, %dma_start3A, %dma_start3A_38] : memref<2x10000x128xf32, #tpu.memory_space<hbm>> -> memref<1x10000x128xf32, #tpu.memory_space<hbm>>
        %dma_start3A_40 = tpu.memref_squeeze %dma_start3A_39 : memref<1x10000x128xf32, #tpu.memory_space<hbm>> -> memref<10000x128xf32, #tpu.memory_space<hbm>>
        %dma_start3A_41 = arith.constant 9984 : i32
        %dma_start3A_42 = arith.constant 0 : i32
        %dma_start3A_43 = tpu.memref_slice %dma_start3A_40[%dma_start3A_41, %dma_start3A_42] : memref<10000x128xf32, #tpu.memory_space<hbm>> -> memref<16x128xf32, #tpu.memory_space<hbm>>
        %dma_start3A_44 = arith.constant 9984 : i32
        %dma_start3A_45 = arith.constant 0 : i32
        %dma_start3A_46 = tpu.memref_slice %arg14[%dma_start3A_44, %dma_start3A_45] : memref<10000x128xf32, #tpu.memory_space<vmem_shared>> -> memref<16x128xf32, #tpu.memory_space<vmem_shared>>
        tpu.enqueue_dma source(%dma_start3A_46 : memref<16x128xf32, #tpu.memory_space<vmem_shared>>) target(%dma_start3A_43 : memref<16x128xf32, #tpu.memory_space<hbm>>) target_semaphore(%run_scoped3A : memref<!tpu.dma_semaphore, #tpu.memory_space<semaphore_mem>>)
        %dma_wait3A = arith.constant 0 : i32
        %dma_wait3A_47 = arith.constant 0 : i32
        %dma_wait3A_48 = tpu.memref_slice %arg6[%arg0, %dma_wait3A, %dma_wait3A_47] : memref<2x10000x128xf32, #tpu.memory_space<hbm>> -> memref<1x10000x128xf32, #tpu.memory_space<hbm>>
        %dma_wait3A_49 = tpu.memref_squeeze %dma_wait3A_48 : memref<1x10000x128xf32, #tpu.memory_space<hbm>> -> memref<10000x128xf32, #tpu.memory_space<hbm>>
        %dma_wait3A_50 = arith.constant 9984 : i32
        %dma_wait3A_51 = arith.constant 0 : i32
        %dma_wait3A_52 = tpu.memref_slice %dma_wait3A_49[%dma_wait3A_50, %dma_wait3A_51] : memref<10000x128xf32, #tpu.memory_space<hbm>> -> memref<16x128xf32, #tpu.memory_space<hbm>>
        %dma_wait3A_53 = arith.constant 9984 : i32
        %dma_wait3A_54 = arith.constant 0 : i32
        %dma_wait3A_55 = tpu.memref_slice %arg14[%dma_wait3A_53, %dma_wait3A_54] : memref<10000x128xf32, #tpu.memory_space<vmem_shared>> -> memref<16x128xf32, #tpu.memory_space<vmem_shared>>
        tpu.wait_dma2 semaphore(%run_scoped3A : memref<!tpu.dma_semaphore, #tpu.memory_space<semaphore_mem>>) src(%dma_wait3A_55 : memref<16x128xf32, #tpu.memory_space<vmem_shared>>) dst(%dma_wait3A_52 : memref<16x128xf32, #tpu.memory_space<hbm>>)
        tpu.yield
      }) : () -> ()
    } else {
    }
    %barrier3A_18 = arith.constant 0 : index
    tpu.barrier barrier_id(%barrier3A_18)
    "tpu.region"() ({
      %run_scoped3A = tpu.sem_alloc : memref<!tpu.dma_semaphore, #tpu.memory_space<semaphore_mem>>
      %dma_start3A = arith.constant 0 : i32
      %dma_start3A_38 = tpu.memref_slice %arg14[%mul3A_4, %dma_start3A] : memref<10000x128xf32, #tpu.memory_space<vmem_shared>> -> memref<624x128xf32, #tpu.memory_space<vmem_shared>>
      %dma_start3A_39 = arith.constant 0 : i32
      %dma_start3A_40 = tpu.memref_slice %arg5[%mul3A_4, %dma_start3A_39] : memref<10000x128xf32, #tpu.memory_space<hbm>> -> memref<624x128xf32, #tpu.memory_space<hbm>>
      tpu.enqueue_dma source(%dma_start3A_40 : memref<624x128xf32, #tpu.memory_space<hbm>>) target(%dma_start3A_38 : memref<624x128xf32, #tpu.memory_space<vmem_shared>>) target_semaphore(%run_scoped3A : memref<!tpu.dma_semaphore, #tpu.memory_space<semaphore_mem>>)
      %dma_wait3A = arith.constant 0 : i32
      %dma_wait3A_41 = tpu.memref_slice %arg14[%mul3A_4, %dma_wait3A] : memref<10000x128xf32, #tpu.memory_space<vmem_shared>> -> memref<624x128xf32, #tpu.memory_space<vmem_shared>>
      %dma_wait3A_42 = arith.constant 0 : i32
      %dma_wait3A_43 = tpu.memref_slice %arg5[%mul3A_4, %dma_wait3A_42] : memref<10000x128xf32, #tpu.memory_space<hbm>> -> memref<624x128xf32, #tpu.memory_space<hbm>>
      tpu.wait_dma2 semaphore(%run_scoped3A : memref<!tpu.dma_semaphore, #tpu.memory_space<semaphore_mem>>) src(%dma_wait3A_43 : memref<624x128xf32, #tpu.memory_space<hbm>>) dst(%dma_wait3A_41 : memref<624x128xf32, #tpu.memory_space<vmem_shared>>)
      tpu.yield
    }) : () -> ()
    %eq3A_19 = arith.constant 15 : i32
    %eq3A_20 = arith.cmpi eq, %arg1, %eq3A_19 : i32
    %convert_element_type3A_21 = arith.extui %eq3A_20 : i1 to i32
    %cond3A_22 = arith.constant 0 : i32
    %cond3A_23 = arith.cmpi ne, %convert_element_type3A_21, %cond3A_22 : i32
    scf.if %cond3A_23 {
      "tpu.region"() ({
        %run_scoped3A = tpu.sem_alloc : memref<!tpu.dma_semaphore, #tpu.memory_space<semaphore_mem>>
        %dma_start3A = arith.constant 9984 : i32
        %dma_start3A_38 = arith.constant 0 : i32
        %dma_start3A_39 = tpu.memref_slice %arg14[%dma_start3A, %dma_start3A_38] : memref<10000x128xf32, #tpu.memory_space<vmem_shared>> -> memref<16x128xf32, #tpu.memory_space<vmem_shared>>
        %dma_start3A_40 = arith.constant 9984 : i32
        %dma_start3A_41 = arith.constant 0 : i32
        %dma_start3A_42 = tpu.memref_slice %arg5[%dma_start3A_40, %dma_start3A_41] : memref<10000x128xf32, #tpu.memory_space<hbm>> -> memref<16x128xf32, #tpu.memory_space<hbm>>
        tpu.enqueue_dma source(%dma_start3A_42 : memref<16x128xf32, #tpu.memory_space<hbm>>) target(%dma_start3A_39 : memref<16x128xf32, #tpu.memory_space<vmem_shared>>) target_semaphore(%run_scoped3A : memref<!tpu.dma_semaphore, #tpu.memory_space<semaphore_mem>>)
        %dma_wait3A = arith.constant 9984 : i32
        %dma_wait3A_43 = arith.constant 0 : i32
        %dma_wait3A_44 = tpu.memref_slice %arg14[%dma_wait3A, %dma_wait3A_43] : memref<10000x128xf32, #tpu.memory_space<vmem_shared>> -> memref<16x128xf32, #tpu.memory_space<vmem_shared>>
        %dma_wait3A_45 = arith.constant 9984 : i32
        %dma_wait3A_46 = arith.constant 0 : i32
        %dma_wait3A_47 = tpu.memref_slice %arg5[%dma_wait3A_45, %dma_wait3A_46] : memref<10000x128xf32, #tpu.memory_space<hbm>> -> memref<16x128xf32, #tpu.memory_space<hbm>>
        tpu.wait_dma2 semaphore(%run_scoped3A : memref<!tpu.dma_semaphore, #tpu.memory_space<semaphore_mem>>) src(%dma_wait3A_47 : memref<16x128xf32, #tpu.memory_space<hbm>>) dst(%dma_wait3A_44 : memref<16x128xf32, #tpu.memory_space<vmem_shared>>)
        tpu.yield
      }) : () -> ()
    } else {
    }
    %barrier3A_24 = arith.constant 0 : index
    tpu.barrier barrier_id(%barrier3A_24)
    %scan3A_25 = arith.constant 0 : i32
    %scan3A_26 = arith.constant 0 : i32
    %scan3A_27 = arith.constant 25 : i32
    %scan3A_28 = arith.addi %scan3A_26, %scan3A_27 : i32
    %scan3A_29 = arith.constant 1 : i32
    scf.for %scan3A_38 = %scan3A_26 to %scan3A_28 step %scan3A_29  : i32 {
      %mul3A_39 = arith.constant 5 : i32
      %mul3A_40 = arith.muli %scan3A_38, %mul3A_39 : i32
      %add3A_41 = arith.constant 0 : i32
      %add3A_42 = arith.addi %mul3A_40, %add3A_41 : i32
      %mul3A_43 = arith.constant 40 : i32
      %mul3A_44 = arith.muli %add3A_42, %mul3A_43 : i32
      %add3A_45 = arith.addi %mul3A_2, %mul3A_44 : i32
      %dma_start3A = arith.constant 0 : i32
      %dma_start3A_46 = tpu.memref_slice %arg3[%add3A_45, %dma_start3A] : memref<160000x128xf32, #tpu.memory_space<hbm>> -> memref<40x128xf32, #tpu.memory_space<hbm>>
      %dma_start3A_47 = arith.constant 0 : i32
      %dma_start3A_48 = tpu.memref_slice %arg3[%add3A_45, %dma_start3A_47] : memref<160000x128xf32, #tpu.memory_space<hbm>> -> memref<40x128xf32, #tpu.memory_space<hbm>>
      tpu.enqueue_dma source(%dma_start3A_48 : memref<40x128xf32, #tpu.memory_space<hbm>>) target(%arg9 : memref<40x128xf32, #tpu.memory_space<vmem>>) target_semaphore(%arg15 : memref<!tpu.dma_semaphore, #tpu.memory_space<semaphore_mem>>)
      %add3A_49 = arith.constant 1 : i32
      %add3A_50 = arith.addi %mul3A_40, %add3A_49 : i32
      %mul3A_51 = arith.constant 40 : i32
      %mul3A_52 = arith.muli %add3A_50, %mul3A_51 : i32
      %add3A_53 = arith.addi %mul3A_2, %mul3A_52 : i32
      %dma_start3A_54 = arith.constant 0 : i32
      %dma_start3A_55 = tpu.memref_slice %arg3[%add3A_53, %dma_start3A_54] : memref<160000x128xf32, #tpu.memory_space<hbm>> -> memref<40x128xf32, #tpu.memory_space<hbm>>
      %dma_start3A_56 = arith.constant 0 : i32
      %dma_start3A_57 = tpu.memref_slice %arg3[%add3A_53, %dma_start3A_56] : memref<160000x128xf32, #tpu.memory_space<hbm>> -> memref<40x128xf32, #tpu.memory_space<hbm>>
      tpu.enqueue_dma source(%dma_start3A_57 : memref<40x128xf32, #tpu.memory_space<hbm>>) target(%arg10 : memref<40x128xf32, #tpu.memory_space<vmem>>) target_semaphore(%arg16 : memref<!tpu.dma_semaphore, #tpu.memory_space<semaphore_mem>>)
      %add3A_58 = arith.constant 2 : i32
      %add3A_59 = arith.addi %mul3A_40, %add3A_58 : i32
      %mul3A_60 = arith.constant 40 : i32
      %mul3A_61 = arith.muli %add3A_59, %mul3A_60 : i32
      %add3A_62 = arith.addi %mul3A_2, %mul3A_61 : i32
      %dma_start3A_63 = arith.constant 0 : i32
      %dma_start3A_64 = tpu.memref_slice %arg3[%add3A_62, %dma_start3A_63] : memref<160000x128xf32, #tpu.memory_space<hbm>> -> memref<40x128xf32, #tpu.memory_space<hbm>>
      %dma_start3A_65 = arith.constant 0 : i32
      %dma_start3A_66 = tpu.memref_slice %arg3[%add3A_62, %dma_start3A_65] : memref<160000x128xf32, #tpu.memory_space<hbm>> -> memref<40x128xf32, #tpu.memory_space<hbm>>
      tpu.enqueue_dma source(%dma_start3A_66 : memref<40x128xf32, #tpu.memory_space<hbm>>) target(%arg11 : memref<40x128xf32, #tpu.memory_space<vmem>>) target_semaphore(%arg17 : memref<!tpu.dma_semaphore, #tpu.memory_space<semaphore_mem>>)
      %add3A_67 = arith.constant 3 : i32
      %add3A_68 = arith.addi %mul3A_40, %add3A_67 : i32
      %mul3A_69 = arith.constant 40 : i32
      %mul3A_70 = arith.muli %add3A_68, %mul3A_69 : i32
      %add3A_71 = arith.addi %mul3A_2, %mul3A_70 : i32
      %dma_start3A_72 = arith.constant 0 : i32
      %dma_start3A_73 = tpu.memref_slice %arg3[%add3A_71, %dma_start3A_72] : memref<160000x128xf32, #tpu.memory_space<hbm>> -> memref<40x128xf32, #tpu.memory_space<hbm>>
      %dma_start3A_74 = arith.constant 0 : i32
      %dma_start3A_75 = tpu.memref_slice %arg3[%add3A_71, %dma_start3A_74] : memref<160000x128xf32, #tpu.memory_space<hbm>> -> memref<40x128xf32, #tpu.memory_space<hbm>>
      tpu.enqueue_dma source(%dma_start3A_75 : memref<40x128xf32, #tpu.memory_space<hbm>>) target(%arg12 : memref<40x128xf32, #tpu.memory_space<vmem>>) target_semaphore(%arg18 : memref<!tpu.dma_semaphore, #tpu.memory_space<semaphore_mem>>)
      %add3A_76 = arith.constant 4 : i32
      %add3A_77 = arith.addi %mul3A_40, %add3A_76 : i32
      %mul3A_78 = arith.constant 40 : i32
      %mul3A_79 = arith.muli %add3A_77, %mul3A_78 : i32
      %add3A_80 = arith.addi %mul3A_2, %mul3A_79 : i32
      %dma_start3A_81 = arith.constant 0 : i32
      %dma_start3A_82 = tpu.memref_slice %arg3[%add3A_80, %dma_start3A_81] : memref<160000x128xf32, #tpu.memory_space<hbm>> -> memref<40x128xf32, #tpu.memory_space<hbm>>
      %dma_start3A_83 = arith.constant 0 : i32
      %dma_start3A_84 = tpu.memref_slice %arg3[%add3A_80, %dma_start3A_83] : memref<160000x128xf32, #tpu.memory_space<hbm>> -> memref<40x128xf32, #tpu.memory_space<hbm>>
      tpu.enqueue_dma source(%dma_start3A_84 : memref<40x128xf32, #tpu.memory_space<hbm>>) target(%arg13 : memref<40x128xf32, #tpu.memory_space<vmem>>) target_semaphore(%arg19 : memref<!tpu.dma_semaphore, #tpu.memory_space<semaphore_mem>>)
      %dma_wait3A = arith.constant 0 : i32
      %dma_wait3A_85 = tpu.memref_slice %arg3[%add3A_45, %dma_wait3A] : memref<160000x128xf32, #tpu.memory_space<hbm>> -> memref<40x128xf32, #tpu.memory_space<hbm>>
      %dma_wait3A_86 = arith.constant 0 : i32
      %dma_wait3A_87 = tpu.memref_slice %arg3[%add3A_45, %dma_wait3A_86] : memref<160000x128xf32, #tpu.memory_space<hbm>> -> memref<40x128xf32, #tpu.memory_space<hbm>>
      tpu.wait_dma2 semaphore(%arg15 : memref<!tpu.dma_semaphore, #tpu.memory_space<semaphore_mem>>) src(%dma_wait3A_87 : memref<40x128xf32, #tpu.memory_space<hbm>>) dst(%arg9 : memref<40x128xf32, #tpu.memory_space<vmem>>)
      %add3A_88 = arith.constant 0 : i32
      %add3A_89 = arith.addi %mul3A_40, %add3A_88 : i32
      %dma_start3A_90 = arith.constant 0 : i32
      %dma_start3A_91 = tpu.memref_slice %arg8[%add3A_89, %dma_start3A_90] : memref<125x40xi32, #tpu.memory_space<vmem>> -> memref<1x40xi32, #tpu.memory_space<vmem>>
      %dma_start3A_92 = tpu.memref_squeeze %dma_start3A_91 : memref<1x40xi32, #tpu.memory_space<vmem>> -> memref<40xi32, #tpu.memory_space<vmem>>
      %dma_start3A_93 = arith.constant 0 : i32
      %dma_start3A_94 = arith.constant 0 : i32
      %dma_start3A_95 = tpu.memref_slice %arg14[%dma_start3A_93, %dma_start3A_94] : memref<10000x128xf32, #tpu.memory_space<vmem_shared>> -> memref<10000x128xf32, #tpu.memory_space<vmem_shared>>
      tpu.enqueue_indirect_dma source(%arg9 : memref<40x128xf32, #tpu.memory_space<vmem>>) target(%dma_start3A_95 : memref<10000x128xf32, #tpu.memory_space<vmem_shared>>) offsets(%dma_start3A_92 : memref<40xi32, #tpu.memory_space<vmem>>) semaphore(%arg20 : memref<!tpu.dma_semaphore, #tpu.memory_space<semaphore_mem>>) {add = true}
      %dma_wait3A_96 = arith.constant 0 : i32
      %dma_wait3A_97 = tpu.memref_slice %arg3[%add3A_53, %dma_wait3A_96] : memref<160000x128xf32, #tpu.memory_space<hbm>> -> memref<40x128xf32, #tpu.memory_space<hbm>>
      %dma_wait3A_98 = arith.constant 0 : i32
      %dma_wait3A_99 = tpu.memref_slice %arg3[%add3A_53, %dma_wait3A_98] : memref<160000x128xf32, #tpu.memory_space<hbm>> -> memref<40x128xf32, #tpu.memory_space<hbm>>
      tpu.wait_dma2 semaphore(%arg16 : memref<!tpu.dma_semaphore, #tpu.memory_space<semaphore_mem>>) src(%dma_wait3A_99 : memref<40x128xf32, #tpu.memory_space<hbm>>) dst(%arg10 : memref<40x128xf32, #tpu.memory_space<vmem>>)
      %add3A_100 = arith.constant 1 : i32
      %add3A_101 = arith.addi %mul3A_40, %add3A_100 : i32
      %dma_start3A_102 = arith.constant 0 : i32
      %dma_start3A_103 = tpu.memref_slice %arg8[%add3A_101, %dma_start3A_102] : memref<125x40xi32, #tpu.memory_space<vmem>> -> memref<1x40xi32, #tpu.memory_space<vmem>>
      %dma_start3A_104 = tpu.memref_squeeze %dma_start3A_103 : memref<1x40xi32, #tpu.memory_space<vmem>> -> memref<40xi32, #tpu.memory_space<vmem>>
      %dma_start3A_105 = arith.constant 0 : i32
      %dma_start3A_106 = arith.constant 0 : i32
      %dma_start3A_107 = tpu.memref_slice %arg14[%dma_start3A_105, %dma_start3A_106] : memref<10000x128xf32, #tpu.memory_space<vmem_shared>> -> memref<10000x128xf32, #tpu.memory_space<vmem_shared>>
      tpu.enqueue_indirect_dma source(%arg10 : memref<40x128xf32, #tpu.memory_space<vmem>>) target(%dma_start3A_107 : memref<10000x128xf32, #tpu.memory_space<vmem_shared>>) offsets(%dma_start3A_104 : memref<40xi32, #tpu.memory_space<vmem>>) semaphore(%arg21 : memref<!tpu.dma_semaphore, #tpu.memory_space<semaphore_mem>>) {add = true}
      %dma_wait3A_108 = arith.constant 0 : i32
      %dma_wait3A_109 = tpu.memref_slice %arg3[%add3A_62, %dma_wait3A_108] : memref<160000x128xf32, #tpu.memory_space<hbm>> -> memref<40x128xf32, #tpu.memory_space<hbm>>
      %dma_wait3A_110 = arith.constant 0 : i32
      %dma_wait3A_111 = tpu.memref_slice %arg3[%add3A_62, %dma_wait3A_110] : memref<160000x128xf32, #tpu.memory_space<hbm>> -> memref<40x128xf32, #tpu.memory_space<hbm>>
      tpu.wait_dma2 semaphore(%arg17 : memref<!tpu.dma_semaphore, #tpu.memory_space<semaphore_mem>>) src(%dma_wait3A_111 : memref<40x128xf32, #tpu.memory_space<hbm>>) dst(%arg11 : memref<40x128xf32, #tpu.memory_space<vmem>>)
      %add3A_112 = arith.constant 2 : i32
      %add3A_113 = arith.addi %mul3A_40, %add3A_112 : i32
      %dma_start3A_114 = arith.constant 0 : i32
      %dma_start3A_115 = tpu.memref_slice %arg8[%add3A_113, %dma_start3A_114] : memref<125x40xi32, #tpu.memory_space<vmem>> -> memref<1x40xi32, #tpu.memory_space<vmem>>
      %dma_start3A_116 = tpu.memref_squeeze %dma_start3A_115 : memref<1x40xi32, #tpu.memory_space<vmem>> -> memref<40xi32, #tpu.memory_space<vmem>>
      %dma_start3A_117 = arith.constant 0 : i32
      %dma_start3A_118 = arith.constant 0 : i32
      %dma_start3A_119 = tpu.memref_slice %arg14[%dma_start3A_117, %dma_start3A_118] : memref<10000x128xf32, #tpu.memory_space<vmem_shared>> -> memref<10000x128xf32, #tpu.memory_space<vmem_shared>>
      tpu.enqueue_indirect_dma source(%arg11 : memref<40x128xf32, #tpu.memory_space<vmem>>) target(%dma_start3A_119 : memref<10000x128xf32, #tpu.memory_space<vmem_shared>>) offsets(%dma_start3A_116 : memref<40xi32, #tpu.memory_space<vmem>>) semaphore(%arg22 : memref<!tpu.dma_semaphore, #tpu.memory_space<semaphore_mem>>) {add = true}
      %dma_wait3A_120 = arith.constant 0 : i32
      %dma_wait3A_121 = tpu.memref_slice %arg3[%add3A_71, %dma_wait3A_120] : memref<160000x128xf32, #tpu.memory_space<hbm>> -> memref<40x128xf32, #tpu.memory_space<hbm>>
      %dma_wait3A_122 = arith.constant 0 : i32
      %dma_wait3A_123 = tpu.memref_slice %arg3[%add3A_71, %dma_wait3A_122] : memref<160000x128xf32, #tpu.memory_space<hbm>> -> memref<40x128xf32, #tpu.memory_space<hbm>>
      tpu.wait_dma2 semaphore(%arg18 : memref<!tpu.dma_semaphore, #tpu.memory_space<semaphore_mem>>) src(%dma_wait3A_123 : memref<40x128xf32, #tpu.memory_space<hbm>>) dst(%arg12 : memref<40x128xf32, #tpu.memory_space<vmem>>)
      %add3A_124 = arith.constant 3 : i32
      %add3A_125 = arith.addi %mul3A_40, %add3A_124 : i32
      %dma_start3A_126 = arith.constant 0 : i32
      %dma_start3A_127 = tpu.memref_slice %arg8[%add3A_125, %dma_start3A_126] : memref<125x40xi32, #tpu.memory_space<vmem>> -> memref<1x40xi32, #tpu.memory_space<vmem>>
      %dma_start3A_128 = tpu.memref_squeeze %dma_start3A_127 : memref<1x40xi32, #tpu.memory_space<vmem>> -> memref<40xi32, #tpu.memory_space<vmem>>
      %dma_start3A_129 = arith.constant 0 : i32
      %dma_start3A_130 = arith.constant 0 : i32
      %dma_start3A_131 = tpu.memref_slice %arg14[%dma_start3A_129, %dma_start3A_130] : memref<10000x128xf32, #tpu.memory_space<vmem_shared>> -> memref<10000x128xf32, #tpu.memory_space<vmem_shared>>
      tpu.enqueue_indirect_dma source(%arg12 : memref<40x128xf32, #tpu.memory_space<vmem>>) target(%dma_start3A_131 : memref<10000x128xf32, #tpu.memory_space<vmem_shared>>) offsets(%dma_start3A_128 : memref<40xi32, #tpu.memory_space<vmem>>) semaphore(%arg23 : memref<!tpu.dma_semaphore, #tpu.memory_space<semaphore_mem>>) {add = true}
      %dma_wait3A_132 = arith.constant 0 : i32
      %dma_wait3A_133 = tpu.memref_slice %arg3[%add3A_80, %dma_wait3A_132] : memref<160000x128xf32, #tpu.memory_space<hbm>> -> memref<40x128xf32, #tpu.memory_space<hbm>>
      %dma_wait3A_134 = arith.constant 0 : i32
      %dma_wait3A_135 = tpu.memref_slice %arg3[%add3A_80, %dma_wait3A_134] : memref<160000x128xf32, #tpu.memory_space<hbm>> -> memref<40x128xf32, #tpu.memory_space<hbm>>
      tpu.wait_dma2 semaphore(%arg19 : memref<!tpu.dma_semaphore, #tpu.memory_space<semaphore_mem>>) src(%dma_wait3A_135 : memref<40x128xf32, #tpu.memory_space<hbm>>) dst(%arg13 : memref<40x128xf32, #tpu.memory_space<vmem>>)
      %add3A_136 = arith.constant 4 : i32
      %add3A_137 = arith.addi %mul3A_40, %add3A_136 : i32
      %dma_start3A_138 = arith.constant 0 : i32
      %dma_start3A_139 = tpu.memref_slice %arg8[%add3A_137, %dma_start3A_138] : memref<125x40xi32, #tpu.memory_space<vmem>> -> memref<1x40xi32, #tpu.memory_space<vmem>>
      %dma_start3A_140 = tpu.memref_squeeze %dma_start3A_139 : memref<1x40xi32, #tpu.memory_space<vmem>> -> memref<40xi32, #tpu.memory_space<vmem>>
      %dma_start3A_141 = arith.constant 0 : i32
      %dma_start3A_142 = arith.constant 0 : i32
      %dma_start3A_143 = tpu.memref_slice %arg14[%dma_start3A_141, %dma_start3A_142] : memref<10000x128xf32, #tpu.memory_space<vmem_shared>> -> memref<10000x128xf32, #tpu.memory_space<vmem_shared>>
      tpu.enqueue_indirect_dma source(%arg13 : memref<40x128xf32, #tpu.memory_space<vmem>>) target(%dma_start3A_143 : memref<10000x128xf32, #tpu.memory_space<vmem_shared>>) offsets(%dma_start3A_140 : memref<40xi32, #tpu.memory_space<vmem>>) semaphore(%arg24 : memref<!tpu.dma_semaphore, #tpu.memory_space<semaphore_mem>>) {add = true}
      %dma_wait3A_144 = arith.constant 0 : i32
      %dma_wait3A_145 = tpu.memref_slice %arg8[%add3A_89, %dma_wait3A_144] : memref<125x40xi32, #tpu.memory_space<vmem>> -> memref<1x40xi32, #tpu.memory_space<vmem>>
      %dma_wait3A_146 = tpu.memref_squeeze %dma_wait3A_145 : memref<1x40xi32, #tpu.memory_space<vmem>> -> memref<40xi32, #tpu.memory_space<vmem>>
      %dma_wait3A_147 = arith.constant 0 : i32
      %dma_wait3A_148 = arith.constant 0 : i32
      %dma_wait3A_149 = tpu.memref_slice %arg14[%dma_wait3A_147, %dma_wait3A_148] : memref<10000x128xf32, #tpu.memory_space<vmem_shared>> -> memref<10000x128xf32, #tpu.memory_space<vmem_shared>>
      tpu.wait_indirect_dma semaphore(%arg20 : memref<!tpu.dma_semaphore, #tpu.memory_space<semaphore_mem>>) src(%arg9 : memref<40x128xf32, #tpu.memory_space<vmem>>) dst(%dma_wait3A_149 : memref<10000x128xf32, #tpu.memory_space<vmem_shared>>)
      %dma_wait3A_150 = arith.constant 0 : i32
      %dma_wait3A_151 = tpu.memref_slice %arg8[%add3A_101, %dma_wait3A_150] : memref<125x40xi32, #tpu.memory_space<vmem>> -> memref<1x40xi32, #tpu.memory_space<vmem>>
      %dma_wait3A_152 = tpu.memref_squeeze %dma_wait3A_151 : memref<1x40xi32, #tpu.memory_space<vmem>> -> memref<40xi32, #tpu.memory_space<vmem>>
      %dma_wait3A_153 = arith.constant 0 : i32
      %dma_wait3A_154 = arith.constant 0 : i32
      %dma_wait3A_155 = tpu.memref_slice %arg14[%dma_wait3A_153, %dma_wait3A_154] : memref<10000x128xf32, #tpu.memory_space<vmem_shared>> -> memref<10000x128xf32, #tpu.memory_space<vmem_shared>>
      tpu.wait_indirect_dma semaphore(%arg21 : memref<!tpu.dma_semaphore, #tpu.memory_space<semaphore_mem>>) src(%arg10 : memref<40x128xf32, #tpu.memory_space<vmem>>) dst(%dma_wait3A_155 : memref<10000x128xf32, #tpu.memory_space<vmem_shared>>)
      %dma_wait3A_156 = arith.constant 0 : i32
      %dma_wait3A_157 = tpu.memref_slice %arg8[%add3A_113, %dma_wait3A_156] : memref<125x40xi32, #tpu.memory_space<vmem>> -> memref<1x40xi32, #tpu.memory_space<vmem>>
      %dma_wait3A_158 = tpu.memref_squeeze %dma_wait3A_157 : memref<1x40xi32, #tpu.memory_space<vmem>> -> memref<40xi32, #tpu.memory_space<vmem>>
      %dma_wait3A_159 = arith.constant 0 : i32
      %dma_wait3A_160 = arith.constant 0 : i32
      %dma_wait3A_161 = tpu.memref_slice %arg14[%dma_wait3A_159, %dma_wait3A_160] : memref<10000x128xf32, #tpu.memory_space<vmem_shared>> -> memref<10000x128xf32, #tpu.memory_space<vmem_shared>>
      tpu.wait_indirect_dma semaphore(%arg22 : memref<!tpu.dma_semaphore, #tpu.memory_space<semaphore_mem>>) src(%arg11 : memref<40x128xf32, #tpu.memory_space<vmem>>) dst(%dma_wait3A_161 : memref<10000x128xf32, #tpu.memory_space<vmem_shared>>)
      %dma_wait3A_162 = arith.constant 0 : i32
      %dma_wait3A_163 = tpu.memref_slice %arg8[%add3A_125, %dma_wait3A_162] : memref<125x40xi32, #tpu.memory_space<vmem>> -> memref<1x40xi32, #tpu.memory_space<vmem>>
      %dma_wait3A_164 = tpu.memref_squeeze %dma_wait3A_163 : memref<1x40xi32, #tpu.memory_space<vmem>> -> memref<40xi32, #tpu.memory_space<vmem>>
      %dma_wait3A_165 = arith.constant 0 : i32
      %dma_wait3A_166 = arith.constant 0 : i32
      %dma_wait3A_167 = tpu.memref_slice %arg14[%dma_wait3A_165, %dma_wait3A_166] : memref<10000x128xf32, #tpu.memory_space<vmem_shared>> -> memref<10000x128xf32, #tpu.memory_space<vmem_shared>>
      tpu.wait_indirect_dma semaphore(%arg23 : memref<!tpu.dma_semaphore, #tpu.memory_space<semaphore_mem>>) src(%arg12 : memref<40x128xf32, #tpu.memory_space<vmem>>) dst(%dma_wait3A_167 : memref<10000x128xf32, #tpu.memory_space<vmem_shared>>)
      %dma_wait3A_168 = arith.constant 0 : i32
      %dma_wait3A_169 = tpu.memref_slice %arg8[%add3A_137, %dma_wait3A_168] : memref<125x40xi32, #tpu.memory_space<vmem>> -> memref<1x40xi32, #tpu.memory_space<vmem>>
      %dma_wait3A_170 = tpu.memref_squeeze %dma_wait3A_169 : memref<1x40xi32, #tpu.memory_space<vmem>> -> memref<40xi32, #tpu.memory_space<vmem>>
      %dma_wait3A_171 = arith.constant 0 : i32
      %dma_wait3A_172 = arith.constant 0 : i32
      %dma_wait3A_173 = tpu.memref_slice %arg14[%dma_wait3A_171, %dma_wait3A_172] : memref<10000x128xf32, #tpu.memory_space<vmem_shared>> -> memref<10000x128xf32, #tpu.memory_space<vmem_shared>>
      tpu.wait_indirect_dma semaphore(%arg24 : memref<!tpu.dma_semaphore, #tpu.memory_space<semaphore_mem>>) src(%arg13 : memref<40x128xf32, #tpu.memory_space<vmem>>) dst(%dma_wait3A_173 : memref<10000x128xf32, #tpu.memory_space<vmem_shared>>)
    }
    %scan3A_30 = arith.constant 25 : i32
    %barrier3A_31 = arith.constant 0 : index
    tpu.barrier barrier_id(%barrier3A_31)
    "tpu.region"() ({
      %run_scoped3A = tpu.sem_alloc : memref<!tpu.dma_semaphore, #tpu.memory_space<semaphore_mem>>
      %dma_start3A = arith.constant 0 : i32
      %dma_start3A_38 = arith.constant 0 : i32
      %dma_start3A_39 = tpu.memref_slice %arg7[%arg0, %dma_start3A, %dma_start3A_38] : memref<2x10000x128xf32, #tpu.memory_space<hbm>> -> memref<1x10000x128xf32, #tpu.memory_space<hbm>>
      %dma_start3A_40 = tpu.memref_squeeze %dma_start3A_39 : memref<1x10000x128xf32, #tpu.memory_space<hbm>> -> memref<10000x128xf32, #tpu.memory_space<hbm>>
      %dma_start3A_41 = arith.constant 0 : i32
      %dma_start3A_42 = tpu.memref_slice %dma_start3A_40[%mul3A_4, %dma_start3A_41] : memref<10000x128xf32, #tpu.memory_space<hbm>> -> memref<624x128xf32, #tpu.memory_space<hbm>>
      %dma_start3A_43 = arith.constant 0 : i32
      %dma_start3A_44 = tpu.memref_slice %arg14[%mul3A_4, %dma_start3A_43] : memref<10000x128xf32, #tpu.memory_space<vmem_shared>> -> memref<624x128xf32, #tpu.memory_space<vmem_shared>>
      tpu.enqueue_dma source(%dma_start3A_44 : memref<624x128xf32, #tpu.memory_space<vmem_shared>>) target(%dma_start3A_42 : memref<624x128xf32, #tpu.memory_space<hbm>>) target_semaphore(%run_scoped3A : memref<!tpu.dma_semaphore, #tpu.memory_space<semaphore_mem>>)
      %dma_wait3A = arith.constant 0 : i32
      %dma_wait3A_45 = arith.constant 0 : i32
      %dma_wait3A_46 = tpu.memref_slice %arg7[%arg0, %dma_wait3A, %dma_wait3A_45] : memref<2x10000x128xf32, #tpu.memory_space<hbm>> -> memref<1x10000x128xf32, #tpu.memory_space<hbm>>
      %dma_wait3A_47 = tpu.memref_squeeze %dma_wait3A_46 : memref<1x10000x128xf32, #tpu.memory_space<hbm>> -> memref<10000x128xf32, #tpu.memory_space<hbm>>
      %dma_wait3A_48 = arith.constant 0 : i32
      %dma_wait3A_49 = tpu.memref_slice %dma_wait3A_47[%mul3A_4, %dma_wait3A_48] : memref<10000x128xf32, #tpu.memory_space<hbm>> -> memref<624x128xf32, #tpu.memory_space<hbm>>
      %dma_wait3A_50 = arith.constant 0 : i32
      %dma_wait3A_51 = tpu.memref_slice %arg14[%mul3A_4, %dma_wait3A_50] : memref<10000x128xf32, #tpu.memory_space<vmem_shared>> -> memref<624x128xf32, #tpu.memory_space<vmem_shared>>
      tpu.wait_dma2 semaphore(%run_scoped3A : memref<!tpu.dma_semaphore, #tpu.memory_space<semaphore_mem>>) src(%dma_wait3A_51 : memref<624x128xf32, #tpu.memory_space<vmem_shared>>) dst(%dma_wait3A_49 : memref<624x128xf32, #tpu.memory_space<hbm>>)
      tpu.yield
    }) : () -> ()
    %eq3A_32 = arith.constant 15 : i32
    %eq3A_33 = arith.cmpi eq, %arg1, %eq3A_32 : i32
    %convert_element_type3A_34 = arith.extui %eq3A_33 : i1 to i32
    %cond3A_35 = arith.constant 0 : i32
    %cond3A_36 = arith.cmpi ne, %convert_element_type3A_34, %cond3A_35 : i32
    scf.if %cond3A_36 {
      "tpu.region"() ({
        %run_scoped3A = tpu.sem_alloc : memref<!tpu.dma_semaphore, #tpu.memory_space<semaphore_mem>>
        %dma_start3A = arith.constant 0 : i32
        %dma_start3A_38 = arith.constant 0 : i32
        %dma_start3A_39 = tpu.memref_slice %arg7[%arg0, %dma_start3A, %dma_start3A_38] : memref<2x10000x128xf32, #tpu.memory_space<hbm>> -> memref<1x10000x128xf32, #tpu.memory_space<hbm>>
        %dma_start3A_40 = tpu.memref_squeeze %dma_start3A_39 : memref<1x10000x128xf32, #tpu.memory_space<hbm>> -> memref<10000x128xf32, #tpu.memory_space<hbm>>
        %dma_start3A_41 = arith.constant 9984 : i32
        %dma_start3A_42 = arith.constant 0 : i32
        %dma_start3A_43 = tpu.memref_slice %dma_start3A_40[%dma_start3A_41, %dma_start3A_42] : memref<10000x128xf32, #tpu.memory_space<hbm>> -> memref<16x128xf32, #tpu.memory_space<hbm>>
        %dma_start3A_44 = arith.constant 9984 : i32
        %dma_start3A_45 = arith.constant 0 : i32
        %dma_start3A_46 = tpu.memref_slice %arg14[%dma_start3A_44, %dma_start3A_45] : memref<10000x128xf32, #tpu.memory_space<vmem_shared>> -> memref<16x128xf32, #tpu.memory_space<vmem_shared>>
        tpu.enqueue_dma source(%dma_start3A_46 : memref<16x128xf32, #tpu.memory_space<vmem_shared>>) target(%dma_start3A_43 : memref<16x128xf32, #tpu.memory_space<hbm>>) target_semaphore(%run_scoped3A : memref<!tpu.dma_semaphore, #tpu.memory_space<semaphore_mem>>)
        %dma_wait3A = arith.constant 0 : i32
        %dma_wait3A_47 = arith.constant 0 : i32
        %dma_wait3A_48 = tpu.memref_slice %arg7[%arg0, %dma_wait3A, %dma_wait3A_47] : memref<2x10000x128xf32, #tpu.memory_space<hbm>> -> memref<1x10000x128xf32, #tpu.memory_space<hbm>>
        %dma_wait3A_49 = tpu.memref_squeeze %dma_wait3A_48 : memref<1x10000x128xf32, #tpu.memory_space<hbm>> -> memref<10000x128xf32, #tpu.memory_space<hbm>>
        %dma_wait3A_50 = arith.constant 9984 : i32
        %dma_wait3A_51 = arith.constant 0 : i32
        %dma_wait3A_52 = tpu.memref_slice %dma_wait3A_49[%dma_wait3A_50, %dma_wait3A_51] : memref<10000x128xf32, #tpu.memory_space<hbm>> -> memref<16x128xf32, #tpu.memory_space<hbm>>
        %dma_wait3A_53 = arith.constant 9984 : i32
        %dma_wait3A_54 = arith.constant 0 : i32
        %dma_wait3A_55 = tpu.memref_slice %arg14[%dma_wait3A_53, %dma_wait3A_54] : memref<10000x128xf32, #tpu.memory_space<vmem_shared>> -> memref<16x128xf32, #tpu.memory_space<vmem_shared>>
        tpu.wait_dma2 semaphore(%run_scoped3A : memref<!tpu.dma_semaphore, #tpu.memory_space<semaphore_mem>>) src(%dma_wait3A_55 : memref<16x128xf32, #tpu.memory_space<vmem_shared>>) dst(%dma_wait3A_52 : memref<16x128xf32, #tpu.memory_space<hbm>>)
        tpu.yield
      }) : () -> ()
    } else {
    }
    %barrier3A_37 = arith.constant 0 : index
    tpu.barrier barrier_id(%barrier3A_37)
    return
  }
}

#map = affine_map<(d0, d1) -> (0, 0)>
module attributes {stable_mosaic.version = 14 : i64} {
  func.func @k(%arg0: i32, %arg1: i32, %arg2: memref<10000x128xf32, #tpu.memory_space<hbm>>, %arg3: memref<32x5000xi32, #tpu.memory_space<hbm>>, %arg4: memref<32x5000xi32, #tpu.memory_space<hbm>>, %arg5: memref<160000x128xf32, #tpu.memory_space<hbm>>, %arg6: memref<160000x128xf32, #tpu.memory_space<hbm>>, %arg7: memref<5000xi32, #tpu.memory_space<vmem>>, %arg8: memref<5000xi32, #tpu.memory_space<vmem>>, %arg9: memref<80x128xf32, #tpu.memory_space<vmem>>, %arg10: memref<80x128xf32, #tpu.memory_space<vmem>>, %arg11: memref<80x128xf32, #tpu.memory_space<vmem>>, %arg12: memref<80x128xf32, #tpu.memory_space<vmem>>, %arg13: memref<80x128xf32, #tpu.memory_space<vmem>>, %arg14: memref<80x128xf32, #tpu.memory_space<vmem>>, %arg15: memref<!tpu.dma_semaphore, #tpu.memory_space<semaphore_mem>>, %arg16: memref<!tpu.dma_semaphore, #tpu.memory_space<semaphore_mem>>, %arg17: memref<!tpu.dma_semaphore, #tpu.memory_space<semaphore_mem>>, %arg18: memref<!tpu.dma_semaphore, #tpu.memory_space<semaphore_mem>>, %arg19: memref<!tpu.dma_semaphore, #tpu.memory_space<semaphore_mem>>, %arg20: memref<!tpu.dma_semaphore, #tpu.memory_space<semaphore_mem>>, %arg21: memref<!tpu.dma_semaphore, #tpu.memory_space<semaphore_mem>>, %arg22: memref<!tpu.dma_semaphore, #tpu.memory_space<semaphore_mem>>, %arg23: memref<!tpu.dma_semaphore, #tpu.memory_space<semaphore_mem>>, %arg24: memref<!tpu.dma_semaphore, #tpu.memory_space<semaphore_mem>>, %arg25: memref<!tpu.dma_semaphore, #tpu.memory_space<semaphore_mem>>, %arg26: memref<!tpu.dma_semaphore, #tpu.memory_space<semaphore_mem>>) attributes {dimension_semantics = [#tpu.dimension_semantics<core_parallel>, #tpu.dimension_semantics<subcore_parallel>], iteration_bounds = array<i64: 2, 16>, scalar_prefetch = 0 : i64, scratch_operands = 20 : i64, tpu.core_type = #tpu.core_type<sc_vector_subcore>, window_params = [{transform_indices = #map}, {transform_indices = #map}, {transform_indices = #map}, {transform_indices = #map}, {transform_indices = #map}]} {
    %mul3A = arith.constant 2 : i32
    %mul3A_0 = arith.muli %arg1, %mul3A : i32
    %add3A = arith.addi %mul3A_0, %arg0 : i32
    %mul3A_1 = arith.constant 5000 : i32
    %mul3A_2 = arith.muli %add3A, %mul3A_1 : i32
    "tpu.region"() ({
      %run_scoped3A = tpu.sem_alloc : memref<!tpu.dma_semaphore, #tpu.memory_space<semaphore_mem>>
      %dma_start3A_234 = arith.constant 0 : i32
      %dma_start3A_235 = tpu.memref_slice %arg3[%add3A, %dma_start3A_234] : memref<32x5000xi32, #tpu.memory_space<hbm>> -> memref<1x5000xi32, #tpu.memory_space<hbm>>
      %dma_start3A_236 = tpu.memref_squeeze %dma_start3A_235 : memref<1x5000xi32, #tpu.memory_space<hbm>> -> memref<5000xi32, #tpu.memory_space<hbm>>
      %dma_start3A_237 = arith.constant 0 : i32
      %dma_start3A_238 = tpu.memref_slice %arg3[%add3A, %dma_start3A_237] : memref<32x5000xi32, #tpu.memory_space<hbm>> -> memref<1x5000xi32, #tpu.memory_space<hbm>>
      %dma_start3A_239 = tpu.memref_squeeze %dma_start3A_238 : memref<1x5000xi32, #tpu.memory_space<hbm>> -> memref<5000xi32, #tpu.memory_space<hbm>>
      tpu.enqueue_dma source(%dma_start3A_239 : memref<5000xi32, #tpu.memory_space<hbm>>) target(%arg7 : memref<5000xi32, #tpu.memory_space<vmem>>) target_semaphore(%run_scoped3A : memref<!tpu.dma_semaphore, #tpu.memory_space<semaphore_mem>>)
      %dma_wait3A_240 = arith.constant 0 : i32
      %dma_wait3A_241 = tpu.memref_slice %arg3[%add3A, %dma_wait3A_240] : memref<32x5000xi32, #tpu.memory_space<hbm>> -> memref<1x5000xi32, #tpu.memory_space<hbm>>
      %dma_wait3A_242 = tpu.memref_squeeze %dma_wait3A_241 : memref<1x5000xi32, #tpu.memory_space<hbm>> -> memref<5000xi32, #tpu.memory_space<hbm>>
      %dma_wait3A_243 = arith.constant 0 : i32
      %dma_wait3A_244 = tpu.memref_slice %arg3[%add3A, %dma_wait3A_243] : memref<32x5000xi32, #tpu.memory_space<hbm>> -> memref<1x5000xi32, #tpu.memory_space<hbm>>
      %dma_wait3A_245 = tpu.memref_squeeze %dma_wait3A_244 : memref<1x5000xi32, #tpu.memory_space<hbm>> -> memref<5000xi32, #tpu.memory_space<hbm>>
      tpu.wait_dma2 semaphore(%run_scoped3A : memref<!tpu.dma_semaphore, #tpu.memory_space<semaphore_mem>>) src(%dma_wait3A_245 : memref<5000xi32, #tpu.memory_space<hbm>>) dst(%arg7 : memref<5000xi32, #tpu.memory_space<vmem>>)
      tpu.yield
    }) : () -> ()
    "tpu.region"() ({
      %run_scoped3A = tpu.sem_alloc : memref<!tpu.dma_semaphore, #tpu.memory_space<semaphore_mem>>
      %dma_start3A_234 = arith.constant 0 : i32
      %dma_start3A_235 = tpu.memref_slice %arg4[%add3A, %dma_start3A_234] : memref<32x5000xi32, #tpu.memory_space<hbm>> -> memref<1x5000xi32, #tpu.memory_space<hbm>>
      %dma_start3A_236 = tpu.memref_squeeze %dma_start3A_235 : memref<1x5000xi32, #tpu.memory_space<hbm>> -> memref<5000xi32, #tpu.memory_space<hbm>>
      %dma_start3A_237 = arith.constant 0 : i32
      %dma_start3A_238 = tpu.memref_slice %arg4[%add3A, %dma_start3A_237] : memref<32x5000xi32, #tpu.memory_space<hbm>> -> memref<1x5000xi32, #tpu.memory_space<hbm>>
      %dma_start3A_239 = tpu.memref_squeeze %dma_start3A_238 : memref<1x5000xi32, #tpu.memory_space<hbm>> -> memref<5000xi32, #tpu.memory_space<hbm>>
      tpu.enqueue_dma source(%dma_start3A_239 : memref<5000xi32, #tpu.memory_space<hbm>>) target(%arg8 : memref<5000xi32, #tpu.memory_space<vmem>>) target_semaphore(%run_scoped3A : memref<!tpu.dma_semaphore, #tpu.memory_space<semaphore_mem>>)
      %dma_wait3A_240 = arith.constant 0 : i32
      %dma_wait3A_241 = tpu.memref_slice %arg4[%add3A, %dma_wait3A_240] : memref<32x5000xi32, #tpu.memory_space<hbm>> -> memref<1x5000xi32, #tpu.memory_space<hbm>>
      %dma_wait3A_242 = tpu.memref_squeeze %dma_wait3A_241 : memref<1x5000xi32, #tpu.memory_space<hbm>> -> memref<5000xi32, #tpu.memory_space<hbm>>
      %dma_wait3A_243 = arith.constant 0 : i32
      %dma_wait3A_244 = tpu.memref_slice %arg4[%add3A, %dma_wait3A_243] : memref<32x5000xi32, #tpu.memory_space<hbm>> -> memref<1x5000xi32, #tpu.memory_space<hbm>>
      %dma_wait3A_245 = tpu.memref_squeeze %dma_wait3A_244 : memref<1x5000xi32, #tpu.memory_space<hbm>> -> memref<5000xi32, #tpu.memory_space<hbm>>
      tpu.wait_dma2 semaphore(%run_scoped3A : memref<!tpu.dma_semaphore, #tpu.memory_space<semaphore_mem>>) src(%dma_wait3A_245 : memref<5000xi32, #tpu.memory_space<hbm>>) dst(%arg8 : memref<5000xi32, #tpu.memory_space<vmem>>)
      tpu.yield
    }) : () -> ()
    %scan3A = arith.constant 0 : i32
    %scan3A_3 = arith.constant 0 : i32
    %scan3A_4 = arith.constant 20 : i32
    %scan3A_5 = arith.addi %scan3A_3, %scan3A_4 : i32
    %scan3A_6 = arith.constant 1 : i32
    scf.for %scan3A_234 = %scan3A_3 to %scan3A_5 step %scan3A_6  : i32 {
      %mul3A_235 = arith.constant 3 : i32
      %mul3A_236 = arith.muli %scan3A_234, %mul3A_235 : i32
      %add3A_237 = arith.constant 0 : i32
      %add3A_238 = arith.addi %mul3A_236, %add3A_237 : i32
      %add3A_239 = arith.constant 0 : i32
      %add3A_240 = arith.addi %mul3A_236, %add3A_239 : i32
      %add3A_241 = arith.constant 1 : i32
      %add3A_242 = arith.addi %mul3A_236, %add3A_241 : i32
      %add3A_243 = arith.constant 1 : i32
      %add3A_244 = arith.addi %mul3A_236, %add3A_243 : i32
      %add3A_245 = arith.constant 2 : i32
      %add3A_246 = arith.addi %mul3A_236, %add3A_245 : i32
      %add3A_247 = arith.constant 2 : i32
      %add3A_248 = arith.addi %mul3A_236, %add3A_247 : i32
      %mul3A_249 = arith.constant 80 : i32
      %mul3A_250 = arith.muli %add3A_238, %mul3A_249 : i32
      %dma_start3A_251 = arith.constant 0 : i32
      %dma_start3A_252 = arith.constant 0 : i32
      %dma_start3A_253 = tpu.memref_slice %arg9[%dma_start3A_251, %dma_start3A_252] : memref<80x128xf32, #tpu.memory_space<vmem>> -> memref<80x128xf32, #tpu.memory_space<vmem>>
      %dma_start3A_254 = tpu.memref_slice %arg7[%mul3A_250] : memref<5000xi32, #tpu.memory_space<vmem>> -> memref<80xi32, #tpu.memory_space<vmem>>
      %dma_start3A_255 = arith.constant 0 : i32
      %dma_start3A_256 = arith.constant 0 : i32
      %dma_start3A_257 = tpu.memref_slice %arg2[%dma_start3A_255, %dma_start3A_256] : memref<10000x128xf32, #tpu.memory_space<hbm>> -> memref<10000x128xf32, #tpu.memory_space<hbm>>
      tpu.enqueue_indirect_dma source(%dma_start3A_257 : memref<10000x128xf32, #tpu.memory_space<hbm>>) target(%dma_start3A_253 : memref<80x128xf32, #tpu.memory_space<vmem>>) offsets(%dma_start3A_254 : memref<80xi32, #tpu.memory_space<vmem>>) semaphore(%arg15 : memref<!tpu.dma_semaphore, #tpu.memory_space<semaphore_mem>>)
      %mul3A_258 = arith.constant 80 : i32
      %mul3A_259 = arith.muli %add3A_240, %mul3A_258 : i32
      %dma_start3A_260 = arith.constant 0 : i32
      %dma_start3A_261 = arith.constant 0 : i32
      %dma_start3A_262 = tpu.memref_slice %arg10[%dma_start3A_260, %dma_start3A_261] : memref<80x128xf32, #tpu.memory_space<vmem>> -> memref<80x128xf32, #tpu.memory_space<vmem>>
      %dma_start3A_263 = tpu.memref_slice %arg8[%mul3A_259] : memref<5000xi32, #tpu.memory_space<vmem>> -> memref<80xi32, #tpu.memory_space<vmem>>
      %dma_start3A_264 = arith.constant 0 : i32
      %dma_start3A_265 = arith.constant 0 : i32
      %dma_start3A_266 = tpu.memref_slice %arg2[%dma_start3A_264, %dma_start3A_265] : memref<10000x128xf32, #tpu.memory_space<hbm>> -> memref<10000x128xf32, #tpu.memory_space<hbm>>
      tpu.enqueue_indirect_dma source(%dma_start3A_266 : memref<10000x128xf32, #tpu.memory_space<hbm>>) target(%dma_start3A_262 : memref<80x128xf32, #tpu.memory_space<vmem>>) offsets(%dma_start3A_263 : memref<80xi32, #tpu.memory_space<vmem>>) semaphore(%arg16 : memref<!tpu.dma_semaphore, #tpu.memory_space<semaphore_mem>>)
      %mul3A_267 = arith.constant 80 : i32
      %mul3A_268 = arith.muli %add3A_242, %mul3A_267 : i32
      %dma_start3A_269 = arith.constant 0 : i32
      %dma_start3A_270 = arith.constant 0 : i32
      %dma_start3A_271 = tpu.memref_slice %arg11[%dma_start3A_269, %dma_start3A_270] : memref<80x128xf32, #tpu.memory_space<vmem>> -> memref<80x128xf32, #tpu.memory_space<vmem>>
      %dma_start3A_272 = tpu.memref_slice %arg7[%mul3A_268] : memref<5000xi32, #tpu.memory_space<vmem>> -> memref<80xi32, #tpu.memory_space<vmem>>
      %dma_start3A_273 = arith.constant 0 : i32
      %dma_start3A_274 = arith.constant 0 : i32
      %dma_start3A_275 = tpu.memref_slice %arg2[%dma_start3A_273, %dma_start3A_274] : memref<10000x128xf32, #tpu.memory_space<hbm>> -> memref<10000x128xf32, #tpu.memory_space<hbm>>
      tpu.enqueue_indirect_dma source(%dma_start3A_275 : memref<10000x128xf32, #tpu.memory_space<hbm>>) target(%dma_start3A_271 : memref<80x128xf32, #tpu.memory_space<vmem>>) offsets(%dma_start3A_272 : memref<80xi32, #tpu.memory_space<vmem>>) semaphore(%arg17 : memref<!tpu.dma_semaphore, #tpu.memory_space<semaphore_mem>>)
      %mul3A_276 = arith.constant 80 : i32
      %mul3A_277 = arith.muli %add3A_244, %mul3A_276 : i32
      %dma_start3A_278 = arith.constant 0 : i32
      %dma_start3A_279 = arith.constant 0 : i32
      %dma_start3A_280 = tpu.memref_slice %arg12[%dma_start3A_278, %dma_start3A_279] : memref<80x128xf32, #tpu.memory_space<vmem>> -> memref<80x128xf32, #tpu.memory_space<vmem>>
      %dma_start3A_281 = tpu.memref_slice %arg8[%mul3A_277] : memref<5000xi32, #tpu.memory_space<vmem>> -> memref<80xi32, #tpu.memory_space<vmem>>
      %dma_start3A_282 = arith.constant 0 : i32
      %dma_start3A_283 = arith.constant 0 : i32
      %dma_start3A_284 = tpu.memref_slice %arg2[%dma_start3A_282, %dma_start3A_283] : memref<10000x128xf32, #tpu.memory_space<hbm>> -> memref<10000x128xf32, #tpu.memory_space<hbm>>
      tpu.enqueue_indirect_dma source(%dma_start3A_284 : memref<10000x128xf32, #tpu.memory_space<hbm>>) target(%dma_start3A_280 : memref<80x128xf32, #tpu.memory_space<vmem>>) offsets(%dma_start3A_281 : memref<80xi32, #tpu.memory_space<vmem>>) semaphore(%arg18 : memref<!tpu.dma_semaphore, #tpu.memory_space<semaphore_mem>>)
      %mul3A_285 = arith.constant 80 : i32
      %mul3A_286 = arith.muli %add3A_246, %mul3A_285 : i32
      %dma_start3A_287 = arith.constant 0 : i32
      %dma_start3A_288 = arith.constant 0 : i32
      %dma_start3A_289 = tpu.memref_slice %arg13[%dma_start3A_287, %dma_start3A_288] : memref<80x128xf32, #tpu.memory_space<vmem>> -> memref<80x128xf32, #tpu.memory_space<vmem>>
      %dma_start3A_290 = tpu.memref_slice %arg7[%mul3A_286] : memref<5000xi32, #tpu.memory_space<vmem>> -> memref<80xi32, #tpu.memory_space<vmem>>
      %dma_start3A_291 = arith.constant 0 : i32
      %dma_start3A_292 = arith.constant 0 : i32
      %dma_start3A_293 = tpu.memref_slice %arg2[%dma_start3A_291, %dma_start3A_292] : memref<10000x128xf32, #tpu.memory_space<hbm>> -> memref<10000x128xf32, #tpu.memory_space<hbm>>
      tpu.enqueue_indirect_dma source(%dma_start3A_293 : memref<10000x128xf32, #tpu.memory_space<hbm>>) target(%dma_start3A_289 : memref<80x128xf32, #tpu.memory_space<vmem>>) offsets(%dma_start3A_290 : memref<80xi32, #tpu.memory_space<vmem>>) semaphore(%arg19 : memref<!tpu.dma_semaphore, #tpu.memory_space<semaphore_mem>>)
      %mul3A_294 = arith.constant 80 : i32
      %mul3A_295 = arith.muli %add3A_248, %mul3A_294 : i32
      %dma_start3A_296 = arith.constant 0 : i32
      %dma_start3A_297 = arith.constant 0 : i32
      %dma_start3A_298 = tpu.memref_slice %arg14[%dma_start3A_296, %dma_start3A_297] : memref<80x128xf32, #tpu.memory_space<vmem>> -> memref<80x128xf32, #tpu.memory_space<vmem>>
      %dma_start3A_299 = tpu.memref_slice %arg8[%mul3A_295] : memref<5000xi32, #tpu.memory_space<vmem>> -> memref<80xi32, #tpu.memory_space<vmem>>
      %dma_start3A_300 = arith.constant 0 : i32
      %dma_start3A_301 = arith.constant 0 : i32
      %dma_start3A_302 = tpu.memref_slice %arg2[%dma_start3A_300, %dma_start3A_301] : memref<10000x128xf32, #tpu.memory_space<hbm>> -> memref<10000x128xf32, #tpu.memory_space<hbm>>
      tpu.enqueue_indirect_dma source(%dma_start3A_302 : memref<10000x128xf32, #tpu.memory_space<hbm>>) target(%dma_start3A_298 : memref<80x128xf32, #tpu.memory_space<vmem>>) offsets(%dma_start3A_299 : memref<80xi32, #tpu.memory_space<vmem>>) semaphore(%arg20 : memref<!tpu.dma_semaphore, #tpu.memory_space<semaphore_mem>>)
      %dma_wait3A_303 = arith.constant 0 : i32
      %dma_wait3A_304 = arith.constant 0 : i32
      %dma_wait3A_305 = tpu.memref_slice %arg9[%dma_wait3A_303, %dma_wait3A_304] : memref<80x128xf32, #tpu.memory_space<vmem>> -> memref<80x128xf32, #tpu.memory_space<vmem>>
      %dma_wait3A_306 = tpu.memref_slice %arg7[%mul3A_250] : memref<5000xi32, #tpu.memory_space<vmem>> -> memref<80xi32, #tpu.memory_space<vmem>>
      %dma_wait3A_307 = arith.constant 0 : i32
      %dma_wait3A_308 = arith.constant 0 : i32
      %dma_wait3A_309 = tpu.memref_slice %arg2[%dma_wait3A_307, %dma_wait3A_308] : memref<10000x128xf32, #tpu.memory_space<hbm>> -> memref<10000x128xf32, #tpu.memory_space<hbm>>
      tpu.wait_indirect_dma semaphore(%arg15 : memref<!tpu.dma_semaphore, #tpu.memory_space<semaphore_mem>>) src(%dma_wait3A_309 : memref<10000x128xf32, #tpu.memory_space<hbm>>) dst(%dma_wait3A_305 : memref<80x128xf32, #tpu.memory_space<vmem>>)
      %mul3A_310 = arith.constant 80 : i32
      %mul3A_311 = arith.muli %add3A_238, %mul3A_310 : i32
      %add3A_312 = arith.addi %mul3A_2, %mul3A_311 : i32
      %dma_start3A_313 = arith.constant 0 : i32
      %dma_start3A_314 = arith.constant 0 : i32
      %dma_start3A_315 = tpu.memref_slice %arg9[%dma_start3A_313, %dma_start3A_314] : memref<80x128xf32, #tpu.memory_space<vmem>> -> memref<80x128xf32, #tpu.memory_space<vmem>>
      %dma_start3A_316 = arith.constant 0 : i32
      %dma_start3A_317 = tpu.memref_slice %arg5[%add3A_312, %dma_start3A_316] : memref<160000x128xf32, #tpu.memory_space<hbm>> -> memref<80x128xf32, #tpu.memory_space<hbm>>
      %dma_start3A_318 = arith.constant 0 : i32
      %dma_start3A_319 = tpu.memref_slice %arg5[%add3A_312, %dma_start3A_318] : memref<160000x128xf32, #tpu.memory_space<hbm>> -> memref<80x128xf32, #tpu.memory_space<hbm>>
      %dma_start3A_320 = arith.constant 0 : i32
      %dma_start3A_321 = arith.constant 0 : i32
      %dma_start3A_322 = tpu.memref_slice %arg9[%dma_start3A_320, %dma_start3A_321] : memref<80x128xf32, #tpu.memory_space<vmem>> -> memref<80x128xf32, #tpu.memory_space<vmem>>
      tpu.enqueue_dma source(%dma_start3A_322 : memref<80x128xf32, #tpu.memory_space<vmem>>) target(%dma_start3A_319 : memref<80x128xf32, #tpu.memory_space<hbm>>) target_semaphore(%arg21 : memref<!tpu.dma_semaphore, #tpu.memory_space<semaphore_mem>>)
      %dma_wait3A_323 = arith.constant 0 : i32
      %dma_wait3A_324 = arith.constant 0 : i32
      %dma_wait3A_325 = tpu.memref_slice %arg10[%dma_wait3A_323, %dma_wait3A_324] : memref<80x128xf32, #tpu.memory_space<vmem>> -> memref<80x128xf32, #tpu.memory_space<vmem>>
      %dma_wait3A_326 = tpu.memref_slice %arg8[%mul3A_259] : memref<5000xi32, #tpu.memory_space<vmem>> -> memref<80xi32, #tpu.memory_space<vmem>>
      %dma_wait3A_327 = arith.constant 0 : i32
      %dma_wait3A_328 = arith.constant 0 : i32
      %dma_wait3A_329 = tpu.memref_slice %arg2[%dma_wait3A_327, %dma_wait3A_328] : memref<10000x128xf32, #tpu.memory_space<hbm>> -> memref<10000x128xf32, #tpu.memory_space<hbm>>
      tpu.wait_indirect_dma semaphore(%arg16 : memref<!tpu.dma_semaphore, #tpu.memory_space<semaphore_mem>>) src(%dma_wait3A_329 : memref<10000x128xf32, #tpu.memory_space<hbm>>) dst(%dma_wait3A_325 : memref<80x128xf32, #tpu.memory_space<vmem>>)
      %mul3A_330 = arith.constant 80 : i32
      %mul3A_331 = arith.muli %add3A_240, %mul3A_330 : i32
      %add3A_332 = arith.addi %mul3A_2, %mul3A_331 : i32
      %dma_start3A_333 = arith.constant 0 : i32
      %dma_start3A_334 = arith.constant 0 : i32
      %dma_start3A_335 = tpu.memref_slice %arg10[%dma_start3A_333, %dma_start3A_334] : memref<80x128xf32, #tpu.memory_space<vmem>> -> memref<80x128xf32, #tpu.memory_space<vmem>>
      %dma_start3A_336 = arith.constant 0 : i32
      %dma_start3A_337 = tpu.memref_slice %arg6[%add3A_332, %dma_start3A_336] : memref<160000x128xf32, #tpu.memory_space<hbm>> -> memref<80x128xf32, #tpu.memory_space<hbm>>
      %dma_start3A_338 = arith.constant 0 : i32
      %dma_start3A_339 = tpu.memref_slice %arg6[%add3A_332, %dma_start3A_338] : memref<160000x128xf32, #tpu.memory_space<hbm>> -> memref<80x128xf32, #tpu.memory_space<hbm>>
      %dma_start3A_340 = arith.constant 0 : i32
      %dma_start3A_341 = arith.constant 0 : i32
      %dma_start3A_342 = tpu.memref_slice %arg10[%dma_start3A_340, %dma_start3A_341] : memref<80x128xf32, #tpu.memory_space<vmem>> -> memref<80x128xf32, #tpu.memory_space<vmem>>
      tpu.enqueue_dma source(%dma_start3A_342 : memref<80x128xf32, #tpu.memory_space<vmem>>) target(%dma_start3A_339 : memref<80x128xf32, #tpu.memory_space<hbm>>) target_semaphore(%arg22 : memref<!tpu.dma_semaphore, #tpu.memory_space<semaphore_mem>>)
      %dma_wait3A_343 = arith.constant 0 : i32
      %dma_wait3A_344 = arith.constant 0 : i32
      %dma_wait3A_345 = tpu.memref_slice %arg11[%dma_wait3A_343, %dma_wait3A_344] : memref<80x128xf32, #tpu.memory_space<vmem>> -> memref<80x128xf32, #tpu.memory_space<vmem>>
      %dma_wait3A_346 = tpu.memref_slice %arg7[%mul3A_268] : memref<5000xi32, #tpu.memory_space<vmem>> -> memref<80xi32, #tpu.memory_space<vmem>>
      %dma_wait3A_347 = arith.constant 0 : i32
      %dma_wait3A_348 = arith.constant 0 : i32
      %dma_wait3A_349 = tpu.memref_slice %arg2[%dma_wait3A_347, %dma_wait3A_348] : memref<10000x128xf32, #tpu.memory_space<hbm>> -> memref<10000x128xf32, #tpu.memory_space<hbm>>
      tpu.wait_indirect_dma semaphore(%arg17 : memref<!tpu.dma_semaphore, #tpu.memory_space<semaphore_mem>>) src(%dma_wait3A_349 : memref<10000x128xf32, #tpu.memory_space<hbm>>) dst(%dma_wait3A_345 : memref<80x128xf32, #tpu.memory_space<vmem>>)
      %mul3A_350 = arith.constant 80 : i32
      %mul3A_351 = arith.muli %add3A_242, %mul3A_350 : i32
      %add3A_352 = arith.addi %mul3A_2, %mul3A_351 : i32
      %dma_start3A_353 = arith.constant 0 : i32
      %dma_start3A_354 = arith.constant 0 : i32
      %dma_start3A_355 = tpu.memref_slice %arg11[%dma_start3A_353, %dma_start3A_354] : memref<80x128xf32, #tpu.memory_space<vmem>> -> memref<80x128xf32, #tpu.memory_space<vmem>>
      %dma_start3A_356 = arith.constant 0 : i32
      %dma_start3A_357 = tpu.memref_slice %arg5[%add3A_352, %dma_start3A_356] : memref<160000x128xf32, #tpu.memory_space<hbm>> -> memref<80x128xf32, #tpu.memory_space<hbm>>
      %dma_start3A_358 = arith.constant 0 : i32
      %dma_start3A_359 = tpu.memref_slice %arg5[%add3A_352, %dma_start3A_358] : memref<160000x128xf32, #tpu.memory_space<hbm>> -> memref<80x128xf32, #tpu.memory_space<hbm>>
      %dma_start3A_360 = arith.constant 0 : i32
      %dma_start3A_361 = arith.constant 0 : i32
      %dma_start3A_362 = tpu.memref_slice %arg11[%dma_start3A_360, %dma_start3A_361] : memref<80x128xf32, #tpu.memory_space<vmem>> -> memref<80x128xf32, #tpu.memory_space<vmem>>
      tpu.enqueue_dma source(%dma_start3A_362 : memref<80x128xf32, #tpu.memory_space<vmem>>) target(%dma_start3A_359 : memref<80x128xf32, #tpu.memory_space<hbm>>) target_semaphore(%arg23 : memref<!tpu.dma_semaphore, #tpu.memory_space<semaphore_mem>>)
      %dma_wait3A_363 = arith.constant 0 : i32
      %dma_wait3A_364 = arith.constant 0 : i32
      %dma_wait3A_365 = tpu.memref_slice %arg12[%dma_wait3A_363, %dma_wait3A_364] : memref<80x128xf32, #tpu.memory_space<vmem>> -> memref<80x128xf32, #tpu.memory_space<vmem>>
      %dma_wait3A_366 = tpu.memref_slice %arg8[%mul3A_277] : memref<5000xi32, #tpu.memory_space<vmem>> -> memref<80xi32, #tpu.memory_space<vmem>>
      %dma_wait3A_367 = arith.constant 0 : i32
      %dma_wait3A_368 = arith.constant 0 : i32
      %dma_wait3A_369 = tpu.memref_slice %arg2[%dma_wait3A_367, %dma_wait3A_368] : memref<10000x128xf32, #tpu.memory_space<hbm>> -> memref<10000x128xf32, #tpu.memory_space<hbm>>
      tpu.wait_indirect_dma semaphore(%arg18 : memref<!tpu.dma_semaphore, #tpu.memory_space<semaphore_mem>>) src(%dma_wait3A_369 : memref<10000x128xf32, #tpu.memory_space<hbm>>) dst(%dma_wait3A_365 : memref<80x128xf32, #tpu.memory_space<vmem>>)
      %mul3A_370 = arith.constant 80 : i32
      %mul3A_371 = arith.muli %add3A_244, %mul3A_370 : i32
      %add3A_372 = arith.addi %mul3A_2, %mul3A_371 : i32
      %dma_start3A_373 = arith.constant 0 : i32
      %dma_start3A_374 = arith.constant 0 : i32
      %dma_start3A_375 = tpu.memref_slice %arg12[%dma_start3A_373, %dma_start3A_374] : memref<80x128xf32, #tpu.memory_space<vmem>> -> memref<80x128xf32, #tpu.memory_space<vmem>>
      %dma_start3A_376 = arith.constant 0 : i32
      %dma_start3A_377 = tpu.memref_slice %arg6[%add3A_372, %dma_start3A_376] : memref<160000x128xf32, #tpu.memory_space<hbm>> -> memref<80x128xf32, #tpu.memory_space<hbm>>
      %dma_start3A_378 = arith.constant 0 : i32
      %dma_start3A_379 = tpu.memref_slice %arg6[%add3A_372, %dma_start3A_378] : memref<160000x128xf32, #tpu.memory_space<hbm>> -> memref<80x128xf32, #tpu.memory_space<hbm>>
      %dma_start3A_380 = arith.constant 0 : i32
      %dma_start3A_381 = arith.constant 0 : i32
      %dma_start3A_382 = tpu.memref_slice %arg12[%dma_start3A_380, %dma_start3A_381] : memref<80x128xf32, #tpu.memory_space<vmem>> -> memref<80x128xf32, #tpu.memory_space<vmem>>
      tpu.enqueue_dma source(%dma_start3A_382 : memref<80x128xf32, #tpu.memory_space<vmem>>) target(%dma_start3A_379 : memref<80x128xf32, #tpu.memory_space<hbm>>) target_semaphore(%arg24 : memref<!tpu.dma_semaphore, #tpu.memory_space<semaphore_mem>>)
      %dma_wait3A_383 = arith.constant 0 : i32
      %dma_wait3A_384 = arith.constant 0 : i32
      %dma_wait3A_385 = tpu.memref_slice %arg13[%dma_wait3A_383, %dma_wait3A_384] : memref<80x128xf32, #tpu.memory_space<vmem>> -> memref<80x128xf32, #tpu.memory_space<vmem>>
      %dma_wait3A_386 = tpu.memref_slice %arg7[%mul3A_286] : memref<5000xi32, #tpu.memory_space<vmem>> -> memref<80xi32, #tpu.memory_space<vmem>>
      %dma_wait3A_387 = arith.constant 0 : i32
      %dma_wait3A_388 = arith.constant 0 : i32
      %dma_wait3A_389 = tpu.memref_slice %arg2[%dma_wait3A_387, %dma_wait3A_388] : memref<10000x128xf32, #tpu.memory_space<hbm>> -> memref<10000x128xf32, #tpu.memory_space<hbm>>
      tpu.wait_indirect_dma semaphore(%arg19 : memref<!tpu.dma_semaphore, #tpu.memory_space<semaphore_mem>>) src(%dma_wait3A_389 : memref<10000x128xf32, #tpu.memory_space<hbm>>) dst(%dma_wait3A_385 : memref<80x128xf32, #tpu.memory_space<vmem>>)
      %mul3A_390 = arith.constant 80 : i32
      %mul3A_391 = arith.muli %add3A_246, %mul3A_390 : i32
      %add3A_392 = arith.addi %mul3A_2, %mul3A_391 : i32
      %dma_start3A_393 = arith.constant 0 : i32
      %dma_start3A_394 = arith.constant 0 : i32
      %dma_start3A_395 = tpu.memref_slice %arg13[%dma_start3A_393, %dma_start3A_394] : memref<80x128xf32, #tpu.memory_space<vmem>> -> memref<80x128xf32, #tpu.memory_space<vmem>>
      %dma_start3A_396 = arith.constant 0 : i32
      %dma_start3A_397 = tpu.memref_slice %arg5[%add3A_392, %dma_start3A_396] : memref<160000x128xf32, #tpu.memory_space<hbm>> -> memref<80x128xf32, #tpu.memory_space<hbm>>
      %dma_start3A_398 = arith.constant 0 : i32
      %dma_start3A_399 = tpu.memref_slice %arg5[%add3A_392, %dma_start3A_398] : memref<160000x128xf32, #tpu.memory_space<hbm>> -> memref<80x128xf32, #tpu.memory_space<hbm>>
      %dma_start3A_400 = arith.constant 0 : i32
      %dma_start3A_401 = arith.constant 0 : i32
      %dma_start3A_402 = tpu.memref_slice %arg13[%dma_start3A_400, %dma_start3A_401] : memref<80x128xf32, #tpu.memory_space<vmem>> -> memref<80x128xf32, #tpu.memory_space<vmem>>
      tpu.enqueue_dma source(%dma_start3A_402 : memref<80x128xf32, #tpu.memory_space<vmem>>) target(%dma_start3A_399 : memref<80x128xf32, #tpu.memory_space<hbm>>) target_semaphore(%arg25 : memref<!tpu.dma_semaphore, #tpu.memory_space<semaphore_mem>>)
      %dma_wait3A_403 = arith.constant 0 : i32
      %dma_wait3A_404 = arith.constant 0 : i32
      %dma_wait3A_405 = tpu.memref_slice %arg14[%dma_wait3A_403, %dma_wait3A_404] : memref<80x128xf32, #tpu.memory_space<vmem>> -> memref<80x128xf32, #tpu.memory_space<vmem>>
      %dma_wait3A_406 = tpu.memref_slice %arg8[%mul3A_295] : memref<5000xi32, #tpu.memory_space<vmem>> -> memref<80xi32, #tpu.memory_space<vmem>>
      %dma_wait3A_407 = arith.constant 0 : i32
      %dma_wait3A_408 = arith.constant 0 : i32
      %dma_wait3A_409 = tpu.memref_slice %arg2[%dma_wait3A_407, %dma_wait3A_408] : memref<10000x128xf32, #tpu.memory_space<hbm>> -> memref<10000x128xf32, #tpu.memory_space<hbm>>
      tpu.wait_indirect_dma semaphore(%arg20 : memref<!tpu.dma_semaphore, #tpu.memory_space<semaphore_mem>>) src(%dma_wait3A_409 : memref<10000x128xf32, #tpu.memory_space<hbm>>) dst(%dma_wait3A_405 : memref<80x128xf32, #tpu.memory_space<vmem>>)
      %mul3A_410 = arith.constant 80 : i32
      %mul3A_411 = arith.muli %add3A_248, %mul3A_410 : i32
      %add3A_412 = arith.addi %mul3A_2, %mul3A_411 : i32
      %dma_start3A_413 = arith.constant 0 : i32
      %dma_start3A_414 = arith.constant 0 : i32
      %dma_start3A_415 = tpu.memref_slice %arg14[%dma_start3A_413, %dma_start3A_414] : memref<80x128xf32, #tpu.memory_space<vmem>> -> memref<80x128xf32, #tpu.memory_space<vmem>>
      %dma_start3A_416 = arith.constant 0 : i32
      %dma_start3A_417 = tpu.memref_slice %arg6[%add3A_412, %dma_start3A_416] : memref<160000x128xf32, #tpu.memory_space<hbm>> -> memref<80x128xf32, #tpu.memory_space<hbm>>
      %dma_start3A_418 = arith.constant 0 : i32
      %dma_start3A_419 = tpu.memref_slice %arg6[%add3A_412, %dma_start3A_418] : memref<160000x128xf32, #tpu.memory_space<hbm>> -> memref<80x128xf32, #tpu.memory_space<hbm>>
      %dma_start3A_420 = arith.constant 0 : i32
      %dma_start3A_421 = arith.constant 0 : i32
      %dma_start3A_422 = tpu.memref_slice %arg14[%dma_start3A_420, %dma_start3A_421] : memref<80x128xf32, #tpu.memory_space<vmem>> -> memref<80x128xf32, #tpu.memory_space<vmem>>
      tpu.enqueue_dma source(%dma_start3A_422 : memref<80x128xf32, #tpu.memory_space<vmem>>) target(%dma_start3A_419 : memref<80x128xf32, #tpu.memory_space<hbm>>) target_semaphore(%arg26 : memref<!tpu.dma_semaphore, #tpu.memory_space<semaphore_mem>>)
      %dma_wait3A_423 = arith.constant 0 : i32
      %dma_wait3A_424 = arith.constant 0 : i32
      %dma_wait3A_425 = tpu.memref_slice %arg9[%dma_wait3A_423, %dma_wait3A_424] : memref<80x128xf32, #tpu.memory_space<vmem>> -> memref<80x128xf32, #tpu.memory_space<vmem>>
      %dma_wait3A_426 = arith.constant 0 : i32
      %dma_wait3A_427 = tpu.memref_slice %arg5[%add3A_312, %dma_wait3A_426] : memref<160000x128xf32, #tpu.memory_space<hbm>> -> memref<80x128xf32, #tpu.memory_space<hbm>>
      %dma_wait3A_428 = arith.constant 0 : i32
      %dma_wait3A_429 = tpu.memref_slice %arg5[%add3A_312, %dma_wait3A_428] : memref<160000x128xf32, #tpu.memory_space<hbm>> -> memref<80x128xf32, #tpu.memory_space<hbm>>
      %dma_wait3A_430 = arith.constant 0 : i32
      %dma_wait3A_431 = arith.constant 0 : i32
      %dma_wait3A_432 = tpu.memref_slice %arg9[%dma_wait3A_430, %dma_wait3A_431] : memref<80x128xf32, #tpu.memory_space<vmem>> -> memref<80x128xf32, #tpu.memory_space<vmem>>
      tpu.wait_dma2 semaphore(%arg21 : memref<!tpu.dma_semaphore, #tpu.memory_space<semaphore_mem>>) src(%dma_wait3A_432 : memref<80x128xf32, #tpu.memory_space<vmem>>) dst(%dma_wait3A_429 : memref<80x128xf32, #tpu.memory_space<hbm>>)
      %dma_wait3A_433 = arith.constant 0 : i32
      %dma_wait3A_434 = arith.constant 0 : i32
      %dma_wait3A_435 = tpu.memref_slice %arg10[%dma_wait3A_433, %dma_wait3A_434] : memref<80x128xf32, #tpu.memory_space<vmem>> -> memref<80x128xf32, #tpu.memory_space<vmem>>
      %dma_wait3A_436 = arith.constant 0 : i32
      %dma_wait3A_437 = tpu.memref_slice %arg6[%add3A_332, %dma_wait3A_436] : memref<160000x128xf32, #tpu.memory_space<hbm>> -> memref<80x128xf32, #tpu.memory_space<hbm>>
      %dma_wait3A_438 = arith.constant 0 : i32
      %dma_wait3A_439 = tpu.memref_slice %arg6[%add3A_332, %dma_wait3A_438] : memref<160000x128xf32, #tpu.memory_space<hbm>> -> memref<80x128xf32, #tpu.memory_space<hbm>>
      %dma_wait3A_440 = arith.constant 0 : i32
      %dma_wait3A_441 = arith.constant 0 : i32
      %dma_wait3A_442 = tpu.memref_slice %arg10[%dma_wait3A_440, %dma_wait3A_441] : memref<80x128xf32, #tpu.memory_space<vmem>> -> memref<80x128xf32, #tpu.memory_space<vmem>>
      tpu.wait_dma2 semaphore(%arg22 : memref<!tpu.dma_semaphore, #tpu.memory_space<semaphore_mem>>) src(%dma_wait3A_442 : memref<80x128xf32, #tpu.memory_space<vmem>>) dst(%dma_wait3A_439 : memref<80x128xf32, #tpu.memory_space<hbm>>)
      %dma_wait3A_443 = arith.constant 0 : i32
      %dma_wait3A_444 = arith.constant 0 : i32
      %dma_wait3A_445 = tpu.memref_slice %arg11[%dma_wait3A_443, %dma_wait3A_444] : memref<80x128xf32, #tpu.memory_space<vmem>> -> memref<80x128xf32, #tpu.memory_space<vmem>>
      %dma_wait3A_446 = arith.constant 0 : i32
      %dma_wait3A_447 = tpu.memref_slice %arg5[%add3A_352, %dma_wait3A_446] : memref<160000x128xf32, #tpu.memory_space<hbm>> -> memref<80x128xf32, #tpu.memory_space<hbm>>
      %dma_wait3A_448 = arith.constant 0 : i32
      %dma_wait3A_449 = tpu.memref_slice %arg5[%add3A_352, %dma_wait3A_448] : memref<160000x128xf32, #tpu.memory_space<hbm>> -> memref<80x128xf32, #tpu.memory_space<hbm>>
      %dma_wait3A_450 = arith.constant 0 : i32
      %dma_wait3A_451 = arith.constant 0 : i32
      %dma_wait3A_452 = tpu.memref_slice %arg11[%dma_wait3A_450, %dma_wait3A_451] : memref<80x128xf32, #tpu.memory_space<vmem>> -> memref<80x128xf32, #tpu.memory_space<vmem>>
      tpu.wait_dma2 semaphore(%arg23 : memref<!tpu.dma_semaphore, #tpu.memory_space<semaphore_mem>>) src(%dma_wait3A_452 : memref<80x128xf32, #tpu.memory_space<vmem>>) dst(%dma_wait3A_449 : memref<80x128xf32, #tpu.memory_space<hbm>>)
      %dma_wait3A_453 = arith.constant 0 : i32
      %dma_wait3A_454 = arith.constant 0 : i32
      %dma_wait3A_455 = tpu.memref_slice %arg12[%dma_wait3A_453, %dma_wait3A_454] : memref<80x128xf32, #tpu.memory_space<vmem>> -> memref<80x128xf32, #tpu.memory_space<vmem>>
      %dma_wait3A_456 = arith.constant 0 : i32
      %dma_wait3A_457 = tpu.memref_slice %arg6[%add3A_372, %dma_wait3A_456] : memref<160000x128xf32, #tpu.memory_space<hbm>> -> memref<80x128xf32, #tpu.memory_space<hbm>>
      %dma_wait3A_458 = arith.constant 0 : i32
      %dma_wait3A_459 = tpu.memref_slice %arg6[%add3A_372, %dma_wait3A_458] : memref<160000x128xf32, #tpu.memory_space<hbm>> -> memref<80x128xf32, #tpu.memory_space<hbm>>
      %dma_wait3A_460 = arith.constant 0 : i32
      %dma_wait3A_461 = arith.constant 0 : i32
      %dma_wait3A_462 = tpu.memref_slice %arg12[%dma_wait3A_460, %dma_wait3A_461] : memref<80x128xf32, #tpu.memory_space<vmem>> -> memref<80x128xf32, #tpu.memory_space<vmem>>
      tpu.wait_dma2 semaphore(%arg24 : memref<!tpu.dma_semaphore, #tpu.memory_space<semaphore_mem>>) src(%dma_wait3A_462 : memref<80x128xf32, #tpu.memory_space<vmem>>) dst(%dma_wait3A_459 : memref<80x128xf32, #tpu.memory_space<hbm>>)
      %dma_wait3A_463 = arith.constant 0 : i32
      %dma_wait3A_464 = arith.constant 0 : i32
      %dma_wait3A_465 = tpu.memref_slice %arg13[%dma_wait3A_463, %dma_wait3A_464] : memref<80x128xf32, #tpu.memory_space<vmem>> -> memref<80x128xf32, #tpu.memory_space<vmem>>
      %dma_wait3A_466 = arith.constant 0 : i32
      %dma_wait3A_467 = tpu.memref_slice %arg5[%add3A_392, %dma_wait3A_466] : memref<160000x128xf32, #tpu.memory_space<hbm>> -> memref<80x128xf32, #tpu.memory_space<hbm>>
      %dma_wait3A_468 = arith.constant 0 : i32
      %dma_wait3A_469 = tpu.memref_slice %arg5[%add3A_392, %dma_wait3A_468] : memref<160000x128xf32, #tpu.memory_space<hbm>> -> memref<80x128xf32, #tpu.memory_space<hbm>>
      %dma_wait3A_470 = arith.constant 0 : i32
      %dma_wait3A_471 = arith.constant 0 : i32
      %dma_wait3A_472 = tpu.memref_slice %arg13[%dma_wait3A_470, %dma_wait3A_471] : memref<80x128xf32, #tpu.memory_space<vmem>> -> memref<80x128xf32, #tpu.memory_space<vmem>>
      tpu.wait_dma2 semaphore(%arg25 : memref<!tpu.dma_semaphore, #tpu.memory_space<semaphore_mem>>) src(%dma_wait3A_472 : memref<80x128xf32, #tpu.memory_space<vmem>>) dst(%dma_wait3A_469 : memref<80x128xf32, #tpu.memory_space<hbm>>)
      %dma_wait3A_473 = arith.constant 0 : i32
      %dma_wait3A_474 = arith.constant 0 : i32
      %dma_wait3A_475 = tpu.memref_slice %arg14[%dma_wait3A_473, %dma_wait3A_474] : memref<80x128xf32, #tpu.memory_space<vmem>> -> memref<80x128xf32, #tpu.memory_space<vmem>>
      %dma_wait3A_476 = arith.constant 0 : i32
      %dma_wait3A_477 = tpu.memref_slice %arg6[%add3A_412, %dma_wait3A_476] : memref<160000x128xf32, #tpu.memory_space<hbm>> -> memref<80x128xf32, #tpu.memory_space<hbm>>
      %dma_wait3A_478 = arith.constant 0 : i32
      %dma_wait3A_479 = tpu.memref_slice %arg6[%add3A_412, %dma_wait3A_478] : memref<160000x128xf32, #tpu.memory_space<hbm>> -> memref<80x128xf32, #tpu.memory_space<hbm>>
      %dma_wait3A_480 = arith.constant 0 : i32
      %dma_wait3A_481 = arith.constant 0 : i32
      %dma_wait3A_482 = tpu.memref_slice %arg14[%dma_wait3A_480, %dma_wait3A_481] : memref<80x128xf32, #tpu.memory_space<vmem>> -> memref<80x128xf32, #tpu.memory_space<vmem>>
      tpu.wait_dma2 semaphore(%arg26 : memref<!tpu.dma_semaphore, #tpu.memory_space<semaphore_mem>>) src(%dma_wait3A_482 : memref<80x128xf32, #tpu.memory_space<vmem>>) dst(%dma_wait3A_479 : memref<80x128xf32, #tpu.memory_space<hbm>>)
    }
    %scan3A_7 = arith.constant 20 : i32
    %dma_start3A = arith.constant 0 : i32
    %dma_start3A_8 = arith.constant 0 : i32
    %dma_start3A_9 = tpu.memref_slice %arg9[%dma_start3A, %dma_start3A_8] : memref<80x128xf32, #tpu.memory_space<vmem>> -> memref<80x128xf32, #tpu.memory_space<vmem>>
    %dma_start3A_10 = arith.constant 4800 : i32
    %dma_start3A_11 = tpu.memref_slice %arg7[%dma_start3A_10] : memref<5000xi32, #tpu.memory_space<vmem>> -> memref<80xi32, #tpu.memory_space<vmem>>
    %dma_start3A_12 = arith.constant 0 : i32
    %dma_start3A_13 = arith.constant 0 : i32
    %dma_start3A_14 = tpu.memref_slice %arg2[%dma_start3A_12, %dma_start3A_13] : memref<10000x128xf32, #tpu.memory_space<hbm>> -> memref<10000x128xf32, #tpu.memory_space<hbm>>
    tpu.enqueue_indirect_dma source(%dma_start3A_14 : memref<10000x128xf32, #tpu.memory_space<hbm>>) target(%dma_start3A_9 : memref<80x128xf32, #tpu.memory_space<vmem>>) offsets(%dma_start3A_11 : memref<80xi32, #tpu.memory_space<vmem>>) semaphore(%arg15 : memref<!tpu.dma_semaphore, #tpu.memory_space<semaphore_mem>>)
    %dma_start3A_15 = arith.constant 0 : i32
    %dma_start3A_16 = arith.constant 0 : i32
    %dma_start3A_17 = tpu.memref_slice %arg10[%dma_start3A_15, %dma_start3A_16] : memref<80x128xf32, #tpu.memory_space<vmem>> -> memref<80x128xf32, #tpu.memory_space<vmem>>
    %dma_start3A_18 = arith.constant 4800 : i32
    %dma_start3A_19 = tpu.memref_slice %arg8[%dma_start3A_18] : memref<5000xi32, #tpu.memory_space<vmem>> -> memref<80xi32, #tpu.memory_space<vmem>>
    %dma_start3A_20 = arith.constant 0 : i32
    %dma_start3A_21 = arith.constant 0 : i32
    %dma_start3A_22 = tpu.memref_slice %arg2[%dma_start3A_20, %dma_start3A_21] : memref<10000x128xf32, #tpu.memory_space<hbm>> -> memref<10000x128xf32, #tpu.memory_space<hbm>>
    tpu.enqueue_indirect_dma source(%dma_start3A_22 : memref<10000x128xf32, #tpu.memory_space<hbm>>) target(%dma_start3A_17 : memref<80x128xf32, #tpu.memory_space<vmem>>) offsets(%dma_start3A_19 : memref<80xi32, #tpu.memory_space<vmem>>) semaphore(%arg16 : memref<!tpu.dma_semaphore, #tpu.memory_space<semaphore_mem>>)
    %dma_wait3A = arith.constant 0 : i32
    %dma_wait3A_23 = arith.constant 0 : i32
    %dma_wait3A_24 = tpu.memref_slice %arg9[%dma_wait3A, %dma_wait3A_23] : memref<80x128xf32, #tpu.memory_space<vmem>> -> memref<80x128xf32, #tpu.memory_space<vmem>>
    %dma_wait3A_25 = arith.constant 4800 : i32
    %dma_wait3A_26 = tpu.memref_slice %arg7[%dma_wait3A_25] : memref<5000xi32, #tpu.memory_space<vmem>> -> memref<80xi32, #tpu.memory_space<vmem>>
    %dma_wait3A_27 = arith.constant 0 : i32
    %dma_wait3A_28 = arith.constant 0 : i32
    %dma_wait3A_29 = tpu.memref_slice %arg2[%dma_wait3A_27, %dma_wait3A_28] : memref<10000x128xf32, #tpu.memory_space<hbm>> -> memref<10000x128xf32, #tpu.memory_space<hbm>>
    tpu.wait_indirect_dma semaphore(%arg15 : memref<!tpu.dma_semaphore, #tpu.memory_space<semaphore_mem>>) src(%dma_wait3A_29 : memref<10000x128xf32, #tpu.memory_space<hbm>>) dst(%dma_wait3A_24 : memref<80x128xf32, #tpu.memory_space<vmem>>)
    %add3A_30 = arith.constant 4800 : i32
    %add3A_31 = arith.addi %mul3A_2, %add3A_30 : i32
    %dma_start3A_32 = arith.constant 0 : i32
    %dma_start3A_33 = arith.constant 0 : i32
    %dma_start3A_34 = tpu.memref_slice %arg9[%dma_start3A_32, %dma_start3A_33] : memref<80x128xf32, #tpu.memory_space<vmem>> -> memref<80x128xf32, #tpu.memory_space<vmem>>
    %dma_start3A_35 = arith.constant 0 : i32
    %dma_start3A_36 = tpu.memref_slice %arg5[%add3A_31, %dma_start3A_35] : memref<160000x128xf32, #tpu.memory_space<hbm>> -> memref<80x128xf32, #tpu.memory_space<hbm>>
    %dma_start3A_37 = arith.constant 0 : i32
    %dma_start3A_38 = tpu.memref_slice %arg5[%add3A_31, %dma_start3A_37] : memref<160000x128xf32, #tpu.memory_space<hbm>> -> memref<80x128xf32, #tpu.memory_space<hbm>>
    %dma_start3A_39 = arith.constant 0 : i32
    %dma_start3A_40 = arith.constant 0 : i32
    %dma_start3A_41 = tpu.memref_slice %arg9[%dma_start3A_39, %dma_start3A_40] : memref<80x128xf32, #tpu.memory_space<vmem>> -> memref<80x128xf32, #tpu.memory_space<vmem>>
    tpu.enqueue_dma source(%dma_start3A_41 : memref<80x128xf32, #tpu.memory_space<vmem>>) target(%dma_start3A_38 : memref<80x128xf32, #tpu.memory_space<hbm>>) target_semaphore(%arg21 : memref<!tpu.dma_semaphore, #tpu.memory_space<semaphore_mem>>)
    %dma_wait3A_42 = arith.constant 0 : i32
    %dma_wait3A_43 = arith.constant 0 : i32
    %dma_wait3A_44 = tpu.memref_slice %arg10[%dma_wait3A_42, %dma_wait3A_43] : memref<80x128xf32, #tpu.memory_space<vmem>> -> memref<80x128xf32, #tpu.memory_space<vmem>>
    %dma_wait3A_45 = arith.constant 4800 : i32
    %dma_wait3A_46 = tpu.memref_slice %arg8[%dma_wait3A_45] : memref<5000xi32, #tpu.memory_space<vmem>> -> memref<80xi32, #tpu.memory_space<vmem>>
    %dma_wait3A_47 = arith.constant 0 : i32
    %dma_wait3A_48 = arith.constant 0 : i32
    %dma_wait3A_49 = tpu.memref_slice %arg2[%dma_wait3A_47, %dma_wait3A_48] : memref<10000x128xf32, #tpu.memory_space<hbm>> -> memref<10000x128xf32, #tpu.memory_space<hbm>>
    tpu.wait_indirect_dma semaphore(%arg16 : memref<!tpu.dma_semaphore, #tpu.memory_space<semaphore_mem>>) src(%dma_wait3A_49 : memref<10000x128xf32, #tpu.memory_space<hbm>>) dst(%dma_wait3A_44 : memref<80x128xf32, #tpu.memory_space<vmem>>)
    %add3A_50 = arith.constant 4800 : i32
    %add3A_51 = arith.addi %mul3A_2, %add3A_50 : i32
    %dma_start3A_52 = arith.constant 0 : i32
    %dma_start3A_53 = arith.constant 0 : i32
    %dma_start3A_54 = tpu.memref_slice %arg10[%dma_start3A_52, %dma_start3A_53] : memref<80x128xf32, #tpu.memory_space<vmem>> -> memref<80x128xf32, #tpu.memory_space<vmem>>
    %dma_start3A_55 = arith.constant 0 : i32
    %dma_start3A_56 = tpu.memref_slice %arg6[%add3A_51, %dma_start3A_55] : memref<160000x128xf32, #tpu.memory_space<hbm>> -> memref<80x128xf32, #tpu.memory_space<hbm>>
    %dma_start3A_57 = arith.constant 0 : i32
    %dma_start3A_58 = tpu.memref_slice %arg6[%add3A_51, %dma_start3A_57] : memref<160000x128xf32, #tpu.memory_space<hbm>> -> memref<80x128xf32, #tpu.memory_space<hbm>>
    %dma_start3A_59 = arith.constant 0 : i32
    %dma_start3A_60 = arith.constant 0 : i32
    %dma_start3A_61 = tpu.memref_slice %arg10[%dma_start3A_59, %dma_start3A_60] : memref<80x128xf32, #tpu.memory_space<vmem>> -> memref<80x128xf32, #tpu.memory_space<vmem>>
    tpu.enqueue_dma source(%dma_start3A_61 : memref<80x128xf32, #tpu.memory_space<vmem>>) target(%dma_start3A_58 : memref<80x128xf32, #tpu.memory_space<hbm>>) target_semaphore(%arg22 : memref<!tpu.dma_semaphore, #tpu.memory_space<semaphore_mem>>)
    %dma_wait3A_62 = arith.constant 0 : i32
    %dma_wait3A_63 = arith.constant 0 : i32
    %dma_wait3A_64 = tpu.memref_slice %arg9[%dma_wait3A_62, %dma_wait3A_63] : memref<80x128xf32, #tpu.memory_space<vmem>> -> memref<80x128xf32, #tpu.memory_space<vmem>>
    %dma_wait3A_65 = arith.constant 0 : i32
    %dma_wait3A_66 = tpu.memref_slice %arg5[%add3A_31, %dma_wait3A_65] : memref<160000x128xf32, #tpu.memory_space<hbm>> -> memref<80x128xf32, #tpu.memory_space<hbm>>
    %dma_wait3A_67 = arith.constant 0 : i32
    %dma_wait3A_68 = tpu.memref_slice %arg5[%add3A_31, %dma_wait3A_67] : memref<160000x128xf32, #tpu.memory_space<hbm>> -> memref<80x128xf32, #tpu.memory_space<hbm>>
    %dma_wait3A_69 = arith.constant 0 : i32
    %dma_wait3A_70 = arith.constant 0 : i32
    %dma_wait3A_71 = tpu.memref_slice %arg9[%dma_wait3A_69, %dma_wait3A_70] : memref<80x128xf32, #tpu.memory_space<vmem>> -> memref<80x128xf32, #tpu.memory_space<vmem>>
    tpu.wait_dma2 semaphore(%arg21 : memref<!tpu.dma_semaphore, #tpu.memory_space<semaphore_mem>>) src(%dma_wait3A_71 : memref<80x128xf32, #tpu.memory_space<vmem>>) dst(%dma_wait3A_68 : memref<80x128xf32, #tpu.memory_space<hbm>>)
    %dma_wait3A_72 = arith.constant 0 : i32
    %dma_wait3A_73 = arith.constant 0 : i32
    %dma_wait3A_74 = tpu.memref_slice %arg10[%dma_wait3A_72, %dma_wait3A_73] : memref<80x128xf32, #tpu.memory_space<vmem>> -> memref<80x128xf32, #tpu.memory_space<vmem>>
    %dma_wait3A_75 = arith.constant 0 : i32
    %dma_wait3A_76 = tpu.memref_slice %arg6[%add3A_51, %dma_wait3A_75] : memref<160000x128xf32, #tpu.memory_space<hbm>> -> memref<80x128xf32, #tpu.memory_space<hbm>>
    %dma_wait3A_77 = arith.constant 0 : i32
    %dma_wait3A_78 = tpu.memref_slice %arg6[%add3A_51, %dma_wait3A_77] : memref<160000x128xf32, #tpu.memory_space<hbm>> -> memref<80x128xf32, #tpu.memory_space<hbm>>
    %dma_wait3A_79 = arith.constant 0 : i32
    %dma_wait3A_80 = arith.constant 0 : i32
    %dma_wait3A_81 = tpu.memref_slice %arg10[%dma_wait3A_79, %dma_wait3A_80] : memref<80x128xf32, #tpu.memory_space<vmem>> -> memref<80x128xf32, #tpu.memory_space<vmem>>
    tpu.wait_dma2 semaphore(%arg22 : memref<!tpu.dma_semaphore, #tpu.memory_space<semaphore_mem>>) src(%dma_wait3A_81 : memref<80x128xf32, #tpu.memory_space<vmem>>) dst(%dma_wait3A_78 : memref<80x128xf32, #tpu.memory_space<hbm>>)
    %dma_start3A_82 = arith.constant 0 : i32
    %dma_start3A_83 = arith.constant 0 : i32
    %dma_start3A_84 = tpu.memref_slice %arg9[%dma_start3A_82, %dma_start3A_83] : memref<80x128xf32, #tpu.memory_space<vmem>> -> memref<80x128xf32, #tpu.memory_space<vmem>>
    %dma_start3A_85 = arith.constant 4880 : i32
    %dma_start3A_86 = tpu.memref_slice %arg7[%dma_start3A_85] : memref<5000xi32, #tpu.memory_space<vmem>> -> memref<80xi32, #tpu.memory_space<vmem>>
    %dma_start3A_87 = arith.constant 0 : i32
    %dma_start3A_88 = arith.constant 0 : i32
    %dma_start3A_89 = tpu.memref_slice %arg2[%dma_start3A_87, %dma_start3A_88] : memref<10000x128xf32, #tpu.memory_space<hbm>> -> memref<10000x128xf32, #tpu.memory_space<hbm>>
    tpu.enqueue_indirect_dma source(%dma_start3A_89 : memref<10000x128xf32, #tpu.memory_space<hbm>>) target(%dma_start3A_84 : memref<80x128xf32, #tpu.memory_space<vmem>>) offsets(%dma_start3A_86 : memref<80xi32, #tpu.memory_space<vmem>>) semaphore(%arg15 : memref<!tpu.dma_semaphore, #tpu.memory_space<semaphore_mem>>)
    %dma_start3A_90 = arith.constant 0 : i32
    %dma_start3A_91 = arith.constant 0 : i32
    %dma_start3A_92 = tpu.memref_slice %arg10[%dma_start3A_90, %dma_start3A_91] : memref<80x128xf32, #tpu.memory_space<vmem>> -> memref<80x128xf32, #tpu.memory_space<vmem>>
    %dma_start3A_93 = arith.constant 4880 : i32
    %dma_start3A_94 = tpu.memref_slice %arg8[%dma_start3A_93] : memref<5000xi32, #tpu.memory_space<vmem>> -> memref<80xi32, #tpu.memory_space<vmem>>
    %dma_start3A_95 = arith.constant 0 : i32
    %dma_start3A_96 = arith.constant 0 : i32
    %dma_start3A_97 = tpu.memref_slice %arg2[%dma_start3A_95, %dma_start3A_96] : memref<10000x128xf32, #tpu.memory_space<hbm>> -> memref<10000x128xf32, #tpu.memory_space<hbm>>
    tpu.enqueue_indirect_dma source(%dma_start3A_97 : memref<10000x128xf32, #tpu.memory_space<hbm>>) target(%dma_start3A_92 : memref<80x128xf32, #tpu.memory_space<vmem>>) offsets(%dma_start3A_94 : memref<80xi32, #tpu.memory_space<vmem>>) semaphore(%arg16 : memref<!tpu.dma_semaphore, #tpu.memory_space<semaphore_mem>>)
    %dma_wait3A_98 = arith.constant 0 : i32
    %dma_wait3A_99 = arith.constant 0 : i32
    %dma_wait3A_100 = tpu.memref_slice %arg9[%dma_wait3A_98, %dma_wait3A_99] : memref<80x128xf32, #tpu.memory_space<vmem>> -> memref<80x128xf32, #tpu.memory_space<vmem>>
    %dma_wait3A_101 = arith.constant 4880 : i32
    %dma_wait3A_102 = tpu.memref_slice %arg7[%dma_wait3A_101] : memref<5000xi32, #tpu.memory_space<vmem>> -> memref<80xi32, #tpu.memory_space<vmem>>
    %dma_wait3A_103 = arith.constant 0 : i32
    %dma_wait3A_104 = arith.constant 0 : i32
    %dma_wait3A_105 = tpu.memref_slice %arg2[%dma_wait3A_103, %dma_wait3A_104] : memref<10000x128xf32, #tpu.memory_space<hbm>> -> memref<10000x128xf32, #tpu.memory_space<hbm>>
    tpu.wait_indirect_dma semaphore(%arg15 : memref<!tpu.dma_semaphore, #tpu.memory_space<semaphore_mem>>) src(%dma_wait3A_105 : memref<10000x128xf32, #tpu.memory_space<hbm>>) dst(%dma_wait3A_100 : memref<80x128xf32, #tpu.memory_space<vmem>>)
    %add3A_106 = arith.constant 4880 : i32
    %add3A_107 = arith.addi %mul3A_2, %add3A_106 : i32
    %dma_start3A_108 = arith.constant 0 : i32
    %dma_start3A_109 = arith.constant 0 : i32
    %dma_start3A_110 = tpu.memref_slice %arg9[%dma_start3A_108, %dma_start3A_109] : memref<80x128xf32, #tpu.memory_space<vmem>> -> memref<80x128xf32, #tpu.memory_space<vmem>>
    %dma_start3A_111 = arith.constant 0 : i32
    %dma_start3A_112 = tpu.memref_slice %arg5[%add3A_107, %dma_start3A_111] : memref<160000x128xf32, #tpu.memory_space<hbm>> -> memref<80x128xf32, #tpu.memory_space<hbm>>
    %dma_start3A_113 = arith.constant 0 : i32
    %dma_start3A_114 = tpu.memref_slice %arg5[%add3A_107, %dma_start3A_113] : memref<160000x128xf32, #tpu.memory_space<hbm>> -> memref<80x128xf32, #tpu.memory_space<hbm>>
    %dma_start3A_115 = arith.constant 0 : i32
    %dma_start3A_116 = arith.constant 0 : i32
    %dma_start3A_117 = tpu.memref_slice %arg9[%dma_start3A_115, %dma_start3A_116] : memref<80x128xf32, #tpu.memory_space<vmem>> -> memref<80x128xf32, #tpu.memory_space<vmem>>
    tpu.enqueue_dma source(%dma_start3A_117 : memref<80x128xf32, #tpu.memory_space<vmem>>) target(%dma_start3A_114 : memref<80x128xf32, #tpu.memory_space<hbm>>) target_semaphore(%arg21 : memref<!tpu.dma_semaphore, #tpu.memory_space<semaphore_mem>>)
    %dma_wait3A_118 = arith.constant 0 : i32
    %dma_wait3A_119 = arith.constant 0 : i32
    %dma_wait3A_120 = tpu.memref_slice %arg10[%dma_wait3A_118, %dma_wait3A_119] : memref<80x128xf32, #tpu.memory_space<vmem>> -> memref<80x128xf32, #tpu.memory_space<vmem>>
    %dma_wait3A_121 = arith.constant 4880 : i32
    %dma_wait3A_122 = tpu.memref_slice %arg8[%dma_wait3A_121] : memref<5000xi32, #tpu.memory_space<vmem>> -> memref<80xi32, #tpu.memory_space<vmem>>
    %dma_wait3A_123 = arith.constant 0 : i32
    %dma_wait3A_124 = arith.constant 0 : i32
    %dma_wait3A_125 = tpu.memref_slice %arg2[%dma_wait3A_123, %dma_wait3A_124] : memref<10000x128xf32, #tpu.memory_space<hbm>> -> memref<10000x128xf32, #tpu.memory_space<hbm>>
    tpu.wait_indirect_dma semaphore(%arg16 : memref<!tpu.dma_semaphore, #tpu.memory_space<semaphore_mem>>) src(%dma_wait3A_125 : memref<10000x128xf32, #tpu.memory_space<hbm>>) dst(%dma_wait3A_120 : memref<80x128xf32, #tpu.memory_space<vmem>>)
    %add3A_126 = arith.constant 4880 : i32
    %add3A_127 = arith.addi %mul3A_2, %add3A_126 : i32
    %dma_start3A_128 = arith.constant 0 : i32
    %dma_start3A_129 = arith.constant 0 : i32
    %dma_start3A_130 = tpu.memref_slice %arg10[%dma_start3A_128, %dma_start3A_129] : memref<80x128xf32, #tpu.memory_space<vmem>> -> memref<80x128xf32, #tpu.memory_space<vmem>>
    %dma_start3A_131 = arith.constant 0 : i32
    %dma_start3A_132 = tpu.memref_slice %arg6[%add3A_127, %dma_start3A_131] : memref<160000x128xf32, #tpu.memory_space<hbm>> -> memref<80x128xf32, #tpu.memory_space<hbm>>
    %dma_start3A_133 = arith.constant 0 : i32
    %dma_start3A_134 = tpu.memref_slice %arg6[%add3A_127, %dma_start3A_133] : memref<160000x128xf32, #tpu.memory_space<hbm>> -> memref<80x128xf32, #tpu.memory_space<hbm>>
    %dma_start3A_135 = arith.constant 0 : i32
    %dma_start3A_136 = arith.constant 0 : i32
    %dma_start3A_137 = tpu.memref_slice %arg10[%dma_start3A_135, %dma_start3A_136] : memref<80x128xf32, #tpu.memory_space<vmem>> -> memref<80x128xf32, #tpu.memory_space<vmem>>
    tpu.enqueue_dma source(%dma_start3A_137 : memref<80x128xf32, #tpu.memory_space<vmem>>) target(%dma_start3A_134 : memref<80x128xf32, #tpu.memory_space<hbm>>) target_semaphore(%arg22 : memref<!tpu.dma_semaphore, #tpu.memory_space<semaphore_mem>>)
    %dma_wait3A_138 = arith.constant 0 : i32
    %dma_wait3A_139 = arith.constant 0 : i32
    %dma_wait3A_140 = tpu.memref_slice %arg9[%dma_wait3A_138, %dma_wait3A_139] : memref<80x128xf32, #tpu.memory_space<vmem>> -> memref<80x128xf32, #tpu.memory_space<vmem>>
    %dma_wait3A_141 = arith.constant 0 : i32
    %dma_wait3A_142 = tpu.memref_slice %arg5[%add3A_107, %dma_wait3A_141] : memref<160000x128xf32, #tpu.memory_space<hbm>> -> memref<80x128xf32, #tpu.memory_space<hbm>>
    %dma_wait3A_143 = arith.constant 0 : i32
    %dma_wait3A_144 = tpu.memref_slice %arg5[%add3A_107, %dma_wait3A_143] : memref<160000x128xf32, #tpu.memory_space<hbm>> -> memref<80x128xf32, #tpu.memory_space<hbm>>
    %dma_wait3A_145 = arith.constant 0 : i32
    %dma_wait3A_146 = arith.constant 0 : i32
    %dma_wait3A_147 = tpu.memref_slice %arg9[%dma_wait3A_145, %dma_wait3A_146] : memref<80x128xf32, #tpu.memory_space<vmem>> -> memref<80x128xf32, #tpu.memory_space<vmem>>
    tpu.wait_dma2 semaphore(%arg21 : memref<!tpu.dma_semaphore, #tpu.memory_space<semaphore_mem>>) src(%dma_wait3A_147 : memref<80x128xf32, #tpu.memory_space<vmem>>) dst(%dma_wait3A_144 : memref<80x128xf32, #tpu.memory_space<hbm>>)
    %dma_wait3A_148 = arith.constant 0 : i32
    %dma_wait3A_149 = arith.constant 0 : i32
    %dma_wait3A_150 = tpu.memref_slice %arg10[%dma_wait3A_148, %dma_wait3A_149] : memref<80x128xf32, #tpu.memory_space<vmem>> -> memref<80x128xf32, #tpu.memory_space<vmem>>
    %dma_wait3A_151 = arith.constant 0 : i32
    %dma_wait3A_152 = tpu.memref_slice %arg6[%add3A_127, %dma_wait3A_151] : memref<160000x128xf32, #tpu.memory_space<hbm>> -> memref<80x128xf32, #tpu.memory_space<hbm>>
    %dma_wait3A_153 = arith.constant 0 : i32
    %dma_wait3A_154 = tpu.memref_slice %arg6[%add3A_127, %dma_wait3A_153] : memref<160000x128xf32, #tpu.memory_space<hbm>> -> memref<80x128xf32, #tpu.memory_space<hbm>>
    %dma_wait3A_155 = arith.constant 0 : i32
    %dma_wait3A_156 = arith.constant 0 : i32
    %dma_wait3A_157 = tpu.memref_slice %arg10[%dma_wait3A_155, %dma_wait3A_156] : memref<80x128xf32, #tpu.memory_space<vmem>> -> memref<80x128xf32, #tpu.memory_space<vmem>>
    tpu.wait_dma2 semaphore(%arg22 : memref<!tpu.dma_semaphore, #tpu.memory_space<semaphore_mem>>) src(%dma_wait3A_157 : memref<80x128xf32, #tpu.memory_space<vmem>>) dst(%dma_wait3A_154 : memref<80x128xf32, #tpu.memory_space<hbm>>)
    %dma_start3A_158 = arith.constant 0 : i32
    %dma_start3A_159 = arith.constant 0 : i32
    %dma_start3A_160 = tpu.memref_slice %arg9[%dma_start3A_158, %dma_start3A_159] : memref<80x128xf32, #tpu.memory_space<vmem>> -> memref<40x128xf32, #tpu.memory_space<vmem>>
    %dma_start3A_161 = arith.constant 4960 : i32
    %dma_start3A_162 = tpu.memref_slice %arg7[%dma_start3A_161] : memref<5000xi32, #tpu.memory_space<vmem>> -> memref<40xi32, #tpu.memory_space<vmem>>
    %dma_start3A_163 = arith.constant 0 : i32
    %dma_start3A_164 = arith.constant 0 : i32
    %dma_start3A_165 = tpu.memref_slice %arg2[%dma_start3A_163, %dma_start3A_164] : memref<10000x128xf32, #tpu.memory_space<hbm>> -> memref<10000x128xf32, #tpu.memory_space<hbm>>
    tpu.enqueue_indirect_dma source(%dma_start3A_165 : memref<10000x128xf32, #tpu.memory_space<hbm>>) target(%dma_start3A_160 : memref<40x128xf32, #tpu.memory_space<vmem>>) offsets(%dma_start3A_162 : memref<40xi32, #tpu.memory_space<vmem>>) semaphore(%arg15 : memref<!tpu.dma_semaphore, #tpu.memory_space<semaphore_mem>>)
    %dma_start3A_166 = arith.constant 0 : i32
    %dma_start3A_167 = arith.constant 0 : i32
    %dma_start3A_168 = tpu.memref_slice %arg10[%dma_start3A_166, %dma_start3A_167] : memref<80x128xf32, #tpu.memory_space<vmem>> -> memref<40x128xf32, #tpu.memory_space<vmem>>
    %dma_start3A_169 = arith.constant 4960 : i32
    %dma_start3A_170 = tpu.memref_slice %arg8[%dma_start3A_169] : memref<5000xi32, #tpu.memory_space<vmem>> -> memref<40xi32, #tpu.memory_space<vmem>>
    %dma_start3A_171 = arith.constant 0 : i32
    %dma_start3A_172 = arith.constant 0 : i32
    %dma_start3A_173 = tpu.memref_slice %arg2[%dma_start3A_171, %dma_start3A_172] : memref<10000x128xf32, #tpu.memory_space<hbm>> -> memref<10000x128xf32, #tpu.memory_space<hbm>>
    tpu.enqueue_indirect_dma source(%dma_start3A_173 : memref<10000x128xf32, #tpu.memory_space<hbm>>) target(%dma_start3A_168 : memref<40x128xf32, #tpu.memory_space<vmem>>) offsets(%dma_start3A_170 : memref<40xi32, #tpu.memory_space<vmem>>) semaphore(%arg16 : memref<!tpu.dma_semaphore, #tpu.memory_space<semaphore_mem>>)
    %dma_wait3A_174 = arith.constant 0 : i32
    %dma_wait3A_175 = arith.constant 0 : i32
    %dma_wait3A_176 = tpu.memref_slice %arg9[%dma_wait3A_174, %dma_wait3A_175] : memref<80x128xf32, #tpu.memory_space<vmem>> -> memref<40x128xf32, #tpu.memory_space<vmem>>
    %dma_wait3A_177 = arith.constant 4960 : i32
    %dma_wait3A_178 = tpu.memref_slice %arg7[%dma_wait3A_177] : memref<5000xi32, #tpu.memory_space<vmem>> -> memref<40xi32, #tpu.memory_space<vmem>>
    %dma_wait3A_179 = arith.constant 0 : i32
    %dma_wait3A_180 = arith.constant 0 : i32
    %dma_wait3A_181 = tpu.memref_slice %arg2[%dma_wait3A_179, %dma_wait3A_180] : memref<10000x128xf32, #tpu.memory_space<hbm>> -> memref<10000x128xf32, #tpu.memory_space<hbm>>
    tpu.wait_indirect_dma semaphore(%arg15 : memref<!tpu.dma_semaphore, #tpu.memory_space<semaphore_mem>>) src(%dma_wait3A_181 : memref<10000x128xf32, #tpu.memory_space<hbm>>) dst(%dma_wait3A_176 : memref<40x128xf32, #tpu.memory_space<vmem>>)
    %add3A_182 = arith.constant 4960 : i32
    %add3A_183 = arith.addi %mul3A_2, %add3A_182 : i32
    %dma_start3A_184 = arith.constant 0 : i32
    %dma_start3A_185 = arith.constant 0 : i32
    %dma_start3A_186 = tpu.memref_slice %arg9[%dma_start3A_184, %dma_start3A_185] : memref<80x128xf32, #tpu.memory_space<vmem>> -> memref<40x128xf32, #tpu.memory_space<vmem>>
    %dma_start3A_187 = arith.constant 0 : i32
    %dma_start3A_188 = tpu.memref_slice %arg5[%add3A_183, %dma_start3A_187] : memref<160000x128xf32, #tpu.memory_space<hbm>> -> memref<40x128xf32, #tpu.memory_space<hbm>>
    %dma_start3A_189 = arith.constant 0 : i32
    %dma_start3A_190 = tpu.memref_slice %arg5[%add3A_183, %dma_start3A_189] : memref<160000x128xf32, #tpu.memory_space<hbm>> -> memref<40x128xf32, #tpu.memory_space<hbm>>
    %dma_start3A_191 = arith.constant 0 : i32
    %dma_start3A_192 = arith.constant 0 : i32
    %dma_start3A_193 = tpu.memref_slice %arg9[%dma_start3A_191, %dma_start3A_192] : memref<80x128xf32, #tpu.memory_space<vmem>> -> memref<40x128xf32, #tpu.memory_space<vmem>>
    tpu.enqueue_dma source(%dma_start3A_193 : memref<40x128xf32, #tpu.memory_space<vmem>>) target(%dma_start3A_190 : memref<40x128xf32, #tpu.memory_space<hbm>>) target_semaphore(%arg21 : memref<!tpu.dma_semaphore, #tpu.memory_space<semaphore_mem>>)
    %dma_wait3A_194 = arith.constant 0 : i32
    %dma_wait3A_195 = arith.constant 0 : i32
    %dma_wait3A_196 = tpu.memref_slice %arg10[%dma_wait3A_194, %dma_wait3A_195] : memref<80x128xf32, #tpu.memory_space<vmem>> -> memref<40x128xf32, #tpu.memory_space<vmem>>
    %dma_wait3A_197 = arith.constant 4960 : i32
    %dma_wait3A_198 = tpu.memref_slice %arg8[%dma_wait3A_197] : memref<5000xi32, #tpu.memory_space<vmem>> -> memref<40xi32, #tpu.memory_space<vmem>>
    %dma_wait3A_199 = arith.constant 0 : i32
    %dma_wait3A_200 = arith.constant 0 : i32
    %dma_wait3A_201 = tpu.memref_slice %arg2[%dma_wait3A_199, %dma_wait3A_200] : memref<10000x128xf32, #tpu.memory_space<hbm>> -> memref<10000x128xf32, #tpu.memory_space<hbm>>
    tpu.wait_indirect_dma semaphore(%arg16 : memref<!tpu.dma_semaphore, #tpu.memory_space<semaphore_mem>>) src(%dma_wait3A_201 : memref<10000x128xf32, #tpu.memory_space<hbm>>) dst(%dma_wait3A_196 : memref<40x128xf32, #tpu.memory_space<vmem>>)
    %add3A_202 = arith.constant 4960 : i32
    %add3A_203 = arith.addi %mul3A_2, %add3A_202 : i32
    %dma_start3A_204 = arith.constant 0 : i32
    %dma_start3A_205 = arith.constant 0 : i32
    %dma_start3A_206 = tpu.memref_slice %arg10[%dma_start3A_204, %dma_start3A_205] : memref<80x128xf32, #tpu.memory_space<vmem>> -> memref<40x128xf32, #tpu.memory_space<vmem>>
    %dma_start3A_207 = arith.constant 0 : i32
    %dma_start3A_208 = tpu.memref_slice %arg6[%add3A_203, %dma_start3A_207] : memref<160000x128xf32, #tpu.memory_space<hbm>> -> memref<40x128xf32, #tpu.memory_space<hbm>>
    %dma_start3A_209 = arith.constant 0 : i32
    %dma_start3A_210 = tpu.memref_slice %arg6[%add3A_203, %dma_start3A_209] : memref<160000x128xf32, #tpu.memory_space<hbm>> -> memref<40x128xf32, #tpu.memory_space<hbm>>
    %dma_start3A_211 = arith.constant 0 : i32
    %dma_start3A_212 = arith.constant 0 : i32
    %dma_start3A_213 = tpu.memref_slice %arg10[%dma_start3A_211, %dma_start3A_212] : memref<80x128xf32, #tpu.memory_space<vmem>> -> memref<40x128xf32, #tpu.memory_space<vmem>>
    tpu.enqueue_dma source(%dma_start3A_213 : memref<40x128xf32, #tpu.memory_space<vmem>>) target(%dma_start3A_210 : memref<40x128xf32, #tpu.memory_space<hbm>>) target_semaphore(%arg22 : memref<!tpu.dma_semaphore, #tpu.memory_space<semaphore_mem>>)
    %dma_wait3A_214 = arith.constant 0 : i32
    %dma_wait3A_215 = arith.constant 0 : i32
    %dma_wait3A_216 = tpu.memref_slice %arg9[%dma_wait3A_214, %dma_wait3A_215] : memref<80x128xf32, #tpu.memory_space<vmem>> -> memref<40x128xf32, #tpu.memory_space<vmem>>
    %dma_wait3A_217 = arith.constant 0 : i32
    %dma_wait3A_218 = tpu.memref_slice %arg5[%add3A_183, %dma_wait3A_217] : memref<160000x128xf32, #tpu.memory_space<hbm>> -> memref<40x128xf32, #tpu.memory_space<hbm>>
    %dma_wait3A_219 = arith.constant 0 : i32
    %dma_wait3A_220 = tpu.memref_slice %arg5[%add3A_183, %dma_wait3A_219] : memref<160000x128xf32, #tpu.memory_space<hbm>> -> memref<40x128xf32, #tpu.memory_space<hbm>>
    %dma_wait3A_221 = arith.constant 0 : i32
    %dma_wait3A_222 = arith.constant 0 : i32
    %dma_wait3A_223 = tpu.memref_slice %arg9[%dma_wait3A_221, %dma_wait3A_222] : memref<80x128xf32, #tpu.memory_space<vmem>> -> memref<40x128xf32, #tpu.memory_space<vmem>>
    tpu.wait_dma2 semaphore(%arg21 : memref<!tpu.dma_semaphore, #tpu.memory_space<semaphore_mem>>) src(%dma_wait3A_223 : memref<40x128xf32, #tpu.memory_space<vmem>>) dst(%dma_wait3A_220 : memref<40x128xf32, #tpu.memory_space<hbm>>)
    %dma_wait3A_224 = arith.constant 0 : i32
    %dma_wait3A_225 = arith.constant 0 : i32
    %dma_wait3A_226 = tpu.memref_slice %arg10[%dma_wait3A_224, %dma_wait3A_225] : memref<80x128xf32, #tpu.memory_space<vmem>> -> memref<40x128xf32, #tpu.memory_space<vmem>>
    %dma_wait3A_227 = arith.constant 0 : i32
    %dma_wait3A_228 = tpu.memref_slice %arg6[%add3A_203, %dma_wait3A_227] : memref<160000x128xf32, #tpu.memory_space<hbm>> -> memref<40x128xf32, #tpu.memory_space<hbm>>
    %dma_wait3A_229 = arith.constant 0 : i32
    %dma_wait3A_230 = tpu.memref_slice %arg6[%add3A_203, %dma_wait3A_229] : memref<160000x128xf32, #tpu.memory_space<hbm>> -> memref<40x128xf32, #tpu.memory_space<hbm>>
    %dma_wait3A_231 = arith.constant 0 : i32
    %dma_wait3A_232 = arith.constant 0 : i32
    %dma_wait3A_233 = tpu.memref_slice %arg10[%dma_wait3A_231, %dma_wait3A_232] : memref<80x128xf32, #tpu.memory_space<vmem>> -> memref<40x128xf32, #tpu.memory_space<vmem>>
    tpu.wait_dma2 semaphore(%arg22 : memref<!tpu.dma_semaphore, #tpu.memory_space<semaphore_mem>>) src(%dma_wait3A_233 : memref<40x128xf32, #tpu.memory_space<vmem>>) dst(%dma_wait3A_230 : memref<40x128xf32, #tpu.memory_space<hbm>>)
    return
  }
}

#map = affine_map<(d0, d1) -> (0, 0)>
#map1 = affine_map<(d0, d1) -> (0, 0, 0)>
module attributes {stable_mosaic.version = 14 : i64} {
  func.func @k(%arg0: i32, %arg1: i32, %arg2: memref<160000x128xf32, #tpu.memory_space<hbm>>, %arg3: memref<160000x128xf32, #tpu.memory_space<hbm>>, %arg4: memref<32x125x40xi32, #tpu.memory_space<hbm>>, %arg5: memref<10000x128xf32, #tpu.memory_space<hbm>>, %arg6: memref<2x10000x128xf32, #tpu.memory_space<hbm>>, %arg7: memref<2x10000x128xf32, #tpu.memory_space<hbm>>, %arg8: memref<125x40xi32, #tpu.memory_space<vmem>>, %arg9: memref<40x128xf32, #tpu.memory_space<vmem>>, %arg10: memref<40x128xf32, #tpu.memory_space<vmem>>, %arg11: memref<40x128xf32, #tpu.memory_space<vmem>>, %arg12: memref<40x128xf32, #tpu.memory_space<vmem>>, %arg13: memref<40x128xf32, #tpu.memory_space<vmem>>, %arg14: memref<10000x128xf32, #tpu.memory_space<vmem_shared>>, %arg15: memref<!tpu.dma_semaphore, #tpu.memory_space<semaphore_mem>>, %arg16: memref<!tpu.dma_semaphore, #tpu.memory_space<semaphore_mem>>, %arg17: memref<!tpu.dma_semaphore, #tpu.memory_space<semaphore_mem>>, %arg18: memref<!tpu.dma_semaphore, #tpu.memory_space<semaphore_mem>>, %arg19: memref<!tpu.dma_semaphore, #tpu.memory_space<semaphore_mem>>, %arg20: memref<!tpu.dma_semaphore, #tpu.memory_space<semaphore_mem>>, %arg21: memref<!tpu.dma_semaphore, #tpu.memory_space<semaphore_mem>>, %arg22: memref<!tpu.dma_semaphore, #tpu.memory_space<semaphore_mem>>, %arg23: memref<!tpu.dma_semaphore, #tpu.memory_space<semaphore_mem>>, %arg24: memref<!tpu.dma_semaphore, #tpu.memory_space<semaphore_mem>>) attributes {dimension_semantics = [#tpu.dimension_semantics<core_parallel>, #tpu.dimension_semantics<subcore_parallel>], iteration_bounds = array<i64: 2, 16>, scalar_prefetch = 0 : i64, scratch_operands = 17 : i64, tpu.core_type = #tpu.core_type<sc_vector_subcore>, window_params = [{transform_indices = #map}, {transform_indices = #map}, {transform_indices = #map1}, {transform_indices = #map}, {transform_indices = #map1}, {transform_indices = #map1}]} {
    %mul3A = arith.constant 2 : i32
    %mul3A_0 = arith.muli %arg1, %mul3A : i32
    %add3A = arith.addi %mul3A_0, %arg0 : i32
    %mul3A_1 = arith.constant 5000 : i32
    %mul3A_2 = arith.muli %add3A, %mul3A_1 : i32
    %mul3A_3 = arith.constant 624 : i32
    %mul3A_4 = arith.muli %arg1, %mul3A_3 : i32
    "tpu.region"() ({
      %run_scoped3A = tpu.sem_alloc : memref<!tpu.dma_semaphore, #tpu.memory_space<semaphore_mem>>
      %dma_start3A = arith.constant 0 : i32
      %dma_start3A_38 = arith.constant 0 : i32
      %dma_start3A_39 = tpu.memref_slice %arg4[%add3A, %dma_start3A, %dma_start3A_38] : memref<32x125x40xi32, #tpu.memory_space<hbm>> -> memref<1x125x40xi32, #tpu.memory_space<hbm>>
      %dma_start3A_40 = tpu.memref_squeeze %dma_start3A_39 : memref<1x125x40xi32, #tpu.memory_space<hbm>> -> memref<125x40xi32, #tpu.memory_space<hbm>>
      %dma_start3A_41 = arith.constant 0 : i32
      %dma_start3A_42 = arith.constant 0 : i32
      %dma_start3A_43 = tpu.memref_slice %arg4[%add3A, %dma_start3A_41, %dma_start3A_42] : memref<32x125x40xi32, #tpu.memory_space<hbm>> -> memref<1x125x40xi32, #tpu.memory_space<hbm>>
      %dma_start3A_44 = tpu.memref_squeeze %dma_start3A_43 : memref<1x125x40xi32, #tpu.memory_space<hbm>> -> memref<125x40xi32, #tpu.memory_space<hbm>>
      tpu.enqueue_dma source(%dma_start3A_44 : memref<125x40xi32, #tpu.memory_space<hbm>>) target(%arg8 : memref<125x40xi32, #tpu.memory_space<vmem>>) target_semaphore(%run_scoped3A : memref<!tpu.dma_semaphore, #tpu.memory_space<semaphore_mem>>)
      %dma_wait3A = arith.constant 0 : i32
      %dma_wait3A_45 = arith.constant 0 : i32
      %dma_wait3A_46 = tpu.memref_slice %arg4[%add3A, %dma_wait3A, %dma_wait3A_45] : memref<32x125x40xi32, #tpu.memory_space<hbm>> -> memref<1x125x40xi32, #tpu.memory_space<hbm>>
      %dma_wait3A_47 = tpu.memref_squeeze %dma_wait3A_46 : memref<1x125x40xi32, #tpu.memory_space<hbm>> -> memref<125x40xi32, #tpu.memory_space<hbm>>
      %dma_wait3A_48 = arith.constant 0 : i32
      %dma_wait3A_49 = arith.constant 0 : i32
      %dma_wait3A_50 = tpu.memref_slice %arg4[%add3A, %dma_wait3A_48, %dma_wait3A_49] : memref<32x125x40xi32, #tpu.memory_space<hbm>> -> memref<1x125x40xi32, #tpu.memory_space<hbm>>
      %dma_wait3A_51 = tpu.memref_squeeze %dma_wait3A_50 : memref<1x125x40xi32, #tpu.memory_space<hbm>> -> memref<125x40xi32, #tpu.memory_space<hbm>>
      tpu.wait_dma2 semaphore(%run_scoped3A : memref<!tpu.dma_semaphore, #tpu.memory_space<semaphore_mem>>) src(%dma_wait3A_51 : memref<125x40xi32, #tpu.memory_space<hbm>>) dst(%arg8 : memref<125x40xi32, #tpu.memory_space<vmem>>)
      tpu.yield
    }) : () -> ()
    "tpu.region"() ({
      %run_scoped3A = tpu.sem_alloc : memref<!tpu.dma_semaphore, #tpu.memory_space<semaphore_mem>>
      %dma_start3A = arith.constant 0 : i32
      %dma_start3A_38 = tpu.memref_slice %arg14[%mul3A_4, %dma_start3A] : memref<10000x128xf32, #tpu.memory_space<vmem_shared>> -> memref<624x128xf32, #tpu.memory_space<vmem_shared>>
      %dma_start3A_39 = arith.constant 0 : i32
      %dma_start3A_40 = tpu.memref_slice %arg5[%mul3A_4, %dma_start3A_39] : memref<10000x128xf32, #tpu.memory_space<hbm>> -> memref<624x128xf32, #tpu.memory_space<hbm>>
      tpu.enqueue_dma source(%dma_start3A_40 : memref<624x128xf32, #tpu.memory_space<hbm>>) target(%dma_start3A_38 : memref<624x128xf32, #tpu.memory_space<vmem_shared>>) target_semaphore(%run_scoped3A : memref<!tpu.dma_semaphore, #tpu.memory_space<semaphore_mem>>)
      %dma_wait3A = arith.constant 0 : i32
      %dma_wait3A_41 = tpu.memref_slice %arg14[%mul3A_4, %dma_wait3A] : memref<10000x128xf32, #tpu.memory_space<vmem_shared>> -> memref<624x128xf32, #tpu.memory_space<vmem_shared>>
      %dma_wait3A_42 = arith.constant 0 : i32
      %dma_wait3A_43 = tpu.memref_slice %arg5[%mul3A_4, %dma_wait3A_42] : memref<10000x128xf32, #tpu.memory_space<hbm>> -> memref<624x128xf32, #tpu.memory_space<hbm>>
      tpu.wait_dma2 semaphore(%run_scoped3A : memref<!tpu.dma_semaphore, #tpu.memory_space<semaphore_mem>>) src(%dma_wait3A_43 : memref<624x128xf32, #tpu.memory_space<hbm>>) dst(%dma_wait3A_41 : memref<624x128xf32, #tpu.memory_space<vmem_shared>>)
      tpu.yield
    }) : () -> ()
    %eq3A = arith.constant 15 : i32
    %eq3A_5 = arith.cmpi eq, %arg1, %eq3A : i32
    %convert_element_type3A = arith.extui %eq3A_5 : i1 to i32
    %cond3A = arith.constant 0 : i32
    %cond3A_6 = arith.cmpi ne, %convert_element_type3A, %cond3A : i32
    scf.if %cond3A_6 {
      "tpu.region"() ({
        %run_scoped3A = tpu.sem_alloc : memref<!tpu.dma_semaphore, #tpu.memory_space<semaphore_mem>>
        %dma_start3A = arith.constant 9984 : i32
        %dma_start3A_38 = arith.constant 0 : i32
        %dma_start3A_39 = tpu.memref_slice %arg14[%dma_start3A, %dma_start3A_38] : memref<10000x128xf32, #tpu.memory_space<vmem_shared>> -> memref<16x128xf32, #tpu.memory_space<vmem_shared>>
        %dma_start3A_40 = arith.constant 9984 : i32
        %dma_start3A_41 = arith.constant 0 : i32
        %dma_start3A_42 = tpu.memref_slice %arg5[%dma_start3A_40, %dma_start3A_41] : memref<10000x128xf32, #tpu.memory_space<hbm>> -> memref<16x128xf32, #tpu.memory_space<hbm>>
        tpu.enqueue_dma source(%dma_start3A_42 : memref<16x128xf32, #tpu.memory_space<hbm>>) target(%dma_start3A_39 : memref<16x128xf32, #tpu.memory_space<vmem_shared>>) target_semaphore(%run_scoped3A : memref<!tpu.dma_semaphore, #tpu.memory_space<semaphore_mem>>)
        %dma_wait3A = arith.constant 9984 : i32
        %dma_wait3A_43 = arith.constant 0 : i32
        %dma_wait3A_44 = tpu.memref_slice %arg14[%dma_wait3A, %dma_wait3A_43] : memref<10000x128xf32, #tpu.memory_space<vmem_shared>> -> memref<16x128xf32, #tpu.memory_space<vmem_shared>>
        %dma_wait3A_45 = arith.constant 9984 : i32
        %dma_wait3A_46 = arith.constant 0 : i32
        %dma_wait3A_47 = tpu.memref_slice %arg5[%dma_wait3A_45, %dma_wait3A_46] : memref<10000x128xf32, #tpu.memory_space<hbm>> -> memref<16x128xf32, #tpu.memory_space<hbm>>
        tpu.wait_dma2 semaphore(%run_scoped3A : memref<!tpu.dma_semaphore, #tpu.memory_space<semaphore_mem>>) src(%dma_wait3A_47 : memref<16x128xf32, #tpu.memory_space<hbm>>) dst(%dma_wait3A_44 : memref<16x128xf32, #tpu.memory_space<vmem_shared>>)
        tpu.yield
      }) : () -> ()
    } else {
    }
    %barrier3A = arith.constant 0 : index
    tpu.barrier barrier_id(%barrier3A)
    %scan3A = arith.constant 0 : i32
    %scan3A_7 = arith.constant 0 : i32
    %scan3A_8 = arith.constant 25 : i32
    %scan3A_9 = arith.addi %scan3A_7, %scan3A_8 : i32
    %scan3A_10 = arith.constant 1 : i32
    scf.for %scan3A_38 = %scan3A_7 to %scan3A_9 step %scan3A_10  : i32 {
      %mul3A_39 = arith.constant 5 : i32
      %mul3A_40 = arith.muli %scan3A_38, %mul3A_39 : i32
      %add3A_41 = arith.constant 0 : i32
      %add3A_42 = arith.addi %mul3A_40, %add3A_41 : i32
      %mul3A_43 = arith.constant 40 : i32
      %mul3A_44 = arith.muli %add3A_42, %mul3A_43 : i32
      %add3A_45 = arith.addi %mul3A_2, %mul3A_44 : i32
      %dma_start3A = arith.constant 0 : i32
      %dma_start3A_46 = tpu.memref_slice %arg2[%add3A_45, %dma_start3A] : memref<160000x128xf32, #tpu.memory_space<hbm>> -> memref<40x128xf32, #tpu.memory_space<hbm>>
      %dma_start3A_47 = arith.constant 0 : i32
      %dma_start3A_48 = tpu.memref_slice %arg2[%add3A_45, %dma_start3A_47] : memref<160000x128xf32, #tpu.memory_space<hbm>> -> memref<40x128xf32, #tpu.memory_space<hbm>>
      tpu.enqueue_dma source(%dma_start3A_48 : memref<40x128xf32, #tpu.memory_space<hbm>>) target(%arg9 : memref<40x128xf32, #tpu.memory_space<vmem>>) target_semaphore(%arg15 : memref<!tpu.dma_semaphore, #tpu.memory_space<semaphore_mem>>)
      %add3A_49 = arith.constant 1 : i32
      %add3A_50 = arith.addi %mul3A_40, %add3A_49 : i32
      %mul3A_51 = arith.constant 40 : i32
      %mul3A_52 = arith.muli %add3A_50, %mul3A_51 : i32
      %add3A_53 = arith.addi %mul3A_2, %mul3A_52 : i32
      %dma_start3A_54 = arith.constant 0 : i32
      %dma_start3A_55 = tpu.memref_slice %arg2[%add3A_53, %dma_start3A_54] : memref<160000x128xf32, #tpu.memory_space<hbm>> -> memref<40x128xf32, #tpu.memory_space<hbm>>
      %dma_start3A_56 = arith.constant 0 : i32
      %dma_start3A_57 = tpu.memref_slice %arg2[%add3A_53, %dma_start3A_56] : memref<160000x128xf32, #tpu.memory_space<hbm>> -> memref<40x128xf32, #tpu.memory_space<hbm>>
      tpu.enqueue_dma source(%dma_start3A_57 : memref<40x128xf32, #tpu.memory_space<hbm>>) target(%arg10 : memref<40x128xf32, #tpu.memory_space<vmem>>) target_semaphore(%arg16 : memref<!tpu.dma_semaphore, #tpu.memory_space<semaphore_mem>>)
      %add3A_58 = arith.constant 2 : i32
      %add3A_59 = arith.addi %mul3A_40, %add3A_58 : i32
      %mul3A_60 = arith.constant 40 : i32
      %mul3A_61 = arith.muli %add3A_59, %mul3A_60 : i32
      %add3A_62 = arith.addi %mul3A_2, %mul3A_61 : i32
      %dma_start3A_63 = arith.constant 0 : i32
      %dma_start3A_64 = tpu.memref_slice %arg2[%add3A_62, %dma_start3A_63] : memref<160000x128xf32, #tpu.memory_space<hbm>> -> memref<40x128xf32, #tpu.memory_space<hbm>>
      %dma_start3A_65 = arith.constant 0 : i32
      %dma_start3A_66 = tpu.memref_slice %arg2[%add3A_62, %dma_start3A_65] : memref<160000x128xf32, #tpu.memory_space<hbm>> -> memref<40x128xf32, #tpu.memory_space<hbm>>
      tpu.enqueue_dma source(%dma_start3A_66 : memref<40x128xf32, #tpu.memory_space<hbm>>) target(%arg11 : memref<40x128xf32, #tpu.memory_space<vmem>>) target_semaphore(%arg17 : memref<!tpu.dma_semaphore, #tpu.memory_space<semaphore_mem>>)
      %add3A_67 = arith.constant 3 : i32
      %add3A_68 = arith.addi %mul3A_40, %add3A_67 : i32
      %mul3A_69 = arith.constant 40 : i32
      %mul3A_70 = arith.muli %add3A_68, %mul3A_69 : i32
      %add3A_71 = arith.addi %mul3A_2, %mul3A_70 : i32
      %dma_start3A_72 = arith.constant 0 : i32
      %dma_start3A_73 = tpu.memref_slice %arg2[%add3A_71, %dma_start3A_72] : memref<160000x128xf32, #tpu.memory_space<hbm>> -> memref<40x128xf32, #tpu.memory_space<hbm>>
      %dma_start3A_74 = arith.constant 0 : i32
      %dma_start3A_75 = tpu.memref_slice %arg2[%add3A_71, %dma_start3A_74] : memref<160000x128xf32, #tpu.memory_space<hbm>> -> memref<40x128xf32, #tpu.memory_space<hbm>>
      tpu.enqueue_dma source(%dma_start3A_75 : memref<40x128xf32, #tpu.memory_space<hbm>>) target(%arg12 : memref<40x128xf32, #tpu.memory_space<vmem>>) target_semaphore(%arg18 : memref<!tpu.dma_semaphore, #tpu.memory_space<semaphore_mem>>)
      %add3A_76 = arith.constant 4 : i32
      %add3A_77 = arith.addi %mul3A_40, %add3A_76 : i32
      %mul3A_78 = arith.constant 40 : i32
      %mul3A_79 = arith.muli %add3A_77, %mul3A_78 : i32
      %add3A_80 = arith.addi %mul3A_2, %mul3A_79 : i32
      %dma_start3A_81 = arith.constant 0 : i32
      %dma_start3A_82 = tpu.memref_slice %arg2[%add3A_80, %dma_start3A_81] : memref<160000x128xf32, #tpu.memory_space<hbm>> -> memref<40x128xf32, #tpu.memory_space<hbm>>
      %dma_start3A_83 = arith.constant 0 : i32
      %dma_start3A_84 = tpu.memref_slice %arg2[%add3A_80, %dma_start3A_83] : memref<160000x128xf32, #tpu.memory_space<hbm>> -> memref<40x128xf32, #tpu.memory_space<hbm>>
      tpu.enqueue_dma source(%dma_start3A_84 : memref<40x128xf32, #tpu.memory_space<hbm>>) target(%arg13 : memref<40x128xf32, #tpu.memory_space<vmem>>) target_semaphore(%arg19 : memref<!tpu.dma_semaphore, #tpu.memory_space<semaphore_mem>>)
      %dma_wait3A = arith.constant 0 : i32
      %dma_wait3A_85 = tpu.memref_slice %arg2[%add3A_45, %dma_wait3A] : memref<160000x128xf32, #tpu.memory_space<hbm>> -> memref<40x128xf32, #tpu.memory_space<hbm>>
      %dma_wait3A_86 = arith.constant 0 : i32
      %dma_wait3A_87 = tpu.memref_slice %arg2[%add3A_45, %dma_wait3A_86] : memref<160000x128xf32, #tpu.memory_space<hbm>> -> memref<40x128xf32, #tpu.memory_space<hbm>>
      tpu.wait_dma2 semaphore(%arg15 : memref<!tpu.dma_semaphore, #tpu.memory_space<semaphore_mem>>) src(%dma_wait3A_87 : memref<40x128xf32, #tpu.memory_space<hbm>>) dst(%arg9 : memref<40x128xf32, #tpu.memory_space<vmem>>)
      %add3A_88 = arith.constant 0 : i32
      %add3A_89 = arith.addi %mul3A_40, %add3A_88 : i32
      %dma_start3A_90 = arith.constant 0 : i32
      %dma_start3A_91 = tpu.memref_slice %arg8[%add3A_89, %dma_start3A_90] : memref<125x40xi32, #tpu.memory_space<vmem>> -> memref<1x40xi32, #tpu.memory_space<vmem>>
      %dma_start3A_92 = tpu.memref_squeeze %dma_start3A_91 : memref<1x40xi32, #tpu.memory_space<vmem>> -> memref<40xi32, #tpu.memory_space<vmem>>
      %dma_start3A_93 = arith.constant 0 : i32
      %dma_start3A_94 = arith.constant 0 : i32
      %dma_start3A_95 = tpu.memref_slice %arg14[%dma_start3A_93, %dma_start3A_94] : memref<10000x128xf32, #tpu.memory_space<vmem_shared>> -> memref<10000x128xf32, #tpu.memory_space<vmem_shared>>
      tpu.enqueue_indirect_dma source(%arg9 : memref<40x128xf32, #tpu.memory_space<vmem>>) target(%dma_start3A_95 : memref<10000x128xf32, #tpu.memory_space<vmem_shared>>) offsets(%dma_start3A_92 : memref<40xi32, #tpu.memory_space<vmem>>) semaphore(%arg20 : memref<!tpu.dma_semaphore, #tpu.memory_space<semaphore_mem>>) {add = true}
      %dma_wait3A_96 = arith.constant 0 : i32
      %dma_wait3A_97 = tpu.memref_slice %arg2[%add3A_53, %dma_wait3A_96] : memref<160000x128xf32, #tpu.memory_space<hbm>> -> memref<40x128xf32, #tpu.memory_space<hbm>>
      %dma_wait3A_98 = arith.constant 0 : i32
      %dma_wait3A_99 = tpu.memref_slice %arg2[%add3A_53, %dma_wait3A_98] : memref<160000x128xf32, #tpu.memory_space<hbm>> -> memref<40x128xf32, #tpu.memory_space<hbm>>
      tpu.wait_dma2 semaphore(%arg16 : memref<!tpu.dma_semaphore, #tpu.memory_space<semaphore_mem>>) src(%dma_wait3A_99 : memref<40x128xf32, #tpu.memory_space<hbm>>) dst(%arg10 : memref<40x128xf32, #tpu.memory_space<vmem>>)
      %add3A_100 = arith.constant 1 : i32
      %add3A_101 = arith.addi %mul3A_40, %add3A_100 : i32
      %dma_start3A_102 = arith.constant 0 : i32
      %dma_start3A_103 = tpu.memref_slice %arg8[%add3A_101, %dma_start3A_102] : memref<125x40xi32, #tpu.memory_space<vmem>> -> memref<1x40xi32, #tpu.memory_space<vmem>>
      %dma_start3A_104 = tpu.memref_squeeze %dma_start3A_103 : memref<1x40xi32, #tpu.memory_space<vmem>> -> memref<40xi32, #tpu.memory_space<vmem>>
      %dma_start3A_105 = arith.constant 0 : i32
      %dma_start3A_106 = arith.constant 0 : i32
      %dma_start3A_107 = tpu.memref_slice %arg14[%dma_start3A_105, %dma_start3A_106] : memref<10000x128xf32, #tpu.memory_space<vmem_shared>> -> memref<10000x128xf32, #tpu.memory_space<vmem_shared>>
      tpu.enqueue_indirect_dma source(%arg10 : memref<40x128xf32, #tpu.memory_space<vmem>>) target(%dma_start3A_107 : memref<10000x128xf32, #tpu.memory_space<vmem_shared>>) offsets(%dma_start3A_104 : memref<40xi32, #tpu.memory_space<vmem>>) semaphore(%arg21 : memref<!tpu.dma_semaphore, #tpu.memory_space<semaphore_mem>>) {add = true}
      %dma_wait3A_108 = arith.constant 0 : i32
      %dma_wait3A_109 = tpu.memref_slice %arg2[%add3A_62, %dma_wait3A_108] : memref<160000x128xf32, #tpu.memory_space<hbm>> -> memref<40x128xf32, #tpu.memory_space<hbm>>
      %dma_wait3A_110 = arith.constant 0 : i32
      %dma_wait3A_111 = tpu.memref_slice %arg2[%add3A_62, %dma_wait3A_110] : memref<160000x128xf32, #tpu.memory_space<hbm>> -> memref<40x128xf32, #tpu.memory_space<hbm>>
      tpu.wait_dma2 semaphore(%arg17 : memref<!tpu.dma_semaphore, #tpu.memory_space<semaphore_mem>>) src(%dma_wait3A_111 : memref<40x128xf32, #tpu.memory_space<hbm>>) dst(%arg11 : memref<40x128xf32, #tpu.memory_space<vmem>>)
      %add3A_112 = arith.constant 2 : i32
      %add3A_113 = arith.addi %mul3A_40, %add3A_112 : i32
      %dma_start3A_114 = arith.constant 0 : i32
      %dma_start3A_115 = tpu.memref_slice %arg8[%add3A_113, %dma_start3A_114] : memref<125x40xi32, #tpu.memory_space<vmem>> -> memref<1x40xi32, #tpu.memory_space<vmem>>
      %dma_start3A_116 = tpu.memref_squeeze %dma_start3A_115 : memref<1x40xi32, #tpu.memory_space<vmem>> -> memref<40xi32, #tpu.memory_space<vmem>>
      %dma_start3A_117 = arith.constant 0 : i32
      %dma_start3A_118 = arith.constant 0 : i32
      %dma_start3A_119 = tpu.memref_slice %arg14[%dma_start3A_117, %dma_start3A_118] : memref<10000x128xf32, #tpu.memory_space<vmem_shared>> -> memref<10000x128xf32, #tpu.memory_space<vmem_shared>>
      tpu.enqueue_indirect_dma source(%arg11 : memref<40x128xf32, #tpu.memory_space<vmem>>) target(%dma_start3A_119 : memref<10000x128xf32, #tpu.memory_space<vmem_shared>>) offsets(%dma_start3A_116 : memref<40xi32, #tpu.memory_space<vmem>>) semaphore(%arg22 : memref<!tpu.dma_semaphore, #tpu.memory_space<semaphore_mem>>) {add = true}
      %dma_wait3A_120 = arith.constant 0 : i32
      %dma_wait3A_121 = tpu.memref_slice %arg2[%add3A_71, %dma_wait3A_120] : memref<160000x128xf32, #tpu.memory_space<hbm>> -> memref<40x128xf32, #tpu.memory_space<hbm>>
      %dma_wait3A_122 = arith.constant 0 : i32
      %dma_wait3A_123 = tpu.memref_slice %arg2[%add3A_71, %dma_wait3A_122] : memref<160000x128xf32, #tpu.memory_space<hbm>> -> memref<40x128xf32, #tpu.memory_space<hbm>>
      tpu.wait_dma2 semaphore(%arg18 : memref<!tpu.dma_semaphore, #tpu.memory_space<semaphore_mem>>) src(%dma_wait3A_123 : memref<40x128xf32, #tpu.memory_space<hbm>>) dst(%arg12 : memref<40x128xf32, #tpu.memory_space<vmem>>)
      %add3A_124 = arith.constant 3 : i32
      %add3A_125 = arith.addi %mul3A_40, %add3A_124 : i32
      %dma_start3A_126 = arith.constant 0 : i32
      %dma_start3A_127 = tpu.memref_slice %arg8[%add3A_125, %dma_start3A_126] : memref<125x40xi32, #tpu.memory_space<vmem>> -> memref<1x40xi32, #tpu.memory_space<vmem>>
      %dma_start3A_128 = tpu.memref_squeeze %dma_start3A_127 : memref<1x40xi32, #tpu.memory_space<vmem>> -> memref<40xi32, #tpu.memory_space<vmem>>
      %dma_start3A_129 = arith.constant 0 : i32
      %dma_start3A_130 = arith.constant 0 : i32
      %dma_start3A_131 = tpu.memref_slice %arg14[%dma_start3A_129, %dma_start3A_130] : memref<10000x128xf32, #tpu.memory_space<vmem_shared>> -> memref<10000x128xf32, #tpu.memory_space<vmem_shared>>
      tpu.enqueue_indirect_dma source(%arg12 : memref<40x128xf32, #tpu.memory_space<vmem>>) target(%dma_start3A_131 : memref<10000x128xf32, #tpu.memory_space<vmem_shared>>) offsets(%dma_start3A_128 : memref<40xi32, #tpu.memory_space<vmem>>) semaphore(%arg23 : memref<!tpu.dma_semaphore, #tpu.memory_space<semaphore_mem>>) {add = true}
      %dma_wait3A_132 = arith.constant 0 : i32
      %dma_wait3A_133 = tpu.memref_slice %arg2[%add3A_80, %dma_wait3A_132] : memref<160000x128xf32, #tpu.memory_space<hbm>> -> memref<40x128xf32, #tpu.memory_space<hbm>>
      %dma_wait3A_134 = arith.constant 0 : i32
      %dma_wait3A_135 = tpu.memref_slice %arg2[%add3A_80, %dma_wait3A_134] : memref<160000x128xf32, #tpu.memory_space<hbm>> -> memref<40x128xf32, #tpu.memory_space<hbm>>
      tpu.wait_dma2 semaphore(%arg19 : memref<!tpu.dma_semaphore, #tpu.memory_space<semaphore_mem>>) src(%dma_wait3A_135 : memref<40x128xf32, #tpu.memory_space<hbm>>) dst(%arg13 : memref<40x128xf32, #tpu.memory_space<vmem>>)
      %add3A_136 = arith.constant 4 : i32
      %add3A_137 = arith.addi %mul3A_40, %add3A_136 : i32
      %dma_start3A_138 = arith.constant 0 : i32
      %dma_start3A_139 = tpu.memref_slice %arg8[%add3A_137, %dma_start3A_138] : memref<125x40xi32, #tpu.memory_space<vmem>> -> memref<1x40xi32, #tpu.memory_space<vmem>>
      %dma_start3A_140 = tpu.memref_squeeze %dma_start3A_139 : memref<1x40xi32, #tpu.memory_space<vmem>> -> memref<40xi32, #tpu.memory_space<vmem>>
      %dma_start3A_141 = arith.constant 0 : i32
      %dma_start3A_142 = arith.constant 0 : i32
      %dma_start3A_143 = tpu.memref_slice %arg14[%dma_start3A_141, %dma_start3A_142] : memref<10000x128xf32, #tpu.memory_space<vmem_shared>> -> memref<10000x128xf32, #tpu.memory_space<vmem_shared>>
      tpu.enqueue_indirect_dma source(%arg13 : memref<40x128xf32, #tpu.memory_space<vmem>>) target(%dma_start3A_143 : memref<10000x128xf32, #tpu.memory_space<vmem_shared>>) offsets(%dma_start3A_140 : memref<40xi32, #tpu.memory_space<vmem>>) semaphore(%arg24 : memref<!tpu.dma_semaphore, #tpu.memory_space<semaphore_mem>>) {add = true}
      %dma_wait3A_144 = arith.constant 0 : i32
      %dma_wait3A_145 = tpu.memref_slice %arg8[%add3A_89, %dma_wait3A_144] : memref<125x40xi32, #tpu.memory_space<vmem>> -> memref<1x40xi32, #tpu.memory_space<vmem>>
      %dma_wait3A_146 = tpu.memref_squeeze %dma_wait3A_145 : memref<1x40xi32, #tpu.memory_space<vmem>> -> memref<40xi32, #tpu.memory_space<vmem>>
      %dma_wait3A_147 = arith.constant 0 : i32
      %dma_wait3A_148 = arith.constant 0 : i32
      %dma_wait3A_149 = tpu.memref_slice %arg14[%dma_wait3A_147, %dma_wait3A_148] : memref<10000x128xf32, #tpu.memory_space<vmem_shared>> -> memref<10000x128xf32, #tpu.memory_space<vmem_shared>>
      tpu.wait_indirect_dma semaphore(%arg20 : memref<!tpu.dma_semaphore, #tpu.memory_space<semaphore_mem>>) src(%arg9 : memref<40x128xf32, #tpu.memory_space<vmem>>) dst(%dma_wait3A_149 : memref<10000x128xf32, #tpu.memory_space<vmem_shared>>)
      %dma_wait3A_150 = arith.constant 0 : i32
      %dma_wait3A_151 = tpu.memref_slice %arg8[%add3A_101, %dma_wait3A_150] : memref<125x40xi32, #tpu.memory_space<vmem>> -> memref<1x40xi32, #tpu.memory_space<vmem>>
      %dma_wait3A_152 = tpu.memref_squeeze %dma_wait3A_151 : memref<1x40xi32, #tpu.memory_space<vmem>> -> memref<40xi32, #tpu.memory_space<vmem>>
      %dma_wait3A_153 = arith.constant 0 : i32
      %dma_wait3A_154 = arith.constant 0 : i32
      %dma_wait3A_155 = tpu.memref_slice %arg14[%dma_wait3A_153, %dma_wait3A_154] : memref<10000x128xf32, #tpu.memory_space<vmem_shared>> -> memref<10000x128xf32, #tpu.memory_space<vmem_shared>>
      tpu.wait_indirect_dma semaphore(%arg21 : memref<!tpu.dma_semaphore, #tpu.memory_space<semaphore_mem>>) src(%arg10 : memref<40x128xf32, #tpu.memory_space<vmem>>) dst(%dma_wait3A_155 : memref<10000x128xf32, #tpu.memory_space<vmem_shared>>)
      %dma_wait3A_156 = arith.constant 0 : i32
      %dma_wait3A_157 = tpu.memref_slice %arg8[%add3A_113, %dma_wait3A_156] : memref<125x40xi32, #tpu.memory_space<vmem>> -> memref<1x40xi32, #tpu.memory_space<vmem>>
      %dma_wait3A_158 = tpu.memref_squeeze %dma_wait3A_157 : memref<1x40xi32, #tpu.memory_space<vmem>> -> memref<40xi32, #tpu.memory_space<vmem>>
      %dma_wait3A_159 = arith.constant 0 : i32
      %dma_wait3A_160 = arith.constant 0 : i32
      %dma_wait3A_161 = tpu.memref_slice %arg14[%dma_wait3A_159, %dma_wait3A_160] : memref<10000x128xf32, #tpu.memory_space<vmem_shared>> -> memref<10000x128xf32, #tpu.memory_space<vmem_shared>>
      tpu.wait_indirect_dma semaphore(%arg22 : memref<!tpu.dma_semaphore, #tpu.memory_space<semaphore_mem>>) src(%arg11 : memref<40x128xf32, #tpu.memory_space<vmem>>) dst(%dma_wait3A_161 : memref<10000x128xf32, #tpu.memory_space<vmem_shared>>)
      %dma_wait3A_162 = arith.constant 0 : i32
      %dma_wait3A_163 = tpu.memref_slice %arg8[%add3A_125, %dma_wait3A_162] : memref<125x40xi32, #tpu.memory_space<vmem>> -> memref<1x40xi32, #tpu.memory_space<vmem>>
      %dma_wait3A_164 = tpu.memref_squeeze %dma_wait3A_163 : memref<1x40xi32, #tpu.memory_space<vmem>> -> memref<40xi32, #tpu.memory_space<vmem>>
      %dma_wait3A_165 = arith.constant 0 : i32
      %dma_wait3A_166 = arith.constant 0 : i32
      %dma_wait3A_167 = tpu.memref_slice %arg14[%dma_wait3A_165, %dma_wait3A_166] : memref<10000x128xf32, #tpu.memory_space<vmem_shared>> -> memref<10000x128xf32, #tpu.memory_space<vmem_shared>>
      tpu.wait_indirect_dma semaphore(%arg23 : memref<!tpu.dma_semaphore, #tpu.memory_space<semaphore_mem>>) src(%arg12 : memref<40x128xf32, #tpu.memory_space<vmem>>) dst(%dma_wait3A_167 : memref<10000x128xf32, #tpu.memory_space<vmem_shared>>)
      %dma_wait3A_168 = arith.constant 0 : i32
      %dma_wait3A_169 = tpu.memref_slice %arg8[%add3A_137, %dma_wait3A_168] : memref<125x40xi32, #tpu.memory_space<vmem>> -> memref<1x40xi32, #tpu.memory_space<vmem>>
      %dma_wait3A_170 = tpu.memref_squeeze %dma_wait3A_169 : memref<1x40xi32, #tpu.memory_space<vmem>> -> memref<40xi32, #tpu.memory_space<vmem>>
      %dma_wait3A_171 = arith.constant 0 : i32
      %dma_wait3A_172 = arith.constant 0 : i32
      %dma_wait3A_173 = tpu.memref_slice %arg14[%dma_wait3A_171, %dma_wait3A_172] : memref<10000x128xf32, #tpu.memory_space<vmem_shared>> -> memref<10000x128xf32, #tpu.memory_space<vmem_shared>>
      tpu.wait_indirect_dma semaphore(%arg24 : memref<!tpu.dma_semaphore, #tpu.memory_space<semaphore_mem>>) src(%arg13 : memref<40x128xf32, #tpu.memory_space<vmem>>) dst(%dma_wait3A_173 : memref<10000x128xf32, #tpu.memory_space<vmem_shared>>)
    }
    %scan3A_11 = arith.constant 25 : i32
    %barrier3A_12 = arith.constant 0 : index
    tpu.barrier barrier_id(%barrier3A_12)
    "tpu.region"() ({
      %run_scoped3A = tpu.sem_alloc : memref<!tpu.dma_semaphore, #tpu.memory_space<semaphore_mem>>
      %dma_start3A = arith.constant 0 : i32
      %dma_start3A_38 = arith.constant 0 : i32
      %dma_start3A_39 = tpu.memref_slice %arg6[%arg0, %dma_start3A, %dma_start3A_38] : memref<2x10000x128xf32, #tpu.memory_space<hbm>> -> memref<1x10000x128xf32, #tpu.memory_space<hbm>>
      %dma_start3A_40 = tpu.memref_squeeze %dma_start3A_39 : memref<1x10000x128xf32, #tpu.memory_space<hbm>> -> memref<10000x128xf32, #tpu.memory_space<hbm>>
      %dma_start3A_41 = arith.constant 0 : i32
      %dma_start3A_42 = tpu.memref_slice %dma_start3A_40[%mul3A_4, %dma_start3A_41] : memref<10000x128xf32, #tpu.memory_space<hbm>> -> memref<624x128xf32, #tpu.memory_space<hbm>>
      %dma_start3A_43 = arith.constant 0 : i32
      %dma_start3A_44 = tpu.memref_slice %arg14[%mul3A_4, %dma_start3A_43] : memref<10000x128xf32, #tpu.memory_space<vmem_shared>> -> memref<624x128xf32, #tpu.memory_space<vmem_shared>>
      tpu.enqueue_dma source(%dma_start3A_44 : memref<624x128xf32, #tpu.memory_space<vmem_shared>>) target(%dma_start3A_42 : memref<624x128xf32, #tpu.memory_space<hbm>>) target_semaphore(%run_scoped3A : memref<!tpu.dma_semaphore, #tpu.memory_space<semaphore_mem>>)
      %dma_wait3A = arith.constant 0 : i32
      %dma_wait3A_45 = arith.constant 0 : i32
      %dma_wait3A_46 = tpu.memref_slice %arg6[%arg0, %dma_wait3A, %dma_wait3A_45] : memref<2x10000x128xf32, #tpu.memory_space<hbm>> -> memref<1x10000x128xf32, #tpu.memory_space<hbm>>
      %dma_wait3A_47 = tpu.memref_squeeze %dma_wait3A_46 : memref<1x10000x128xf32, #tpu.memory_space<hbm>> -> memref<10000x128xf32, #tpu.memory_space<hbm>>
      %dma_wait3A_48 = arith.constant 0 : i32
      %dma_wait3A_49 = tpu.memref_slice %dma_wait3A_47[%mul3A_4, %dma_wait3A_48] : memref<10000x128xf32, #tpu.memory_space<hbm>> -> memref<624x128xf32, #tpu.memory_space<hbm>>
      %dma_wait3A_50 = arith.constant 0 : i32
      %dma_wait3A_51 = tpu.memref_slice %arg14[%mul3A_4, %dma_wait3A_50] : memref<10000x128xf32, #tpu.memory_space<vmem_shared>> -> memref<624x128xf32, #tpu.memory_space<vmem_shared>>
      tpu.wait_dma2 semaphore(%run_scoped3A : memref<!tpu.dma_semaphore, #tpu.memory_space<semaphore_mem>>) src(%dma_wait3A_51 : memref<624x128xf32, #tpu.memory_space<vmem_shared>>) dst(%dma_wait3A_49 : memref<624x128xf32, #tpu.memory_space<hbm>>)
      tpu.yield
    }) : () -> ()
    %eq3A_13 = arith.constant 15 : i32
    %eq3A_14 = arith.cmpi eq, %arg1, %eq3A_13 : i32
    %convert_element_type3A_15 = arith.extui %eq3A_14 : i1 to i32
    %cond3A_16 = arith.constant 0 : i32
    %cond3A_17 = arith.cmpi ne, %convert_element_type3A_15, %cond3A_16 : i32
    scf.if %cond3A_17 {
      "tpu.region"() ({
        %run_scoped3A = tpu.sem_alloc : memref<!tpu.dma_semaphore, #tpu.memory_space<semaphore_mem>>
        %dma_start3A = arith.constant 0 : i32
        %dma_start3A_38 = arith.constant 0 : i32
        %dma_start3A_39 = tpu.memref_slice %arg6[%arg0, %dma_start3A, %dma_start3A_38] : memref<2x10000x128xf32, #tpu.memory_space<hbm>> -> memref<1x10000x128xf32, #tpu.memory_space<hbm>>
        %dma_start3A_40 = tpu.memref_squeeze %dma_start3A_39 : memref<1x10000x128xf32, #tpu.memory_space<hbm>> -> memref<10000x128xf32, #tpu.memory_space<hbm>>
        %dma_start3A_41 = arith.constant 9984 : i32
        %dma_start3A_42 = arith.constant 0 : i32
        %dma_start3A_43 = tpu.memref_slice %dma_start3A_40[%dma_start3A_41, %dma_start3A_42] : memref<10000x128xf32, #tpu.memory_space<hbm>> -> memref<16x128xf32, #tpu.memory_space<hbm>>
        %dma_start3A_44 = arith.constant 9984 : i32
        %dma_start3A_45 = arith.constant 0 : i32
        %dma_start3A_46 = tpu.memref_slice %arg14[%dma_start3A_44, %dma_start3A_45] : memref<10000x128xf32, #tpu.memory_space<vmem_shared>> -> memref<16x128xf32, #tpu.memory_space<vmem_shared>>
        tpu.enqueue_dma source(%dma_start3A_46 : memref<16x128xf32, #tpu.memory_space<vmem_shared>>) target(%dma_start3A_43 : memref<16x128xf32, #tpu.memory_space<hbm>>) target_semaphore(%run_scoped3A : memref<!tpu.dma_semaphore, #tpu.memory_space<semaphore_mem>>)
        %dma_wait3A = arith.constant 0 : i32
        %dma_wait3A_47 = arith.constant 0 : i32
        %dma_wait3A_48 = tpu.memref_slice %arg6[%arg0, %dma_wait3A, %dma_wait3A_47] : memref<2x10000x128xf32, #tpu.memory_space<hbm>> -> memref<1x10000x128xf32, #tpu.memory_space<hbm>>
        %dma_wait3A_49 = tpu.memref_squeeze %dma_wait3A_48 : memref<1x10000x128xf32, #tpu.memory_space<hbm>> -> memref<10000x128xf32, #tpu.memory_space<hbm>>
        %dma_wait3A_50 = arith.constant 9984 : i32
        %dma_wait3A_51 = arith.constant 0 : i32
        %dma_wait3A_52 = tpu.memref_slice %dma_wait3A_49[%dma_wait3A_50, %dma_wait3A_51] : memref<10000x128xf32, #tpu.memory_space<hbm>> -> memref<16x128xf32, #tpu.memory_space<hbm>>
        %dma_wait3A_53 = arith.constant 9984 : i32
        %dma_wait3A_54 = arith.constant 0 : i32
        %dma_wait3A_55 = tpu.memref_slice %arg14[%dma_wait3A_53, %dma_wait3A_54] : memref<10000x128xf32, #tpu.memory_space<vmem_shared>> -> memref<16x128xf32, #tpu.memory_space<vmem_shared>>
        tpu.wait_dma2 semaphore(%run_scoped3A : memref<!tpu.dma_semaphore, #tpu.memory_space<semaphore_mem>>) src(%dma_wait3A_55 : memref<16x128xf32, #tpu.memory_space<vmem_shared>>) dst(%dma_wait3A_52 : memref<16x128xf32, #tpu.memory_space<hbm>>)
        tpu.yield
      }) : () -> ()
    } else {
    }
    %barrier3A_18 = arith.constant 0 : index
    tpu.barrier barrier_id(%barrier3A_18)
    "tpu.region"() ({
      %run_scoped3A = tpu.sem_alloc : memref<!tpu.dma_semaphore, #tpu.memory_space<semaphore_mem>>
      %dma_start3A = arith.constant 0 : i32
      %dma_start3A_38 = tpu.memref_slice %arg14[%mul3A_4, %dma_start3A] : memref<10000x128xf32, #tpu.memory_space<vmem_shared>> -> memref<624x128xf32, #tpu.memory_space<vmem_shared>>
      %dma_start3A_39 = arith.constant 0 : i32
      %dma_start3A_40 = tpu.memref_slice %arg5[%mul3A_4, %dma_start3A_39] : memref<10000x128xf32, #tpu.memory_space<hbm>> -> memref<624x128xf32, #tpu.memory_space<hbm>>
      tpu.enqueue_dma source(%dma_start3A_40 : memref<624x128xf32, #tpu.memory_space<hbm>>) target(%dma_start3A_38 : memref<624x128xf32, #tpu.memory_space<vmem_shared>>) target_semaphore(%run_scoped3A : memref<!tpu.dma_semaphore, #tpu.memory_space<semaphore_mem>>)
      %dma_wait3A = arith.constant 0 : i32
      %dma_wait3A_41 = tpu.memref_slice %arg14[%mul3A_4, %dma_wait3A] : memref<10000x128xf32, #tpu.memory_space<vmem_shared>> -> memref<624x128xf32, #tpu.memory_space<vmem_shared>>
      %dma_wait3A_42 = arith.constant 0 : i32
      %dma_wait3A_43 = tpu.memref_slice %arg5[%mul3A_4, %dma_wait3A_42] : memref<10000x128xf32, #tpu.memory_space<hbm>> -> memref<624x128xf32, #tpu.memory_space<hbm>>
      tpu.wait_dma2 semaphore(%run_scoped3A : memref<!tpu.dma_semaphore, #tpu.memory_space<semaphore_mem>>) src(%dma_wait3A_43 : memref<624x128xf32, #tpu.memory_space<hbm>>) dst(%dma_wait3A_41 : memref<624x128xf32, #tpu.memory_space<vmem_shared>>)
      tpu.yield
    }) : () -> ()
    %eq3A_19 = arith.constant 15 : i32
    %eq3A_20 = arith.cmpi eq, %arg1, %eq3A_19 : i32
    %convert_element_type3A_21 = arith.extui %eq3A_20 : i1 to i32
    %cond3A_22 = arith.constant 0 : i32
    %cond3A_23 = arith.cmpi ne, %convert_element_type3A_21, %cond3A_22 : i32
    scf.if %cond3A_23 {
      "tpu.region"() ({
        %run_scoped3A = tpu.sem_alloc : memref<!tpu.dma_semaphore, #tpu.memory_space<semaphore_mem>>
        %dma_start3A = arith.constant 9984 : i32
        %dma_start3A_38 = arith.constant 0 : i32
        %dma_start3A_39 = tpu.memref_slice %arg14[%dma_start3A, %dma_start3A_38] : memref<10000x128xf32, #tpu.memory_space<vmem_shared>> -> memref<16x128xf32, #tpu.memory_space<vmem_shared>>
        %dma_start3A_40 = arith.constant 9984 : i32
        %dma_start3A_41 = arith.constant 0 : i32
        %dma_start3A_42 = tpu.memref_slice %arg5[%dma_start3A_40, %dma_start3A_41] : memref<10000x128xf32, #tpu.memory_space<hbm>> -> memref<16x128xf32, #tpu.memory_space<hbm>>
        tpu.enqueue_dma source(%dma_start3A_42 : memref<16x128xf32, #tpu.memory_space<hbm>>) target(%dma_start3A_39 : memref<16x128xf32, #tpu.memory_space<vmem_shared>>) target_semaphore(%run_scoped3A : memref<!tpu.dma_semaphore, #tpu.memory_space<semaphore_mem>>)
        %dma_wait3A = arith.constant 9984 : i32
        %dma_wait3A_43 = arith.constant 0 : i32
        %dma_wait3A_44 = tpu.memref_slice %arg14[%dma_wait3A, %dma_wait3A_43] : memref<10000x128xf32, #tpu.memory_space<vmem_shared>> -> memref<16x128xf32, #tpu.memory_space<vmem_shared>>
        %dma_wait3A_45 = arith.constant 9984 : i32
        %dma_wait3A_46 = arith.constant 0 : i32
        %dma_wait3A_47 = tpu.memref_slice %arg5[%dma_wait3A_45, %dma_wait3A_46] : memref<10000x128xf32, #tpu.memory_space<hbm>> -> memref<16x128xf32, #tpu.memory_space<hbm>>
        tpu.wait_dma2 semaphore(%run_scoped3A : memref<!tpu.dma_semaphore, #tpu.memory_space<semaphore_mem>>) src(%dma_wait3A_47 : memref<16x128xf32, #tpu.memory_space<hbm>>) dst(%dma_wait3A_44 : memref<16x128xf32, #tpu.memory_space<vmem_shared>>)
        tpu.yield
      }) : () -> ()
    } else {
    }
    %barrier3A_24 = arith.constant 0 : index
    tpu.barrier barrier_id(%barrier3A_24)
    %scan3A_25 = arith.constant 0 : i32
    %scan3A_26 = arith.constant 0 : i32
    %scan3A_27 = arith.constant 25 : i32
    %scan3A_28 = arith.addi %scan3A_26, %scan3A_27 : i32
    %scan3A_29 = arith.constant 1 : i32
    scf.for %scan3A_38 = %scan3A_26 to %scan3A_28 step %scan3A_29  : i32 {
      %mul3A_39 = arith.constant 5 : i32
      %mul3A_40 = arith.muli %scan3A_38, %mul3A_39 : i32
      %add3A_41 = arith.constant 0 : i32
      %add3A_42 = arith.addi %mul3A_40, %add3A_41 : i32
      %mul3A_43 = arith.constant 40 : i32
      %mul3A_44 = arith.muli %add3A_42, %mul3A_43 : i32
      %add3A_45 = arith.addi %mul3A_2, %mul3A_44 : i32
      %dma_start3A = arith.constant 0 : i32
      %dma_start3A_46 = tpu.memref_slice %arg3[%add3A_45, %dma_start3A] : memref<160000x128xf32, #tpu.memory_space<hbm>> -> memref<40x128xf32, #tpu.memory_space<hbm>>
      %dma_start3A_47 = arith.constant 0 : i32
      %dma_start3A_48 = tpu.memref_slice %arg3[%add3A_45, %dma_start3A_47] : memref<160000x128xf32, #tpu.memory_space<hbm>> -> memref<40x128xf32, #tpu.memory_space<hbm>>
      tpu.enqueue_dma source(%dma_start3A_48 : memref<40x128xf32, #tpu.memory_space<hbm>>) target(%arg9 : memref<40x128xf32, #tpu.memory_space<vmem>>) target_semaphore(%arg15 : memref<!tpu.dma_semaphore, #tpu.memory_space<semaphore_mem>>)
      %add3A_49 = arith.constant 1 : i32
      %add3A_50 = arith.addi %mul3A_40, %add3A_49 : i32
      %mul3A_51 = arith.constant 40 : i32
      %mul3A_52 = arith.muli %add3A_50, %mul3A_51 : i32
      %add3A_53 = arith.addi %mul3A_2, %mul3A_52 : i32
      %dma_start3A_54 = arith.constant 0 : i32
      %dma_start3A_55 = tpu.memref_slice %arg3[%add3A_53, %dma_start3A_54] : memref<160000x128xf32, #tpu.memory_space<hbm>> -> memref<40x128xf32, #tpu.memory_space<hbm>>
      %dma_start3A_56 = arith.constant 0 : i32
      %dma_start3A_57 = tpu.memref_slice %arg3[%add3A_53, %dma_start3A_56] : memref<160000x128xf32, #tpu.memory_space<hbm>> -> memref<40x128xf32, #tpu.memory_space<hbm>>
      tpu.enqueue_dma source(%dma_start3A_57 : memref<40x128xf32, #tpu.memory_space<hbm>>) target(%arg10 : memref<40x128xf32, #tpu.memory_space<vmem>>) target_semaphore(%arg16 : memref<!tpu.dma_semaphore, #tpu.memory_space<semaphore_mem>>)
      %add3A_58 = arith.constant 2 : i32
      %add3A_59 = arith.addi %mul3A_40, %add3A_58 : i32
      %mul3A_60 = arith.constant 40 : i32
      %mul3A_61 = arith.muli %add3A_59, %mul3A_60 : i32
      %add3A_62 = arith.addi %mul3A_2, %mul3A_61 : i32
      %dma_start3A_63 = arith.constant 0 : i32
      %dma_start3A_64 = tpu.memref_slice %arg3[%add3A_62, %dma_start3A_63] : memref<160000x128xf32, #tpu.memory_space<hbm>> -> memref<40x128xf32, #tpu.memory_space<hbm>>
      %dma_start3A_65 = arith.constant 0 : i32
      %dma_start3A_66 = tpu.memref_slice %arg3[%add3A_62, %dma_start3A_65] : memref<160000x128xf32, #tpu.memory_space<hbm>> -> memref<40x128xf32, #tpu.memory_space<hbm>>
      tpu.enqueue_dma source(%dma_start3A_66 : memref<40x128xf32, #tpu.memory_space<hbm>>) target(%arg11 : memref<40x128xf32, #tpu.memory_space<vmem>>) target_semaphore(%arg17 : memref<!tpu.dma_semaphore, #tpu.memory_space<semaphore_mem>>)
      %add3A_67 = arith.constant 3 : i32
      %add3A_68 = arith.addi %mul3A_40, %add3A_67 : i32
      %mul3A_69 = arith.constant 40 : i32
      %mul3A_70 = arith.muli %add3A_68, %mul3A_69 : i32
      %add3A_71 = arith.addi %mul3A_2, %mul3A_70 : i32
      %dma_start3A_72 = arith.constant 0 : i32
      %dma_start3A_73 = tpu.memref_slice %arg3[%add3A_71, %dma_start3A_72] : memref<160000x128xf32, #tpu.memory_space<hbm>> -> memref<40x128xf32, #tpu.memory_space<hbm>>
      %dma_start3A_74 = arith.constant 0 : i32
      %dma_start3A_75 = tpu.memref_slice %arg3[%add3A_71, %dma_start3A_74] : memref<160000x128xf32, #tpu.memory_space<hbm>> -> memref<40x128xf32, #tpu.memory_space<hbm>>
      tpu.enqueue_dma source(%dma_start3A_75 : memref<40x128xf32, #tpu.memory_space<hbm>>) target(%arg12 : memref<40x128xf32, #tpu.memory_space<vmem>>) target_semaphore(%arg18 : memref<!tpu.dma_semaphore, #tpu.memory_space<semaphore_mem>>)
      %add3A_76 = arith.constant 4 : i32
      %add3A_77 = arith.addi %mul3A_40, %add3A_76 : i32
      %mul3A_78 = arith.constant 40 : i32
      %mul3A_79 = arith.muli %add3A_77, %mul3A_78 : i32
      %add3A_80 = arith.addi %mul3A_2, %mul3A_79 : i32
      %dma_start3A_81 = arith.constant 0 : i32
      %dma_start3A_82 = tpu.memref_slice %arg3[%add3A_80, %dma_start3A_81] : memref<160000x128xf32, #tpu.memory_space<hbm>> -> memref<40x128xf32, #tpu.memory_space<hbm>>
      %dma_start3A_83 = arith.constant 0 : i32
      %dma_start3A_84 = tpu.memref_slice %arg3[%add3A_80, %dma_start3A_83] : memref<160000x128xf32, #tpu.memory_space<hbm>> -> memref<40x128xf32, #tpu.memory_space<hbm>>
      tpu.enqueue_dma source(%dma_start3A_84 : memref<40x128xf32, #tpu.memory_space<hbm>>) target(%arg13 : memref<40x128xf32, #tpu.memory_space<vmem>>) target_semaphore(%arg19 : memref<!tpu.dma_semaphore, #tpu.memory_space<semaphore_mem>>)
      %dma_wait3A = arith.constant 0 : i32
      %dma_wait3A_85 = tpu.memref_slice %arg3[%add3A_45, %dma_wait3A] : memref<160000x128xf32, #tpu.memory_space<hbm>> -> memref<40x128xf32, #tpu.memory_space<hbm>>
      %dma_wait3A_86 = arith.constant 0 : i32
      %dma_wait3A_87 = tpu.memref_slice %arg3[%add3A_45, %dma_wait3A_86] : memref<160000x128xf32, #tpu.memory_space<hbm>> -> memref<40x128xf32, #tpu.memory_space<hbm>>
      tpu.wait_dma2 semaphore(%arg15 : memref<!tpu.dma_semaphore, #tpu.memory_space<semaphore_mem>>) src(%dma_wait3A_87 : memref<40x128xf32, #tpu.memory_space<hbm>>) dst(%arg9 : memref<40x128xf32, #tpu.memory_space<vmem>>)
      %add3A_88 = arith.constant 0 : i32
      %add3A_89 = arith.addi %mul3A_40, %add3A_88 : i32
      %dma_start3A_90 = arith.constant 0 : i32
      %dma_start3A_91 = tpu.memref_slice %arg8[%add3A_89, %dma_start3A_90] : memref<125x40xi32, #tpu.memory_space<vmem>> -> memref<1x40xi32, #tpu.memory_space<vmem>>
      %dma_start3A_92 = tpu.memref_squeeze %dma_start3A_91 : memref<1x40xi32, #tpu.memory_space<vmem>> -> memref<40xi32, #tpu.memory_space<vmem>>
      %dma_start3A_93 = arith.constant 0 : i32
      %dma_start3A_94 = arith.constant 0 : i32
      %dma_start3A_95 = tpu.memref_slice %arg14[%dma_start3A_93, %dma_start3A_94] : memref<10000x128xf32, #tpu.memory_space<vmem_shared>> -> memref<10000x128xf32, #tpu.memory_space<vmem_shared>>
      tpu.enqueue_indirect_dma source(%arg9 : memref<40x128xf32, #tpu.memory_space<vmem>>) target(%dma_start3A_95 : memref<10000x128xf32, #tpu.memory_space<vmem_shared>>) offsets(%dma_start3A_92 : memref<40xi32, #tpu.memory_space<vmem>>) semaphore(%arg20 : memref<!tpu.dma_semaphore, #tpu.memory_space<semaphore_mem>>) {add = true}
      %dma_wait3A_96 = arith.constant 0 : i32
      %dma_wait3A_97 = tpu.memref_slice %arg3[%add3A_53, %dma_wait3A_96] : memref<160000x128xf32, #tpu.memory_space<hbm>> -> memref<40x128xf32, #tpu.memory_space<hbm>>
      %dma_wait3A_98 = arith.constant 0 : i32
      %dma_wait3A_99 = tpu.memref_slice %arg3[%add3A_53, %dma_wait3A_98] : memref<160000x128xf32, #tpu.memory_space<hbm>> -> memref<40x128xf32, #tpu.memory_space<hbm>>
      tpu.wait_dma2 semaphore(%arg16 : memref<!tpu.dma_semaphore, #tpu.memory_space<semaphore_mem>>) src(%dma_wait3A_99 : memref<40x128xf32, #tpu.memory_space<hbm>>) dst(%arg10 : memref<40x128xf32, #tpu.memory_space<vmem>>)
      %add3A_100 = arith.constant 1 : i32
      %add3A_101 = arith.addi %mul3A_40, %add3A_100 : i32
      %dma_start3A_102 = arith.constant 0 : i32
      %dma_start3A_103 = tpu.memref_slice %arg8[%add3A_101, %dma_start3A_102] : memref<125x40xi32, #tpu.memory_space<vmem>> -> memref<1x40xi32, #tpu.memory_space<vmem>>
      %dma_start3A_104 = tpu.memref_squeeze %dma_start3A_103 : memref<1x40xi32, #tpu.memory_space<vmem>> -> memref<40xi32, #tpu.memory_space<vmem>>
      %dma_start3A_105 = arith.constant 0 : i32
      %dma_start3A_106 = arith.constant 0 : i32
      %dma_start3A_107 = tpu.memref_slice %arg14[%dma_start3A_105, %dma_start3A_106] : memref<10000x128xf32, #tpu.memory_space<vmem_shared>> -> memref<10000x128xf32, #tpu.memory_space<vmem_shared>>
      tpu.enqueue_indirect_dma source(%arg10 : memref<40x128xf32, #tpu.memory_space<vmem>>) target(%dma_start3A_107 : memref<10000x128xf32, #tpu.memory_space<vmem_shared>>) offsets(%dma_start3A_104 : memref<40xi32, #tpu.memory_space<vmem>>) semaphore(%arg21 : memref<!tpu.dma_semaphore, #tpu.memory_space<semaphore_mem>>) {add = true}
      %dma_wait3A_108 = arith.constant 0 : i32
      %dma_wait3A_109 = tpu.memref_slice %arg3[%add3A_62, %dma_wait3A_108] : memref<160000x128xf32, #tpu.memory_space<hbm>> -> memref<40x128xf32, #tpu.memory_space<hbm>>
      %dma_wait3A_110 = arith.constant 0 : i32
      %dma_wait3A_111 = tpu.memref_slice %arg3[%add3A_62, %dma_wait3A_110] : memref<160000x128xf32, #tpu.memory_space<hbm>> -> memref<40x128xf32, #tpu.memory_space<hbm>>
      tpu.wait_dma2 semaphore(%arg17 : memref<!tpu.dma_semaphore, #tpu.memory_space<semaphore_mem>>) src(%dma_wait3A_111 : memref<40x128xf32, #tpu.memory_space<hbm>>) dst(%arg11 : memref<40x128xf32, #tpu.memory_space<vmem>>)
      %add3A_112 = arith.constant 2 : i32
      %add3A_113 = arith.addi %mul3A_40, %add3A_112 : i32
      %dma_start3A_114 = arith.constant 0 : i32
      %dma_start3A_115 = tpu.memref_slice %arg8[%add3A_113, %dma_start3A_114] : memref<125x40xi32, #tpu.memory_space<vmem>> -> memref<1x40xi32, #tpu.memory_space<vmem>>
      %dma_start3A_116 = tpu.memref_squeeze %dma_start3A_115 : memref<1x40xi32, #tpu.memory_space<vmem>> -> memref<40xi32, #tpu.memory_space<vmem>>
      %dma_start3A_117 = arith.constant 0 : i32
      %dma_start3A_118 = arith.constant 0 : i32
      %dma_start3A_119 = tpu.memref_slice %arg14[%dma_start3A_117, %dma_start3A_118] : memref<10000x128xf32, #tpu.memory_space<vmem_shared>> -> memref<10000x128xf32, #tpu.memory_space<vmem_shared>>
      tpu.enqueue_indirect_dma source(%arg11 : memref<40x128xf32, #tpu.memory_space<vmem>>) target(%dma_start3A_119 : memref<10000x128xf32, #tpu.memory_space<vmem_shared>>) offsets(%dma_start3A_116 : memref<40xi32, #tpu.memory_space<vmem>>) semaphore(%arg22 : memref<!tpu.dma_semaphore, #tpu.memory_space<semaphore_mem>>) {add = true}
      %dma_wait3A_120 = arith.constant 0 : i32
      %dma_wait3A_121 = tpu.memref_slice %arg3[%add3A_71, %dma_wait3A_120] : memref<160000x128xf32, #tpu.memory_space<hbm>> -> memref<40x128xf32, #tpu.memory_space<hbm>>
      %dma_wait3A_122 = arith.constant 0 : i32
      %dma_wait3A_123 = tpu.memref_slice %arg3[%add3A_71, %dma_wait3A_122] : memref<160000x128xf32, #tpu.memory_space<hbm>> -> memref<40x128xf32, #tpu.memory_space<hbm>>
      tpu.wait_dma2 semaphore(%arg18 : memref<!tpu.dma_semaphore, #tpu.memory_space<semaphore_mem>>) src(%dma_wait3A_123 : memref<40x128xf32, #tpu.memory_space<hbm>>) dst(%arg12 : memref<40x128xf32, #tpu.memory_space<vmem>>)
      %add3A_124 = arith.constant 3 : i32
      %add3A_125 = arith.addi %mul3A_40, %add3A_124 : i32
      %dma_start3A_126 = arith.constant 0 : i32
      %dma_start3A_127 = tpu.memref_slice %arg8[%add3A_125, %dma_start3A_126] : memref<125x40xi32, #tpu.memory_space<vmem>> -> memref<1x40xi32, #tpu.memory_space<vmem>>
      %dma_start3A_128 = tpu.memref_squeeze %dma_start3A_127 : memref<1x40xi32, #tpu.memory_space<vmem>> -> memref<40xi32, #tpu.memory_space<vmem>>
      %dma_start3A_129 = arith.constant 0 : i32
      %dma_start3A_130 = arith.constant 0 : i32
      %dma_start3A_131 = tpu.memref_slice %arg14[%dma_start3A_129, %dma_start3A_130] : memref<10000x128xf32, #tpu.memory_space<vmem_shared>> -> memref<10000x128xf32, #tpu.memory_space<vmem_shared>>
      tpu.enqueue_indirect_dma source(%arg12 : memref<40x128xf32, #tpu.memory_space<vmem>>) target(%dma_start3A_131 : memref<10000x128xf32, #tpu.memory_space<vmem_shared>>) offsets(%dma_start3A_128 : memref<40xi32, #tpu.memory_space<vmem>>) semaphore(%arg23 : memref<!tpu.dma_semaphore, #tpu.memory_space<semaphore_mem>>) {add = true}
      %dma_wait3A_132 = arith.constant 0 : i32
      %dma_wait3A_133 = tpu.memref_slice %arg3[%add3A_80, %dma_wait3A_132] : memref<160000x128xf32, #tpu.memory_space<hbm>> -> memref<40x128xf32, #tpu.memory_space<hbm>>
      %dma_wait3A_134 = arith.constant 0 : i32
      %dma_wait3A_135 = tpu.memref_slice %arg3[%add3A_80, %dma_wait3A_134] : memref<160000x128xf32, #tpu.memory_space<hbm>> -> memref<40x128xf32, #tpu.memory_space<hbm>>
      tpu.wait_dma2 semaphore(%arg19 : memref<!tpu.dma_semaphore, #tpu.memory_space<semaphore_mem>>) src(%dma_wait3A_135 : memref<40x128xf32, #tpu.memory_space<hbm>>) dst(%arg13 : memref<40x128xf32, #tpu.memory_space<vmem>>)
      %add3A_136 = arith.constant 4 : i32
      %add3A_137 = arith.addi %mul3A_40, %add3A_136 : i32
      %dma_start3A_138 = arith.constant 0 : i32
      %dma_start3A_139 = tpu.memref_slice %arg8[%add3A_137, %dma_start3A_138] : memref<125x40xi32, #tpu.memory_space<vmem>> -> memref<1x40xi32, #tpu.memory_space<vmem>>
      %dma_start3A_140 = tpu.memref_squeeze %dma_start3A_139 : memref<1x40xi32, #tpu.memory_space<vmem>> -> memref<40xi32, #tpu.memory_space<vmem>>
      %dma_start3A_141 = arith.constant 0 : i32
      %dma_start3A_142 = arith.constant 0 : i32
      %dma_start3A_143 = tpu.memref_slice %arg14[%dma_start3A_141, %dma_start3A_142] : memref<10000x128xf32, #tpu.memory_space<vmem_shared>> -> memref<10000x128xf32, #tpu.memory_space<vmem_shared>>
      tpu.enqueue_indirect_dma source(%arg13 : memref<40x128xf32, #tpu.memory_space<vmem>>) target(%dma_start3A_143 : memref<10000x128xf32, #tpu.memory_space<vmem_shared>>) offsets(%dma_start3A_140 : memref<40xi32, #tpu.memory_space<vmem>>) semaphore(%arg24 : memref<!tpu.dma_semaphore, #tpu.memory_space<semaphore_mem>>) {add = true}
      %dma_wait3A_144 = arith.constant 0 : i32
      %dma_wait3A_145 = tpu.memref_slice %arg8[%add3A_89, %dma_wait3A_144] : memref<125x40xi32, #tpu.memory_space<vmem>> -> memref<1x40xi32, #tpu.memory_space<vmem>>
      %dma_wait3A_146 = tpu.memref_squeeze %dma_wait3A_145 : memref<1x40xi32, #tpu.memory_space<vmem>> -> memref<40xi32, #tpu.memory_space<vmem>>
      %dma_wait3A_147 = arith.constant 0 : i32
      %dma_wait3A_148 = arith.constant 0 : i32
      %dma_wait3A_149 = tpu.memref_slice %arg14[%dma_wait3A_147, %dma_wait3A_148] : memref<10000x128xf32, #tpu.memory_space<vmem_shared>> -> memref<10000x128xf32, #tpu.memory_space<vmem_shared>>
      tpu.wait_indirect_dma semaphore(%arg20 : memref<!tpu.dma_semaphore, #tpu.memory_space<semaphore_mem>>) src(%arg9 : memref<40x128xf32, #tpu.memory_space<vmem>>) dst(%dma_wait3A_149 : memref<10000x128xf32, #tpu.memory_space<vmem_shared>>)
      %dma_wait3A_150 = arith.constant 0 : i32
      %dma_wait3A_151 = tpu.memref_slice %arg8[%add3A_101, %dma_wait3A_150] : memref<125x40xi32, #tpu.memory_space<vmem>> -> memref<1x40xi32, #tpu.memory_space<vmem>>
      %dma_wait3A_152 = tpu.memref_squeeze %dma_wait3A_151 : memref<1x40xi32, #tpu.memory_space<vmem>> -> memref<40xi32, #tpu.memory_space<vmem>>
      %dma_wait3A_153 = arith.constant 0 : i32
      %dma_wait3A_154 = arith.constant 0 : i32
      %dma_wait3A_155 = tpu.memref_slice %arg14[%dma_wait3A_153, %dma_wait3A_154] : memref<10000x128xf32, #tpu.memory_space<vmem_shared>> -> memref<10000x128xf32, #tpu.memory_space<vmem_shared>>
      tpu.wait_indirect_dma semaphore(%arg21 : memref<!tpu.dma_semaphore, #tpu.memory_space<semaphore_mem>>) src(%arg10 : memref<40x128xf32, #tpu.memory_space<vmem>>) dst(%dma_wait3A_155 : memref<10000x128xf32, #tpu.memory_space<vmem_shared>>)
      %dma_wait3A_156 = arith.constant 0 : i32
      %dma_wait3A_157 = tpu.memref_slice %arg8[%add3A_113, %dma_wait3A_156] : memref<125x40xi32, #tpu.memory_space<vmem>> -> memref<1x40xi32, #tpu.memory_space<vmem>>
      %dma_wait3A_158 = tpu.memref_squeeze %dma_wait3A_157 : memref<1x40xi32, #tpu.memory_space<vmem>> -> memref<40xi32, #tpu.memory_space<vmem>>
      %dma_wait3A_159 = arith.constant 0 : i32
      %dma_wait3A_160 = arith.constant 0 : i32
      %dma_wait3A_161 = tpu.memref_slice %arg14[%dma_wait3A_159, %dma_wait3A_160] : memref<10000x128xf32, #tpu.memory_space<vmem_shared>> -> memref<10000x128xf32, #tpu.memory_space<vmem_shared>>
      tpu.wait_indirect_dma semaphore(%arg22 : memref<!tpu.dma_semaphore, #tpu.memory_space<semaphore_mem>>) src(%arg11 : memref<40x128xf32, #tpu.memory_space<vmem>>) dst(%dma_wait3A_161 : memref<10000x128xf32, #tpu.memory_space<vmem_shared>>)
      %dma_wait3A_162 = arith.constant 0 : i32
      %dma_wait3A_163 = tpu.memref_slice %arg8[%add3A_125, %dma_wait3A_162] : memref<125x40xi32, #tpu.memory_space<vmem>> -> memref<1x40xi32, #tpu.memory_space<vmem>>
      %dma_wait3A_164 = tpu.memref_squeeze %dma_wait3A_163 : memref<1x40xi32, #tpu.memory_space<vmem>> -> memref<40xi32, #tpu.memory_space<vmem>>
      %dma_wait3A_165 = arith.constant 0 : i32
      %dma_wait3A_166 = arith.constant 0 : i32
      %dma_wait3A_167 = tpu.memref_slice %arg14[%dma_wait3A_165, %dma_wait3A_166] : memref<10000x128xf32, #tpu.memory_space<vmem_shared>> -> memref<10000x128xf32, #tpu.memory_space<vmem_shared>>
      tpu.wait_indirect_dma semaphore(%arg23 : memref<!tpu.dma_semaphore, #tpu.memory_space<semaphore_mem>>) src(%arg12 : memref<40x128xf32, #tpu.memory_space<vmem>>) dst(%dma_wait3A_167 : memref<10000x128xf32, #tpu.memory_space<vmem_shared>>)
      %dma_wait3A_168 = arith.constant 0 : i32
      %dma_wait3A_169 = tpu.memref_slice %arg8[%add3A_137, %dma_wait3A_168] : memref<125x40xi32, #tpu.memory_space<vmem>> -> memref<1x40xi32, #tpu.memory_space<vmem>>
      %dma_wait3A_170 = tpu.memref_squeeze %dma_wait3A_169 : memref<1x40xi32, #tpu.memory_space<vmem>> -> memref<40xi32, #tpu.memory_space<vmem>>
      %dma_wait3A_171 = arith.constant 0 : i32
      %dma_wait3A_172 = arith.constant 0 : i32
      %dma_wait3A_173 = tpu.memref_slice %arg14[%dma_wait3A_171, %dma_wait3A_172] : memref<10000x128xf32, #tpu.memory_space<vmem_shared>> -> memref<10000x128xf32, #tpu.memory_space<vmem_shared>>
      tpu.wait_indirect_dma semaphore(%arg24 : memref<!tpu.dma_semaphore, #tpu.memory_space<semaphore_mem>>) src(%arg13 : memref<40x128xf32, #tpu.memory_space<vmem>>) dst(%dma_wait3A_173 : memref<10000x128xf32, #tpu.memory_space<vmem_shared>>)
    }
    %scan3A_30 = arith.constant 25 : i32
    %barrier3A_31 = arith.constant 0 : index
    tpu.barrier barrier_id(%barrier3A_31)
    "tpu.region"() ({
      %run_scoped3A = tpu.sem_alloc : memref<!tpu.dma_semaphore, #tpu.memory_space<semaphore_mem>>
      %dma_start3A = arith.constant 0 : i32
      %dma_start3A_38 = arith.constant 0 : i32
      %dma_start3A_39 = tpu.memref_slice %arg7[%arg0, %dma_start3A, %dma_start3A_38] : memref<2x10000x128xf32, #tpu.memory_space<hbm>> -> memref<1x10000x128xf32, #tpu.memory_space<hbm>>
      %dma_start3A_40 = tpu.memref_squeeze %dma_start3A_39 : memref<1x10000x128xf32, #tpu.memory_space<hbm>> -> memref<10000x128xf32, #tpu.memory_space<hbm>>
      %dma_start3A_41 = arith.constant 0 : i32
      %dma_start3A_42 = tpu.memref_slice %dma_start3A_40[%mul3A_4, %dma_start3A_41] : memref<10000x128xf32, #tpu.memory_space<hbm>> -> memref<624x128xf32, #tpu.memory_space<hbm>>
      %dma_start3A_43 = arith.constant 0 : i32
      %dma_start3A_44 = tpu.memref_slice %arg14[%mul3A_4, %dma_start3A_43] : memref<10000x128xf32, #tpu.memory_space<vmem_shared>> -> memref<624x128xf32, #tpu.memory_space<vmem_shared>>
      tpu.enqueue_dma source(%dma_start3A_44 : memref<624x128xf32, #tpu.memory_space<vmem_shared>>) target(%dma_start3A_42 : memref<624x128xf32, #tpu.memory_space<hbm>>) target_semaphore(%run_scoped3A : memref<!tpu.dma_semaphore, #tpu.memory_space<semaphore_mem>>)
      %dma_wait3A = arith.constant 0 : i32
      %dma_wait3A_45 = arith.constant 0 : i32
      %dma_wait3A_46 = tpu.memref_slice %arg7[%arg0, %dma_wait3A, %dma_wait3A_45] : memref<2x10000x128xf32, #tpu.memory_space<hbm>> -> memref<1x10000x128xf32, #tpu.memory_space<hbm>>
      %dma_wait3A_47 = tpu.memref_squeeze %dma_wait3A_46 : memref<1x10000x128xf32, #tpu.memory_space<hbm>> -> memref<10000x128xf32, #tpu.memory_space<hbm>>
      %dma_wait3A_48 = arith.constant 0 : i32
      %dma_wait3A_49 = tpu.memref_slice %dma_wait3A_47[%mul3A_4, %dma_wait3A_48] : memref<10000x128xf32, #tpu.memory_space<hbm>> -> memref<624x128xf32, #tpu.memory_space<hbm>>
      %dma_wait3A_50 = arith.constant 0 : i32
      %dma_wait3A_51 = tpu.memref_slice %arg14[%mul3A_4, %dma_wait3A_50] : memref<10000x128xf32, #tpu.memory_space<vmem_shared>> -> memref<624x128xf32, #tpu.memory_space<vmem_shared>>
      tpu.wait_dma2 semaphore(%run_scoped3A : memref<!tpu.dma_semaphore, #tpu.memory_space<semaphore_mem>>) src(%dma_wait3A_51 : memref<624x128xf32, #tpu.memory_space<vmem_shared>>) dst(%dma_wait3A_49 : memref<624x128xf32, #tpu.memory_space<hbm>>)
      tpu.yield
    }) : () -> ()
    %eq3A_32 = arith.constant 15 : i32
    %eq3A_33 = arith.cmpi eq, %arg1, %eq3A_32 : i32
    %convert_element_type3A_34 = arith.extui %eq3A_33 : i1 to i32
    %cond3A_35 = arith.constant 0 : i32
    %cond3A_36 = arith.cmpi ne, %convert_element_type3A_34, %cond3A_35 : i32
    scf.if %cond3A_36 {
      "tpu.region"() ({
        %run_scoped3A = tpu.sem_alloc : memref<!tpu.dma_semaphore, #tpu.memory_space<semaphore_mem>>
        %dma_start3A = arith.constant 0 : i32
        %dma_start3A_38 = arith.constant 0 : i32
        %dma_start3A_39 = tpu.memref_slice %arg7[%arg0, %dma_start3A, %dma_start3A_38] : memref<2x10000x128xf32, #tpu.memory_space<hbm>> -> memref<1x10000x128xf32, #tpu.memory_space<hbm>>
        %dma_start3A_40 = tpu.memref_squeeze %dma_start3A_39 : memref<1x10000x128xf32, #tpu.memory_space<hbm>> -> memref<10000x128xf32, #tpu.memory_space<hbm>>
        %dma_start3A_41 = arith.constant 9984 : i32
        %dma_start3A_42 = arith.constant 0 : i32
        %dma_start3A_43 = tpu.memref_slice %dma_start3A_40[%dma_start3A_41, %dma_start3A_42] : memref<10000x128xf32, #tpu.memory_space<hbm>> -> memref<16x128xf32, #tpu.memory_space<hbm>>
        %dma_start3A_44 = arith.constant 9984 : i32
        %dma_start3A_45 = arith.constant 0 : i32
        %dma_start3A_46 = tpu.memref_slice %arg14[%dma_start3A_44, %dma_start3A_45] : memref<10000x128xf32, #tpu.memory_space<vmem_shared>> -> memref<16x128xf32, #tpu.memory_space<vmem_shared>>
        tpu.enqueue_dma source(%dma_start3A_46 : memref<16x128xf32, #tpu.memory_space<vmem_shared>>) target(%dma_start3A_43 : memref<16x128xf32, #tpu.memory_space<hbm>>) target_semaphore(%run_scoped3A : memref<!tpu.dma_semaphore, #tpu.memory_space<semaphore_mem>>)
        %dma_wait3A = arith.constant 0 : i32
        %dma_wait3A_47 = arith.constant 0 : i32
        %dma_wait3A_48 = tpu.memref_slice %arg7[%arg0, %dma_wait3A, %dma_wait3A_47] : memref<2x10000x128xf32, #tpu.memory_space<hbm>> -> memref<1x10000x128xf32, #tpu.memory_space<hbm>>
        %dma_wait3A_49 = tpu.memref_squeeze %dma_wait3A_48 : memref<1x10000x128xf32, #tpu.memory_space<hbm>> -> memref<10000x128xf32, #tpu.memory_space<hbm>>
        %dma_wait3A_50 = arith.constant 9984 : i32
        %dma_wait3A_51 = arith.constant 0 : i32
        %dma_wait3A_52 = tpu.memref_slice %dma_wait3A_49[%dma_wait3A_50, %dma_wait3A_51] : memref<10000x128xf32, #tpu.memory_space<hbm>> -> memref<16x128xf32, #tpu.memory_space<hbm>>
        %dma_wait3A_53 = arith.constant 9984 : i32
        %dma_wait3A_54 = arith.constant 0 : i32
        %dma_wait3A_55 = tpu.memref_slice %arg14[%dma_wait3A_53, %dma_wait3A_54] : memref<10000x128xf32, #tpu.memory_space<vmem_shared>> -> memref<16x128xf32, #tpu.memory_space<vmem_shared>>
        tpu.wait_dma2 semaphore(%run_scoped3A : memref<!tpu.dma_semaphore, #tpu.memory_space<semaphore_mem>>) src(%dma_wait3A_55 : memref<16x128xf32, #tpu.memory_space<vmem_shared>>) dst(%dma_wait3A_52 : memref<16x128xf32, #tpu.memory_space<hbm>>)
        tpu.yield
      }) : () -> ()
    } else {
    }
    %barrier3A_37 = arith.constant 0 : index
    tpu.barrier barrier_id(%barrier3A_37)
    return
  }
}

module attributes {stable_mosaic.version = 14 : i64} {
  func.func @body(%arg0: i32, %arg1: memref<3200x128xf32, #tpu.memory_space<vmem>>, %arg2: memref<3200x128xf32, #tpu.memory_space<vmem>>, %arg3: memref<1x1x3200xf32, #tpu.memory_space<vmem>>, %arg4: memref<1x16xf32, #tpu.memory_space<vmem>>, %arg5: memref<1x16xf32, #tpu.memory_space<vmem>>, %arg6: memref<16x16xf32, #tpu.memory_space<vmem>>, %arg7: memref<1x16xf32, #tpu.memory_space<vmem>>, %arg8: memref<128x128xbf16, #tpu.memory_space<vmem>>, %arg9: memref<128x128xbf16, #tpu.memory_space<vmem>>, %arg10: memref<16x128xf32, #tpu.memory_space<vmem>>, %arg11: memref<1x128xf32, #tpu.memory_space<vmem>>, %arg12: memref<128x128xbf16, #tpu.memory_space<vmem>>, %arg13: memref<128x128xbf16, #tpu.memory_space<vmem>>, %arg14: memref<16x128xf32, #tpu.memory_space<vmem>>, %arg15: memref<1x128xf32, #tpu.memory_space<vmem>>, %arg16: memref<1x128xf32, #tpu.memory_space<vmem>>, %arg17: memref<3200x128xf32, #tpu.memory_space<vmem>>, %arg18: memref<3200x128xf32, #tpu.memory_space<vmem>>) attributes {dimension_semantics = [#tpu.dimension_semantics<arbitrary>], iteration_bounds = array<i64: 50>, scalar_prefetch = 0 : i64, scratch_operands = 0 : i64, tpu.core_type = #tpu.core_type<tc>, window_params = [{transform_indices = @transform_0, window_bounds = array<i64: 3200, 128>}, {transform_indices = @transform_1, window_bounds = array<i64: 3200, 128>}, {transform_indices = @transform_2, window_bounds = array<i64: 1, 1, 3200>}, {pipeline_mode = #tpu.pipeline_mode<synchronous>, transform_indices = @transform_3, window_bounds = array<i64: 1, 16>}, {pipeline_mode = #tpu.pipeline_mode<synchronous>, transform_indices = @transform_4, window_bounds = array<i64: 1, 16>}, {pipeline_mode = #tpu.pipeline_mode<synchronous>, transform_indices = @transform_5, window_bounds = array<i64: 16, 16>}, {pipeline_mode = #tpu.pipeline_mode<synchronous>, transform_indices = @transform_6, window_bounds = array<i64: 1, 16>}, {pipeline_mode = #tpu.pipeline_mode<synchronous>, transform_indices = @transform_7, window_bounds = array<i64: 128, 128>}, {pipeline_mode = #tpu.pipeline_mode<synchronous>, transform_indices = @transform_8, window_bounds = array<i64: 128, 128>}, {pipeline_mode = #tpu.pipeline_mode<synchronous>, transform_indices = @transform_9, window_bounds = array<i64: 16, 128>}, {pipeline_mode = #tpu.pipeline_mode<synchronous>, transform_indices = @transform_10, window_bounds = array<i64: 1, 128>}, {pipeline_mode = #tpu.pipeline_mode<synchronous>, transform_indices = @transform_11, window_bounds = array<i64: 128, 128>}, {pipeline_mode = #tpu.pipeline_mode<synchronous>, transform_indices = @transform_12, window_bounds = array<i64: 128, 128>}, {pipeline_mode = #tpu.pipeline_mode<synchronous>, transform_indices = @transform_13, window_bounds = array<i64: 16, 128>}, {pipeline_mode = #tpu.pipeline_mode<synchronous>, transform_indices = @transform_14, window_bounds = array<i64: 1, 128>}, {pipeline_mode = #tpu.pipeline_mode<synchronous>, transform_indices = @transform_15, window_bounds = array<i64: 1, 128>}, {transform_indices = @transform_16, window_bounds = array<i64: 3200, 128>}, {transform_indices = @transform_17, window_bounds = array<i64: 3200, 128>}]} {
    %get3A = arith.constant 0 : index
    %get3A_0 = arith.constant 0 : index
    %get3A_1 = arith.constant 0 : index
    %get3A_2 = vector.load %arg3[%get3A, %get3A_0, %get3A_1] : memref<1x1x3200xf32, #tpu.memory_space<vmem>>, vector<1x1x3200xf32>
    %get3A_3 = vector.shape_cast %get3A_2 : vector<1x1x3200xf32> to vector<3200xf32>
    %broadcast_in_dim3A = vector.shape_cast %get3A_3 : vector<3200xf32> to vector<3200x1xf32>
    %get3A_4 = arith.constant 0 : index
    %get3A_5 = arith.constant 0 : index
    %get3A_6 = vector.load %arg4[%get3A_4, %get3A_5] : memref<1x16xf32, #tpu.memory_space<vmem>>, vector<1x16xf32>
    %get3A_7 = vector.shape_cast %get3A_6 : vector<1x16xf32> to vector<16xf32>
    %broadcast_in_dim3A_8 = vector.shape_cast %get3A_7 : vector<16xf32> to vector<1x16xf32>
    %mul3A = vector.broadcast %broadcast_in_dim3A : vector<3200x1xf32> to vector<3200x16xf32>
    %mul3A_9 = vector.broadcast %broadcast_in_dim3A_8 : vector<1x16xf32> to vector<3200x16xf32>
    %mul3A_10 = arith.mulf %mul3A, %mul3A_9 : vector<3200x16xf32>
    %get3A_11 = arith.constant 0 : index
    %get3A_12 = arith.constant 0 : index
    %get3A_13 = vector.load %arg5[%get3A_11, %get3A_12] : memref<1x16xf32, #tpu.memory_space<vmem>>, vector<1x16xf32>
    %get3A_14 = vector.shape_cast %get3A_13 : vector<1x16xf32> to vector<16xf32>
    %broadcast_in_dim3A_15 = vector.shape_cast %get3A_14 : vector<16xf32> to vector<1x16xf32>
    %add3A = vector.broadcast %broadcast_in_dim3A_15 : vector<1x16xf32> to vector<3200x16xf32>
    %add3A_16 = arith.addf %mul3A_10, %add3A : vector<3200x16xf32>
    %logistic3A = arith.negf %add3A_16 : vector<3200x16xf32>
    %logistic3A_17 = math.exp %logistic3A : vector<3200x16xf32>
    %logistic3A_18 = arith.constant 1.000000e+00 : f32
    %logistic3A_19 = vector.broadcast %logistic3A_18 : f32 to vector<3200x16xf32>
    %logistic3A_20 = arith.addf %logistic3A_19, %logistic3A_17 : vector<3200x16xf32>
    %logistic3A_21 = arith.divf %logistic3A_19, %logistic3A_20 : vector<3200x16xf32>
    %mul3A_22 = arith.mulf %add3A_16, %logistic3A_21 : vector<3200x16xf32>
    %get3A_23 = arith.constant 0 : index
    %get3A_24 = arith.constant 0 : index
    %get3A_25 = vector.load %arg6[%get3A_23, %get3A_24] : memref<16x16xf32, #tpu.memory_space<vmem>>, vector<16x16xf32>
    %dot_general3A = arith.constant dense<0.000000e+00> : vector<3200x16xf32>
    %dot_general3A_26 = tpu.matmul %mul3A_22, %get3A_25, %dot_general3A {dimension_numbers = #tpu.dot_dimension_numbers<[1], [0], [0], [1], [0, 0, 1, 1], [], []>, transpose_lhs_hint = false} : vector<3200x16xf32>, vector<16x16xf32>, vector<3200x16xf32> -> vector<3200x16xf32>
    %get3A_27 = arith.constant 0 : index
    %get3A_28 = arith.constant 0 : index
    %get3A_29 = vector.load %arg7[%get3A_27, %get3A_28] : memref<1x16xf32, #tpu.memory_space<vmem>>, vector<1x16xf32>
    %get3A_30 = vector.shape_cast %get3A_29 : vector<1x16xf32> to vector<16xf32>
    %broadcast_in_dim3A_31 = vector.shape_cast %get3A_30 : vector<16xf32> to vector<1x16xf32>
    %add3A_32 = vector.broadcast %broadcast_in_dim3A_31 : vector<1x16xf32> to vector<3200x16xf32>
    %add3A_33 = arith.addf %dot_general3A_26, %add3A_32 : vector<3200x16xf32>
    %get3A_34 = arith.constant 0 : index
    %get3A_35 = arith.constant 0 : index
    %get3A_36 = vector.load %arg1[%get3A_34, %get3A_35] : memref<3200x128xf32, #tpu.memory_space<vmem>>, vector<3200x64xf32>
    %bitcast_convert_type3A = tpu.bitcast %get3A_36 : vector<3200x64xf32> -> vector<3200x64xi32>
    %shift_right_logical3A = arith.constant 16 : i32
    %shift_right_logical3A_37 = vector.broadcast %shift_right_logical3A : i32 to vector<3200x64xi32>
    %shift_right_logical3A_38 = arith.shrui %bitcast_convert_type3A, %shift_right_logical3A_37 : vector<3200x64xi32>
    %convert_element_type3A = arith.trunci %shift_right_logical3A_38 : vector<3200x64xi32> to vector<3200x64xi16>
    %bitcast_convert_type3A_39 = tpu.bitcast %convert_element_type3A : vector<3200x64xi16> -> vector<3200x64xbf16>
    %convert_element_type3A_40 = arith.trunci %bitcast_convert_type3A : vector<3200x64xi32> to vector<3200x64xi16>
    %bitcast_convert_type3A_41 = tpu.bitcast %convert_element_type3A_40 : vector<3200x64xi16> -> vector<3200x64xbf16>
    %concatenate3A = tpu.concatenate %bitcast_convert_type3A_39, %bitcast_convert_type3A_41 in 1 : vector<3200x64xbf16>, vector<3200x64xbf16> -> vector<3200x128xbf16>
    %get3A_42 = arith.constant 0 : index
    %get3A_43 = arith.constant 0 : index
    %get3A_44 = vector.load %arg2[%get3A_42, %get3A_43] : memref<3200x128xf32, #tpu.memory_space<vmem>>, vector<3200x64xf32>
    %bitcast_convert_type3A_45 = tpu.bitcast %get3A_44 : vector<3200x64xf32> -> vector<3200x64xi32>
    %shift_right_logical3A_46 = arith.constant 16 : i32
    %shift_right_logical3A_47 = vector.broadcast %shift_right_logical3A_46 : i32 to vector<3200x64xi32>
    %shift_right_logical3A_48 = arith.shrui %bitcast_convert_type3A_45, %shift_right_logical3A_47 : vector<3200x64xi32>
    %convert_element_type3A_49 = arith.trunci %shift_right_logical3A_48 : vector<3200x64xi32> to vector<3200x64xi16>
    %bitcast_convert_type3A_50 = tpu.bitcast %convert_element_type3A_49 : vector<3200x64xi16> -> vector<3200x64xbf16>
    %convert_element_type3A_51 = arith.trunci %bitcast_convert_type3A_45 : vector<3200x64xi32> to vector<3200x64xi16>
    %bitcast_convert_type3A_52 = tpu.bitcast %convert_element_type3A_51 : vector<3200x64xi16> -> vector<3200x64xbf16>
    %concatenate3A_53 = tpu.concatenate %bitcast_convert_type3A_50, %bitcast_convert_type3A_52 in 1 : vector<3200x64xbf16>, vector<3200x64xbf16> -> vector<3200x128xbf16>
    %get3A_54 = arith.constant 0 : index
    %get3A_55 = arith.constant 0 : index
    %get3A_56 = vector.load %arg8[%get3A_54, %get3A_55] : memref<128x128xbf16, #tpu.memory_space<vmem>>, vector<128x128xbf16>
    %dot_general3A_57 = arith.constant dense<0.000000e+00> : vector<3200x128xf32>
    %dot_general3A_58 = tpu.matmul %concatenate3A, %get3A_56, %dot_general3A_57 {dimension_numbers = #tpu.dot_dimension_numbers<[1], [0], [0], [1], [0, 0, 1, 1], [], []>, transpose_lhs_hint = false} : vector<3200x128xbf16>, vector<128x128xbf16>, vector<3200x128xf32> -> vector<3200x128xf32>
    %get3A_59 = arith.constant 0 : index
    %get3A_60 = arith.constant 0 : index
    %get3A_61 = vector.load %arg9[%get3A_59, %get3A_60] : memref<128x128xbf16, #tpu.memory_space<vmem>>, vector<128x128xbf16>
    %dot_general3A_62 = arith.constant dense<0.000000e+00> : vector<3200x128xf32>
    %dot_general3A_63 = tpu.matmul %concatenate3A_53, %get3A_61, %dot_general3A_62 {dimension_numbers = #tpu.dot_dimension_numbers<[1], [0], [0], [1], [0, 0, 1, 1], [], []>, transpose_lhs_hint = false} : vector<3200x128xbf16>, vector<128x128xbf16>, vector<3200x128xf32> -> vector<3200x128xf32>
    %add3A_64 = arith.addf %dot_general3A_58, %dot_general3A_63 : vector<3200x128xf32>
    %get3A_65 = arith.constant 0 : index
    %get3A_66 = arith.constant 0 : index
    %get3A_67 = vector.load %arg10[%get3A_65, %get3A_66] : memref<16x128xf32, #tpu.memory_space<vmem>>, vector<16x128xf32>
    %dot_general3A_68 = arith.constant dense<0.000000e+00> : vector<3200x128xf32>
    %dot_general3A_69 = tpu.matmul %add3A_33, %get3A_67, %dot_general3A_68 {dimension_numbers = #tpu.dot_dimension_numbers<[1], [0], [0], [1], [0, 0, 1, 1], [], []>, transpose_lhs_hint = false} : vector<3200x16xf32>, vector<16x128xf32>, vector<3200x128xf32> -> vector<3200x128xf32>
    %add3A_70 = arith.addf %add3A_64, %dot_general3A_69 : vector<3200x128xf32>
    %get3A_71 = arith.constant 0 : index
    %get3A_72 = arith.constant 0 : index
    %get3A_73 = vector.load %arg11[%get3A_71, %get3A_72] : memref<1x128xf32, #tpu.memory_space<vmem>>, vector<1x128xf32>
    %get3A_74 = vector.shape_cast %get3A_73 : vector<1x128xf32> to vector<128xf32>
    %broadcast_in_dim3A_75 = vector.shape_cast %get3A_74 : vector<128xf32> to vector<1x128xf32>
    %add3A_76 = vector.broadcast %broadcast_in_dim3A_75 : vector<1x128xf32> to vector<3200x128xf32>
    %add3A_77 = arith.addf %add3A_70, %add3A_76 : vector<3200x128xf32>
    %logistic3A_78 = arith.negf %add3A_77 : vector<3200x128xf32>
    %logistic3A_79 = math.exp %logistic3A_78 : vector<3200x128xf32>
    %logistic3A_80 = arith.constant 1.000000e+00 : f32
    %logistic3A_81 = vector.broadcast %logistic3A_80 : f32 to vector<3200x128xf32>
    %logistic3A_82 = arith.addf %logistic3A_81, %logistic3A_79 : vector<3200x128xf32>
    %logistic3A_83 = arith.divf %logistic3A_81, %logistic3A_82 : vector<3200x128xf32>
    %mul3A_84 = arith.mulf %add3A_77, %logistic3A_83 : vector<3200x128xf32>
    %swap3A = arith.constant 0 : index
    %swap3A_85 = arith.constant 0 : index
    %swap3A_86 = vector.load %arg17[%swap3A, %swap3A_85] : memref<3200x128xf32, #tpu.memory_space<vmem>>, vector<3200x128xf32>
    tpu.vector_store %arg17[%swap3A, %swap3A_85], %mul3A_84 {strides = array<i32>} : memref<3200x128xf32, #tpu.memory_space<vmem>>, vector<3200x128xf32>,
    %get3A_87 = arith.constant 0 : index
    %get3A_88 = arith.constant 0 : index
    %get3A_89 = vector.load %arg12[%get3A_87, %get3A_88] : memref<128x128xbf16, #tpu.memory_space<vmem>>, vector<128x128xbf16>
    %dot_general3A_90 = arith.constant dense<0.000000e+00> : vector<3200x128xf32>
    %dot_general3A_91 = tpu.matmul %concatenate3A, %get3A_89, %dot_general3A_90 {dimension_numbers = #tpu.dot_dimension_numbers<[1], [0], [0], [1], [0, 0, 1, 1], [], []>, transpose_lhs_hint = false} : vector<3200x128xbf16>, vector<128x128xbf16>, vector<3200x128xf32> -> vector<3200x128xf32>
    %get3A_92 = arith.constant 0 : index
    %get3A_93 = arith.constant 0 : index
    %get3A_94 = vector.load %arg13[%get3A_92, %get3A_93] : memref<128x128xbf16, #tpu.memory_space<vmem>>, vector<128x128xbf16>
    %dot_general3A_95 = arith.constant dense<0.000000e+00> : vector<3200x128xf32>
    %dot_general3A_96 = tpu.matmul %concatenate3A_53, %get3A_94, %dot_general3A_95 {dimension_numbers = #tpu.dot_dimension_numbers<[1], [0], [0], [1], [0, 0, 1, 1], [], []>, transpose_lhs_hint = false} : vector<3200x128xbf16>, vector<128x128xbf16>, vector<3200x128xf32> -> vector<3200x128xf32>
    %add3A_97 = arith.addf %dot_general3A_91, %dot_general3A_96 : vector<3200x128xf32>
    %get3A_98 = arith.constant 0 : index
    %get3A_99 = arith.constant 0 : index
    %get3A_100 = vector.load %arg14[%get3A_98, %get3A_99] : memref<16x128xf32, #tpu.memory_space<vmem>>, vector<16x128xf32>
    %dot_general3A_101 = arith.constant dense<0.000000e+00> : vector<3200x128xf32>
    %dot_general3A_102 = tpu.matmul %add3A_33, %get3A_100, %dot_general3A_101 {dimension_numbers = #tpu.dot_dimension_numbers<[1], [0], [0], [1], [0, 0, 1, 1], [], []>, transpose_lhs_hint = false} : vector<3200x16xf32>, vector<16x128xf32>, vector<3200x128xf32> -> vector<3200x128xf32>
    %add3A_103 = arith.addf %add3A_97, %dot_general3A_102 : vector<3200x128xf32>
    %get3A_104 = arith.constant 0 : index
    %get3A_105 = arith.constant 0 : index
    %get3A_106 = vector.load %arg15[%get3A_104, %get3A_105] : memref<1x128xf32, #tpu.memory_space<vmem>>, vector<1x128xf32>
    %get3A_107 = vector.shape_cast %get3A_106 : vector<1x128xf32> to vector<128xf32>
    %broadcast_in_dim3A_108 = vector.shape_cast %get3A_107 : vector<128xf32> to vector<1x128xf32>
    %add3A_109 = vector.broadcast %broadcast_in_dim3A_108 : vector<1x128xf32> to vector<3200x128xf32>
    %add3A_110 = arith.addf %add3A_103, %add3A_109 : vector<3200x128xf32>
    %logistic3A_111 = arith.negf %add3A_110 : vector<3200x128xf32>
    %logistic3A_112 = math.exp %logistic3A_111 : vector<3200x128xf32>
    %logistic3A_113 = arith.constant 1.000000e+00 : f32
    %logistic3A_114 = vector.broadcast %logistic3A_113 : f32 to vector<3200x128xf32>
    %logistic3A_115 = arith.addf %logistic3A_114, %logistic3A_112 : vector<3200x128xf32>
    %logistic3A_116 = arith.divf %logistic3A_114, %logistic3A_115 : vector<3200x128xf32>
    %mul3A_117 = arith.mulf %add3A_110, %logistic3A_116 : vector<3200x128xf32>
    %get3A_118 = arith.constant 0 : index
    %get3A_119 = arith.constant 0 : index
    %get3A_120 = vector.load %arg16[%get3A_118, %get3A_119] : memref<1x128xf32, #tpu.memory_space<vmem>>, vector<1x128xf32>
    %get3A_121 = vector.shape_cast %get3A_120 : vector<1x128xf32> to vector<128xf32>
    %broadcast_in_dim3A_122 = vector.shape_cast %get3A_121 : vector<128xf32> to vector<1x128xf32>
    %mul3A_123 = vector.broadcast %broadcast_in_dim3A_122 : vector<1x128xf32> to vector<3200x128xf32>
    %mul3A_124 = arith.mulf %mul3A_117, %mul3A_123 : vector<3200x128xf32>
    %reduce_sum3A = arith.constant dense<0.000000e+00> : vector<3200xf32>
    %reduce_sum3A_125 = vector.multi_reduction <add>, %mul3A_124, %reduce_sum3A [1] : vector<3200x128xf32> to vector<3200xf32>
    %broadcast_in_dim3A_126 = vector.shape_cast %reduce_sum3A_125 : vector<3200xf32> to vector<3200x1xf32>
    %get3A_127 = arith.constant 0 : index
    %get3A_128 = arith.constant 64 : index
    %get3A_129 = vector.load %arg1[%get3A_127, %get3A_128] : memref<3200x128xf32, #tpu.memory_space<vmem>>, vector<3200x3xf32>
    %get3A_130 = arith.constant 0 : index
    %get3A_131 = arith.constant 64 : index
    %get3A_132 = vector.load %arg2[%get3A_130, %get3A_131] : memref<3200x128xf32, #tpu.memory_space<vmem>>, vector<3200x3xf32>
    %sub3A = arith.subf %get3A_129, %get3A_132 : vector<3200x3xf32>
    %mul3A_133 = arith.mulf %sub3A, %sub3A : vector<3200x3xf32>
    %reduce_sum3A_134 = arith.constant dense<0.000000e+00> : vector<3200xf32>
    %reduce_sum3A_135 = vector.multi_reduction <add>, %mul3A_133, %reduce_sum3A_134 [1] : vector<3200x3xf32> to vector<3200xf32>
    %broadcast_in_dim3A_136 = vector.shape_cast %reduce_sum3A_135 : vector<3200xf32> to vector<3200x1xf32>
    %sqrt3A = math.sqrt %broadcast_in_dim3A_136 : vector<3200x1xf32>
    %max3A = arith.constant 9.99999993E-9 : f32
    %max3A_137 = vector.broadcast %max3A : f32 to vector<3200x1xf32>
    %max3A_138 = arith.maximumf %sqrt3A, %max3A_137 : vector<3200x1xf32>
    %div3A = vector.broadcast %max3A_138 : vector<3200x1xf32> to vector<3200x3xf32>
    %div3A_139 = arith.divf %sub3A, %div3A : vector<3200x3xf32>
    %mul3A_140 = vector.broadcast %broadcast_in_dim3A_126 : vector<3200x1xf32> to vector<3200x3xf32>
    %mul3A_141 = arith.mulf %mul3A_140, %div3A_139 : vector<3200x3xf32>
    %broadcast_in_dim3A_142 = arith.constant 1.000000e+00 : f32
    %broadcast_in_dim3A_143 = vector.broadcast %broadcast_in_dim3A_142 : f32 to vector<3200x1xf32>
    %broadcast_in_dim3A_144 = arith.constant 0.000000e+00 : f32
    %broadcast_in_dim3A_145 = vector.broadcast %broadcast_in_dim3A_144 : f32 to vector<3200x124xf32>
    %concatenate3A_146 = tpu.concatenate %mul3A_141, %broadcast_in_dim3A_143, %broadcast_in_dim3A_145 in 1 : vector<3200x3xf32>, vector<3200x1xf32>, vector<3200x124xf32> -> vector<3200x128xf32>
    %swap3A_147 = arith.constant 0 : index
    %swap3A_148 = arith.constant 0 : index
    %swap3A_149 = vector.load %arg18[%swap3A_147, %swap3A_148] : memref<3200x128xf32, #tpu.memory_space<vmem>>, vector<3200x128xf32>
    tpu.vector_store %arg18[%swap3A_147, %swap3A_148], %concatenate3A_146 {strides = array<i32>} : memref<3200x128xf32, #tpu.memory_space<vmem>>, vector<3200x128xf32>,
    return
  }
  func.func @transform_0(%arg0: i32) -> (i32, i32) {
    %c0_i32 = arith.constant 0 : i32
    %c0_i32_0 = arith.constant 0 : i32
    return %arg0, %c0_i32 : i32, i32
  }
  func.func @transform_1(%arg0: i32) -> (i32, i32) {
    %c0_i32 = arith.constant 0 : i32
    %c0_i32_0 = arith.constant 0 : i32
    return %arg0, %c0_i32 : i32, i32
  }
  func.func @transform_2(%arg0: i32) -> (i32, i32, i32) {
    %c0_i32 = arith.constant 0 : i32
    %c0_i32_0 = arith.constant 0 : i32
    %c0_i32_1 = arith.constant 0 : i32
    return %arg0, %c0_i32, %c0_i32_0 : i32, i32, i32
  }
  func.func @transform_3(%arg0: i32) -> (i32, i32) {
    %c0_i32 = arith.constant 0 : i32
    %c0_i32_0 = arith.constant 0 : i32
    %c0_i32_1 = arith.constant 0 : i32
    return %c0_i32, %c0_i32_0 : i32, i32
  }
  func.func @transform_4(%arg0: i32) -> (i32, i32) {
    %c0_i32 = arith.constant 0 : i32
    %c0_i32_0 = arith.constant 0 : i32
    %c0_i32_1 = arith.constant 0 : i32
    return %c0_i32, %c0_i32_0 : i32, i32
  }
  func.func @transform_5(%arg0: i32) -> (i32, i32) {
    %c0_i32 = arith.constant 0 : i32
    %c0_i32_0 = arith.constant 0 : i32
    %c0_i32_1 = arith.constant 0 : i32
    return %c0_i32, %c0_i32_0 : i32, i32
  }
  func.func @transform_6(%arg0: i32) -> (i32, i32) {
    %c0_i32 = arith.constant 0 : i32
    %c0_i32_0 = arith.constant 0 : i32
    %c0_i32_1 = arith.constant 0 : i32
    return %c0_i32, %c0_i32_0 : i32, i32
  }
  func.func @transform_7(%arg0: i32) -> (i32, i32) {
    %c0_i32 = arith.constant 0 : i32
    %c0_i32_0 = arith.constant 0 : i32
    %c0_i32_1 = arith.constant 0 : i32
    return %c0_i32, %c0_i32_0 : i32, i32
  }
  func.func @transform_8(%arg0: i32) -> (i32, i32) {
    %c0_i32 = arith.constant 0 : i32
    %c0_i32_0 = arith.constant 0 : i32
    %c0_i32_1 = arith.constant 0 : i32
    return %c0_i32, %c0_i32_0 : i32, i32
  }
  func.func @transform_9(%arg0: i32) -> (i32, i32) {
    %c0_i32 = arith.constant 0 : i32
    %c0_i32_0 = arith.constant 0 : i32
    %c0_i32_1 = arith.constant 0 : i32
    return %c0_i32, %c0_i32_0 : i32, i32
  }
  func.func @transform_10(%arg0: i32) -> (i32, i32) {
    %c0_i32 = arith.constant 0 : i32
    %c0_i32_0 = arith.constant 0 : i32
    %c0_i32_1 = arith.constant 0 : i32
    return %c0_i32, %c0_i32_0 : i32, i32
  }
  func.func @transform_11(%arg0: i32) -> (i32, i32) {
    %c0_i32 = arith.constant 0 : i32
    %c0_i32_0 = arith.constant 0 : i32
    %c0_i32_1 = arith.constant 0 : i32
    return %c0_i32, %c0_i32_0 : i32, i32
  }
  func.func @transform_12(%arg0: i32) -> (i32, i32) {
    %c0_i32 = arith.constant 0 : i32
    %c0_i32_0 = arith.constant 0 : i32
    %c0_i32_1 = arith.constant 0 : i32
    return %c0_i32, %c0_i32_0 : i32, i32
  }
  func.func @transform_13(%arg0: i32) -> (i32, i32) {
    %c0_i32 = arith.constant 0 : i32
    %c0_i32_0 = arith.constant 0 : i32
    %c0_i32_1 = arith.constant 0 : i32
    return %c0_i32, %c0_i32_0 : i32, i32
  }
  func.func @transform_14(%arg0: i32) -> (i32, i32) {
    %c0_i32 = arith.constant 0 : i32
    %c0_i32_0 = arith.constant 0 : i32
    %c0_i32_1 = arith.constant 0 : i32
    return %c0_i32, %c0_i32_0 : i32, i32
  }
  func.func @transform_15(%arg0: i32) -> (i32, i32) {
    %c0_i32 = arith.constant 0 : i32
    %c0_i32_0 = arith.constant 0 : i32
    %c0_i32_1 = arith.constant 0 : i32
    return %c0_i32, %c0_i32_0 : i32, i32
  }
  func.func @transform_16(%arg0: i32) -> (i32, i32) {
    %c0_i32 = arith.constant 0 : i32
    %c0_i32_0 = arith.constant 0 : i32
    return %arg0, %c0_i32 : i32, i32
  }
  func.func @transform_17(%arg0: i32) -> (i32, i32) {
    %c0_i32 = arith.constant 0 : i32
    %c0_i32_0 = arith.constant 0 : i32
    return %arg0, %c0_i32 : i32, i32
  }
}

module attributes {stable_mosaic.version = 14 : i64} {
  func.func @body(%arg0: i32, %arg1: memref<1000x128xf32, #tpu.memory_space<vmem>>, %arg2: memref<1000x3xf32, #tpu.memory_space<vmem>>, %arg3: memref<2x1000x128xf32, #tpu.memory_space<vmem>>, %arg4: memref<2x1000x128xf32, #tpu.memory_space<vmem>>, %arg5: memref<2x1000x128xf32, #tpu.memory_space<vmem>>, %arg6: memref<2x1000x128xf32, #tpu.memory_space<vmem>>, %arg7: memref<128x128xf32, #tpu.memory_space<vmem>>, %arg8: memref<1x128xf32, #tpu.memory_space<vmem>>, %arg9: memref<1000x128xf32, #tpu.memory_space<vmem>>, %arg10: memref<1000x3xf32, #tpu.memory_space<vmem>>) attributes {dimension_semantics = [#tpu.dimension_semantics<arbitrary>], iteration_bounds = array<i64: 10>, scalar_prefetch = 0 : i64, scratch_operands = 0 : i64, tpu.core_type = #tpu.core_type<tc>, window_params = [{transform_indices = @transform_0, window_bounds = array<i64: 1000, 128>}, {transform_indices = @transform_1, window_bounds = array<i64: 1000, 3>}, {transform_indices = @transform_2, window_bounds = array<i64: 2, 1000, 128>}, {transform_indices = @transform_3, window_bounds = array<i64: 2, 1000, 128>}, {transform_indices = @transform_4, window_bounds = array<i64: 2, 1000, 128>}, {transform_indices = @transform_5, window_bounds = array<i64: 2, 1000, 128>}, {pipeline_mode = #tpu.pipeline_mode<synchronous>, transform_indices = @transform_6, window_bounds = array<i64: 128, 128>}, {pipeline_mode = #tpu.pipeline_mode<synchronous>, transform_indices = @transform_7, window_bounds = array<i64: 1, 128>}, {transform_indices = @transform_8, window_bounds = array<i64: 1000, 128>}, {transform_indices = @transform_9, window_bounds = array<i64: 1000, 3>}]} {
    %get3A = arith.constant 0 : index
    %get3A_0 = arith.constant 0 : index
    %get3A_1 = arith.constant 0 : index
    %get3A_2 = vector.load %arg3[%get3A, %get3A_0, %get3A_1] : memref<2x1000x128xf32, #tpu.memory_space<vmem>>, vector<1x1000x128xf32>
    %get3A_3 = vector.shape_cast %get3A_2 : vector<1x1000x128xf32> to vector<1000x128xf32>
    %get3A_4 = arith.constant 1 : index
    %get3A_5 = arith.constant 0 : index
    %get3A_6 = arith.constant 0 : index
    %get3A_7 = vector.load %arg3[%get3A_4, %get3A_5, %get3A_6] : memref<2x1000x128xf32, #tpu.memory_space<vmem>>, vector<1x1000x128xf32>
    %get3A_8 = vector.shape_cast %get3A_7 : vector<1x1000x128xf32> to vector<1000x128xf32>
    %add3A = arith.addf %get3A_3, %get3A_8 : vector<1000x128xf32>
    %get3A_9 = arith.constant 0 : index
    %get3A_10 = arith.constant 0 : index
    %get3A_11 = arith.constant 0 : index
    %get3A_12 = vector.load %arg5[%get3A_9, %get3A_10, %get3A_11] : memref<2x1000x128xf32, #tpu.memory_space<vmem>>, vector<1x1000x128xf32>
    %get3A_13 = vector.shape_cast %get3A_12 : vector<1x1000x128xf32> to vector<1000x128xf32>
    %get3A_14 = arith.constant 1 : index
    %get3A_15 = arith.constant 0 : index
    %get3A_16 = arith.constant 0 : index
    %get3A_17 = vector.load %arg5[%get3A_14, %get3A_15, %get3A_16] : memref<2x1000x128xf32, #tpu.memory_space<vmem>>, vector<1x1000x128xf32>
    %get3A_18 = vector.shape_cast %get3A_17 : vector<1x1000x128xf32> to vector<1000x128xf32>
    %add3A_19 = arith.addf %get3A_13, %get3A_18 : vector<1000x128xf32>
    %get3A_20 = arith.constant 0 : index
    %get3A_21 = arith.constant 0 : index
    %get3A_22 = arith.constant 0 : index
    %get3A_23 = vector.load %arg4[%get3A_20, %get3A_21, %get3A_22] : memref<2x1000x128xf32, #tpu.memory_space<vmem>>, vector<1x1000x128xf32>
    %get3A_24 = vector.shape_cast %get3A_23 : vector<1x1000x128xf32> to vector<1000x128xf32>
    %add3A_25 = arith.addf %add3A, %get3A_24 : vector<1000x128xf32>
    %get3A_26 = arith.constant 1 : index
    %get3A_27 = arith.constant 0 : index
    %get3A_28 = arith.constant 0 : index
    %get3A_29 = vector.load %arg4[%get3A_26, %get3A_27, %get3A_28] : memref<2x1000x128xf32, #tpu.memory_space<vmem>>, vector<1x1000x128xf32>
    %get3A_30 = vector.shape_cast %get3A_29 : vector<1x1000x128xf32> to vector<1000x128xf32>
    %add3A_31 = arith.addf %add3A_25, %get3A_30 : vector<1000x128xf32>
    %get3A_32 = arith.constant 0 : index
    %get3A_33 = arith.constant 0 : index
    %get3A_34 = arith.constant 0 : index
    %get3A_35 = vector.load %arg6[%get3A_32, %get3A_33, %get3A_34] : memref<2x1000x128xf32, #tpu.memory_space<vmem>>, vector<1x1000x128xf32>
    %get3A_36 = vector.shape_cast %get3A_35 : vector<1x1000x128xf32> to vector<1000x128xf32>
    %add3A_37 = arith.addf %add3A_19, %get3A_36 : vector<1000x128xf32>
    %get3A_38 = arith.constant 1 : index
    %get3A_39 = arith.constant 0 : index
    %get3A_40 = arith.constant 0 : index
    %get3A_41 = vector.load %arg6[%get3A_38, %get3A_39, %get3A_40] : memref<2x1000x128xf32, #tpu.memory_space<vmem>>, vector<1x1000x128xf32>
    %get3A_42 = vector.shape_cast %get3A_41 : vector<1x1000x128xf32> to vector<1000x128xf32>
    %add3A_43 = arith.addf %add3A_37, %get3A_42 : vector<1000x128xf32>
    %slice3A = vector.extract_strided_slice %add3A_43 {offsets = [0, 3], sizes = [1000, 1], strides = [1, 1]} : vector<1000x128xf32> to vector<1000x1xf32>
    %slice3A_44 = vector.extract_strided_slice %add3A_43 {offsets = [0, 0], sizes = [1000, 3], strides = [1, 1]} : vector<1000x128xf32> to vector<1000x3xf32>
    %get3A_45 = arith.constant 0 : index
    %get3A_46 = arith.constant 0 : index
    %get3A_47 = vector.load %arg1[%get3A_45, %get3A_46] : memref<1000x128xf32, #tpu.memory_space<vmem>>, vector<1000x128xf32>
    %get3A_48 = arith.constant 0 : index
    %get3A_49 = arith.constant 0 : index
    %get3A_50 = vector.load %arg7[%get3A_48, %get3A_49] : memref<128x128xf32, #tpu.memory_space<vmem>>, vector<128x128xf32>
    %dot_general3A = arith.constant dense<0.000000e+00> : vector<1000x128xf32>
    %dot_general3A_51 = tpu.matmul %add3A_31, %get3A_50, %dot_general3A {dimension_numbers = #tpu.dot_dimension_numbers<[1], [0], [0], [1], [0, 0, 1, 1], [], []>, transpose_lhs_hint = false} : vector<1000x128xf32>, vector<128x128xf32>, vector<1000x128xf32> -> vector<1000x128xf32>
    %add3A_52 = arith.addf %get3A_47, %dot_general3A_51 : vector<1000x128xf32>
    %get3A_53 = arith.constant 0 : index
    %get3A_54 = arith.constant 0 : index
    %get3A_55 = vector.load %arg8[%get3A_53, %get3A_54] : memref<1x128xf32, #tpu.memory_space<vmem>>, vector<1x128xf32>
    %get3A_56 = vector.shape_cast %get3A_55 : vector<1x128xf32> to vector<128xf32>
    %broadcast_in_dim3A = vector.shape_cast %get3A_56 : vector<128xf32> to vector<1x128xf32>
    %mul3A = vector.broadcast %slice3A : vector<1000x1xf32> to vector<1000x128xf32>
    %mul3A_57 = vector.broadcast %broadcast_in_dim3A : vector<1x128xf32> to vector<1000x128xf32>
    %mul3A_58 = arith.mulf %mul3A, %mul3A_57 : vector<1000x128xf32>
    %add3A_59 = arith.addf %add3A_52, %mul3A_58 : vector<1000x128xf32>
    %swap3A = arith.constant 0 : index
    %swap3A_60 = arith.constant 0 : index
    %swap3A_61 = vector.load %arg9[%swap3A, %swap3A_60] : memref<1000x128xf32, #tpu.memory_space<vmem>>, vector<1000x128xf32>
    tpu.vector_store %arg9[%swap3A, %swap3A_60], %add3A_59 {strides = array<i32>} : memref<1000x128xf32, #tpu.memory_space<vmem>>, vector<1000x128xf32>,
    %get3A_62 = arith.constant 0 : index
    %get3A_63 = arith.constant 0 : index
    %get3A_64 = vector.load %arg2[%get3A_62, %get3A_63] : memref<1000x3xf32, #tpu.memory_space<vmem>>, vector<1000x3xf32>
    %add3A_65 = arith.addf %get3A_64, %slice3A_44 : vector<1000x3xf32>
    %swap3A_66 = arith.constant 0 : index
    %swap3A_67 = arith.constant 0 : index
    %swap3A_68 = vector.load %arg10[%swap3A_66, %swap3A_67] : memref<1000x3xf32, #tpu.memory_space<vmem>>, vector<1000x3xf32>
    tpu.vector_store %arg10[%swap3A_66, %swap3A_67], %add3A_65 {strides = array<i32>} : memref<1000x3xf32, #tpu.memory_space<vmem>>, vector<1000x3xf32>,
    return
  }
  func.func @transform_0(%arg0: i32) -> (i32, i32) {
    %c0_i32 = arith.constant 0 : i32
    %c0_i32_0 = arith.constant 0 : i32
    return %arg0, %c0_i32 : i32, i32
  }
  func.func @transform_1(%arg0: i32) -> (i32, i32) {
    %c0_i32 = arith.constant 0 : i32
    %c0_i32_0 = arith.constant 0 : i32
    return %arg0, %c0_i32 : i32, i32
  }
  func.func @transform_2(%arg0: i32) -> (i32, i32, i32) {
    %c0_i32 = arith.constant 0 : i32
    %c0_i32_0 = arith.constant 0 : i32
    %c0_i32_1 = arith.constant 0 : i32
    return %c0_i32, %arg0, %c0_i32_0 : i32, i32, i32
  }
  func.func @transform_3(%arg0: i32) -> (i32, i32, i32) {
    %c0_i32 = arith.constant 0 : i32
    %c0_i32_0 = arith.constant 0 : i32
    %c0_i32_1 = arith.constant 0 : i32
    return %c0_i32, %arg0, %c0_i32_0 : i32, i32, i32
  }
  func.func @transform_4(%arg0: i32) -> (i32, i32, i32) {
    %c0_i32 = arith.constant 0 : i32
    %c0_i32_0 = arith.constant 0 : i32
    %c0_i32_1 = arith.constant 0 : i32
    return %c0_i32, %arg0, %c0_i32_0 : i32, i32, i32
  }
  func.func @transform_5(%arg0: i32) -> (i32, i32, i32) {
    %c0_i32 = arith.constant 0 : i32
    %c0_i32_0 = arith.constant 0 : i32
    %c0_i32_1 = arith.constant 0 : i32
    return %c0_i32, %arg0, %c0_i32_0 : i32, i32, i32
  }
  func.func @transform_6(%arg0: i32) -> (i32, i32) {
    %c0_i32 = arith.constant 0 : i32
    %c0_i32_0 = arith.constant 0 : i32
    %c0_i32_1 = arith.constant 0 : i32
    return %c0_i32, %c0_i32_0 : i32, i32
  }
  func.func @transform_7(%arg0: i32) -> (i32, i32) {
    %c0_i32 = arith.constant 0 : i32
    %c0_i32_0 = arith.constant 0 : i32
    %c0_i32_1 = arith.constant 0 : i32
    return %c0_i32, %c0_i32_0 : i32, i32
  }
  func.func @transform_8(%arg0: i32) -> (i32, i32) {
    %c0_i32 = arith.constant 0 : i32
    %c0_i32_0 = arith.constant 0 : i32
    return %arg0, %c0_i32 : i32, i32
  }
  func.func @transform_9(%arg0: i32) -> (i32, i32) {
    %c0_i32 = arith.constant 0 : i32
    %c0_i32_0 = arith.constant 0 : i32
    return %arg0, %c0_i32 : i32, i32
  }
}

</mosaic_0001>

<sc_bundles>
// kernel: kernel.12.cloned.1.call-start
scs
__scs_entry_jumppad:
0x0: {  	(pc) =	sbr.rel $0x88, $3  }
0x1: {  	(tag) =	ssettag $0x0;
	lr =	simm.s32 $0x1  }
0x2: {  	[smem:$0x3F92] =	sst lr;
	_ =	strace $0xD0000000  }
0x3: {  	_ = 	snop  }
0x4: {  	_ = 	snop  }
0x5: {  	_ = 	snop  }
0x6: {  	_ = 	snop  }
0x7: {  	_ = 	snop  }
__scs_overlays_trampoline_lowered:
0x8: {  	[smem:$0x3FA1] =	sst s0  }
0x9: {  	[smem:$0x3FA2] =	sst s1  }
0xa: {  	[smem:$0x3FA3] =	sst s2  }
0xb: {  	[smem:$0x3FA4] =	sst s3  }
0xc: {  	[smem:$0x3FA5] =	sst s4  }
0xd: {  	[smem:$0x3FA6] =	sst s5  }
0xe: {  	[smem:$0x3FA7] =	sst s6  }
0xf: {  	[smem:$0x3FA8] =	sst s7  }
0x10: {  	[smem:$0x3FA9] =	sst s8  }
0x11: {  	[smem:$0x3FAA] =	sst s9;
	s0 =	simm.s32 @!p0 $0x0  }
0x12: {  	s1 =	sld [smem:$0x3F90];
	s0 =	simm.s32 @p0 $0x1  }
0x13: {  	[smem:$0x3FAB] =	sst s0;
	s0 =	simm.s32 @!p1 $0x0  }
0x14: {  	s2 =	sld [smem:$0x3F8F];
	s0 =	simm.s32 @p1 $0x1  }
0x15: {  	[smem:$0x3FAC] =	sst s0;
	s0 =	simm.s32 @!p2 $0x0  }
0x16: {  	s3 =	sld [smem:$0x3FDB];
	s0 =	simm.s32 @p2 $0x1  }
0x17: {  	s4 =	simm.s32 $0x1BF5;
	[smem:$0x3FAE] =	sst s0  }
0x18: {  	s0 =	sld [smem:$0x3F91];
	_ =	swait.ge [sflag:s4], $0x0  }
0x19: {  	s7 =	sld [smem:$0x3F92]  }
0x1a: {  	s8 =	sadd.s32 $0xFFFFE003, lr  }
0x1b: {  	s9 =	sadd.s32 $0xFFFFFEF7, lr;
	s5 =	simm.s32 $0xFFFFFFFF;
	p2 =	slt.u32 s8, $0xFFFFF086  }
0x1c: {  	p1 =	slt.u32 s9, $0xF7A;
	s5 =	simm.s32 @!p2 $0x0  }
0x1d: {  	s5 =	simm.s32 @p1 $0x1;
	p0 =	seq.s32 s7, s2  }
0x1e: {  	s7 =	smul.u32 @!p0 $0xF7A, s2;
	p2 =	seq.s32 @!p0 s5, $0x0  }
0x1f: {  	s9 =	smul.u32 $0xF7A, s1;
	s8 =	simm.s32 @!p0 $0x1BF5;
	p2 =	por !p2, p0  }
0x20: {  	[sflag:s8] =	ssyncset.s32 @!p0 $0xFFFFF086;
	s6 =	sadd.s32 @!p0 s3, s7;
	s7 =	simm.s32 @!p0 $0x108  }
0x21: {  	s3 =	sadd.s32 s3, s9;
	s6 =	sadd.s32 @!p0 $0x88, s6;
	s7 =	simm.s32 @p2 $0x1082  }
0x22: {  	[simem:s7], [sflag:s8] =	dma.local @!p0 [hbm:s6], $0xF7A  }
0x23: {  	s9 =	sor.u32 $0xD0000000, s2;
	s6 =	simm.s32 $0x108;
	_ =	swait.ge @!p0 [sflag:s8], $0x0  }
0x24: {  	s3 =	sadd.s32 $0x88, s3;
	s6 =	simm.s32 @!p1 $0x1082;
	[sflag:s4] =	ssyncset.s32 $0xFFFFF086  }
0x25: {  	[simem:s6], [sflag:s4] =	dma.local [hbm:s3], $0xF7A  }
0x26: {  	[smem:$0x3F92] =	sst s1;
	(tag) =	ssettag s2;
	_ =	strace s9  }
0x27: {  	s1 =	sld [smem:$0x3FA2]  }
0x28: {  	s2 =	sld [smem:$0x3FA3]  }
0x29: {  	s4 =	sld [smem:$0x3FA5]  }
0x2a: {  	p0 =	seq.s32 s5, $0x0;
	s5 =	sld [smem:$0x3FA6]  }
0x2b: {  	s6 =	sld [smem:$0x3FA7]  }
0x2c: {  	s7 =	sld [smem:$0x3FA8]  }
0x2d: {  	s3 =	simm.s32 $0x108;
	s8 =	sld [smem:$0x3FA9]  }
0x2e: {  	s3 =	simm.s32 @!p0 $0x1082;
	s9 =	sld [smem:$0x3FAA]  }
0x2f: {  	lr =	sadd.s32 s0, s3;
	s0 =	sld [smem:$0x3FA1]  }
0x30: {  	s3 =	sld [smem:$0x3FA4]  }
0x31: {  	[smem:$0x3FAD] =	sst s10  }
0x32: {  	s10 =	sld [smem:$0x3FAB];
	_ =	sdelay $0x3  }
0x33: {  	p0 =	seq.s32 s10, $0x1;
	s10 =	sld [smem:$0x3FAD];
	_ =	sdelay $0x3  }
0x34: {  	[smem:$0x3FAD] =	sst s10  }
0x35: {  	s10 =	sld [smem:$0x3FAC];
	_ =	sdelay $0x3  }
0x36: {  	p1 =	seq.s32 s10, $0x1;
	s10 =	sld [smem:$0x3FAD];
	_ =	sdelay $0x3  }
0x37: {  	[smem:$0x3FAD] =	sst s10  }
0x38: {  	s10 =	sld [smem:$0x3FAE]  }
0x39: {  	_ = 	snop;
	(pc) =	sbr.ind lr, $3  }
0x3a: {  	_ = 	snop  }
0x3b: {  	_ = 	snop  }
0x3c: {  	p2 =	seq.s32 s10, $0x1;
	s10 =	sld [smem:$0x3FAD]  }
0x3d: {  	_ =	shalt  }
0x3e: {  	_ =	shalt  }
0x3f: {  	_ =	shalt  }
0x40: {  	_ =	shalt  }
0x41: {  	_ =	shalt  }
0x42: {  	_ =	shalt  }
0x43: {  	_ =	shalt  }
0x44: {  	_ =	shalt  }
0x45: {  	_ =	shalt  }
0x46: {  	_ =	shalt  }
0x47: {  	_ =	shalt  }
0x48: {  	_ =	shalt  }
0x49: {  	_ =	shalt  }
0x4a: {  	_ =	shalt  }
0x4b: {  	_ =	shalt  }
0x4c: {  	_ =	shalt  }
0x4d: {  	_ =	shalt  }
0x4e: {  	_ =	shalt  }
0x4f: {  	_ =	shalt  }
0x50: {  	_ =	shalt  }
0x51: {  	_ =	shalt  }
0x52: {  	_ =	shalt  }
0x53: {  	_ =	shalt  }
0x54: {  	_ =	shalt  }
0x55: {  	_ =	shalt  }
0x56: {  	_ =	shalt  }
0x57: {  	_ =	shalt  }
0x58: {  	_ =	shalt  }
0x59: {  	_ =	shalt  }
0x5a: {  	_ =	shalt  }
0x5b: {  	_ =	shalt  }
0x5c: {  	_ =	shalt  }
0x5d: {  	_ =	shalt  }
0x5e: {  	_ =	shalt  }
0x5f: {  	_ =	shalt  }
0x60: {  	_ =	shalt  }
0x61: {  	_ =	shalt  }
0x62: {  	_ =	shalt  }
0x63: {  	_ =	shalt  }
0x64: {  	_ =	shalt  }
0x65: {  	_ =	shalt  }
0x66: {  	_ =	shalt  }
0x67: {  	_ =	shalt  }
0x68: {  	_ =	shalt  }
0x69: {  	_ =	shalt  }
0x6a: {  	_ =	shalt  }
0x6b: {  	_ =	shalt  }
0x6c: {  	_ =	shalt  }
0x6d: {  	_ =	shalt  }
0x6e: {  	_ =	shalt  }
0x6f: {  	_ =	shalt  }
0x70: {  	_ =	shalt  }
0x71: {  	_ =	shalt  }
0x72: {  	_ =	shalt  }
0x73: {  	_ =	shalt  }
0x74: {  	_ =	shalt  }
0x75: {  	_ =	shalt  }
0x76: {  	_ =	shalt  }
0x77: {  	_ =	shalt  }
0x78: {  	_ =	shalt  }
0x79: {  	_ =	shalt  }
0x7a: {  	_ =	shalt  }
0x7b: {  	_ =	shalt  }
0x7c: {  	_ =	shalt  }
0x7d: {  	_ =	shalt  }
0x7e: {  	_ =	shalt  }
0x7f: {  	_ =	shalt  }
0x80: {  	_ =	shalt  }
0x81: {  	_ =	shalt  }
0x82: {  	_ =	shalt  }
0x83: {  	_ =	shalt  }
0x84: {  	_ =	shalt  }
0x85: {  	_ =	shalt  }
0x86: {  	_ =	shalt  }
0x87: {  	_ =	shalt  }
.Lfunc_end0:
.L_simem_size_0:
called_computation.1_lowered:
.L_overlay_start_0:
0x88: {  	s2 =	sld [smem:$0x3FD9]  }
0x89: {  	s3 =	sld [smem:$0x3FFE];
	_ =	sdelay $0x1  }
0x8a: {  	s1 =	srdreg.scid  }
0x8b: {  	s0 =	sand.u32 $0x1, s1  }
0x8c: {  	s16 =	sshll.u32 s0, $0xA;
	s2 =	sadd.s32 s3, s2  }
0x8d: {  	s2 =	sadd.s32 s2, s16  }
0x8e: {  	[smem:$0x3FB9] =	sst s2  }
0x8f: {  	_ = 	snop  }
0x90: {  	(tm) =	ssettm $0x1  }
0x91: {  	s17 =	sld [smem:$0x3FFB];
	_ =	sdelay $0x3  }
0x92: {  	_ =	strace s17  }
0x93: {  	s2 =	sld [smem:$0x3FFC];
	_ =	sdelay $0x3  }
0x94: {  	_ =	strace s2  }
0x95: {  	s2 =	sld [smem:$0x3FFD];
	_ =	sdelay $0x3  }
0x96: {  	_ =	strace s2  }
0x97: {  	_ =	strace $0x8FFFFFFF  }
0x98: {  	s18 =	sld [smem:$0x3FDB];
	_ =	sdelay $0x1  }
0x99: {  	s19 =	simm.s32 $_scs_section_size  }
0x9a: {  	s4 =	simm.s32 $_size__tile_overlayer_lowered;
	s5 =	simm.s32 $_tile_overlayer_lowered  }
0x9b: {  	s22 =	simm.s32 $0x1BFF;
	s21 =	sshll.u32 s5, $0x1;
	s2 =	sadd.s32 s19, s18  }
0x9c: {  	s6 =	simm.s32 $0x0;
	s20 =	sshll.u32 s4, $0x1;
	s4 =	sadd.s32 s21, s2  }
0x9d: {  	[timem:s6], [sflag:s22] =	dma.local [hbm:s4], s20  }
0x9e: {  	_ =	swait.ge [sflag:s22], s20  }
0x9f: {  	s3 =	ssub.s32 $0x0, s20;
	[sflag:s22] =	ssyncset.done $0x0  }
0xa0: {  	[sflag:s22] =	ssyncadd.s32 s3;
	_ =	sdelay $0x1  }
0xa1: {  	s23 =	simm.s32 $0x1B8B  }
0xa2: {  	_ =	swait.ge [sflag:s23], $0x1  }
0xa3: {  	[sflag:s23] =	ssyncset.done $0x0  }
0xa4: {  	s25 =	simm.s32 $0x1B8E;
	s24 =	sld [smem:$0x3FFE];
	[sflag:s23] =	ssyncadd.s32 $0xFFFFFFFF  }
0xa5: {  	s26 =	simm.s32 $execute0_lowered;
	[smem:$0x3FD2] =	sst s25  }
0xa6: {  	s4 =	sshll.u32 s26, $0x1;
	_ =	strace $0x80000049;
	[dreg:$0x1] =	wrdreg $0xFFFFFFFF  }
0xa7: {  	s28 =	simm.s32 $_size_execute0_lowered;
	s2 =	sadd.s32 s2, s4;
	[dreg:$0x0] =	wrdreg $0x0  }
0xa8: {  	s4 =	sshll.u32 s28, $0x1;
	[dreg:$0x2] =	wrdreg s2  }
0xa9: {  	[dreg:$0x3] =	wrdreg s4  }
0xaa: {  	[dreg:$0x4] =	wrdreg $0xC0  }
0xab: {  	_ =	task [dreg:s6], $0x5FFFF  }
0xac: {  	[dreg:$0x1] =	wrdreg $0xFFFFFFFF  }
0xad: {  	[dreg:$0x0] =	wrdreg $0x60  }
0xae: {  	[dreg:$0x2] =	wrdreg s24  }
0xaf: {  	[dreg:$0x3] =	wrdreg $0x9  }
0xb0: {  	_ =	task.clear_ibuf [dreg:s6], $0x4FFFF;
	_ =	strace $0x90000049  }
0xb1: {  	s29 =	simm.s32 $0x9;
	_ =	strace $0x8000004B  }
0xb2: {  	_ =	swait.ge [sflag:s29], $0x1  }
0xb3: {  	[sflag:s29] =	ssyncadd.s32 $0xFFFFFFFF  }
0xb4: {  	_ =	strace $0x9000004B  }
0xb5: {  	_ =	sfence  }
0xb6: {  	s30 =	sld [smem:$0x0];
	_ =	sdelay $0x2  }
0xb7: {  	s31 =	sshll.u32 s1, $0xD;
	s1 =	sshrl.u32 s1, $0x2  }
0xb8: {  	s3 =	sand.u32 $0x4000, s31;
	s1 =	sadd.s32 s1, s30  }
0xb9: {  	s0 =	sor.u32 s3, s0;
	s1 =	sshll.u32 s1, $0x11  }
0xba: {  	s0 =	sor.u32 s1, s0  }
0xbb: {  	s0 =	sadd.s32 $0x8F2B, s0  }
0xbc: {  	[sflag:s0] =	ssyncadd.remote.s32 $0x1  }
0xbd: {  	_ =	sfence.sel $0xFFFF  }
0xbe: {  	[dreg:$0x0] =	wrdreg $0xFFFFFFFF;
	(pc) =	sbr.abs _section_cstart, $3  }
0xbf: {  	[dreg:$0x1] =	wrdreg $0xFFFFFFFF  }
0xc0: {  	_ =	task.clear_ibuf [dreg:s6], $0x2FFFF;
	_ =	strace $0x9FFFFFFF  }
0xc1: {  	(tm) =	ssettm $0x7FFFFFFF  }
tec
execute0_lowered:
.L_overlay_start_1:
0x0: {  	(tag) =	ssettag $0x1  }
0x1: {  	s0 =	srdreg.scid  }
0x2: {  	s9 =	stileid.u32;
	s1 =	rddreg [dreg:$0x0]  }
0x3: {  	s15 =	simm.s32 $0xD;
	s28 =	simm.s32 $0x4;
	s29 =	simm.s32 $0x5  }
0x4: {  	s30 =	simm.s32 $0x6;
	s31 =	simm.s32 $0x7;
	s0 =	sand.u32 $0x1, s0  }
0x5: {  	s2 =	sshll.u32 s9, $0x1;
	s3 =	sshrl.u32 s9, $0x2;
	s7 =	sadd.s32 $0x521E00, s1  }
0x6: {  	s9 =	smul.u32 $0x27100, s9;
	s4 =	sor.u32 s0, s2;
	s2 =	simm.s32 $0x0  }
0x7: {  	s5 =	smul.u32 $0xA000, s3;
	s3 =	sadd.s32 $0xEE00, s1;
	s17 =	ssub.s32 $0x2, s0  }
0x8: {  	s0 =	smul.u32 $0x13880, s0;
	s16 =	sshll.u32 s4, $0x7;
	[smem:$0x7FF] =	sst s2  }
0x9: {  	s4 =	smul.u32 $0x9C400, s4;
	s8 =	sshrl.u32 s17, $0x1;
	s24 =	sadd.s32 s9, s7  }
0xa: {  	s6 =	sand.u32 $0x380, s16;
	_ =	strace $0x8000004A;
	s16 =	simm.s32 $0xA  }
0xb: {  	s5 =	sor.u32 s5, s6;
	s6 =	ssub.s32 s17, s8;
	s4 =	sshrl.u32 s4, $0x3  }
0xc: {  	s17 =	simm.s32 $0x50;
	s5 =	sshrl.u32 s5, $0x3;
	s19 =	sadd.s32 $0x12C00, s4  }
0xd: {  	s21 =	sadd.s32 $0x13100, s4;
	s4 =	sadd.s32 $0x13600, s4;
	s26 =	smax.u32 s6, $0x1  }
0xe: {  	s6 =	simm.s32 $0x28;
	s5 =	sadd.s32 s5, s1;
	s1 =	sadd.s32 $0x792E00, s1  }
0xf: {  	s20 =	sadd.s32 s7, s19;
	s22 =	sadd.s32 s7, s21;
	[dreg:$0xc] =	wrdreg s26  }
0x10: {  	s7 =	sadd.s32 s7, s4;
	s26 =	simm.s32 $0x3;
	[dreg:$0x6] =	wrdreg s20  }
0x11: {  	s18 =	sadd.s32 $0x9E00, s5;
	s5 =	sadd.s32 $0x4E00, s5;
	[dreg:$0x8] =	wrdreg s22  }
0x12: {  	s23 =	sadd.s32 s1, s21;
	[dreg:$0xa] =	wrdreg s7;
	s25 =	sadd.s32 s9, s1  }
0x13: {  	s20 =	simm.s32 $0x7800;
	s21 =	simm.s32 $0xA000;
	[dreg:$0x4] =	wrdreg s18  }
0x14: {  	s22 =	simm.s32 $0xC800;
	s7 =	simm.s32 $0x0;
	[dreg:$0x5] =	wrdreg s5  }
0x15: {  	s5 =	sadd.s32 s1, s19;
	[dreg:$0x9] =	wrdreg s23;
	s1 =	sadd.s32 s1, s4  }
0x16: {  	s18 =	simm.s32 $0x2800;
	s19 =	simm.s32 $0x5000;
	s23 =	simm.s32 $0xF000  }
0x17: {  	s4 =	simm.s32 $0xB;
	[dreg:$0x7] =	wrdreg s5;
	s5 =	sadd.s32 s0, s24  }
0x18: {  	[dreg:$0xb] =	wrdreg s1;
	s0 =	sadd.s32 s0, s25;
	s24 =	simm.s32 $0x1  }
0x19: {  	s25 =	simm.s32 $0x2;
	s1 =	simm.s32 $0x8;
	[dreg:$0x2] =	wrdreg s5  }
0x1a: {  	[dreg:$0x3] =	wrdreg s0;
	s0 =	simm.s32 $0x9;
	s5 =	simm.s32 $0xC  }
.LBB2_1:
0x1b: {  	s8 =	rddreg [dreg:$0x4];
	s9 =	simm.s32 $0x80;
	s10 =	simm.s32 $0x400  }
0x1c: {  	[tilespmem:s2], [sflag:$0xD] =	stream.strided.gather [hbm4b:s8+s9], $0x1400, s10, s9, $0x38;
	[tilespmem:$0x11800] =	vst v63  }
0x1d: {  	_ =	swait.ge [sflag:s15], $0x1400  }
0x1e: {  	[sflag:s15] =	ssyncset.done $0x0  }
0x1f: {  	s11 =	simm.s32 $0x1400;
	s14 =	rddreg [dreg:$0x5];
	[sflag:s15] =	ssyncadd.s32 $0xFFFFEC00  }
0x20: {  	[tilespmem:s11], [sflag:$0xD] =	stream.strided.gather [hbm4b:s14+s9], $0x1400, s10, s9, $0x38;
	[tilespmem:$0x11800] =	vst v63  }
0x21: {  	_ =	swait.ge [sflag:s15], $0x1400  }
0x22: {  	[sflag:s15] =	ssyncset.done $0x0  }
0x23: {  	s11 =	simm.s32 $0x0;
	[sflag:s15] =	ssyncadd.s32 $0xFFFFEC00  }
0x24: {  	[tilespmem:s18], [sflag:$0x1] =	stream.indirect.gather [hbm4b:s3+s17], $0x80, s11, s17, $0xb8;
	[tilespmem:$0x11800] =	vst v63  }
0x25: {  	s12 =	simm.s32 $0x1400  }
0x26: {  	[tilespmem:s19], [sflag:$0x2] =	stream.indirect.gather [hbm4b:s3+s17], $0x80, s12, s17, $0xb8;
	[tilespmem:$0x11800] =	vst v63  }
0x27: {  	s13 =	simm.s32 $0x50  }
0x28: {  	[tilespmem:s20], [sflag:$0x3] =	stream.indirect.gather [hbm4b:s3+s17], $0x80, s13, s17, $0xb8;
	[tilespmem:$0x11800] =	vst v63  }
0x29: {  	s14 =	simm.s32 $0x1450  }
0x2a: {  	[tilespmem:s21], [sflag:$0x4] =	stream.indirect.gather [hbm4b:s3+s17], $0x80, s14, s17, $0xb8;
	[tilespmem:$0x11800] =	vst v63  }
0x2b: {  	s9 =	simm.s32 $0xA0  }
0x2c: {  	[tilespmem:s22], [sflag:$0x5] =	stream.indirect.gather [hbm4b:s3+s17], $0x80, s9, s17, $0xb8;
	[tilespmem:$0x11800] =	vst v63  }
0x2d: {  	s8 =	simm.s32 $0x14A0  }
0x2e: {  	[tilespmem:s23], [sflag:$0x6] =	stream.indirect.gather [hbm4b:s3+s17], $0x80, s8, s17, $0xb8;
	[tilespmem:$0x11800] =	vst v63  }
0x2f: {  	_ =	swait.ge [sflag:s24], $0x2800  }
0x30: {  	s10 =	rddreg [dreg:$0x2];
	[sflag:s24] =	ssyncset.done $0x0  }
0x31: {  	[sflag:s24] =	ssyncadd.s32 $0xFFFFD800;
	s9 =	sadd.s32 $0x0, s10  }
0x32: {  	[hbm4b:s9+s2] =	stream.linear.scatter [tilespmem:s18], [sflag:$0x7], $0x2800, $0x38;
	[tilespmem:$0x11800] =	vst v63  }
0x33: {  	_ =	swait.ge [sflag:s25], $0x2800  }
0x34: {  	s11 =	rddreg [dreg:$0x3];
	[sflag:s25] =	ssyncset.done $0x0  }
0x35: {  	[sflag:s25] =	ssyncadd.s32 $0xFFFFD800;
	s10 =	sadd.s32 $0x0, s11  }
0x36: {  	[hbm4b:s10+s2] =	stream.linear.scatter [tilespmem:s19], [sflag:$0x8], $0x2800, $0x38;
	[tilespmem:$0x11800] =	vst v63  }
0x37: {  	_ =	swait.ge [sflag:s26], $0x2800  }
0x38: {  	[sflag:s26] =	ssyncset.done $0x0  }
0x39: {  	s13 =	sadd.s32 $0x500, s9;
	[sflag:s26] =	ssyncadd.s32 $0xFFFFD800  }
0x3a: {  	[hbm4b:s13+s2] =	stream.linear.scatter [tilespmem:s20], [sflag:$0x9], $0x2800, $0x38;
	[tilespmem:$0x11800] =	vst v63  }
0x3b: {  	_ =	swait.ge [sflag:s28], $0x2800  }
0x3c: {  	[sflag:s28] =	ssyncset.done $0x0  }
0x3d: {  	s12 =	sadd.s32 $0x500, s10;
	[sflag:s28] =	ssyncadd.s32 $0xFFFFD800  }
0x3e: {  	[hbm4b:s12+s2] =	stream.linear.scatter [tilespmem:s21], [sflag:$0xA], $0x2800, $0x38;
	[tilespmem:$0x11800] =	vst v63  }
0x3f: {  	_ =	swait.ge [sflag:s29], $0x2800  }
0x40: {  	[sflag:s29] =	ssyncset.done $0x0  }
0x41: {  	s9 =	sadd.s32 $0xA00, s9;
	[sflag:s29] =	ssyncadd.s32 $0xFFFFD800  }
0x42: {  	[hbm4b:s9+s2] =	stream.linear.scatter [tilespmem:s22], [sflag:$0xB], $0x2800, $0x38;
	[tilespmem:$0x11800] =	vst v63  }
0x43: {  	_ =	swait.ge [sflag:s30], $0x2800  }
0x44: {  	[sflag:s30] =	ssyncset.done $0x0  }
0x45: {  	s14 =	sadd.s32 $0xA00, s10;
	[sflag:s30] =	ssyncadd.s32 $0xFFFFD800  }
0x46: {  	[hbm4b:s14+s2] =	stream.linear.scatter [tilespmem:s23], [sflag:$0xC], $0x2800, $0x38;
	[tilespmem:$0x11800] =	vst v63  }
0x47: {  	_ =	swait.ge [sflag:s31], $0x2800  }
0x48: {  	[sflag:s31] =	ssyncset.done $0x0  }
0x49: {  	[sflag:s31] =	ssyncadd.s32 $0xFFFFD800  }
0x4a: {  	_ =	swait.ge [sflag:s1], $0x2800  }
0x4b: {  	[sflag:s1] =	ssyncset.done $0x0  }
0x4c: {  	[sflag:s1] =	ssyncadd.s32 $0xFFFFD800  }
0x4d: {  	_ =	swait.ge [sflag:s0], $0x2800  }
0x4e: {  	[sflag:s0] =	ssyncset.done $0x0  }
0x4f: {  	[sflag:s0] =	ssyncadd.s32 $0xFFFFD800  }
0x50: {  	_ =	swait.ge [sflag:s16], $0x2800  }
0x51: {  	[sflag:s16] =	ssyncset.done $0x0  }
0x52: {  	[sflag:s16] =	ssyncadd.s32 $0xFFFFD800  }
0x53: {  	_ =	swait.ge [sflag:s4], $0x2800  }
0x54: {  	[sflag:s4] =	ssyncset.done $0x0  }
0x55: {  	[sflag:s4] =	ssyncadd.s32 $0xFFFFD800  }
0x56: {  	s10 =	simm.s32 $0x190;
	_ =	swait.ge [sflag:s5], $0x2800  }
0x57: {  	s13 =	simm.s32 $0x1E00;
	s9 =	simm.s32 $0xF00;
	[sflag:s5] =	ssyncset.done $0x0  }
.LBB2_2:
0x58: {  	s11 =	sadd.s32 $0xFFFFFF60, s10;
	[sflag:s5] =	ssyncadd.s32 $0xFFFFD800;
	s8 =	sadd.s32 $0xF0, s8  }
0x59: {  	[tilespmem:s18], [sflag:$0x1] =	stream.indirect.gather [hbm4b:s3+s17], $0x80, s11, s17, $0xb8;
	[tilespmem:$0x11800] =	vst v63  }
0x5a: {  	s12 =	sadd.s32 $0xFFFFFF60, s8  }
0x5b: {  	[tilespmem:s19], [sflag:$0x2] =	stream.indirect.gather [hbm4b:s3+s17], $0x80, s12, s17, $0xb8;
	[tilespmem:$0x11800] =	vst v63  }
0x5c: {  	s12 =	sadd.s32 $0xFFFFFFB0, s10  }
0x5d: {  	[tilespmem:s20], [sflag:$0x3] =	stream.indirect.gather [hbm4b:s3+s17], $0x80, s12, s17, $0xb8;
	[tilespmem:$0x11800] =	vst v63  }
0x5e: {  	s12 =	sadd.s32 $0xFFFFFFB0, s8  }
0x5f: {  	[tilespmem:s21], [sflag:$0x4] =	stream.indirect.gather [hbm4b:s3+s17], $0x80, s12, s17, $0xb8;
	[tilespmem:$0x11800] =	vst v63  }
0x60: {  	_ = 	snop  }
0x61: {  	[tilespmem:s22], [sflag:$0x5] =	stream.indirect.gather [hbm4b:s3+s17], $0x80, s10, s17, $0xb8;
	[tilespmem:$0x11800] =	vst v63  }
0x62: {  	_ = 	snop  }
0x63: {  	[tilespmem:s23], [sflag:$0x6] =	stream.indirect.gather [hbm4b:s3+s17], $0x80, s8, s17, $0xb8;
	[tilespmem:$0x11800] =	vst v63  }
0x64: {  	_ =	swait.ge [sflag:s24], $0x2800  }
0x65: {  	s12 =	rddreg [dreg:$0x2];
	[sflag:s24] =	ssyncset.done $0x0  }
0x66: {  	[sflag:s24] =	ssyncadd.s32 $0xFFFFD800;
	s11 =	sadd.s32 s9, s12  }
0x67: {  	[hbm4b:s11+s2] =	stream.linear.scatter [tilespmem:s18], [sflag:$0x7], $0x2800, $0x38;
	[tilespmem:$0x11800] =	vst v63  }
0x68: {  	_ =	swait.ge [sflag:s25], $0x2800  }
0x69: {  	s12 =	rddreg [dreg:$0x3];
	[sflag:s25] =	ssyncset.done $0x0  }
0x6a: {  	[sflag:s25] =	ssyncadd.s32 $0xFFFFD800;
	s12 =	sadd.s32 s9, s12  }
0x6b: {  	[hbm4b:s12+s2] =	stream.linear.scatter [tilespmem:s19], [sflag:$0x8], $0x2800, $0x38;
	[tilespmem:$0x11800] =	vst v63  }
0x6c: {  	_ =	swait.ge [sflag:s26], $0x2800  }
0x6d: {  	s14 =	smov.u32 s13;
	[sflag:s26] =	ssyncset.done $0x0  }
0x6e: {  	s9 =	smov.u32 s14;
	s14 =	sadd.s32 $0x500, s11;
	[sflag:s26] =	ssyncadd.s32 $0xFFFFD800  }
0x6f: {  	[hbm4b:s14+s2] =	stream.linear.scatter [tilespmem:s20], [sflag:$0x9], $0x2800, $0x38;
	[tilespmem:$0x11800] =	vst v63  }
0x70: {  	_ =	swait.ge [sflag:s28], $0x2800  }
0x71: {  	[sflag:s28] =	ssyncset.done $0x0  }
0x72: {  	s14 =	sadd.s32 $0x500, s12;
	[sflag:s28] =	ssyncadd.s32 $0xFFFFD800  }
0x73: {  	[hbm4b:s14+s2] =	stream.linear.scatter [tilespmem:s21], [sflag:$0xA], $0x2800, $0x38;
	[tilespmem:$0x11800] =	vst v63  }
0x74: {  	_ =	swait.ge [sflag:s29], $0x2800  }
0x75: {  	[sflag:s29] =	ssyncset.done $0x0  }
0x76: {  	s11 =	sadd.s32 $0xA00, s11;
	[sflag:s29] =	ssyncadd.s32 $0xFFFFD800  }
0x77: {  	[hbm4b:s11+s2] =	stream.linear.scatter [tilespmem:s22], [sflag:$0xB], $0x2800, $0x38;
	[tilespmem:$0x11800] =	vst v63  }
0x78: {  	_ =	swait.ge [sflag:s30], $0x2800  }
0x79: {  	[sflag:s30] =	ssyncset.done $0x0  }
0x7a: {  	s14 =	sadd.s32 $0xA00, s12;
	[sflag:s30] =	ssyncadd.s32 $0xFFFFD800  }
0x7b: {  	[hbm4b:s14+s2] =	stream.linear.scatter [tilespmem:s23], [sflag:$0xC], $0x2800, $0x38;
	[tilespmem:$0x11800] =	vst v63  }
0x7c: {  	_ =	swait.ge [sflag:s31], $0x2800  }
0x7d: {  	[sflag:s31] =	ssyncset.done $0x0  }
0x7e: {  	[sflag:s31] =	ssyncadd.s32 $0xFFFFD800  }
0x7f: {  	_ =	swait.ge [sflag:s1], $0x2800  }
0x80: {  	[sflag:s1] =	ssyncset.done $0x0  }
0x81: {  	[sflag:s1] =	ssyncadd.s32 $0xFFFFD800  }
0x82: {  	_ =	swait.ge [sflag:s0], $0x2800  }
0x83: {  	[sflag:s0] =	ssyncset.done $0x0  }
0x84: {  	[sflag:s0] =	ssyncadd.s32 $0xFFFFD800  }
0x85: {  	_ =	swait.ge [sflag:s16], $0x2800  }
0x86: {  	[sflag:s16] =	ssyncset.done $0x0  }
0x87: {  	p0 =	sne.s32 s13, $0x11D00;
	[sflag:s16] =	ssyncadd.s32 $0xFFFFD800  }
.Ltmp0:
0x88: {  	_ =	swait.ge [sflag:s4], $0x2800;
	(pc) =	sbr.rel @p0 .LBB2_2-.Ltmp0, $4  }
0x89: {  	[sflag:s4] =	ssyncset.done $0x0  }
0x8a: {  	[sflag:s4] =	ssyncadd.s32 $0xFFFFD800  }
0x8b: {  	_ =	swait.ge [sflag:s5], $0x2800  }
0x8c: {  	s13 =	sadd.s32 $0xF00, s13;
	s10 =	sadd.s32 $0xF0, s10;
	[sflag:s5] =	ssyncset.done $0x0  }
0x8d: {  	s11 =	sadd.s32 $0xFFFFFF60, s10;
	[sflag:s5] =	ssyncadd.s32 $0xFFFFD800;
	s8 =	sadd.s32 $0xF0, s8  }
0x8e: {  	[tilespmem:s18], [sflag:$0x1] =	stream.indirect.gather [hbm4b:s3+s17], $0x80, s11, s17, $0xb8;
	[tilespmem:$0x11800] =	vst v63  }
0x8f: {  	s12 =	sadd.s32 $0xFFFFFF60, s8  }
0x90: {  	[tilespmem:s19], [sflag:$0x2] =	stream.indirect.gather [hbm4b:s3+s17], $0x80, s12, s17, $0xb8;
	[tilespmem:$0x11800] =	vst v63  }
0x91: {  	s13 =	sadd.s32 $0xFFFFFFB0, s10  }
0x92: {  	[tilespmem:s20], [sflag:$0x3] =	stream.indirect.gather [hbm4b:s3+s17], $0x80, s13, s17, $0xb8;
	[tilespmem:$0x11800] =	vst v63  }
0x93: {  	s14 =	sadd.s32 $0xFFFFFFB0, s8  }
0x94: {  	[tilespmem:s21], [sflag:$0x4] =	stream.indirect.gather [hbm4b:s3+s17], $0x80, s14, s17, $0xb8;
	[tilespmem:$0x11800] =	vst v63  }
0x95: {  	_ = 	snop  }
0x96: {  	[tilespmem:s22], [sflag:$0x5] =	stream.indirect.gather [hbm4b:s3+s17], $0x80, s10, s17, $0xb8;
	[tilespmem:$0x11800] =	vst v63  }
0x97: {  	_ = 	snop  }
0x98: {  	[tilespmem:s23], [sflag:$0x6] =	stream.indirect.gather [hbm4b:s3+s17], $0x80, s8, s17, $0xb8;
	[tilespmem:$0x11800] =	vst v63  }
0x99: {  	_ =	swait.ge [sflag:s24], $0x2800  }
0x9a: {  	s12 =	rddreg [dreg:$0x2];
	[sflag:s24] =	ssyncset.done $0x0  }
0x9b: {  	[sflag:s24] =	ssyncadd.s32 $0xFFFFD800;
	s8 =	sadd.s32 s9, s12  }
0x9c: {  	[hbm4b:s8+s2] =	stream.linear.scatter [tilespmem:s18], [sflag:$0x7], $0x2800, $0x38;
	[tilespmem:$0x11800] =	vst v63  }
0x9d: {  	_ =	swait.ge [sflag:s25], $0x2800  }
0x9e: {  	s13 =	rddreg [dreg:$0x3];
	[sflag:s25] =	ssyncset.done $0x0  }
0x9f: {  	[sflag:s25] =	ssyncadd.s32 $0xFFFFD800;
	s14 =	sadd.s32 s9, s13  }
0xa0: {  	[hbm4b:s14+s2] =	stream.linear.scatter [tilespmem:s19], [sflag:$0x8], $0x2800, $0x38;
	[tilespmem:$0x11800] =	vst v63  }
0xa1: {  	_ =	swait.ge [sflag:s26], $0x2800  }
0xa2: {  	[sflag:s26] =	ssyncset.done $0x0  }
0xa3: {  	s11 =	sadd.s32 $0x500, s8;
	[sflag:s26] =	ssyncadd.s32 $0xFFFFD800  }
0xa4: {  	[hbm4b:s11+s2] =	stream.linear.scatter [tilespmem:s20], [sflag:$0x9], $0x2800, $0x38;
	[tilespmem:$0x11800] =	vst v63  }
0xa5: {  	_ =	swait.ge [sflag:s28], $0x2800  }
0xa6: {  	[sflag:s28] =	ssyncset.done $0x0  }
0xa7: {  	s12 =	sadd.s32 $0x500, s14;
	[sflag:s28] =	ssyncadd.s32 $0xFFFFD800  }
0xa8: {  	[hbm4b:s12+s2] =	stream.linear.scatter [tilespmem:s21], [sflag:$0xA], $0x2800, $0x38;
	[tilespmem:$0x11800] =	vst v63  }
0xa9: {  	_ =	swait.ge [sflag:s29], $0x2800  }
0xaa: {  	[sflag:s29] =	ssyncset.done $0x0  }
0xab: {  	s8 =	sadd.s32 $0xA00, s8;
	[sflag:s29] =	ssyncadd.s32 $0xFFFFD800  }
0xac: {  	[hbm4b:s8+s2] =	stream.linear.scatter [tilespmem:s22], [sflag:$0xB], $0x2800, $0x38;
	[tilespmem:$0x11800] =	vst v63  }
0xad: {  	_ =	swait.ge [sflag:s30], $0x2800  }
0xae: {  	[sflag:s30] =	ssyncset.done $0x0  }
0xaf: {  	s13 =	sadd.s32 $0xA00, s14;
	[sflag:s30] =	ssyncadd.s32 $0xFFFFD800  }
0xb0: {  	[hbm4b:s13+s2] =	stream.linear.scatter [tilespmem:s23], [sflag:$0xC], $0x2800, $0x38;
	[tilespmem:$0x11800] =	vst v63  }
0xb1: {  	_ =	swait.ge [sflag:s31], $0x2800  }
0xb2: {  	[sflag:s31] =	ssyncset.done $0x0  }
0xb3: {  	[sflag:s31] =	ssyncadd.s32 $0xFFFFD800  }
0xb4: {  	_ =	swait.ge [sflag:s1], $0x2800  }
0xb5: {  	[sflag:s1] =	ssyncset.done $0x0  }
0xb6: {  	[sflag:s1] =	ssyncadd.s32 $0xFFFFD800  }
0xb7: {  	_ =	swait.ge [sflag:s0], $0x2800  }
0xb8: {  	[sflag:s0] =	ssyncset.done $0x0  }
0xb9: {  	[sflag:s0] =	ssyncadd.s32 $0xFFFFD800  }
0xba: {  	_ =	swait.ge [sflag:s16], $0x2800  }
0xbb: {  	[sflag:s16] =	ssyncset.done $0x0  }
0xbc: {  	[sflag:s16] =	ssyncadd.s32 $0xFFFFD800  }
0xbd: {  	_ =	swait.ge [sflag:s4], $0x2800  }
0xbe: {  	[sflag:s4] =	ssyncset.done $0x0  }
0xbf: {  	[sflag:s4] =	ssyncadd.s32 $0xFFFFD800  }
0xc0: {  	_ =	swait.ge [sflag:s5], $0x2800  }
0xc1: {  	[sflag:s5] =	ssyncset.done $0x0  }
0xc2: {  	s14 =	simm.s32 $0x12C0;
	[sflag:s5] =	ssyncadd.s32 $0xFFFFD800  }
0xc3: {  	[tilespmem:s18], [sflag:$0x1] =	stream.indirect.gather [hbm4b:s3+s17], $0x80, s14, s17, $0xb8;
	[tilespmem:$0x11800] =	vst v63  }
0xc4: {  	s9 =	simm.s32 $0x26C0  }
0xc5: {  	[tilespmem:s19], [sflag:$0x2] =	stream.indirect.gather [hbm4b:s3+s17], $0x80, s9, s17, $0xb8;
	[tilespmem:$0x11800] =	vst v63  }
0xc6: {  	_ =	swait.ge [sflag:s24], $0x2800  }
0xc7: {  	[sflag:s24] =	ssyncset.done $0x0  }
0xc8: {  	s10 =	rddreg [dreg:$0x6];
	[sflag:s24] =	ssyncadd.s32 $0xFFFFD800  }
0xc9: {  	[hbm4b:s10+s2] =	stream.linear.scatter [tilespmem:s18], [sflag:$0x7], $0x2800, $0x38;
	[tilespmem:$0x11800] =	vst v63  }
0xca: {  	_ =	swait.ge [sflag:s25], $0x2800  }
0xcb: {  	[sflag:s25] =	ssyncset.done $0x0  }
0xcc: {  	s11 =	rddreg [dreg:$0x7];
	[sflag:s25] =	ssyncadd.s32 $0xFFFFD800  }
0xcd: {  	[hbm4b:s11+s2] =	stream.linear.scatter [tilespmem:s19], [sflag:$0x8], $0x2800, $0x38;
	[tilespmem:$0x11800] =	vst v63  }
0xce: {  	_ =	swait.ge [sflag:s31], $0x2800  }
0xcf: {  	[sflag:s31] =	ssyncset.done $0x0  }
0xd0: {  	[sflag:s31] =	ssyncadd.s32 $0xFFFFD800  }
0xd1: {  	_ =	swait.ge [sflag:s1], $0x2800  }
0xd2: {  	[sflag:s1] =	ssyncset.done $0x0  }
0xd3: {  	s12 =	simm.s32 $0x1310;
	[sflag:s1] =	ssyncadd.s32 $0xFFFFD800  }
0xd4: {  	[tilespmem:s18], [sflag:$0x1] =	stream.indirect.gather [hbm4b:s3+s17], $0x80, s12, s17, $0xb8;
	[tilespmem:$0x11800] =	vst v63  }
0xd5: {  	s13 =	simm.s32 $0x2710  }
0xd6: {  	[tilespmem:s19], [sflag:$0x2] =	stream.indirect.gather [hbm4b:s3+s17], $0x80, s13, s17, $0xb8;
	[tilespmem:$0x11800] =	vst v63  }
0xd7: {  	_ =	swait.ge [sflag:s24], $0x2800  }
0xd8: {  	[sflag:s24] =	ssyncset.done $0x0  }
0xd9: {  	s14 =	rddreg [dreg:$0x8];
	[sflag:s24] =	ssyncadd.s32 $0xFFFFD800  }
0xda: {  	[hbm4b:s14+s2] =	stream.linear.scatter [tilespmem:s18], [sflag:$0x7], $0x2800, $0x38;
	[tilespmem:$0x11800] =	vst v63  }
0xdb: {  	_ =	swait.ge [sflag:s25], $0x2800  }
0xdc: {  	[sflag:s25] =	ssyncset.done $0x0  }
0xdd: {  	s9 =	rddreg [dreg:$0x9];
	[sflag:s25] =	ssyncadd.s32 $0xFFFFD800  }
0xde: {  	[hbm4b:s9+s2] =	stream.linear.scatter [tilespmem:s19], [sflag:$0x8], $0x2800, $0x38;
	[tilespmem:$0x11800] =	vst v63  }
0xdf: {  	_ =	swait.ge [sflag:s31], $0x2800  }
0xe0: {  	[sflag:s31] =	ssyncset.done $0x0  }
0xe1: {  	[sflag:s31] =	ssyncadd.s32 $0xFFFFD800  }
0xe2: {  	_ =	swait.ge [sflag:s1], $0x2800  }
0xe3: {  	[sflag:s1] =	ssyncset.done $0x0  }
0xe4: {  	s10 =	simm.s32 $0x1360;
	[sflag:s1] =	ssyncadd.s32 $0xFFFFD800  }
0xe5: {  	[tilespmem:s18], [sflag:$0x1] =	stream.indirect.gather [hbm4b:s3+s6], $0x80, s10, s6, $0xb8;
	[tilespmem:$0x11800] =	vst v63  }
0xe6: {  	s11 =	simm.s32 $0x2760  }
0xe7: {  	[tilespmem:s19], [sflag:$0x2] =	stream.indirect.gather [hbm4b:s3+s6], $0x80, s11, s6, $0xb8;
	[tilespmem:$0x11800] =	vst v63  }
0xe8: {  	_ =	swait.ge [sflag:s24], $0x1400  }
0xe9: {  	[sflag:s24] =	ssyncset.done $0x0  }
0xea: {  	s12 =	rddreg [dreg:$0xa];
	[sflag:s24] =	ssyncadd.s32 $0xFFFFEC00  }
0xeb: {  	[hbm4b:s12+s2] =	stream.linear.scatter [tilespmem:s18], [sflag:$0x7], $0x1400, $0x38;
	[tilespmem:$0x11800] =	vst v63  }
0xec: {  	_ =	swait.ge [sflag:s25], $0x1400  }
0xed: {  	[sflag:s25] =	ssyncset.done $0x0  }
0xee: {  	s13 =	rddreg [dreg:$0xb];
	[sflag:s25] =	ssyncadd.s32 $0xFFFFEC00  }
0xef: {  	[hbm4b:s13+s2] =	stream.linear.scatter [tilespmem:s19], [sflag:$0x8], $0x1400, $0x38;
	[tilespmem:$0x11800] =	vst v63  }
0xf0: {  	_ =	swait.ge [sflag:s31], $0x1400  }
0xf1: {  	[sflag:s31] =	ssyncset.done $0x0  }
0xf2: {  	[sflag:s31] =	ssyncadd.s32 $0xFFFFEC00  }
0xf3: {  	_ =	swait.ge [sflag:s1], $0x1400  }
0xf4: {  	s7 =	sadd.s32 $0x1, s7;
	s14 =	rddreg [dreg:$0xc]  }
0xf5: {  	p0 =	sne.s32 s7, s14  }
.Ltmp1:
0xf6: {  	_ = 	snop;
	(pc) =	sbr.rel @p0 .LBB2_1-.Ltmp1, $3  }
0xf7: {  	_ =	sdelay $0x1  }
0xf8: {  	[sflag:s1] =	ssyncset.done $0x0  }
0xf9: {  	[sflag:s1] =	ssyncadd.s32 $0xFFFFEC00  }
0xfa: {  	_ =	sfence.sel $0x180000  }
0xfb: {  	[bflag:$0x0] =	sbarrier.arrive $0xFFFF  }
0xfc: {  	_ =	strace $0x9000004A  }
0xfd: {  	s0 =	stileid.u32;
	[bflag:$0x2] =	sbarrier.arrive $0xFFFF  }
0xfe: {  	p0 =	sne.s32 s0, $0x0;
	s0 =	rddreg [dreg:$0x1]  }
0xff: {  	s0 =	sadd.s32 @!p0 $0x100000, s0  }
0x100: {  	[sflag:s0] =	ssyncadd.tile.s32 @!p0 $0x1;
	_ =	shalt  }
.Lfunc_end2:
_tile_overlayer_lowered:
.L_overlay_start_2:
0x101: {  	(tag) =	ssettag $0x2  }
0x102: {  	s0 =	rddreg [dreg:$0x0];
	s2 =	stileid.u32  }
0x103: {  	s1 =	rddreg [dreg:$0x1];
	p0 =	sne.s32 s2, $0x0  }
0x104: {  	s3 =	rddreg [dreg:$0x2];
	[bflag:$0x3] =	sbarrier.arrive $0xFFFF;
	s2 =	simm.s32 @!p0 $0x1C0D  }
0x105: {  	[timem:s3], [sflag:s2] =	dma.local @!p0 [hbm:s0], s1  }
0x106: {  	s0 =	simm.s32 @!p0 $0xD  }
0x107: {  	_ =	swait.ge @!p0 [sflag:s0], s1  }
0x108: {  	s1 =	ssub.s32 @!p0 $0x0, s1;
	[sflag:s0] =	ssyncset.done @!p0 $0x0  }
0x109: {  	[sflag:s0] =	ssyncadd.s32 @!p0 s1  }
0x10a: {  	[bflag:$0x3] =	sbarrier.arrive $0xFFFF  }
0x10b: {  	_ =	shalt  }

// kernel: kernel.15.cloned.1.call-start
scs
__scs_entry_jumppad:
0x0: {  	(pc) =	sbr.rel $0x88, $3  }
0x1: {  	(tag) =	ssettag $0x0;
	lr =	simm.s32 $0x1  }
0x2: {  	[smem:$0x3F92] =	sst lr;
	_ =	strace $0xD0000000  }
0x3: {  	_ = 	snop  }
0x4: {  	_ = 	snop  }
0x5: {  	_ = 	snop  }
0x6: {  	_ = 	snop  }
0x7: {  	_ = 	snop  }
__scs_overlays_trampoline_lowered:
0x8: {  	[smem:$0x3FA1] =	sst s0  }
0x9: {  	[smem:$0x3FA2] =	sst s1  }
0xa: {  	[smem:$0x3FA3] =	sst s2  }
0xb: {  	[smem:$0x3FA4] =	sst s3  }
0xc: {  	[smem:$0x3FA5] =	sst s4  }
0xd: {  	[smem:$0x3FA6] =	sst s5  }
0xe: {  	[smem:$0x3FA7] =	sst s6  }
0xf: {  	[smem:$0x3FA8] =	sst s7  }
0x10: {  	[smem:$0x3FA9] =	sst s8  }
0x11: {  	[smem:$0x3FAA] =	sst s9;
	s0 =	simm.s32 @!p0 $0x0  }
0x12: {  	s1 =	sld [smem:$0x3F90];
	s0 =	simm.s32 @p0 $0x1  }
0x13: {  	[smem:$0x3FAB] =	sst s0;
	s0 =	simm.s32 @!p1 $0x0  }
0x14: {  	s2 =	sld [smem:$0x3F8F];
	s0 =	simm.s32 @p1 $0x1  }
0x15: {  	[smem:$0x3FAC] =	sst s0;
	s0 =	simm.s32 @!p2 $0x0  }
0x16: {  	s3 =	sld [smem:$0x3FDB];
	s0 =	simm.s32 @p2 $0x1  }
0x17: {  	s4 =	simm.s32 $0x1BF5;
	[smem:$0x3FAE] =	sst s0  }
0x18: {  	s0 =	sld [smem:$0x3F91];
	_ =	swait.ge [sflag:s4], $0x0  }
0x19: {  	s7 =	sld [smem:$0x3F92]  }
0x1a: {  	s8 =	sadd.s32 $0xFFFFE003, lr  }
0x1b: {  	s9 =	sadd.s32 $0xFFFFFEF7, lr;
	s5 =	simm.s32 $0xFFFFFFFF;
	p2 =	slt.u32 s8, $0xFFFFF086  }
0x1c: {  	p1 =	slt.u32 s9, $0xF7A;
	s5 =	simm.s32 @!p2 $0x0  }
0x1d: {  	s5 =	simm.s32 @p1 $0x1;
	p0 =	seq.s32 s7, s2  }
0x1e: {  	s7 =	smul.u32 @!p0 $0xF7A, s2;
	p2 =	seq.s32 @!p0 s5, $0x0  }
0x1f: {  	s9 =	smul.u32 $0xF7A, s1;
	s8 =	simm.s32 @!p0 $0x1BF5;
	p2 =	por !p2, p0  }
0x20: {  	[sflag:s8] =	ssyncset.s32 @!p0 $0xFFFFF086;
	s6 =	sadd.s32 @!p0 s3, s7;
	s7 =	simm.s32 @!p0 $0x108  }
0x21: {  	s3 =	sadd.s32 s3, s9;
	s6 =	sadd.s32 @!p0 $0x88, s6;
	s7 =	simm.s32 @p2 $0x1082  }
0x22: {  	[simem:s7], [sflag:s8] =	dma.local @!p0 [hbm:s6], $0xF7A  }
0x23: {  	s9 =	sor.u32 $0xD0000000, s2;
	s6 =	simm.s32 $0x108;
	_ =	swait.ge @!p0 [sflag:s8], $0x0  }
0x24: {  	s3 =	sadd.s32 $0x88, s3;
	s6 =	simm.s32 @!p1 $0x1082;
	[sflag:s4] =	ssyncset.s32 $0xFFFFF086  }
0x25: {  	[simem:s6], [sflag:s4] =	dma.local [hbm:s3], $0xF7A  }
0x26: {  	[smem:$0x3F92] =	sst s1;
	(tag) =	ssettag s2;
	_ =	strace s9  }
0x27: {  	s1 =	sld [smem:$0x3FA2]  }
0x28: {  	s2 =	sld [smem:$0x3FA3]  }
0x29: {  	s4 =	sld [smem:$0x3FA5]  }
0x2a: {  	p0 =	seq.s32 s5, $0x0;
	s5 =	sld [smem:$0x3FA6]  }
0x2b: {  	s6 =	sld [smem:$0x3FA7]  }
0x2c: {  	s7 =	sld [smem:$0x3FA8]  }
0x2d: {  	s3 =	simm.s32 $0x108;
	s8 =	sld [smem:$0x3FA9]  }
0x2e: {  	s3 =	simm.s32 @!p0 $0x1082;
	s9 =	sld [smem:$0x3FAA]  }
0x2f: {  	lr =	sadd.s32 s0, s3;
	s0 =	sld [smem:$0x3FA1]  }
0x30: {  	s3 =	sld [smem:$0x3FA4]  }
0x31: {  	[smem:$0x3FAD] =	sst s10  }
0x32: {  	s10 =	sld [smem:$0x3FAB];
	_ =	sdelay $0x3  }
0x33: {  	p0 =	seq.s32 s10, $0x1;
	s10 =	sld [smem:$0x3FAD];
	_ =	sdelay $0x3  }
0x34: {  	[smem:$0x3FAD] =	sst s10  }
0x35: {  	s10 =	sld [smem:$0x3FAC];
	_ =	sdelay $0x3  }
0x36: {  	p1 =	seq.s32 s10, $0x1;
	s10 =	sld [smem:$0x3FAD];
	_ =	sdelay $0x3  }
0x37: {  	[smem:$0x3FAD] =	sst s10  }
0x38: {  	s10 =	sld [smem:$0x3FAE]  }
0x39: {  	_ = 	snop;
	(pc) =	sbr.ind lr, $3  }
0x3a: {  	_ = 	snop  }
0x3b: {  	_ = 	snop  }
0x3c: {  	p2 =	seq.s32 s10, $0x1;
	s10 =	sld [smem:$0x3FAD]  }
0x3d: {  	_ =	shalt  }
0x3e: {  	_ =	shalt  }
0x3f: {  	_ =	shalt  }
0x40: {  	_ =	shalt  }
0x41: {  	_ =	shalt  }
0x42: {  	_ =	shalt  }
0x43: {  	_ =	shalt  }
0x44: {  	_ =	shalt  }
0x45: {  	_ =	shalt  }
0x46: {  	_ =	shalt  }
0x47: {  	_ =	shalt  }
0x48: {  	_ =	shalt  }
0x49: {  	_ =	shalt  }
0x4a: {  	_ =	shalt  }
0x4b: {  	_ =	shalt  }
0x4c: {  	_ =	shalt  }
0x4d: {  	_ =	shalt  }
0x4e: {  	_ =	shalt  }
0x4f: {  	_ =	shalt  }
0x50: {  	_ =	shalt  }
0x51: {  	_ =	shalt  }
0x52: {  	_ =	shalt  }
0x53: {  	_ =	shalt  }
0x54: {  	_ =	shalt  }
0x55: {  	_ =	shalt  }
0x56: {  	_ =	shalt  }
0x57: {  	_ =	shalt  }
0x58: {  	_ =	shalt  }
0x59: {  	_ =	shalt  }
0x5a: {  	_ =	shalt  }
0x5b: {  	_ =	shalt  }
0x5c: {  	_ =	shalt  }
0x5d: {  	_ =	shalt  }
0x5e: {  	_ =	shalt  }
0x5f: {  	_ =	shalt  }
0x60: {  	_ =	shalt  }
0x61: {  	_ =	shalt  }
0x62: {  	_ =	shalt  }
0x63: {  	_ =	shalt  }
0x64: {  	_ =	shalt  }
0x65: {  	_ =	shalt  }
0x66: {  	_ =	shalt  }
0x67: {  	_ =	shalt  }
0x68: {  	_ =	shalt  }
0x69: {  	_ =	shalt  }
0x6a: {  	_ =	shalt  }
0x6b: {  	_ =	shalt  }
0x6c: {  	_ =	shalt  }
0x6d: {  	_ =	shalt  }
0x6e: {  	_ =	shalt  }
0x6f: {  	_ =	shalt  }
0x70: {  	_ =	shalt  }
0x71: {  	_ =	shalt  }
0x72: {  	_ =	shalt  }
0x73: {  	_ =	shalt  }
0x74: {  	_ =	shalt  }
0x75: {  	_ =	shalt  }
0x76: {  	_ =	shalt  }
0x77: {  	_ =	shalt  }
0x78: {  	_ =	shalt  }
0x79: {  	_ =	shalt  }
0x7a: {  	_ =	shalt  }
0x7b: {  	_ =	shalt  }
0x7c: {  	_ =	shalt  }
0x7d: {  	_ =	shalt  }
0x7e: {  	_ =	shalt  }
0x7f: {  	_ =	shalt  }
0x80: {  	_ =	shalt  }
0x81: {  	_ =	shalt  }
0x82: {  	_ =	shalt  }
0x83: {  	_ =	shalt  }
0x84: {  	_ =	shalt  }
0x85: {  	_ =	shalt  }
0x86: {  	_ =	shalt  }
0x87: {  	_ =	shalt  }
.Lfunc_end0:
.L_simem_size_0:
called_computation.2_lowered:
.L_overlay_start_0:
0x88: {  	s2 =	sld [smem:$0x3FD9]  }
0x89: {  	s3 =	sld [smem:$0x3FFE];
	_ =	sdelay $0x1  }
0x8a: {  	s1 =	srdreg.scid  }
0x8b: {  	s0 =	sand.u32 $0x1, s1  }
0x8c: {  	s16 =	sshll.u32 s0, $0xA;
	s2 =	sadd.s32 s3, s2  }
0x8d: {  	s2 =	sadd.s32 s2, s16  }
0x8e: {  	[smem:$0x3FB9] =	sst s2  }
0x8f: {  	_ = 	snop  }
0x90: {  	(tm) =	ssettm $0x1  }
0x91: {  	s17 =	sld [smem:$0x3FFB];
	_ =	sdelay $0x3  }
0x92: {  	_ =	strace s17  }
0x93: {  	s2 =	sld [smem:$0x3FFC];
	_ =	sdelay $0x3  }
0x94: {  	_ =	strace s2  }
0x95: {  	s2 =	sld [smem:$0x3FFD];
	_ =	sdelay $0x3  }
0x96: {  	_ =	strace s2  }
0x97: {  	_ =	strace $0x8FFFFFFF  }
0x98: {  	s18 =	sld [smem:$0x3FDB];
	_ =	sdelay $0x1  }
0x99: {  	s19 =	simm.s32 $_scs_section_size  }
0x9a: {  	s4 =	simm.s32 $_size__tile_overlayer_lowered;
	s5 =	simm.s32 $_tile_overlayer_lowered  }
0x9b: {  	s22 =	simm.s32 $0x1BFF;
	s21 =	sshll.u32 s5, $0x1;
	s2 =	sadd.s32 s19, s18  }
0x9c: {  	s6 =	simm.s32 $0x0;
	s20 =	sshll.u32 s4, $0x1;
	s4 =	sadd.s32 s21, s2  }
0x9d: {  	[timem:s6], [sflag:s22] =	dma.local [hbm:s4], s20  }
0x9e: {  	_ =	swait.ge [sflag:s22], s20  }
0x9f: {  	s3 =	ssub.s32 $0x0, s20;
	[sflag:s22] =	ssyncset.done $0x0  }
0xa0: {  	[sflag:s22] =	ssyncadd.s32 s3;
	_ =	sdelay $0x1  }
0xa1: {  	s23 =	simm.s32 $0x1B8B  }
0xa2: {  	_ =	swait.ge [sflag:s23], $0x1  }
0xa3: {  	[sflag:s23] =	ssyncset.done $0x0  }
0xa4: {  	s25 =	simm.s32 $0x1B8E;
	s24 =	sld [smem:$0x3FFE];
	[sflag:s23] =	ssyncadd.s32 $0xFFFFFFFF  }
0xa5: {  	s26 =	simm.s32 $execute0_lowered;
	[smem:$0x3FD2] =	sst s25  }
0xa6: {  	s4 =	sshll.u32 s26, $0x1;
	_ =	strace $0x8000004C;
	[dreg:$0x1] =	wrdreg $0xFFFFFFFF  }
0xa7: {  	s28 =	simm.s32 $_size_execute0_lowered;
	s2 =	sadd.s32 s2, s4;
	[dreg:$0x0] =	wrdreg $0x0  }
0xa8: {  	s4 =	sshll.u32 s28, $0x1;
	[dreg:$0x2] =	wrdreg s2  }
0xa9: {  	[dreg:$0x3] =	wrdreg s4  }
0xaa: {  	[dreg:$0x4] =	wrdreg $0xC0  }
0xab: {  	_ =	task [dreg:s6], $0x5FFFF  }
0xac: {  	[dreg:$0x1] =	wrdreg $0xFFFFFFFF  }
0xad: {  	[dreg:$0x0] =	wrdreg $0x60  }
0xae: {  	[dreg:$0x2] =	wrdreg s24  }
0xaf: {  	[dreg:$0x3] =	wrdreg $0xA4000  }
0xb0: {  	[dreg:$0x4] =	wrdreg $0x9  }
0xb1: {  	_ =	task.clear_ibuf [dreg:s6], $0x5FFFF;
	_ =	strace $0x9000004C  }
0xb2: {  	s29 =	simm.s32 $0x9;
	_ =	strace $0x8000004E  }
0xb3: {  	_ =	swait.ge [sflag:s29], $0x1  }
0xb4: {  	[sflag:s29] =	ssyncadd.s32 $0xFFFFFFFF  }
0xb5: {  	_ =	strace $0x9000004E  }
0xb6: {  	_ =	sfence  }
0xb7: {  	s30 =	sld [smem:$0x0];
	_ =	sdelay $0x2  }
0xb8: {  	s31 =	sshll.u32 s1, $0xD;
	s1 =	sshrl.u32 s1, $0x2  }
0xb9: {  	s3 =	sand.u32 $0x4000, s31;
	s1 =	sadd.s32 s1, s30  }
0xba: {  	s0 =	sor.u32 s3, s0;
	s1 =	sshll.u32 s1, $0x11  }
0xbb: {  	s0 =	sor.u32 s1, s0  }
0xbc: {  	s0 =	sadd.s32 $0x8F2B, s0  }
0xbd: {  	[sflag:s0] =	ssyncadd.remote.s32 $0x1  }
0xbe: {  	_ =	sfence.sel $0xFFFF  }
0xbf: {  	[dreg:$0x0] =	wrdreg $0xFFFFFFFF;
	(pc) =	sbr.abs _section_cstart, $3  }
0xc0: {  	[dreg:$0x1] =	wrdreg $0xFFFFFFFF  }
0xc1: {  	_ =	task.clear_ibuf [dreg:s6], $0x2FFFF;
	_ =	strace $0x9FFFFFFF  }
0xc2: {  	(tm) =	ssettm $0x7FFFFFFF  }
0xc3: {  	_ =	shalt  }
tec
execute0_lowered:
.L_overlay_start_1:
0x0: {  	(tag) =	ssettag $0x1  }
0x1: {  	s0 =	rddreg [dreg:$0x0]  }
0x2: {  	s2 =	rddreg [dreg:$0x1];
	s12 =	stileid.u32;
	s3 =	simm.s32 $0x0  }
0x3: {  	s4 =	srdreg.scid;
	s14 =	simm.s32 $0xB;
	s18 =	simm.s32 $0x4000  }
0x4: {  	s19 =	simm.s32 $0x5400;
	s28 =	simm.s32 $0x4;
	s29 =	simm.s32 $0x5  }
0x5: {  	s30 =	simm.s32 $0x6;
	s31 =	simm.s32 $0x7;
	s1 =	smul.u32 $0x27100, s12  }
0x6: {  	[smem:$0x7FF] =	sst s3;
	s4 =	sand.u32 $0x1, s4;
	s10 =	smul.u32 $0x2700, s12  }
0x7: {  	s5 =	sshll.u32 s12, $0xC;
	s9 =	smul.u32 $0x4E000, s12;
	p0 =	sne.s32 s12, $0xF  }
0x8: {  	s26 =	sshll.u32 s12, $0x6;
	_ =	strace $0x8000004D;
	s20 =	smul.u32 $0x27100, s4  }
0x9: {  	s6 =	sshll.u32 s4, $0xB;
	s7 =	ssub.s32 $0x2, s4;
	s4 =	smul.u32 $0x13880, s4  }
0xa: {  	s15 =	sor.u32 $0x1C0B, s26;
	s26 =	simm.s32 $0x3;
	s1 =	sadd.s32 s1, s0  }
0xb: {  	s5 =	sor.u32 s6, s5;
	s8 =	sshrl.u32 s7, $0x1;
	[dreg:$0x3] =	wrdreg s10  }
0xc: {  	s10 =	sadd.s32 s10, s0;
	s21 =	sshrl.u32 s9, $0x2;
	s5 =	sadd.s32 s5, s0  }
0xd: {  	s11 =	sadd.s32 s20, s0;
	s8 =	ssub.s32 s7, s8;
	s6 =	sadd.s32 s21, s2  }
0xe: {  	s7 =	sadd.s32 $0x14E00, s10;
	s0 =	sadd.s32 $0x3BE00, s0;
	s23 =	sadd.s32 s4, s1  }
0xf: {  	s20 =	simm.s32 $0x6800;
	s21 =	simm.s32 $0x7C00;
	s1 =	simm.s32 $0x9  }
0x10: {  	s5 =	sadd.s32 $0x4E00, s5;
	[dreg:$0x5] =	wrdreg s0;
	s22 =	sadd.s32 $0x3C000, s11  }
0x11: {  	s24 =	sadd.s32 $0x8A200, s11;
	s25 =	smax.u32 s8, $0x1;
	s8 =	sadd.s32 $0xA03E00, s23  }
0x12: {  	s13 =	sadd.s32 $0xC74E00, s23;
	s16 =	sshrl.u32 s6, $0x3;
	[dreg:$0x4] =	wrdreg s5  }
0x13: {  	s23 =	simm.s32 $0x1;
	s0 =	simm.s32 $0x8;
	[dreg:$0x6] =	wrdreg s22  }
0x14: {  	s11 =	simm.s32 $0x0;
	s5 =	sadd.s32 $0x138000, s2;
	[dreg:$0x7] =	wrdreg s24  }
0x15: {  	[dreg:$0x8] =	wrdreg s25;
	s22 =	simm.s32 $0x9000;
	s24 =	simm.s32 $0x28  }
0x16: {  	s25 =	simm.s32 $0x2;
	s17 =	sshrl.u32 @!p0 s5, $0x3;
	s5 =	simm.s32 $0xA  }
.LBB2_1:
0x17: {  	s4 =	rddreg [dreg:$0x4]  }
0x18: {  	[tilespmem:s3], [sflag:$0xB] =	stream.linear.gather [hbm4b:s4+s3], $0x3E80, $0x38;
	[tilespmem:$0x1DC80] =	vst v63  }
0x19: {  	_ =	swait.ge [sflag:s14], $0x3E80  }
0x1a: {  	[sflag:s14] =	ssyncset.done $0x0  }
0x1b: {  	[sflag:s14] =	ssyncadd.s32 $0xFFFFC180  }
0x1c: {  	[spmem:s16], [sflag:s15] =	dma.local [hbm:s7], $0x2700  }
0x1d: {  	_ =	swait.ge [sflag:s14], $0x2700  }
0x1e: {  	[sflag:s14] =	ssyncset.done $0x0  }
0x1f: {  	s4 =	rddreg [dreg:$0x5];
	[sflag:s14] =	ssyncadd.s32 $0xFFFFD900  }
0x20: {  	[spmem:s17], [sflag:s15] =	dma.local @!p0 [hbm:s4], $0x100  }
0x21: {  	s4 =	simm.s32 @!p0 $0xB  }
0x22: {  	_ =	swait.ge @!p0 [sflag:s4], $0x100  }
0x23: {  	[sflag:s4] =	ssyncset.done @!p0 $0x0  }
0x24: {  	[sflag:s4] =	ssyncadd.s32 @!p0 $0xFFFFFF00  }
0x25: {  	[bflag:$0x0] =	sbarrier.arrive $0xFFFF  }
0x26: {  	[tilespmem:s18], [sflag:$0x1] =	stream.linear.gather [hbm4b:s8+s3], $0x1400, $0x38;
	[tilespmem:$0x1DC80] =	vst v63  }
0x27: {  	s9 =	sadd.s32 $0x280, s8  }
0x28: {  	[tilespmem:s19], [sflag:$0x2] =	stream.linear.gather [hbm4b:s9+s3], $0x1400, $0x38;
	[tilespmem:$0x1DC80] =	vst v63  }
0x29: {  	s10 =	sadd.s32 $0x500, s8  }
0x2a: {  	[tilespmem:s20], [sflag:$0x3] =	stream.linear.gather [hbm4b:s10+s3], $0x1400, $0x38;
	[tilespmem:$0x1DC80] =	vst v63  }
0x2b: {  	s12 =	sadd.s32 $0x780, s8  }
0x2c: {  	[tilespmem:s21], [sflag:$0x4] =	stream.linear.gather [hbm4b:s12+s3], $0x1400, $0x38;
	[tilespmem:$0x1DC80] =	vst v63  }
0x2d: {  	s9 =	sadd.s32 $0xA00, s8  }
0x2e: {  	[tilespmem:s22], [sflag:$0x5] =	stream.linear.gather [hbm4b:s9+s3], $0x1400, $0x38;
	[tilespmem:$0x1DC80] =	vst v63  }
0x2f: {  	_ =	swait.ge [sflag:s23], $0x1400  }
0x30: {  	[sflag:s23] =	ssyncset.done $0x0  }
0x31: {  	s10 =	simm.s32 $0x0;
	[sflag:s23] =	ssyncadd.s32 $0xFFFFEC00  }
0x32: {  	[spmem:s2] =	stream.indirect.scatter.add.f32 [tilespmem:s18], [sflag:$0x6], $0x80, s10, s24, $0xb8;
	[tilespmem:$0x1DC80] =	vst v63  }
0x33: {  	_ =	swait.ge [sflag:s25], $0x1400  }
0x34: {  	[sflag:s25] =	ssyncset.done $0x0  }
0x35: {  	s12 =	simm.s32 $0x80;
	[sflag:s25] =	ssyncadd.s32 $0xFFFFEC00  }
0x36: {  	[spmem:s2] =	stream.indirect.scatter.add.f32 [tilespmem:s19], [sflag:$0x7], $0x80, s12, s24, $0xb8;
	[tilespmem:$0x1DC80] =	vst v63  }
0x37: {  	_ =	swait.ge [sflag:s26], $0x1400  }
0x38: {  	[sflag:s26] =	ssyncset.done $0x0  }
0x39: {  	s9 =	simm.s32 $0x100;
	[sflag:s26] =	ssyncadd.s32 $0xFFFFEC00  }
0x3a: {  	[spmem:s2] =	stream.indirect.scatter.add.f32 [tilespmem:s20], [sflag:$0x8], $0x80, s9, s24, $0xb8;
	[tilespmem:$0x1DC80] =	vst v63  }
0x3b: {  	_ =	swait.ge [sflag:s28], $0x1400  }
0x3c: {  	[sflag:s28] =	ssyncset.done $0x0  }
0x3d: {  	s10 =	simm.s32 $0x180;
	[sflag:s28] =	ssyncadd.s32 $0xFFFFEC00  }
0x3e: {  	[spmem:s2] =	stream.indirect.scatter.add.f32 [tilespmem:s21], [sflag:$0x9], $0x80, s10, s24, $0xb8;
	[tilespmem:$0x1DC80] =	vst v63  }
0x3f: {  	_ =	swait.ge [sflag:s29], $0x1400  }
0x40: {  	[sflag:s29] =	ssyncset.done $0x0  }
0x41: {  	s12 =	simm.s32 $0x200;
	[sflag:s29] =	ssyncadd.s32 $0xFFFFEC00  }
0x42: {  	[spmem:s2] =	stream.indirect.scatter.add.f32 [tilespmem:s22], [sflag:$0xA], $0x80, s12, s24, $0xb8;
	[tilespmem:$0x1DC80] =	vst v63  }
0x43: {  	_ =	swait.ge [sflag:s30], $0x1400  }
0x44: {  	[sflag:s30] =	ssyncset.done $0x0  }
0x45: {  	[sflag:s30] =	ssyncadd.s32 $0xFFFFEC00  }
0x46: {  	_ =	swait.ge [sflag:s31], $0x1400  }
0x47: {  	[sflag:s31] =	ssyncset.done $0x0  }
0x48: {  	[sflag:s31] =	ssyncadd.s32 $0xFFFFEC00  }
0x49: {  	_ =	swait.ge [sflag:s0], $0x1400  }
0x4a: {  	[sflag:s0] =	ssyncset.done $0x0  }
0x4b: {  	[sflag:s0] =	ssyncadd.s32 $0xFFFFEC00  }
0x4c: {  	_ =	swait.ge [sflag:s1], $0x1400  }
0x4d: {  	[sflag:s1] =	ssyncset.done $0x0  }
0x4e: {  	[sflag:s1] =	ssyncadd.s32 $0xFFFFEC00  }
0x4f: {  	_ =	swait.ge [sflag:s5], $0x1400  }
0x50: {  	s4 =	simm.s32 $0xA00;
	s12 =	smov.u32 s8;
	[sflag:s5] =	ssyncset.done $0x0  }
.LBB2_2:
0x51: {  	p1 =	sne.s32 s4, $0xF000;
	[sflag:s5] =	ssyncadd.s32 $0xFFFFEC00;
	s12 =	sadd.s32 $0xC80, s12  }
0x52: {  	[tilespmem:s18], [sflag:$0x1] =	stream.linear.gather [hbm4b:s12+s3], $0x1400, $0x38;
	[tilespmem:$0x1DC80] =	vst v63  }
0x53: {  	s10 =	smov.u32 s4;
	s4 =	sadd.s32 $0xA00, s4;
	s9 =	sadd.s32 $0x280, s12  }
0x54: {  	[tilespmem:s19], [sflag:$0x2] =	stream.linear.gather [hbm4b:s9+s3], $0x1400, $0x38;
	[tilespmem:$0x1DC80] =	vst v63  }
0x55: {  	s9 =	sadd.s32 $0x500, s12  }
0x56: {  	[tilespmem:s20], [sflag:$0x3] =	stream.linear.gather [hbm4b:s9+s3], $0x1400, $0x38;
	[tilespmem:$0x1DC80] =	vst v63  }
0x57: {  	s9 =	sadd.s32 $0x780, s12  }
0x58: {  	[tilespmem:s21], [sflag:$0x4] =	stream.linear.gather [hbm4b:s9+s3], $0x1400, $0x38;
	[tilespmem:$0x1DC80] =	vst v63  }
0x59: {  	s9 =	sadd.s32 $0xA00, s12  }
0x5a: {  	[tilespmem:s22], [sflag:$0x5] =	stream.linear.gather [hbm4b:s9+s3], $0x1400, $0x38;
	[tilespmem:$0x1DC80] =	vst v63  }
0x5b: {  	_ =	swait.ge [sflag:s23], $0x1400  }
0x5c: {  	[sflag:s23] =	ssyncset.done $0x0  }
0x5d: {  	s9 =	sshra.s32 s10, $0x2;
	[sflag:s23] =	ssyncadd.s32 $0xFFFFEC00  }
0x5e: {  	[spmem:s2] =	stream.indirect.scatter.add.f32 [tilespmem:s18], [sflag:$0x6], $0x80, s9, s24, $0xb8;
	[tilespmem:$0x1DC80] =	vst v63  }
0x5f: {  	_ =	swait.ge [sflag:s25], $0x1400  }
0x60: {  	[sflag:s25] =	ssyncset.done $0x0  }
0x61: {  	s10 =	sadd.s32 $0x80, s9;
	[sflag:s25] =	ssyncadd.s32 $0xFFFFEC00  }
0x62: {  	[spmem:s2] =	stream.indirect.scatter.add.f32 [tilespmem:s19], [sflag:$0x7], $0x80, s10, s24, $0xb8;
	[tilespmem:$0x1DC80] =	vst v63  }
0x63: {  	_ =	swait.ge [sflag:s26], $0x1400  }
0x64: {  	[sflag:s26] =	ssyncset.done $0x0  }
0x65: {  	s10 =	sadd.s32 $0x100, s9;
	[sflag:s26] =	ssyncadd.s32 $0xFFFFEC00  }
0x66: {  	[spmem:s2] =	stream.indirect.scatter.add.f32 [tilespmem:s20], [sflag:$0x8], $0x80, s10, s24, $0xb8;
	[tilespmem:$0x1DC80] =	vst v63  }
0x67: {  	_ =	swait.ge [sflag:s28], $0x1400  }
0x68: {  	[sflag:s28] =	ssyncset.done $0x0  }
0x69: {  	s10 =	sadd.s32 $0x180, s9;
	[sflag:s28] =	ssyncadd.s32 $0xFFFFEC00  }
0x6a: {  	[spmem:s2] =	stream.indirect.scatter.add.f32 [tilespmem:s21], [sflag:$0x9], $0x80, s10, s24, $0xb8;
	[tilespmem:$0x1DC80] =	vst v63  }
0x6b: {  	_ =	swait.ge [sflag:s29], $0x1400  }
0x6c: {  	[sflag:s29] =	ssyncset.done $0x0  }
0x6d: {  	s9 =	sadd.s32 $0x200, s9;
	[sflag:s29] =	ssyncadd.s32 $0xFFFFEC00  }
0x6e: {  	[spmem:s2] =	stream.indirect.scatter.add.f32 [tilespmem:s22], [sflag:$0xA], $0x80, s9, s24, $0xb8;
	[tilespmem:$0x1DC80] =	vst v63  }
0x6f: {  	_ =	swait.ge [sflag:s30], $0x1400  }
0x70: {  	[sflag:s30] =	ssyncset.done $0x0  }
0x71: {  	[sflag:s30] =	ssyncadd.s32 $0xFFFFEC00  }
0x72: {  	_ =	swait.ge [sflag:s31], $0x1400  }
0x73: {  	[sflag:s31] =	ssyncset.done $0x0  }
0x74: {  	[sflag:s31] =	ssyncadd.s32 $0xFFFFEC00  }
0x75: {  	_ =	swait.ge [sflag:s0], $0x1400  }
0x76: {  	[sflag:s0] =	ssyncset.done $0x0  }
0x77: {  	[sflag:s0] =	ssyncadd.s32 $0xFFFFEC00  }
.Ltmp0:
0x78: {  	_ =	swait.ge [sflag:s1], $0x1400;
	(pc) =	sbr.rel @p1 .LBB2_2-.Ltmp0, $4  }
0x79: {  	[sflag:s1] =	ssyncset.done $0x0  }
0x7a: {  	[sflag:s1] =	ssyncadd.s32 $0xFFFFEC00  }
0x7b: {  	_ =	swait.ge [sflag:s5], $0x1400  }
0x7c: {  	[sflag:s5] =	ssyncset.done $0x0  }
0x7d: {  	[sflag:s5] =	ssyncadd.s32 $0xFFFFEC00  }
0x7e: {  	[bflag:$0x0] =	sbarrier.arrive $0xFFFF  }
0x7f: {  	s4 =	rddreg [dreg:$0x3]  }
0x80: {  	s9 =	rddreg [dreg:$0x6]  }
0x81: {  	s4 =	sadd.s32 s4, s9  }
0x82: {  	[hbm:s4], [sflag:s15] =	dma.local [spmem:s16], $0x2700  }
0x83: {  	_ =	swait.ge [sflag:s14], $0x2700  }
0x84: {  	[sflag:s14] =	ssyncset.done $0x0  }
0x85: {  	[sflag:s14] =	ssyncadd.s32 $0xFFFFD900  }
0x86: {  	s4 =	sshrl.u32 @p0 s6, $0x3;
	[bflag:$0x0] =	sbarrier.arrive @p0 $0xFFFF  }
0x87: {  	[spmem:s4], [sflag:s15] =	dma.local @p0 [hbm:s7], $0x2700  }
0x88: {  	s4 =	simm.s32 @p0 $0xB  }
0x89: {  	_ =	swait.ge @p0 [sflag:s4], $0x2700  }
0x8a: {  	[sflag:s4] =	ssyncset.done @p0 $0x0  }
0x8b: {  	[sflag:s4] =	ssyncadd.s32 @p0 $0xFFFFD900;
	s4 =	sadd.s32 @!p0 $0x27000, s9  }
0x8c: {  	[hbm:s4], [sflag:s15] =	dma.local @!p0 [spmem:s17], $0x100  }
0x8d: {  	s4 =	simm.s32 @!p0 $0xB  }
0x8e: {  	_ =	swait.ge @!p0 [sflag:s4], $0x100  }
0x8f: {  	[sflag:s4] =	ssyncset.done @!p0 $0x0  }
0x90: {  	[sflag:s4] =	ssyncadd.s32 @!p0 $0xFFFFFF00  }
0x91: {  	s9 =	sshrl.u32 @!p0 s6, $0x3;
	[bflag:$0x0] =	sbarrier.arrive @!p0 $0xFFFF  }
0x92: {  	[spmem:s9], [sflag:s15] =	dma.local @!p0 [hbm:s7], $0x2700  }
0x93: {  	_ =	swait.ge @!p0 [sflag:s4], $0x2700  }
0x94: {  	[sflag:s4] =	ssyncset.done @!p0 $0x0  }
0x95: {  	s9 =	rddreg [dreg:$0x5];
	[sflag:s4] =	ssyncadd.s32 @!p0 $0xFFFFD900  }
0x96: {  	[spmem:s17], [sflag:s15] =	dma.local @!p0 [hbm:s9], $0x100  }
0x97: {  	_ =	swait.ge @!p0 [sflag:s4], $0x100  }
0x98: {  	[sflag:s4] =	ssyncset.done @!p0 $0x0  }
0x99: {  	[sflag:s4] =	ssyncadd.s32 @!p0 $0xFFFFFF00  }
0x9a: {  	[bflag:$0x0] =	sbarrier.arrive $0xFFFF  }
0x9b: {  	[tilespmem:s18], [sflag:$0x1] =	stream.linear.gather [hbm4b:s13+s3], $0x1400, $0x38;
	[tilespmem:$0x1DC80] =	vst v63  }
0x9c: {  	s9 =	sadd.s32 $0x280, s13  }
0x9d: {  	[tilespmem:s19], [sflag:$0x2] =	stream.linear.gather [hbm4b:s9+s3], $0x1400, $0x38;
	[tilespmem:$0x1DC80] =	vst v63  }
0x9e: {  	s10 =	sadd.s32 $0x500, s13  }
0x9f: {  	[tilespmem:s20], [sflag:$0x3] =	stream.linear.gather [hbm4b:s10+s3], $0x1400, $0x38;
	[tilespmem:$0x1DC80] =	vst v63  }
0xa0: {  	s12 =	sadd.s32 $0x780, s13  }
0xa1: {  	[tilespmem:s21], [sflag:$0x4] =	stream.linear.gather [hbm4b:s12+s3], $0x1400, $0x38;
	[tilespmem:$0x1DC80] =	vst v63  }
0xa2: {  	s9 =	sadd.s32 $0xA00, s13  }
0xa3: {  	[tilespmem:s22], [sflag:$0x5] =	stream.linear.gather [hbm4b:s9+s3], $0x1400, $0x38;
	[tilespmem:$0x1DC80] =	vst v63  }
0xa4: {  	_ =	swait.ge [sflag:s23], $0x1400  }
0xa5: {  	[sflag:s23] =	ssyncset.done $0x0  }
0xa6: {  	s10 =	simm.s32 $0x0;
	[sflag:s23] =	ssyncadd.s32 $0xFFFFEC00  }
0xa7: {  	[spmem:s2] =	stream.indirect.scatter.add.f32 [tilespmem:s18], [sflag:$0x6], $0x80, s10, s24, $0xb8;
	[tilespmem:$0x1DC80] =	vst v63  }
0xa8: {  	_ =	swait.ge [sflag:s25], $0x1400  }
0xa9: {  	[sflag:s25] =	ssyncset.done $0x0  }
0xaa: {  	s12 =	simm.s32 $0x80;
	[sflag:s25] =	ssyncadd.s32 $0xFFFFEC00  }
0xab: {  	[spmem:s2] =	stream.indirect.scatter.add.f32 [tilespmem:s19], [sflag:$0x7], $0x80, s12, s24, $0xb8;
	[tilespmem:$0x1DC80] =	vst v63  }
0xac: {  	_ =	swait.ge [sflag:s26], $0x1400  }
0xad: {  	[sflag:s26] =	ssyncset.done $0x0  }
0xae: {  	s9 =	simm.s32 $0x100;
	[sflag:s26] =	ssyncadd.s32 $0xFFFFEC00  }
0xaf: {  	[spmem:s2] =	stream.indirect.scatter.add.f32 [tilespmem:s20], [sflag:$0x8], $0x80, s9, s24, $0xb8;
	[tilespmem:$0x1DC80] =	vst v63  }
0xb0: {  	_ =	swait.ge [sflag:s28], $0x1400  }
0xb1: {  	[sflag:s28] =	ssyncset.done $0x0  }
0xb2: {  	s10 =	simm.s32 $0x180;
	[sflag:s28] =	ssyncadd.s32 $0xFFFFEC00  }
0xb3: {  	[spmem:s2] =	stream.indirect.scatter.add.f32 [tilespmem:s21], [sflag:$0x9], $0x80, s10, s24, $0xb8;
	[tilespmem:$0x1DC80] =	vst v63  }
0xb4: {  	_ =	swait.ge [sflag:s29], $0x1400  }
0xb5: {  	[sflag:s29] =	ssyncset.done $0x0  }
0xb6: {  	s12 =	simm.s32 $0x200;
	[sflag:s29] =	ssyncadd.s32 $0xFFFFEC00  }
0xb7: {  	[spmem:s2] =	stream.indirect.scatter.add.f32 [tilespmem:s22], [sflag:$0xA], $0x80, s12, s24, $0xb8;
	[tilespmem:$0x1DC80] =	vst v63  }
0xb8: {  	_ =	swait.ge [sflag:s30], $0x1400  }
0xb9: {  	[sflag:s30] =	ssyncset.done $0x0  }
0xba: {  	[sflag:s30] =	ssyncadd.s32 $0xFFFFEC00  }
0xbb: {  	_ =	swait.ge [sflag:s31], $0x1400  }
0xbc: {  	[sflag:s31] =	ssyncset.done $0x0  }
0xbd: {  	[sflag:s31] =	ssyncadd.s32 $0xFFFFEC00  }
0xbe: {  	_ =	swait.ge [sflag:s0], $0x1400  }
0xbf: {  	[sflag:s0] =	ssyncset.done $0x0  }
0xc0: {  	[sflag:s0] =	ssyncadd.s32 $0xFFFFEC00  }
0xc1: {  	_ =	swait.ge [sflag:s1], $0x1400  }
0xc2: {  	[sflag:s1] =	ssyncset.done $0x0  }
0xc3: {  	[sflag:s1] =	ssyncadd.s32 $0xFFFFEC00  }
0xc4: {  	_ =	swait.ge [sflag:s5], $0x1400  }
0xc5: {  	s4 =	simm.s32 $0xA00;
	s12 =	smov.u32 s13;
	[sflag:s5] =	ssyncset.done $0x0  }
.LBB2_4:
0xc6: {  	p1 =	sne.s32 s4, $0xF000;
	[sflag:s5] =	ssyncadd.s32 $0xFFFFEC00;
	s12 =	sadd.s32 $0xC80, s12  }
0xc7: {  	[tilespmem:s18], [sflag:$0x1] =	stream.linear.gather [hbm4b:s12+s3], $0x1400, $0x38;
	[tilespmem:$0x1DC80] =	vst v63  }
0xc8: {  	s10 =	smov.u32 s4;
	s4 =	sadd.s32 $0xA00, s4;
	s9 =	sadd.s32 $0x280, s12  }
0xc9: {  	[tilespmem:s19], [sflag:$0x2] =	stream.linear.gather [hbm4b:s9+s3], $0x1400, $0x38;
	[tilespmem:$0x1DC80] =	vst v63  }
0xca: {  	s9 =	sadd.s32 $0x500, s12  }
0xcb: {  	[tilespmem:s20], [sflag:$0x3] =	stream.linear.gather [hbm4b:s9+s3], $0x1400, $0x38;
	[tilespmem:$0x1DC80] =	vst v63  }
0xcc: {  	s9 =	sadd.s32 $0x780, s12  }
0xcd: {  	[tilespmem:s21], [sflag:$0x4] =	stream.linear.gather [hbm4b:s9+s3], $0x1400, $0x38;
	[tilespmem:$0x1DC80] =	vst v63  }
0xce: {  	s9 =	sadd.s32 $0xA00, s12  }
0xcf: {  	[tilespmem:s22], [sflag:$0x5] =	stream.linear.gather [hbm4b:s9+s3], $0x1400, $0x38;
	[tilespmem:$0x1DC80] =	vst v63  }
0xd0: {  	_ =	swait.ge [sflag:s23], $0x1400  }
0xd1: {  	[sflag:s23] =	ssyncset.done $0x0  }
0xd2: {  	s9 =	sshra.s32 s10, $0x2;
	[sflag:s23] =	ssyncadd.s32 $0xFFFFEC00  }
0xd3: {  	[spmem:s2] =	stream.indirect.scatter.add.f32 [tilespmem:s18], [sflag:$0x6], $0x80, s9, s24, $0xb8;
	[tilespmem:$0x1DC80] =	vst v63  }
0xd4: {  	_ =	swait.ge [sflag:s25], $0x1400  }
0xd5: {  	[sflag:s25] =	ssyncset.done $0x0  }
0xd6: {  	s10 =	sadd.s32 $0x80, s9;
	[sflag:s25] =	ssyncadd.s32 $0xFFFFEC00  }
0xd7: {  	[spmem:s2] =	stream.indirect.scatter.add.f32 [tilespmem:s19], [sflag:$0x7], $0x80, s10, s24, $0xb8;
	[tilespmem:$0x1DC80] =	vst v63  }
0xd8: {  	_ =	swait.ge [sflag:s26], $0x1400  }
0xd9: {  	[sflag:s26] =	ssyncset.done $0x0  }
0xda: {  	s10 =	sadd.s32 $0x100, s9;
	[sflag:s26] =	ssyncadd.s32 $0xFFFFEC00  }
0xdb: {  	[spmem:s2] =	stream.indirect.scatter.add.f32 [tilespmem:s20], [sflag:$0x8], $0x80, s10, s24, $0xb8;
	[tilespmem:$0x1DC80] =	vst v63  }
0xdc: {  	_ =	swait.ge [sflag:s28], $0x1400  }
0xdd: {  	[sflag:s28] =	ssyncset.done $0x0  }
0xde: {  	s10 =	sadd.s32 $0x180, s9;
	[sflag:s28] =	ssyncadd.s32 $0xFFFFEC00  }
0xdf: {  	[spmem:s2] =	stream.indirect.scatter.add.f32 [tilespmem:s21], [sflag:$0x9], $0x80, s10, s24, $0xb8;
	[tilespmem:$0x1DC80] =	vst v63  }
0xe0: {  	_ =	swait.ge [sflag:s29], $0x1400  }
0xe1: {  	[sflag:s29] =	ssyncset.done $0x0  }
0xe2: {  	s9 =	sadd.s32 $0x200, s9;
	[sflag:s29] =	ssyncadd.s32 $0xFFFFEC00  }
0xe3: {  	[spmem:s2] =	stream.indirect.scatter.add.f32 [tilespmem:s22], [sflag:$0xA], $0x80, s9, s24, $0xb8;
	[tilespmem:$0x1DC80] =	vst v63  }
0xe4: {  	_ =	swait.ge [sflag:s30], $0x1400  }
0xe5: {  	[sflag:s30] =	ssyncset.done $0x0  }
0xe6: {  	[sflag:s30] =	ssyncadd.s32 $0xFFFFEC00  }
0xe7: {  	_ =	swait.ge [sflag:s31], $0x1400  }
0xe8: {  	[sflag:s31] =	ssyncset.done $0x0  }
0xe9: {  	[sflag:s31] =	ssyncadd.s32 $0xFFFFEC00  }
0xea: {  	_ =	swait.ge [sflag:s0], $0x1400  }
0xeb: {  	[sflag:s0] =	ssyncset.done $0x0  }
0xec: {  	[sflag:s0] =	ssyncadd.s32 $0xFFFFEC00  }
.Ltmp1:
0xed: {  	_ =	swait.ge [sflag:s1], $0x1400;
	(pc) =	sbr.rel @p1 .LBB2_4-.Ltmp1, $4  }
0xee: {  	[sflag:s1] =	ssyncset.done $0x0  }
0xef: {  	[sflag:s1] =	ssyncadd.s32 $0xFFFFEC00  }
0xf0: {  	_ =	swait.ge [sflag:s5], $0x1400  }
0xf1: {  	[sflag:s5] =	ssyncset.done $0x0  }
0xf2: {  	[sflag:s5] =	ssyncadd.s32 $0xFFFFEC00  }
0xf3: {  	[bflag:$0x0] =	sbarrier.arrive $0xFFFF  }
0xf4: {  	s4 =	rddreg [dreg:$0x3]  }
0xf5: {  	s9 =	rddreg [dreg:$0x7]  }
0xf6: {  	s4 =	sadd.s32 s4, s9  }
0xf7: {  	[hbm:s4], [sflag:s15] =	dma.local [spmem:s16], $0x2700  }
0xf8: {  	_ =	swait.ge [sflag:s14], $0x2700  }
0xf9: {  	[sflag:s14] =	ssyncset.done $0x0  }
0xfa: {  	s4 =	sadd.s32 @!p0 $0x27000, s9;
	[sflag:s14] =	ssyncadd.s32 $0xFFFFD900  }
0xfb: {  	[hbm:s4], [sflag:s15] =	dma.local @!p0 [spmem:s17], $0x100  }
0xfc: {  	s4 =	simm.s32 @!p0 $0xB  }
0xfd: {  	_ =	swait.ge @!p0 [sflag:s4], $0x100  }
0xfe: {  	s11 =	sadd.s32 $0x1, s11;
	s12 =	rddreg [dreg:$0x8]  }
0xff: {  	p1 =	sne.s32 s11, s12  }
.Ltmp2:
0x100: {  	_ = 	snop;
	(pc) =	sbr.rel @p1 .LBB2_1-.Ltmp2, $3  }
0x101: {  	[sflag:s4] =	ssyncset.done @!p0 $0x0  }
0x102: {  	[sflag:s4] =	ssyncadd.s32 @!p0 $0xFFFFFF00  }
0x103: {  	[bflag:$0x0] =	sbarrier.arrive $0xFFFF;
	_ =	sdelay $0x1  }
0x104: {  	_ =	sfence.sel $0x180000  }
0x105: {  	[bflag:$0x0] =	sbarrier.arrive $0xFFFF  }
0x106: {  	_ =	strace $0x9000004D  }
0x107: {  	s0 =	stileid.u32;
	[bflag:$0x2] =	sbarrier.arrive $0xFFFF  }
0x108: {  	p0 =	sne.s32 s0, $0x0;
	s0 =	rddreg [dreg:$0x2]  }
0x109: {  	s0 =	sadd.s32 @!p0 $0x100000, s0  }
0x10a: {  	[sflag:s0] =	ssyncadd.tile.s32 @!p0 $0x1;
	_ =	shalt  }
.Lfunc_end2:
_tile_overlayer_lowered:
.L_overlay_start_2:
0x10b: {  	(tag) =	ssettag $0x2  }
0x10c: {  	s0 =	rddreg [dreg:$0x0];
	s2 =	stileid.u32  }
0x10d: {  	s1 =	rddreg [dreg:$0x1];
	p0 =	sne.s32 s2, $0x0  }
0x10e: {  	s3 =	rddreg [dreg:$0x2];
	[bflag:$0x3] =	sbarrier.arrive $0xFFFF;
	s2 =	simm.s32 @!p0 $0x1C0B  }
0x10f: {  	[timem:s3], [sflag:s2] =	dma.local @!p0 [hbm:s0], s1  }
0x110: {  	s0 =	simm.s32 @!p0 $0xB  }
0x111: {  	_ =	swait.ge @!p0 [sflag:s0], s1  }
0x112: {  	s1 =	ssub.s32 @!p0 $0x0, s1;
	[sflag:s0] =	ssyncset.done @!p0 $0x0  }
0x113: {  	[sflag:s0] =	ssyncadd.s32 @!p0 s1  }
0x114: {  	[bflag:$0x3] =	sbarrier.arrive $0xFFFF  }
0x115: {  	_ =	shalt  }

// kernel: kernel.18.cloned.1.call-start
scs
__scs_entry_jumppad:
0x0: {  	(pc) =	sbr.rel $0x88, $3  }
0x1: {  	(tag) =	ssettag $0x0;
	lr =	simm.s32 $0x1  }
0x2: {  	[smem:$0x3F92] =	sst lr;
	_ =	strace $0xD0000000  }
0x3: {  	_ = 	snop  }
0x4: {  	_ = 	snop  }
0x5: {  	_ = 	snop  }
0x6: {  	_ = 	snop  }
0x7: {  	_ = 	snop  }
__scs_overlays_trampoline_lowered:
0x8: {  	[smem:$0x3FA1] =	sst s0  }
0x9: {  	[smem:$0x3FA2] =	sst s1  }
0xa: {  	[smem:$0x3FA3] =	sst s2  }
0xb: {  	[smem:$0x3FA4] =	sst s3  }
0xc: {  	[smem:$0x3FA5] =	sst s4  }
0xd: {  	[smem:$0x3FA6] =	sst s5  }
0xe: {  	[smem:$0x3FA7] =	sst s6  }
0xf: {  	[smem:$0x3FA8] =	sst s7  }
0x10: {  	[smem:$0x3FA9] =	sst s8  }
0x11: {  	[smem:$0x3FAA] =	sst s9;
	s0 =	simm.s32 @!p0 $0x0  }
0x12: {  	s1 =	sld [smem:$0x3F90];
	s0 =	simm.s32 @p0 $0x1  }
0x13: {  	[smem:$0x3FAB] =	sst s0;
	s0 =	simm.s32 @!p1 $0x0  }
0x14: {  	s2 =	sld [smem:$0x3F8F];
	s0 =	simm.s32 @p1 $0x1  }
0x15: {  	[smem:$0x3FAC] =	sst s0;
	s0 =	simm.s32 @!p2 $0x0  }
0x16: {  	s3 =	sld [smem:$0x3FDB];
	s0 =	simm.s32 @p2 $0x1  }
0x17: {  	s4 =	simm.s32 $0x1BF5;
	[smem:$0x3FAE] =	sst s0  }
0x18: {  	s0 =	sld [smem:$0x3F91];
	_ =	swait.ge [sflag:s4], $0x0  }
0x19: {  	s7 =	sld [smem:$0x3F92]  }
0x1a: {  	s8 =	sadd.s32 $0xFFFFE003, lr  }
0x1b: {  	s9 =	sadd.s32 $0xFFFFFEF7, lr;
	s5 =	simm.s32 $0xFFFFFFFF;
	p2 =	slt.u32 s8, $0xFFFFF086  }
0x1c: {  	p1 =	slt.u32 s9, $0xF7A;
	s5 =	simm.s32 @!p2 $0x0  }
0x1d: {  	s5 =	simm.s32 @p1 $0x1;
	p0 =	seq.s32 s7, s2  }
0x1e: {  	s7 =	smul.u32 @!p0 $0xF7A, s2;
	p2 =	seq.s32 @!p0 s5, $0x0  }
0x1f: {  	s9 =	smul.u32 $0xF7A, s1;
	s8 =	simm.s32 @!p0 $0x1BF5;
	p2 =	por !p2, p0  }
0x20: {  	[sflag:s8] =	ssyncset.s32 @!p0 $0xFFFFF086;
	s6 =	sadd.s32 @!p0 s3, s7;
	s7 =	simm.s32 @!p0 $0x108  }
0x21: {  	s3 =	sadd.s32 s3, s9;
	s6 =	sadd.s32 @!p0 $0x88, s6;
	s7 =	simm.s32 @p2 $0x1082  }
0x22: {  	[simem:s7], [sflag:s8] =	dma.local @!p0 [hbm:s6], $0xF7A  }
0x23: {  	s9 =	sor.u32 $0xD0000000, s2;
	s6 =	simm.s32 $0x108;
	_ =	swait.ge @!p0 [sflag:s8], $0x0  }
0x24: {  	s3 =	sadd.s32 $0x88, s3;
	s6 =	simm.s32 @!p1 $0x1082;
	[sflag:s4] =	ssyncset.s32 $0xFFFFF086  }
0x25: {  	[simem:s6], [sflag:s4] =	dma.local [hbm:s3], $0xF7A  }
0x26: {  	[smem:$0x3F92] =	sst s1;
	(tag) =	ssettag s2;
	_ =	strace s9  }
0x27: {  	s1 =	sld [smem:$0x3FA2]  }
0x28: {  	s2 =	sld [smem:$0x3FA3]  }
0x29: {  	s4 =	sld [smem:$0x3FA5]  }
0x2a: {  	p0 =	seq.s32 s5, $0x0;
	s5 =	sld [smem:$0x3FA6]  }
0x2b: {  	s6 =	sld [smem:$0x3FA7]  }
0x2c: {  	s7 =	sld [smem:$0x3FA8]  }
0x2d: {  	s3 =	simm.s32 $0x108;
	s8 =	sld [smem:$0x3FA9]  }
0x2e: {  	s3 =	simm.s32 @!p0 $0x1082;
	s9 =	sld [smem:$0x3FAA]  }
0x2f: {  	lr =	sadd.s32 s0, s3;
	s0 =	sld [smem:$0x3FA1]  }
0x30: {  	s3 =	sld [smem:$0x3FA4]  }
0x31: {  	[smem:$0x3FAD] =	sst s10  }
0x32: {  	s10 =	sld [smem:$0x3FAB];
	_ =	sdelay $0x3  }
0x33: {  	p0 =	seq.s32 s10, $0x1;
	s10 =	sld [smem:$0x3FAD];
	_ =	sdelay $0x3  }
0x34: {  	[smem:$0x3FAD] =	sst s10  }
0x35: {  	s10 =	sld [smem:$0x3FAC];
	_ =	sdelay $0x3  }
0x36: {  	p1 =	seq.s32 s10, $0x1;
	s10 =	sld [smem:$0x3FAD];
	_ =	sdelay $0x3  }
0x37: {  	[smem:$0x3FAD] =	sst s10  }
0x38: {  	s10 =	sld [smem:$0x3FAE]  }
0x39: {  	_ = 	snop;
	(pc) =	sbr.ind lr, $3  }
0x3a: {  	_ = 	snop  }
0x3b: {  	_ = 	snop  }
0x3c: {  	p2 =	seq.s32 s10, $0x1;
	s10 =	sld [smem:$0x3FAD]  }
0x3d: {  	_ =	shalt  }
0x3e: {  	_ =	shalt  }
0x3f: {  	_ =	shalt  }
0x40: {  	_ =	shalt  }
0x41: {  	_ =	shalt  }
0x42: {  	_ =	shalt  }
0x43: {  	_ =	shalt  }
0x44: {  	_ =	shalt  }
0x45: {  	_ =	shalt  }
0x46: {  	_ =	shalt  }
0x47: {  	_ =	shalt  }
0x48: {  	_ =	shalt  }
0x49: {  	_ =	shalt  }
0x4a: {  	_ =	shalt  }
0x4b: {  	_ =	shalt  }
0x4c: {  	_ =	shalt  }
0x4d: {  	_ =	shalt  }
0x4e: {  	_ =	shalt  }
0x4f: {  	_ =	shalt  }
0x50: {  	_ =	shalt  }
0x51: {  	_ =	shalt  }
0x52: {  	_ =	shalt  }
0x53: {  	_ =	shalt  }
0x54: {  	_ =	shalt  }
0x55: {  	_ =	shalt  }
0x56: {  	_ =	shalt  }
0x57: {  	_ =	shalt  }
0x58: {  	_ =	shalt  }
0x59: {  	_ =	shalt  }
0x5a: {  	_ =	shalt  }
0x5b: {  	_ =	shalt  }
0x5c: {  	_ =	shalt  }
0x5d: {  	_ =	shalt  }
0x5e: {  	_ =	shalt  }
0x5f: {  	_ =	shalt  }
0x60: {  	_ =	shalt  }
0x61: {  	_ =	shalt  }
0x62: {  	_ =	shalt  }
0x63: {  	_ =	shalt  }
0x64: {  	_ =	shalt  }
0x65: {  	_ =	shalt  }
0x66: {  	_ =	shalt  }
0x67: {  	_ =	shalt  }
0x68: {  	_ =	shalt  }
0x69: {  	_ =	shalt  }
0x6a: {  	_ =	shalt  }
0x6b: {  	_ =	shalt  }
0x6c: {  	_ =	shalt  }
0x6d: {  	_ =	shalt  }
0x6e: {  	_ =	shalt  }
0x6f: {  	_ =	shalt  }
0x70: {  	_ =	shalt  }
0x71: {  	_ =	shalt  }
0x72: {  	_ =	shalt  }
0x73: {  	_ =	shalt  }
0x74: {  	_ =	shalt  }
0x75: {  	_ =	shalt  }
0x76: {  	_ =	shalt  }
0x77: {  	_ =	shalt  }
0x78: {  	_ =	shalt  }
0x79: {  	_ =	shalt  }
0x7a: {  	_ =	shalt  }
0x7b: {  	_ =	shalt  }
0x7c: {  	_ =	shalt  }
0x7d: {  	_ =	shalt  }
0x7e: {  	_ =	shalt  }
0x7f: {  	_ =	shalt  }
0x80: {  	_ =	shalt  }
0x81: {  	_ =	shalt  }
0x82: {  	_ =	shalt  }
0x83: {  	_ =	shalt  }
0x84: {  	_ =	shalt  }
0x85: {  	_ =	shalt  }
0x86: {  	_ =	shalt  }
0x87: {  	_ =	shalt  }
.Lfunc_end0:
.L_simem_size_0:
called_computation.3_lowered:
.L_overlay_start_0:
0x88: {  	s2 =	sld [smem:$0x3FD9]  }
0x89: {  	s3 =	sld [smem:$0x3FFE];
	_ =	sdelay $0x1  }
0x8a: {  	s1 =	srdreg.scid  }
0x8b: {  	s0 =	sand.u32 $0x1, s1  }
0x8c: {  	s16 =	sshll.u32 s0, $0xA;
	s2 =	sadd.s32 s3, s2  }
0x8d: {  	s2 =	sadd.s32 s2, s16  }
0x8e: {  	[smem:$0x3FB9] =	sst s2  }
0x8f: {  	_ = 	snop  }
0x90: {  	(tm) =	ssettm $0x1  }
0x91: {  	s17 =	sld [smem:$0x3FFB];
	_ =	sdelay $0x3  }
0x92: {  	_ =	strace s17  }
0x93: {  	s2 =	sld [smem:$0x3FFC];
	_ =	sdelay $0x3  }
0x94: {  	_ =	strace s2  }
0x95: {  	s2 =	sld [smem:$0x3FFD];
	_ =	sdelay $0x3  }
0x96: {  	_ =	strace s2  }
0x97: {  	_ =	strace $0x8FFFFFFF  }
0x98: {  	s18 =	sld [smem:$0x3FDB];
	_ =	sdelay $0x1  }
0x99: {  	s19 =	simm.s32 $_scs_section_size  }
0x9a: {  	s4 =	simm.s32 $_size__tile_overlayer_lowered;
	s5 =	simm.s32 $_tile_overlayer_lowered  }
0x9b: {  	s22 =	simm.s32 $0x1BFF;
	s21 =	sshll.u32 s5, $0x1;
	s2 =	sadd.s32 s19, s18  }
0x9c: {  	s6 =	simm.s32 $0x0;
	s20 =	sshll.u32 s4, $0x1;
	s4 =	sadd.s32 s21, s2  }
0x9d: {  	[timem:s6], [sflag:s22] =	dma.local [hbm:s4], s20  }
0x9e: {  	_ =	swait.ge [sflag:s22], s20  }
0x9f: {  	s3 =	ssub.s32 $0x0, s20;
	[sflag:s22] =	ssyncset.done $0x0  }
0xa0: {  	[sflag:s22] =	ssyncadd.s32 s3;
	_ =	sdelay $0x1  }
0xa1: {  	s23 =	simm.s32 $0x1B8B  }
0xa2: {  	_ =	swait.ge [sflag:s23], $0x1  }
0xa3: {  	[sflag:s23] =	ssyncset.done $0x0  }
0xa4: {  	s25 =	simm.s32 $0x1B8E;
	s24 =	sld [smem:$0x3FFE];
	[sflag:s23] =	ssyncadd.s32 $0xFFFFFFFF  }
0xa5: {  	s26 =	simm.s32 $execute0_lowered;
	[smem:$0x3FD2] =	sst s25  }
0xa6: {  	s4 =	sshll.u32 s26, $0x1;
	_ =	strace $0x8000004F;
	[dreg:$0x1] =	wrdreg $0xFFFFFFFF  }
0xa7: {  	s28 =	simm.s32 $_size_execute0_lowered;
	s2 =	sadd.s32 s2, s4;
	[dreg:$0x0] =	wrdreg $0x0  }
0xa8: {  	s4 =	sshll.u32 s28, $0x1;
	[dreg:$0x2] =	wrdreg s2  }
0xa9: {  	[dreg:$0x3] =	wrdreg s4  }
0xaa: {  	[dreg:$0x4] =	wrdreg $0xC0  }
0xab: {  	_ =	task [dreg:s6], $0x5FFFF  }
0xac: {  	[dreg:$0x1] =	wrdreg $0xFFFFFFFF  }
0xad: {  	[dreg:$0x0] =	wrdreg $0x60  }
0xae: {  	[dreg:$0x2] =	wrdreg s24  }
0xaf: {  	[dreg:$0x3] =	wrdreg $0xA4000  }
0xb0: {  	[dreg:$0x4] =	wrdreg $0x9  }
0xb1: {  	_ =	task.clear_ibuf [dreg:s6], $0x5FFFF;
	_ =	strace $0x9000004F  }
0xb2: {  	s29 =	simm.s32 $0x9;
	_ =	strace $0x80000051  }
0xb3: {  	_ =	swait.ge [sflag:s29], $0x1  }
0xb4: {  	[sflag:s29] =	ssyncadd.s32 $0xFFFFFFFF  }
0xb5: {  	_ =	strace $0x90000051  }
0xb6: {  	_ =	sfence  }
0xb7: {  	s30 =	sld [smem:$0x0];
	_ =	sdelay $0x2  }
0xb8: {  	s31 =	sshll.u32 s1, $0xD;
	s1 =	sshrl.u32 s1, $0x2  }
0xb9: {  	s3 =	sand.u32 $0x4000, s31;
	s1 =	sadd.s32 s1, s30  }
0xba: {  	s0 =	sor.u32 s3, s0;
	s1 =	sshll.u32 s1, $0x11  }
0xbb: {  	s0 =	sor.u32 s1, s0  }
0xbc: {  	s0 =	sadd.s32 $0x8F2B, s0  }
0xbd: {  	[sflag:s0] =	ssyncadd.remote.s32 $0x1  }
0xbe: {  	_ =	sfence.sel $0xFFFF  }
0xbf: {  	[dreg:$0x0] =	wrdreg $0xFFFFFFFF;
	(pc) =	sbr.abs _section_cstart, $3  }
0xc0: {  	[dreg:$0x1] =	wrdreg $0xFFFFFFFF  }
0xc1: {  	_ =	task.clear_ibuf [dreg:s6], $0x2FFFF;
	_ =	strace $0x9FFFFFFF  }
0xc2: {  	(tm) =	ssettm $0x7FFFFFFF  }
0xc3: {  	_ =	shalt  }
tec
execute0_lowered:
.L_overlay_start_1:
0x0: {  	(tag) =	ssettag $0x1  }
0x1: {  	s0 =	rddreg [dreg:$0x0]  }
0x2: {  	s2 =	rddreg [dreg:$0x1];
	s12 =	stileid.u32;
	s3 =	simm.s32 $0x0  }
0x3: {  	s4 =	srdreg.scid;
	s14 =	simm.s32 $0xB;
	s18 =	simm.s32 $0x4000  }
0x4: {  	s19 =	simm.s32 $0x5400;
	s28 =	simm.s32 $0x4;
	s29 =	simm.s32 $0x5  }
0x5: {  	s30 =	simm.s32 $0x6;
	s31 =	simm.s32 $0x7;
	s1 =	smul.u32 $0x27100, s12  }
0x6: {  	[smem:$0x7FF] =	sst s3;
	s4 =	sand.u32 $0x1, s4;
	s10 =	smul.u32 $0x2700, s12  }
0x7: {  	s5 =	sshll.u32 s12, $0xC;
	s9 =	smul.u32 $0x4E000, s12;
	p0 =	sne.s32 s12, $0xF  }
0x8: {  	s26 =	sshll.u32 s12, $0x6;
	_ =	strace $0x80000050;
	s20 =	smul.u32 $0x27100, s4  }
0x9: {  	s6 =	sshll.u32 s4, $0xB;
	s7 =	ssub.s32 $0x2, s4;
	s4 =	smul.u32 $0x13880, s4  }
0xa: {  	s15 =	sor.u32 $0x1C0B, s26;
	s26 =	simm.s32 $0x3;
	s1 =	sadd.s32 s1, s0  }
0xb: {  	s5 =	sor.u32 s6, s5;
	s8 =	sshrl.u32 s7, $0x1;
	[dreg:$0x3] =	wrdreg s10  }
0xc: {  	s10 =	sadd.s32 s10, s0;
	s21 =	sshrl.u32 s9, $0x2;
	s5 =	sadd.s32 s5, s0  }
0xd: {  	s11 =	sadd.s32 s20, s0;
	s8 =	ssub.s32 s7, s8;
	s6 =	sadd.s32 s21, s2  }
0xe: {  	s7 =	sadd.s32 $0x14E00, s10;
	s0 =	sadd.s32 $0x3BE00, s0;
	s23 =	sadd.s32 s4, s1  }
0xf: {  	s20 =	simm.s32 $0x6800;
	s21 =	simm.s32 $0x7C00;
	s1 =	simm.s32 $0x9  }
0x10: {  	s5 =	sadd.s32 $0x4E00, s5;
	[dreg:$0x5] =	wrdreg s0;
	s22 =	sadd.s32 $0x349400, s11  }
0x11: {  	s24 =	sadd.s32 $0x397600, s11;
	s25 =	smax.u32 s8, $0x1;
	s8 =	sadd.s32 $0xD8400, s23  }
0x12: {  	s13 =	sadd.s32 $0xEE5E00, s23;
	s16 =	sshrl.u32 s6, $0x3;
	[dreg:$0x4] =	wrdreg s5  }
0x13: {  	s23 =	simm.s32 $0x1;
	s0 =	simm.s32 $0x8;
	[dreg:$0x6] =	wrdreg s22  }
0x14: {  	s11 =	simm.s32 $0x0;
	s5 =	sadd.s32 $0x138000, s2;
	[dreg:$0x7] =	wrdreg s24  }
0x15: {  	[dreg:$0x8] =	wrdreg s25;
	s22 =	simm.s32 $0x9000;
	s24 =	simm.s32 $0x28  }
0x16: {  	s25 =	simm.s32 $0x2;
	s17 =	sshrl.u32 @!p0 s5, $0x3;
	s5 =	simm.s32 $0xA  }
.LBB2_1:
0x17: {  	s4 =	rddreg [dreg:$0x4]  }
0x18: {  	[tilespmem:s3], [sflag:$0xB] =	stream.linear.gather [hbm4b:s4+s3], $0x3E80, $0x38;
	[tilespmem:$0x1DC80] =	vst v63  }
0x19: {  	_ =	swait.ge [sflag:s14], $0x3E80  }
0x1a: {  	[sflag:s14] =	ssyncset.done $0x0  }
0x1b: {  	[sflag:s14] =	ssyncadd.s32 $0xFFFFC180  }
0x1c: {  	[spmem:s16], [sflag:s15] =	dma.local [hbm:s7], $0x2700  }
0x1d: {  	_ =	swait.ge [sflag:s14], $0x2700  }
0x1e: {  	[sflag:s14] =	ssyncset.done $0x0  }
0x1f: {  	s4 =	rddreg [dreg:$0x5];
	[sflag:s14] =	ssyncadd.s32 $0xFFFFD900  }
0x20: {  	[spmem:s17], [sflag:s15] =	dma.local @!p0 [hbm:s4], $0x100  }
0x21: {  	s4 =	simm.s32 @!p0 $0xB  }
0x22: {  	_ =	swait.ge @!p0 [sflag:s4], $0x100  }
0x23: {  	[sflag:s4] =	ssyncset.done @!p0 $0x0  }
0x24: {  	[sflag:s4] =	ssyncadd.s32 @!p0 $0xFFFFFF00  }
0x25: {  	[bflag:$0x0] =	sbarrier.arrive $0xFFFF  }
0x26: {  	[tilespmem:s18], [sflag:$0x1] =	stream.linear.gather [hbm4b:s8+s3], $0x1400, $0x38;
	[tilespmem:$0x1DC80] =	vst v63  }
0x27: {  	s9 =	sadd.s32 $0x280, s8  }
0x28: {  	[tilespmem:s19], [sflag:$0x2] =	stream.linear.gather [hbm4b:s9+s3], $0x1400, $0x38;
	[tilespmem:$0x1DC80] =	vst v63  }
0x29: {  	s10 =	sadd.s32 $0x500, s8  }
0x2a: {  	[tilespmem:s20], [sflag:$0x3] =	stream.linear.gather [hbm4b:s10+s3], $0x1400, $0x38;
	[tilespmem:$0x1DC80] =	vst v63  }
0x2b: {  	s12 =	sadd.s32 $0x780, s8  }
0x2c: {  	[tilespmem:s21], [sflag:$0x4] =	stream.linear.gather [hbm4b:s12+s3], $0x1400, $0x38;
	[tilespmem:$0x1DC80] =	vst v63  }
0x2d: {  	s9 =	sadd.s32 $0xA00, s8  }
0x2e: {  	[tilespmem:s22], [sflag:$0x5] =	stream.linear.gather [hbm4b:s9+s3], $0x1400, $0x38;
	[tilespmem:$0x1DC80] =	vst v63  }
0x2f: {  	_ =	swait.ge [sflag:s23], $0x1400  }
0x30: {  	[sflag:s23] =	ssyncset.done $0x0  }
0x31: {  	s10 =	simm.s32 $0x0;
	[sflag:s23] =	ssyncadd.s32 $0xFFFFEC00  }
0x32: {  	[spmem:s2] =	stream.indirect.scatter.add.f32 [tilespmem:s18], [sflag:$0x6], $0x80, s10, s24, $0xb8;
	[tilespmem:$0x1DC80] =	vst v63  }
0x33: {  	_ =	swait.ge [sflag:s25], $0x1400  }
0x34: {  	[sflag:s25] =	ssyncset.done $0x0  }
0x35: {  	s12 =	simm.s32 $0x80;
	[sflag:s25] =	ssyncadd.s32 $0xFFFFEC00  }
0x36: {  	[spmem:s2] =	stream.indirect.scatter.add.f32 [tilespmem:s19], [sflag:$0x7], $0x80, s12, s24, $0xb8;
	[tilespmem:$0x1DC80] =	vst v63  }
0x37: {  	_ =	swait.ge [sflag:s26], $0x1400  }
0x38: {  	[sflag:s26] =	ssyncset.done $0x0  }
0x39: {  	s9 =	simm.s32 $0x100;
	[sflag:s26] =	ssyncadd.s32 $0xFFFFEC00  }
0x3a: {  	[spmem:s2] =	stream.indirect.scatter.add.f32 [tilespmem:s20], [sflag:$0x8], $0x80, s9, s24, $0xb8;
	[tilespmem:$0x1DC80] =	vst v63  }
0x3b: {  	_ =	swait.ge [sflag:s28], $0x1400  }
0x3c: {  	[sflag:s28] =	ssyncset.done $0x0  }
0x3d: {  	s10 =	simm.s32 $0x180;
	[sflag:s28] =	ssyncadd.s32 $0xFFFFEC00  }
0x3e: {  	[spmem:s2] =	stream.indirect.scatter.add.f32 [tilespmem:s21], [sflag:$0x9], $0x80, s10, s24, $0xb8;
	[tilespmem:$0x1DC80] =	vst v63  }
0x3f: {  	_ =	swait.ge [sflag:s29], $0x1400  }
0x40: {  	[sflag:s29] =	ssyncset.done $0x0  }
0x41: {  	s12 =	simm.s32 $0x200;
	[sflag:s29] =	ssyncadd.s32 $0xFFFFEC00  }
0x42: {  	[spmem:s2] =	stream.indirect.scatter.add.f32 [tilespmem:s22], [sflag:$0xA], $0x80, s12, s24, $0xb8;
	[tilespmem:$0x1DC80] =	vst v63  }
0x43: {  	_ =	swait.ge [sflag:s30], $0x1400  }
0x44: {  	[sflag:s30] =	ssyncset.done $0x0  }
0x45: {  	[sflag:s30] =	ssyncadd.s32 $0xFFFFEC00  }
0x46: {  	_ =	swait.ge [sflag:s31], $0x1400  }
0x47: {  	[sflag:s31] =	ssyncset.done $0x0  }
0x48: {  	[sflag:s31] =	ssyncadd.s32 $0xFFFFEC00  }
0x49: {  	_ =	swait.ge [sflag:s0], $0x1400  }
0x4a: {  	[sflag:s0] =	ssyncset.done $0x0  }
0x4b: {  	[sflag:s0] =	ssyncadd.s32 $0xFFFFEC00  }
0x4c: {  	_ =	swait.ge [sflag:s1], $0x1400  }
0x4d: {  	[sflag:s1] =	ssyncset.done $0x0  }
0x4e: {  	[sflag:s1] =	ssyncadd.s32 $0xFFFFEC00  }
0x4f: {  	_ =	swait.ge [sflag:s5], $0x1400  }
0x50: {  	s4 =	simm.s32 $0xA00;
	s12 =	smov.u32 s8;
	[sflag:s5] =	ssyncset.done $0x0  }
.LBB2_2:
0x51: {  	p1 =	sne.s32 s4, $0xF000;
	[sflag:s5] =	ssyncadd.s32 $0xFFFFEC00;
	s12 =	sadd.s32 $0xC80, s12  }
0x52: {  	[tilespmem:s18], [sflag:$0x1] =	stream.linear.gather [hbm4b:s12+s3], $0x1400, $0x38;
	[tilespmem:$0x1DC80] =	vst v63  }
0x53: {  	s10 =	smov.u32 s4;
	s4 =	sadd.s32 $0xA00, s4;
	s9 =	sadd.s32 $0x280, s12  }
0x54: {  	[tilespmem:s19], [sflag:$0x2] =	stream.linear.gather [hbm4b:s9+s3], $0x1400, $0x38;
	[tilespmem:$0x1DC80] =	vst v63  }
0x55: {  	s9 =	sadd.s32 $0x500, s12  }
0x56: {  	[tilespmem:s20], [sflag:$0x3] =	stream.linear.gather [hbm4b:s9+s3], $0x1400, $0x38;
	[tilespmem:$0x1DC80] =	vst v63  }
0x57: {  	s9 =	sadd.s32 $0x780, s12  }
0x58: {  	[tilespmem:s21], [sflag:$0x4] =	stream.linear.gather [hbm4b:s9+s3], $0x1400, $0x38;
	[tilespmem:$0x1DC80] =	vst v63  }
0x59: {  	s9 =	sadd.s32 $0xA00, s12  }
0x5a: {  	[tilespmem:s22], [sflag:$0x5] =	stream.linear.gather [hbm4b:s9+s3], $0x1400, $0x38;
	[tilespmem:$0x1DC80] =	vst v63  }
0x5b: {  	_ =	swait.ge [sflag:s23], $0x1400  }
0x5c: {  	[sflag:s23] =	ssyncset.done $0x0  }
0x5d: {  	s9 =	sshra.s32 s10, $0x2;
	[sflag:s23] =	ssyncadd.s32 $0xFFFFEC00  }
0x5e: {  	[spmem:s2] =	stream.indirect.scatter.add.f32 [tilespmem:s18], [sflag:$0x6], $0x80, s9, s24, $0xb8;
	[tilespmem:$0x1DC80] =	vst v63  }
0x5f: {  	_ =	swait.ge [sflag:s25], $0x1400  }
0x60: {  	[sflag:s25] =	ssyncset.done $0x0  }
0x61: {  	s10 =	sadd.s32 $0x80, s9;
	[sflag:s25] =	ssyncadd.s32 $0xFFFFEC00  }
0x62: {  	[spmem:s2] =	stream.indirect.scatter.add.f32 [tilespmem:s19], [sflag:$0x7], $0x80, s10, s24, $0xb8;
	[tilespmem:$0x1DC80] =	vst v63  }
0x63: {  	_ =	swait.ge [sflag:s26], $0x1400  }
0x64: {  	[sflag:s26] =	ssyncset.done $0x0  }
0x65: {  	s10 =	sadd.s32 $0x100, s9;
	[sflag:s26] =	ssyncadd.s32 $0xFFFFEC00  }
0x66: {  	[spmem:s2] =	stream.indirect.scatter.add.f32 [tilespmem:s20], [sflag:$0x8], $0x80, s10, s24, $0xb8;
	[tilespmem:$0x1DC80] =	vst v63  }
0x67: {  	_ =	swait.ge [sflag:s28], $0x1400  }
0x68: {  	[sflag:s28] =	ssyncset.done $0x0  }
0x69: {  	s10 =	sadd.s32 $0x180, s9;
	[sflag:s28] =	ssyncadd.s32 $0xFFFFEC00  }
0x6a: {  	[spmem:s2] =	stream.indirect.scatter.add.f32 [tilespmem:s21], [sflag:$0x9], $0x80, s10, s24, $0xb8;
	[tilespmem:$0x1DC80] =	vst v63  }
0x6b: {  	_ =	swait.ge [sflag:s29], $0x1400  }
0x6c: {  	[sflag:s29] =	ssyncset.done $0x0  }
0x6d: {  	s9 =	sadd.s32 $0x200, s9;
	[sflag:s29] =	ssyncadd.s32 $0xFFFFEC00  }
0x6e: {  	[spmem:s2] =	stream.indirect.scatter.add.f32 [tilespmem:s22], [sflag:$0xA], $0x80, s9, s24, $0xb8;
	[tilespmem:$0x1DC80] =	vst v63  }
0x6f: {  	_ =	swait.ge [sflag:s30], $0x1400  }
0x70: {  	[sflag:s30] =	ssyncset.done $0x0  }
0x71: {  	[sflag:s30] =	ssyncadd.s32 $0xFFFFEC00  }
0x72: {  	_ =	swait.ge [sflag:s31], $0x1400  }
0x73: {  	[sflag:s31] =	ssyncset.done $0x0  }
0x74: {  	[sflag:s31] =	ssyncadd.s32 $0xFFFFEC00  }
0x75: {  	_ =	swait.ge [sflag:s0], $0x1400  }
0x76: {  	[sflag:s0] =	ssyncset.done $0x0  }
0x77: {  	[sflag:s0] =	ssyncadd.s32 $0xFFFFEC00  }
.Ltmp0:
0x78: {  	_ =	swait.ge [sflag:s1], $0x1400;
	(pc) =	sbr.rel @p1 .LBB2_2-.Ltmp0, $4  }
0x79: {  	[sflag:s1] =	ssyncset.done $0x0  }
0x7a: {  	[sflag:s1] =	ssyncadd.s32 $0xFFFFEC00  }
0x7b: {  	_ =	swait.ge [sflag:s5], $0x1400  }
0x7c: {  	[sflag:s5] =	ssyncset.done $0x0  }
0x7d: {  	[sflag:s5] =	ssyncadd.s32 $0xFFFFEC00  }
0x7e: {  	[bflag:$0x0] =	sbarrier.arrive $0xFFFF  }
0x7f: {  	s4 =	rddreg [dreg:$0x3]  }
0x80: {  	s9 =	rddreg [dreg:$0x6]  }
0x81: {  	s4 =	sadd.s32 s4, s9  }
0x82: {  	[hbm:s4], [sflag:s15] =	dma.local [spmem:s16], $0x2700  }
0x83: {  	_ =	swait.ge [sflag:s14], $0x2700  }
0x84: {  	[sflag:s14] =	ssyncset.done $0x0  }
0x85: {  	[sflag:s14] =	ssyncadd.s32 $0xFFFFD900  }
0x86: {  	s4 =	sshrl.u32 @p0 s6, $0x3;
	[bflag:$0x0] =	sbarrier.arrive @p0 $0xFFFF  }
0x87: {  	[spmem:s4], [sflag:s15] =	dma.local @p0 [hbm:s7], $0x2700  }
0x88: {  	s4 =	simm.s32 @p0 $0xB  }
0x89: {  	_ =	swait.ge @p0 [sflag:s4], $0x2700  }
0x8a: {  	[sflag:s4] =	ssyncset.done @p0 $0x0  }
0x8b: {  	[sflag:s4] =	ssyncadd.s32 @p0 $0xFFFFD900;
	s4 =	sadd.s32 @!p0 $0x27000, s9  }
0x8c: {  	[hbm:s4], [sflag:s15] =	dma.local @!p0 [spmem:s17], $0x100  }
0x8d: {  	s4 =	simm.s32 @!p0 $0xB  }
0x8e: {  	_ =	swait.ge @!p0 [sflag:s4], $0x100  }
0x8f: {  	[sflag:s4] =	ssyncset.done @!p0 $0x0  }
0x90: {  	[sflag:s4] =	ssyncadd.s32 @!p0 $0xFFFFFF00  }
0x91: {  	s9 =	sshrl.u32 @!p0 s6, $0x3;
	[bflag:$0x0] =	sbarrier.arrive @!p0 $0xFFFF  }
0x92: {  	[spmem:s9], [sflag:s15] =	dma.local @!p0 [hbm:s7], $0x2700  }
0x93: {  	_ =	swait.ge @!p0 [sflag:s4], $0x2700  }
0x94: {  	[sflag:s4] =	ssyncset.done @!p0 $0x0  }
0x95: {  	s9 =	rddreg [dreg:$0x5];
	[sflag:s4] =	ssyncadd.s32 @!p0 $0xFFFFD900  }
0x96: {  	[spmem:s17], [sflag:s15] =	dma.local @!p0 [hbm:s9], $0x100  }
0x97: {  	_ =	swait.ge @!p0 [sflag:s4], $0x100  }
0x98: {  	[sflag:s4] =	ssyncset.done @!p0 $0x0  }
0x99: {  	[sflag:s4] =	ssyncadd.s32 @!p0 $0xFFFFFF00  }
0x9a: {  	[bflag:$0x0] =	sbarrier.arrive $0xFFFF  }
0x9b: {  	[tilespmem:s18], [sflag:$0x1] =	stream.linear.gather [hbm4b:s13+s3], $0x1400, $0x38;
	[tilespmem:$0x1DC80] =	vst v63  }
0x9c: {  	s9 =	sadd.s32 $0x280, s13  }
0x9d: {  	[tilespmem:s19], [sflag:$0x2] =	stream.linear.gather [hbm4b:s9+s3], $0x1400, $0x38;
	[tilespmem:$0x1DC80] =	vst v63  }
0x9e: {  	s10 =	sadd.s32 $0x500, s13  }
0x9f: {  	[tilespmem:s20], [sflag:$0x3] =	stream.linear.gather [hbm4b:s10+s3], $0x1400, $0x38;
	[tilespmem:$0x1DC80] =	vst v63  }
0xa0: {  	s12 =	sadd.s32 $0x780, s13  }
0xa1: {  	[tilespmem:s21], [sflag:$0x4] =	stream.linear.gather [hbm4b:s12+s3], $0x1400, $0x38;
	[tilespmem:$0x1DC80] =	vst v63  }
0xa2: {  	s9 =	sadd.s32 $0xA00, s13  }
0xa3: {  	[tilespmem:s22], [sflag:$0x5] =	stream.linear.gather [hbm4b:s9+s3], $0x1400, $0x38;
	[tilespmem:$0x1DC80] =	vst v63  }
0xa4: {  	_ =	swait.ge [sflag:s23], $0x1400  }
0xa5: {  	[sflag:s23] =	ssyncset.done $0x0  }
0xa6: {  	s10 =	simm.s32 $0x0;
	[sflag:s23] =	ssyncadd.s32 $0xFFFFEC00  }
0xa7: {  	[spmem:s2] =	stream.indirect.scatter.add.f32 [tilespmem:s18], [sflag:$0x6], $0x80, s10, s24, $0xb8;
	[tilespmem:$0x1DC80] =	vst v63  }
0xa8: {  	_ =	swait.ge [sflag:s25], $0x1400  }
0xa9: {  	[sflag:s25] =	ssyncset.done $0x0  }
0xaa: {  	s12 =	simm.s32 $0x80;
	[sflag:s25] =	ssyncadd.s32 $0xFFFFEC00  }
0xab: {  	[spmem:s2] =	stream.indirect.scatter.add.f32 [tilespmem:s19], [sflag:$0x7], $0x80, s12, s24, $0xb8;
	[tilespmem:$0x1DC80] =	vst v63  }
0xac: {  	_ =	swait.ge [sflag:s26], $0x1400  }
0xad: {  	[sflag:s26] =	ssyncset.done $0x0  }
0xae: {  	s9 =	simm.s32 $0x100;
	[sflag:s26] =	ssyncadd.s32 $0xFFFFEC00  }
0xaf: {  	[spmem:s2] =	stream.indirect.scatter.add.f32 [tilespmem:s20], [sflag:$0x8], $0x80, s9, s24, $0xb8;
	[tilespmem:$0x1DC80] =	vst v63  }
0xb0: {  	_ =	swait.ge [sflag:s28], $0x1400  }
0xb1: {  	[sflag:s28] =	ssyncset.done $0x0  }
0xb2: {  	s10 =	simm.s32 $0x180;
	[sflag:s28] =	ssyncadd.s32 $0xFFFFEC00  }
0xb3: {  	[spmem:s2] =	stream.indirect.scatter.add.f32 [tilespmem:s21], [sflag:$0x9], $0x80, s10, s24, $0xb8;
	[tilespmem:$0x1DC80] =	vst v63  }
0xb4: {  	_ =	swait.ge [sflag:s29], $0x1400  }
0xb5: {  	[sflag:s29] =	ssyncset.done $0x0  }
0xb6: {  	s12 =	simm.s32 $0x200;
	[sflag:s29] =	ssyncadd.s32 $0xFFFFEC00  }
0xb7: {  	[spmem:s2] =	stream.indirect.scatter.add.f32 [tilespmem:s22], [sflag:$0xA], $0x80, s12, s24, $0xb8;
	[tilespmem:$0x1DC80] =	vst v63  }
0xb8: {  	_ =	swait.ge [sflag:s30], $0x1400  }
0xb9: {  	[sflag:s30] =	ssyncset.done $0x0  }
0xba: {  	[sflag:s30] =	ssyncadd.s32 $0xFFFFEC00  }
0xbb: {  	_ =	swait.ge [sflag:s31], $0x1400  }
0xbc: {  	[sflag:s31] =	ssyncset.done $0x0  }
0xbd: {  	[sflag:s31] =	ssyncadd.s32 $0xFFFFEC00  }
0xbe: {  	_ =	swait.ge [sflag:s0], $0x1400  }
0xbf: {  	[sflag:s0] =	ssyncset.done $0x0  }
0xc0: {  	[sflag:s0] =	ssyncadd.s32 $0xFFFFEC00  }
0xc1: {  	_ =	swait.ge [sflag:s1], $0x1400  }
0xc2: {  	[sflag:s1] =	ssyncset.done $0x0  }
0xc3: {  	[sflag:s1] =	ssyncadd.s32 $0xFFFFEC00  }
0xc4: {  	_ =	swait.ge [sflag:s5], $0x1400  }
0xc5: {  	s4 =	simm.s32 $0xA00;
	s12 =	smov.u32 s13;
	[sflag:s5] =	ssyncset.done $0x0  }
.LBB2_4:
0xc6: {  	p1 =	sne.s32 s4, $0xF000;
	[sflag:s5] =	ssyncadd.s32 $0xFFFFEC00;
	s12 =	sadd.s32 $0xC80, s12  }
0xc7: {  	[tilespmem:s18], [sflag:$0x1] =	stream.linear.gather [hbm4b:s12+s3], $0x1400, $0x38;
	[tilespmem:$0x1DC80] =	vst v63  }
0xc8: {  	s10 =	smov.u32 s4;
	s4 =	sadd.s32 $0xA00, s4;
	s9 =	sadd.s32 $0x280, s12  }
0xc9: {  	[tilespmem:s19], [sflag:$0x2] =	stream.linear.gather [hbm4b:s9+s3], $0x1400, $0x38;
	[tilespmem:$0x1DC80] =	vst v63  }
0xca: {  	s9 =	sadd.s32 $0x500, s12  }
0xcb: {  	[tilespmem:s20], [sflag:$0x3] =	stream.linear.gather [hbm4b:s9+s3], $0x1400, $0x38;
	[tilespmem:$0x1DC80] =	vst v63  }
0xcc: {  	s9 =	sadd.s32 $0x780, s12  }
0xcd: {  	[tilespmem:s21], [sflag:$0x4] =	stream.linear.gather [hbm4b:s9+s3], $0x1400, $0x38;
	[tilespmem:$0x1DC80] =	vst v63  }
0xce: {  	s9 =	sadd.s32 $0xA00, s12  }
0xcf: {  	[tilespmem:s22], [sflag:$0x5] =	stream.linear.gather [hbm4b:s9+s3], $0x1400, $0x38;
	[tilespmem:$0x1DC80] =	vst v63  }
0xd0: {  	_ =	swait.ge [sflag:s23], $0x1400  }
0xd1: {  	[sflag:s23] =	ssyncset.done $0x0  }
0xd2: {  	s9 =	sshra.s32 s10, $0x2;
	[sflag:s23] =	ssyncadd.s32 $0xFFFFEC00  }
0xd3: {  	[spmem:s2] =	stream.indirect.scatter.add.f32 [tilespmem:s18], [sflag:$0x6], $0x80, s9, s24, $0xb8;
	[tilespmem:$0x1DC80] =	vst v63  }
0xd4: {  	_ =	swait.ge [sflag:s25], $0x1400  }
0xd5: {  	[sflag:s25] =	ssyncset.done $0x0  }
0xd6: {  	s10 =	sadd.s32 $0x80, s9;
	[sflag:s25] =	ssyncadd.s32 $0xFFFFEC00  }
0xd7: {  	[spmem:s2] =	stream.indirect.scatter.add.f32 [tilespmem:s19], [sflag:$0x7], $0x80, s10, s24, $0xb8;
	[tilespmem:$0x1DC80] =	vst v63  }
0xd8: {  	_ =	swait.ge [sflag:s26], $0x1400  }
0xd9: {  	[sflag:s26] =	ssyncset.done $0x0  }
0xda: {  	s10 =	sadd.s32 $0x100, s9;
	[sflag:s26] =	ssyncadd.s32 $0xFFFFEC00  }
0xdb: {  	[spmem:s2] =	stream.indirect.scatter.add.f32 [tilespmem:s20], [sflag:$0x8], $0x80, s10, s24, $0xb8;
	[tilespmem:$0x1DC80] =	vst v63  }
0xdc: {  	_ =	swait.ge [sflag:s28], $0x1400  }
0xdd: {  	[sflag:s28] =	ssyncset.done $0x0  }
0xde: {  	s10 =	sadd.s32 $0x180, s9;
	[sflag:s28] =	ssyncadd.s32 $0xFFFFEC00  }
0xdf: {  	[spmem:s2] =	stream.indirect.scatter.add.f32 [tilespmem:s21], [sflag:$0x9], $0x80, s10, s24, $0xb8;
	[tilespmem:$0x1DC80] =	vst v63  }
0xe0: {  	_ =	swait.ge [sflag:s29], $0x1400  }
0xe1: {  	[sflag:s29] =	ssyncset.done $0x0  }
0xe2: {  	s9 =	sadd.s32 $0x200, s9;
	[sflag:s29] =	ssyncadd.s32 $0xFFFFEC00  }
0xe3: {  	[spmem:s2] =	stream.indirect.scatter.add.f32 [tilespmem:s22], [sflag:$0xA], $0x80, s9, s24, $0xb8;
	[tilespmem:$0x1DC80] =	vst v63  }
0xe4: {  	_ =	swait.ge [sflag:s30], $0x1400  }
0xe5: {  	[sflag:s30] =	ssyncset.done $0x0  }
0xe6: {  	[sflag:s30] =	ssyncadd.s32 $0xFFFFEC00  }
0xe7: {  	_ =	swait.ge [sflag:s31], $0x1400  }
0xe8: {  	[sflag:s31] =	ssyncset.done $0x0  }
0xe9: {  	[sflag:s31] =	ssyncadd.s32 $0xFFFFEC00  }
0xea: {  	_ =	swait.ge [sflag:s0], $0x1400  }
0xeb: {  	[sflag:s0] =	ssyncset.done $0x0  }
0xec: {  	[sflag:s0] =	ssyncadd.s32 $0xFFFFEC00  }
.Ltmp1:
0xed: {  	_ =	swait.ge [sflag:s1], $0x1400;
	(pc) =	sbr.rel @p1 .LBB2_4-.Ltmp1, $4  }
0xee: {  	[sflag:s1] =	ssyncset.done $0x0  }
0xef: {  	[sflag:s1] =	ssyncadd.s32 $0xFFFFEC00  }
0xf0: {  	_ =	swait.ge [sflag:s5], $0x1400  }
0xf1: {  	[sflag:s5] =	ssyncset.done $0x0  }
0xf2: {  	[sflag:s5] =	ssyncadd.s32 $0xFFFFEC00  }
0xf3: {  	[bflag:$0x0] =	sbarrier.arrive $0xFFFF  }
0xf4: {  	s4 =	rddreg [dreg:$0x3]  }
0xf5: {  	s9 =	rddreg [dreg:$0x7]  }
0xf6: {  	s4 =	sadd.s32 s4, s9  }
0xf7: {  	[hbm:s4], [sflag:s15] =	dma.local [spmem:s16], $0x2700  }
0xf8: {  	_ =	swait.ge [sflag:s14], $0x2700  }
0xf9: {  	[sflag:s14] =	ssyncset.done $0x0  }
0xfa: {  	s4 =	sadd.s32 @!p0 $0x27000, s9;
	[sflag:s14] =	ssyncadd.s32 $0xFFFFD900  }
0xfb: {  	[hbm:s4], [sflag:s15] =	dma.local @!p0 [spmem:s17], $0x100  }
0xfc: {  	s4 =	simm.s32 @!p0 $0xB  }
0xfd: {  	_ =	swait.ge @!p0 [sflag:s4], $0x100  }
0xfe: {  	s11 =	sadd.s32 $0x1, s11;
	s12 =	rddreg [dreg:$0x8]  }
0xff: {  	p1 =	sne.s32 s11, s12  }
.Ltmp2:
0x100: {  	_ = 	snop;
	(pc) =	sbr.rel @p1 .LBB2_1-.Ltmp2, $3  }
0x101: {  	[sflag:s4] =	ssyncset.done @!p0 $0x0  }
0x102: {  	[sflag:s4] =	ssyncadd.s32 @!p0 $0xFFFFFF00  }
0x103: {  	[bflag:$0x0] =	sbarrier.arrive $0xFFFF;
	_ =	sdelay $0x1  }
0x104: {  	_ =	sfence.sel $0x180000  }
0x105: {  	[bflag:$0x0] =	sbarrier.arrive $0xFFFF  }
0x106: {  	_ =	strace $0x90000050  }
0x107: {  	s0 =	stileid.u32;
	[bflag:$0x2] =	sbarrier.arrive $0xFFFF  }
0x108: {  	p0 =	sne.s32 s0, $0x0;
	s0 =	rddreg [dreg:$0x2]  }
0x109: {  	s0 =	sadd.s32 @!p0 $0x100000, s0  }
0x10a: {  	[sflag:s0] =	ssyncadd.tile.s32 @!p0 $0x1;
	_ =	shalt  }
.Lfunc_end2:
_tile_overlayer_lowered:
.L_overlay_start_2:
0x10b: {  	(tag) =	ssettag $0x2  }
0x10c: {  	s0 =	rddreg [dreg:$0x0];
	s2 =	stileid.u32  }
0x10d: {  	s1 =	rddreg [dreg:$0x1];
	p0 =	sne.s32 s2, $0x0  }
0x10e: {  	s3 =	rddreg [dreg:$0x2];
	[bflag:$0x3] =	sbarrier.arrive $0xFFFF;
	s2 =	simm.s32 @!p0 $0x1C0B  }
0x10f: {  	[timem:s3], [sflag:s2] =	dma.local @!p0 [hbm:s0], s1  }
0x110: {  	s0 =	simm.s32 @!p0 $0xB  }
0x111: {  	_ =	swait.ge @!p0 [sflag:s0], s1  }
0x112: {  	s1 =	ssub.s32 @!p0 $0x0, s1;
	[sflag:s0] =	ssyncset.done @!p0 $0x0  }
0x113: {  	[sflag:s0] =	ssyncadd.s32 @!p0 s1  }
0x114: {  	[bflag:$0x3] =	sbarrier.arrive $0xFFFF  }
0x115: {  	_ =	shalt  }

// kernel: kernel.9.cloned.1.call-start
scs
__scs_entry_jumppad:
0x0: {  	(pc) =	sbr.rel $0x88, $3  }
0x1: {  	(tag) =	ssettag $0x0;
	lr =	simm.s32 $0x1  }
0x2: {  	[smem:$0x3F92] =	sst lr;
	_ =	strace $0xD0000000  }
0x3: {  	_ = 	snop  }
0x4: {  	_ = 	snop  }
0x5: {  	_ = 	snop  }
0x6: {  	_ = 	snop  }
0x7: {  	_ = 	snop  }
__scs_overlays_trampoline_lowered:
0x8: {  	[smem:$0x3FA1] =	sst s0  }
0x9: {  	[smem:$0x3FA2] =	sst s1  }
0xa: {  	[smem:$0x3FA3] =	sst s2  }
0xb: {  	[smem:$0x3FA4] =	sst s3  }
0xc: {  	[smem:$0x3FA5] =	sst s4  }
0xd: {  	[smem:$0x3FA6] =	sst s5  }
0xe: {  	[smem:$0x3FA7] =	sst s6  }
0xf: {  	[smem:$0x3FA8] =	sst s7  }
0x10: {  	[smem:$0x3FA9] =	sst s8  }
0x11: {  	[smem:$0x3FAA] =	sst s9;
	s0 =	simm.s32 @!p0 $0x0  }
0x12: {  	s1 =	sld [smem:$0x3F90];
	s0 =	simm.s32 @p0 $0x1  }
0x13: {  	[smem:$0x3FAB] =	sst s0;
	s0 =	simm.s32 @!p1 $0x0  }
0x14: {  	s2 =	sld [smem:$0x3F8F];
	s0 =	simm.s32 @p1 $0x1  }
0x15: {  	[smem:$0x3FAC] =	sst s0;
	s0 =	simm.s32 @!p2 $0x0  }
0x16: {  	s3 =	sld [smem:$0x3FDB];
	s0 =	simm.s32 @p2 $0x1  }
0x17: {  	s4 =	simm.s32 $0x1BF5;
	[smem:$0x3FAE] =	sst s0  }
0x18: {  	s0 =	sld [smem:$0x3F91];
	_ =	swait.ge [sflag:s4], $0x0  }
0x19: {  	s7 =	sld [smem:$0x3F92]  }
0x1a: {  	s8 =	sadd.s32 $0xFFFFE003, lr  }
0x1b: {  	s9 =	sadd.s32 $0xFFFFFEF7, lr;
	s5 =	simm.s32 $0xFFFFFFFF;
	p2 =	slt.u32 s8, $0xFFFFF086  }
0x1c: {  	p1 =	slt.u32 s9, $0xF7A;
	s5 =	simm.s32 @!p2 $0x0  }
0x1d: {  	s5 =	simm.s32 @p1 $0x1;
	p0 =	seq.s32 s7, s2  }
0x1e: {  	s7 =	smul.u32 @!p0 $0xF7A, s2;
	p2 =	seq.s32 @!p0 s5, $0x0  }
0x1f: {  	s9 =	smul.u32 $0xF7A, s1;
	s8 =	simm.s32 @!p0 $0x1BF5;
	p2 =	por !p2, p0  }
0x20: {  	[sflag:s8] =	ssyncset.s32 @!p0 $0xFFFFF086;
	s6 =	sadd.s32 @!p0 s3, s7;
	s7 =	simm.s32 @!p0 $0x108  }
0x21: {  	s3 =	sadd.s32 s3, s9;
	s6 =	sadd.s32 @!p0 $0x88, s6;
	s7 =	simm.s32 @p2 $0x1082  }
0x22: {  	[simem:s7], [sflag:s8] =	dma.local @!p0 [hbm:s6], $0xF7A  }
0x23: {  	s9 =	sor.u32 $0xD0000000, s2;
	s6 =	simm.s32 $0x108;
	_ =	swait.ge @!p0 [sflag:s8], $0x0  }
0x24: {  	s3 =	sadd.s32 $0x88, s3;
	s6 =	simm.s32 @!p1 $0x1082;
	[sflag:s4] =	ssyncset.s32 $0xFFFFF086  }
0x25: {  	[simem:s6], [sflag:s4] =	dma.local [hbm:s3], $0xF7A  }
0x26: {  	[smem:$0x3F92] =	sst s1;
	(tag) =	ssettag s2;
	_ =	strace s9  }
0x27: {  	s1 =	sld [smem:$0x3FA2]  }
0x28: {  	s2 =	sld [smem:$0x3FA3]  }
0x29: {  	s4 =	sld [smem:$0x3FA5]  }
0x2a: {  	p0 =	seq.s32 s5, $0x0;
	s5 =	sld [smem:$0x3FA6]  }
0x2b: {  	s6 =	sld [smem:$0x3FA7]  }
0x2c: {  	s7 =	sld [smem:$0x3FA8]  }
0x2d: {  	s3 =	simm.s32 $0x108;
	s8 =	sld [smem:$0x3FA9]  }
0x2e: {  	s3 =	simm.s32 @!p0 $0x1082;
	s9 =	sld [smem:$0x3FAA]  }
0x2f: {  	lr =	sadd.s32 s0, s3;
	s0 =	sld [smem:$0x3FA1]  }
0x30: {  	s3 =	sld [smem:$0x3FA4]  }
0x31: {  	[smem:$0x3FAD] =	sst s10  }
0x32: {  	s10 =	sld [smem:$0x3FAB];
	_ =	sdelay $0x3  }
0x33: {  	p0 =	seq.s32 s10, $0x1;
	s10 =	sld [smem:$0x3FAD];
	_ =	sdelay $0x3  }
0x34: {  	[smem:$0x3FAD] =	sst s10  }
0x35: {  	s10 =	sld [smem:$0x3FAC];
	_ =	sdelay $0x3  }
0x36: {  	p1 =	seq.s32 s10, $0x1;
	s10 =	sld [smem:$0x3FAD];
	_ =	sdelay $0x3  }
0x37: {  	[smem:$0x3FAD] =	sst s10  }
0x38: {  	s10 =	sld [smem:$0x3FAE]  }
0x39: {  	_ = 	snop;
	(pc) =	sbr.ind lr, $3  }
0x3a: {  	_ = 	snop  }
0x3b: {  	_ = 	snop  }
0x3c: {  	p2 =	seq.s32 s10, $0x1;
	s10 =	sld [smem:$0x3FAD]  }
0x3d: {  	_ =	shalt  }
0x3e: {  	_ =	shalt  }
0x3f: {  	_ =	shalt  }
0x40: {  	_ =	shalt  }
0x41: {  	_ =	shalt  }
0x42: {  	_ =	shalt  }
0x43: {  	_ =	shalt  }
0x44: {  	_ =	shalt  }
0x45: {  	_ =	shalt  }
0x46: {  	_ =	shalt  }
0x47: {  	_ =	shalt  }
0x48: {  	_ =	shalt  }
0x49: {  	_ =	shalt  }
0x4a: {  	_ =	shalt  }
0x4b: {  	_ =	shalt  }
0x4c: {  	_ =	shalt  }
0x4d: {  	_ =	shalt  }
0x4e: {  	_ =	shalt  }
0x4f: {  	_ =	shalt  }
0x50: {  	_ =	shalt  }
0x51: {  	_ =	shalt  }
0x52: {  	_ =	shalt  }
0x53: {  	_ =	shalt  }
0x54: {  	_ =	shalt  }
0x55: {  	_ =	shalt  }
0x56: {  	_ =	shalt  }
0x57: {  	_ =	shalt  }
0x58: {  	_ =	shalt  }
0x59: {  	_ =	shalt  }
0x5a: {  	_ =	shalt  }
0x5b: {  	_ =	shalt  }
0x5c: {  	_ =	shalt  }
0x5d: {  	_ =	shalt  }
0x5e: {  	_ =	shalt  }
0x5f: {  	_ =	shalt  }
0x60: {  	_ =	shalt  }
0x61: {  	_ =	shalt  }
0x62: {  	_ =	shalt  }
0x63: {  	_ =	shalt  }
0x64: {  	_ =	shalt  }
0x65: {  	_ =	shalt  }
0x66: {  	_ =	shalt  }
0x67: {  	_ =	shalt  }
0x68: {  	_ =	shalt  }
0x69: {  	_ =	shalt  }
0x6a: {  	_ =	shalt  }
0x6b: {  	_ =	shalt  }
0x6c: {  	_ =	shalt  }
0x6d: {  	_ =	shalt  }
0x6e: {  	_ =	shalt  }
0x6f: {  	_ =	shalt  }
0x70: {  	_ =	shalt  }
0x71: {  	_ =	shalt  }
0x72: {  	_ =	shalt  }
0x73: {  	_ =	shalt  }
0x74: {  	_ =	shalt  }
0x75: {  	_ =	shalt  }
0x76: {  	_ =	shalt  }
0x77: {  	_ =	shalt  }
0x78: {  	_ =	shalt  }
0x79: {  	_ =	shalt  }
0x7a: {  	_ =	shalt  }
0x7b: {  	_ =	shalt  }
0x7c: {  	_ =	shalt  }
0x7d: {  	_ =	shalt  }
0x7e: {  	_ =	shalt  }
0x7f: {  	_ =	shalt  }
0x80: {  	_ =	shalt  }
0x81: {  	_ =	shalt  }
0x82: {  	_ =	shalt  }
0x83: {  	_ =	shalt  }
0x84: {  	_ =	shalt  }
0x85: {  	_ =	shalt  }
0x86: {  	_ =	shalt  }
0x87: {  	_ =	shalt  }
.Lfunc_end0:
.L_simem_size_0:
called_computation_lowered:
.L_overlay_start_0:
0x88: {  	s2 =	sld [smem:$0x3FD9]  }
0x89: {  	s3 =	sld [smem:$0x3FFE];
	_ =	sdelay $0x1  }
0x8a: {  	s1 =	srdreg.scid  }
0x8b: {  	s0 =	sand.u32 $0x1, s1  }
0x8c: {  	s16 =	sshll.u32 s0, $0xA;
	s2 =	sadd.s32 s3, s2  }
0x8d: {  	s2 =	sadd.s32 s2, s16  }
0x8e: {  	[smem:$0x3FB9] =	sst s2  }
0x8f: {  	_ = 	snop  }
0x90: {  	(tm) =	ssettm $0x1  }
0x91: {  	s17 =	sld [smem:$0x3FFB];
	_ =	sdelay $0x3  }
0x92: {  	_ =	strace s17  }
0x93: {  	s2 =	sld [smem:$0x3FFC];
	_ =	sdelay $0x3  }
0x94: {  	_ =	strace s2  }
0x95: {  	s2 =	sld [smem:$0x3FFD];
	_ =	sdelay $0x3  }
0x96: {  	_ =	strace s2  }
0x97: {  	_ =	strace $0x8FFFFFFF  }
0x98: {  	s18 =	sld [smem:$0x3FDB];
	_ =	sdelay $0x1  }
0x99: {  	s19 =	simm.s32 $_scs_section_size  }
0x9a: {  	s4 =	simm.s32 $_size__tile_overlayer_lowered;
	s5 =	simm.s32 $_tile_overlayer_lowered  }
0x9b: {  	s22 =	simm.s32 $0x1BFF;
	s21 =	sshll.u32 s5, $0x1;
	s2 =	sadd.s32 s19, s18  }
0x9c: {  	s6 =	simm.s32 $0x0;
	s20 =	sshll.u32 s4, $0x1;
	s4 =	sadd.s32 s21, s2  }
0x9d: {  	[timem:s6], [sflag:s22] =	dma.local [hbm:s4], s20  }
0x9e: {  	_ =	swait.ge [sflag:s22], s20  }
0x9f: {  	s3 =	ssub.s32 $0x0, s20;
	[sflag:s22] =	ssyncset.done $0x0  }
0xa0: {  	[sflag:s22] =	ssyncadd.s32 s3;
	_ =	sdelay $0x1  }
0xa1: {  	s23 =	simm.s32 $0x1B8B  }
0xa2: {  	_ =	swait.ge [sflag:s23], $0x1  }
0xa3: {  	[sflag:s23] =	ssyncset.done $0x0  }
0xa4: {  	s25 =	simm.s32 $0x1B8E;
	s24 =	sld [smem:$0x3FFE];
	[sflag:s23] =	ssyncadd.s32 $0xFFFFFFFF  }
0xa5: {  	s26 =	simm.s32 $execute0_lowered;
	[smem:$0x3FD2] =	sst s25  }
0xa6: {  	s4 =	sshll.u32 s26, $0x1;
	_ =	strace $0x80000046;
	[dreg:$0x1] =	wrdreg $0xFFFFFFFF  }
0xa7: {  	s28 =	simm.s32 $_size_execute0_lowered;
	s2 =	sadd.s32 s2, s4;
	[dreg:$0x0] =	wrdreg $0x0  }
0xa8: {  	s4 =	sshll.u32 s28, $0x1;
	[dreg:$0x2] =	wrdreg s2  }
0xa9: {  	[dreg:$0x3] =	wrdreg s4  }
0xaa: {  	[dreg:$0x4] =	wrdreg $0xC0  }
0xab: {  	_ =	task [dreg:s6], $0x5FFFF  }
0xac: {  	[dreg:$0x1] =	wrdreg $0xFFFFFFFF  }
0xad: {  	[dreg:$0x0] =	wrdreg $0x60  }
0xae: {  	[dreg:$0x2] =	wrdreg s24  }
0xaf: {  	[dreg:$0x3] =	wrdreg $0x9  }
0xb0: {  	_ =	task.clear_ibuf [dreg:s6], $0x4FFFF;
	_ =	strace $0x90000046  }
0xb1: {  	s29 =	simm.s32 $0x9;
	_ =	strace $0x80000048  }
0xb2: {  	_ =	swait.ge [sflag:s29], $0x1  }
0xb3: {  	[sflag:s29] =	ssyncadd.s32 $0xFFFFFFFF  }
0xb4: {  	_ =	strace $0x90000048  }
0xb5: {  	_ =	sfence  }
0xb6: {  	s30 =	sld [smem:$0x0];
	_ =	sdelay $0x2  }
0xb7: {  	s31 =	sshll.u32 s1, $0xD;
	s1 =	sshrl.u32 s1, $0x2  }
0xb8: {  	s3 =	sand.u32 $0x4000, s31;
	s1 =	sadd.s32 s1, s30  }
0xb9: {  	s0 =	sor.u32 s3, s0;
	s1 =	sshll.u32 s1, $0x11  }
0xba: {  	s0 =	sor.u32 s1, s0  }
0xbb: {  	s0 =	sadd.s32 $0x8F2B, s0  }
0xbc: {  	[sflag:s0] =	ssyncadd.remote.s32 $0x1  }
0xbd: {  	_ =	sfence.sel $0xFFFF  }
0xbe: {  	[dreg:$0x0] =	wrdreg $0xFFFFFFFF;
	(pc) =	sbr.abs _section_cstart, $3  }
0xbf: {  	[dreg:$0x1] =	wrdreg $0xFFFFFFFF  }
0xc0: {  	_ =	task.clear_ibuf [dreg:s6], $0x2FFFF;
	_ =	strace $0x9FFFFFFF  }
0xc1: {  	(tm) =	ssettm $0x7FFFFFFF  }
tec
execute0_lowered:
.L_overlay_start_1:
0x0: {  	(tag) =	ssettag $0x1  }
0x1: {  	s0 =	srdreg.scid  }
0x2: {  	s9 =	stileid.u32;
	s1 =	rddreg [dreg:$0x0]  }
0x3: {  	s15 =	simm.s32 $0xD;
	s28 =	simm.s32 $0x4;
	s29 =	simm.s32 $0x5  }
0x4: {  	s30 =	simm.s32 $0x6;
	s31 =	simm.s32 $0x7;
	s0 =	sand.u32 $0x1, s0  }
0x5: {  	s2 =	sshll.u32 s9, $0x1;
	s3 =	sshrl.u32 s9, $0x2;
	s7 =	sadd.s32 $0x36000, s1  }
0x6: {  	s9 =	smul.u32 $0x27100, s9;
	s4 =	sor.u32 s0, s2;
	s2 =	simm.s32 $0x0  }
0x7: {  	s5 =	smul.u32 $0xA000, s3;
	s3 =	sadd.s32 $0xEE00, s1;
	s17 =	ssub.s32 $0x2, s0  }
0x8: {  	s0 =	smul.u32 $0x13880, s0;
	s16 =	sshll.u32 s4, $0x7;
	[smem:$0x7FF] =	sst s2  }
0x9: {  	s4 =	smul.u32 $0x9C400, s4;
	s8 =	sshrl.u32 s17, $0x1;
	s24 =	sadd.s32 s9, s7  }
0xa: {  	s6 =	sand.u32 $0x380, s16;
	_ =	strace $0x80000047;
	s16 =	simm.s32 $0xA  }
0xb: {  	s5 =	sor.u32 s5, s6;
	s6 =	ssub.s32 s17, s8;
	s4 =	sshrl.u32 s4, $0x3  }
0xc: {  	s17 =	simm.s32 $0x50;
	s5 =	sshrl.u32 s5, $0x3;
	s19 =	sadd.s32 $0x12C00, s4  }
0xd: {  	s21 =	sadd.s32 $0x13100, s4;
	s4 =	sadd.s32 $0x13600, s4;
	s26 =	smax.u32 s6, $0x1  }
0xe: {  	s6 =	simm.s32 $0x28;
	s5 =	sadd.s32 s5, s1;
	s1 =	sadd.s32 $0x2A7000, s1  }
0xf: {  	s20 =	sadd.s32 s7, s19;
	s22 =	sadd.s32 s7, s21;
	[dreg:$0xc] =	wrdreg s26  }
0x10: {  	s7 =	sadd.s32 s7, s4;
	s26 =	simm.s32 $0x3;
	[dreg:$0x6] =	wrdreg s20  }
0x11: {  	s18 =	sadd.s32 $0x4E00, s5;
	s5 =	sadd.s32 $0x9E00, s5;
	[dreg:$0x8] =	wrdreg s22  }
0x12: {  	s23 =	sadd.s32 s1, s21;
	[dreg:$0xa] =	wrdreg s7;
	s25 =	sadd.s32 s9, s1  }
0x13: {  	s20 =	simm.s32 $0x7800;
	s21 =	simm.s32 $0xA000;
	[dreg:$0x4] =	wrdreg s18  }
0x14: {  	s22 =	simm.s32 $0xC800;
	s7 =	simm.s32 $0x0;
	[dreg:$0x5] =	wrdreg s5  }
0x15: {  	s5 =	sadd.s32 s1, s19;
	[dreg:$0x9] =	wrdreg s23;
	s1 =	sadd.s32 s1, s4  }
0x16: {  	s18 =	simm.s32 $0x2800;
	s19 =	simm.s32 $0x5000;
	s23 =	simm.s32 $0xF000  }
0x17: {  	s4 =	simm.s32 $0xB;
	[dreg:$0x7] =	wrdreg s5;
	s5 =	sadd.s32 s0, s24  }
0x18: {  	[dreg:$0xb] =	wrdreg s1;
	s0 =	sadd.s32 s0, s25;
	s24 =	simm.s32 $0x1  }
0x19: {  	s25 =	simm.s32 $0x2;
	s1 =	simm.s32 $0x8;
	[dreg:$0x2] =	wrdreg s5  }
0x1a: {  	[dreg:$0x3] =	wrdreg s0;
	s0 =	simm.s32 $0x9;
	s5 =	simm.s32 $0xC  }
.LBB2_1:
0x1b: {  	s8 =	rddreg [dreg:$0x4];
	s9 =	simm.s32 $0x80;
	s10 =	simm.s32 $0x400  }
0x1c: {  	[tilespmem:s2], [sflag:$0xD] =	stream.strided.gather [hbm4b:s8+s9], $0x1400, s10, s9, $0x38;
	[tilespmem:$0x11800] =	vst v63  }
0x1d: {  	_ =	swait.ge [sflag:s15], $0x1400  }
0x1e: {  	[sflag:s15] =	ssyncset.done $0x0  }
0x1f: {  	s11 =	simm.s32 $0x1400;
	s14 =	rddreg [dreg:$0x5];
	[sflag:s15] =	ssyncadd.s32 $0xFFFFEC00  }
0x20: {  	[tilespmem:s11], [sflag:$0xD] =	stream.strided.gather [hbm4b:s14+s9], $0x1400, s10, s9, $0x38;
	[tilespmem:$0x11800] =	vst v63  }
0x21: {  	_ =	swait.ge [sflag:s15], $0x1400  }
0x22: {  	[sflag:s15] =	ssyncset.done $0x0  }
0x23: {  	s11 =	simm.s32 $0x0;
	[sflag:s15] =	ssyncadd.s32 $0xFFFFEC00  }
0x24: {  	[tilespmem:s18], [sflag:$0x1] =	stream.indirect.gather [hbm4b:s3+s17], $0x80, s11, s17, $0xb8;
	[tilespmem:$0x11800] =	vst v63  }
0x25: {  	s12 =	simm.s32 $0x1400  }
0x26: {  	[tilespmem:s19], [sflag:$0x2] =	stream.indirect.gather [hbm4b:s3+s17], $0x80, s12, s17, $0xb8;
	[tilespmem:$0x11800] =	vst v63  }
0x27: {  	s13 =	simm.s32 $0x50  }
0x28: {  	[tilespmem:s20], [sflag:$0x3] =	stream.indirect.gather [hbm4b:s3+s17], $0x80, s13, s17, $0xb8;
	[tilespmem:$0x11800] =	vst v63  }
0x29: {  	s14 =	simm.s32 $0x1450  }
0x2a: {  	[tilespmem:s21], [sflag:$0x4] =	stream.indirect.gather [hbm4b:s3+s17], $0x80, s14, s17, $0xb8;
	[tilespmem:$0x11800] =	vst v63  }
0x2b: {  	s9 =	simm.s32 $0xA0  }
0x2c: {  	[tilespmem:s22], [sflag:$0x5] =	stream.indirect.gather [hbm4b:s3+s17], $0x80, s9, s17, $0xb8;
	[tilespmem:$0x11800] =	vst v63  }
0x2d: {  	s8 =	simm.s32 $0x14A0  }
0x2e: {  	[tilespmem:s23], [sflag:$0x6] =	stream.indirect.gather [hbm4b:s3+s17], $0x80, s8, s17, $0xb8;
	[tilespmem:$0x11800] =	vst v63  }
0x2f: {  	_ =	swait.ge [sflag:s24], $0x2800  }
0x30: {  	s10 =	rddreg [dreg:$0x2];
	[sflag:s24] =	ssyncset.done $0x0  }
0x31: {  	[sflag:s24] =	ssyncadd.s32 $0xFFFFD800;
	s9 =	sadd.s32 $0x0, s10  }
0x32: {  	[hbm4b:s9+s2] =	stream.linear.scatter [tilespmem:s18], [sflag:$0x7], $0x2800, $0x38;
	[tilespmem:$0x11800] =	vst v63  }
0x33: {  	_ =	swait.ge [sflag:s25], $0x2800  }
0x34: {  	s11 =	rddreg [dreg:$0x3];
	[sflag:s25] =	ssyncset.done $0x0  }
0x35: {  	[sflag:s25] =	ssyncadd.s32 $0xFFFFD800;
	s10 =	sadd.s32 $0x0, s11  }
0x36: {  	[hbm4b:s10+s2] =	stream.linear.scatter [tilespmem:s19], [sflag:$0x8], $0x2800, $0x38;
	[tilespmem:$0x11800] =	vst v63  }
0x37: {  	_ =	swait.ge [sflag:s26], $0x2800  }
0x38: {  	[sflag:s26] =	ssyncset.done $0x0  }
0x39: {  	s13 =	sadd.s32 $0x500, s9;
	[sflag:s26] =	ssyncadd.s32 $0xFFFFD800  }
0x3a: {  	[hbm4b:s13+s2] =	stream.linear.scatter [tilespmem:s20], [sflag:$0x9], $0x2800, $0x38;
	[tilespmem:$0x11800] =	vst v63  }
0x3b: {  	_ =	swait.ge [sflag:s28], $0x2800  }
0x3c: {  	[sflag:s28] =	ssyncset.done $0x0  }
0x3d: {  	s12 =	sadd.s32 $0x500, s10;
	[sflag:s28] =	ssyncadd.s32 $0xFFFFD800  }
0x3e: {  	[hbm4b:s12+s2] =	stream.linear.scatter [tilespmem:s21], [sflag:$0xA], $0x2800, $0x38;
	[tilespmem:$0x11800] =	vst v63  }
0x3f: {  	_ =	swait.ge [sflag:s29], $0x2800  }
0x40: {  	[sflag:s29] =	ssyncset.done $0x0  }
0x41: {  	s9 =	sadd.s32 $0xA00, s9;
	[sflag:s29] =	ssyncadd.s32 $0xFFFFD800  }
0x42: {  	[hbm4b:s9+s2] =	stream.linear.scatter [tilespmem:s22], [sflag:$0xB], $0x2800, $0x38;
	[tilespmem:$0x11800] =	vst v63  }
0x43: {  	_ =	swait.ge [sflag:s30], $0x2800  }
0x44: {  	[sflag:s30] =	ssyncset.done $0x0  }
0x45: {  	s14 =	sadd.s32 $0xA00, s10;
	[sflag:s30] =	ssyncadd.s32 $0xFFFFD800  }
0x46: {  	[hbm4b:s14+s2] =	stream.linear.scatter [tilespmem:s23], [sflag:$0xC], $0x2800, $0x38;
	[tilespmem:$0x11800] =	vst v63  }
0x47: {  	_ =	swait.ge [sflag:s31], $0x2800  }
0x48: {  	[sflag:s31] =	ssyncset.done $0x0  }
0x49: {  	[sflag:s31] =	ssyncadd.s32 $0xFFFFD800  }
0x4a: {  	_ =	swait.ge [sflag:s1], $0x2800  }
0x4b: {  	[sflag:s1] =	ssyncset.done $0x0  }
0x4c: {  	[sflag:s1] =	ssyncadd.s32 $0xFFFFD800  }
0x4d: {  	_ =	swait.ge [sflag:s0], $0x2800  }
0x4e: {  	[sflag:s0] =	ssyncset.done $0x0  }
0x4f: {  	[sflag:s0] =	ssyncadd.s32 $0xFFFFD800  }
0x50: {  	_ =	swait.ge [sflag:s16], $0x2800  }
0x51: {  	[sflag:s16] =	ssyncset.done $0x0  }
0x52: {  	[sflag:s16] =	ssyncadd.s32 $0xFFFFD800  }
0x53: {  	_ =	swait.ge [sflag:s4], $0x2800  }
0x54: {  	[sflag:s4] =	ssyncset.done $0x0  }
0x55: {  	[sflag:s4] =	ssyncadd.s32 $0xFFFFD800  }
0x56: {  	s10 =	simm.s32 $0x190;
	_ =	swait.ge [sflag:s5], $0x2800  }
0x57: {  	s13 =	simm.s32 $0x1E00;
	s9 =	simm.s32 $0xF00;
	[sflag:s5] =	ssyncset.done $0x0  }
.LBB2_2:
0x58: {  	s11 =	sadd.s32 $0xFFFFFF60, s10;
	[sflag:s5] =	ssyncadd.s32 $0xFFFFD800;
	s8 =	sadd.s32 $0xF0, s8  }
0x59: {  	[tilespmem:s18], [sflag:$0x1] =	stream.indirect.gather [hbm4b:s3+s17], $0x80, s11, s17, $0xb8;
	[tilespmem:$0x11800] =	vst v63  }
0x5a: {  	s12 =	sadd.s32 $0xFFFFFF60, s8  }
0x5b: {  	[tilespmem:s19], [sflag:$0x2] =	stream.indirect.gather [hbm4b:s3+s17], $0x80, s12, s17, $0xb8;
	[tilespmem:$0x11800] =	vst v63  }
0x5c: {  	s12 =	sadd.s32 $0xFFFFFFB0, s10  }
0x5d: {  	[tilespmem:s20], [sflag:$0x3] =	stream.indirect.gather [hbm4b:s3+s17], $0x80, s12, s17, $0xb8;
	[tilespmem:$0x11800] =	vst v63  }
0x5e: {  	s12 =	sadd.s32 $0xFFFFFFB0, s8  }
0x5f: {  	[tilespmem:s21], [sflag:$0x4] =	stream.indirect.gather [hbm4b:s3+s17], $0x80, s12, s17, $0xb8;
	[tilespmem:$0x11800] =	vst v63  }
0x60: {  	_ = 	snop  }
0x61: {  	[tilespmem:s22], [sflag:$0x5] =	stream.indirect.gather [hbm4b:s3+s17], $0x80, s10, s17, $0xb8;
	[tilespmem:$0x11800] =	vst v63  }
0x62: {  	_ = 	snop  }
0x63: {  	[tilespmem:s23], [sflag:$0x6] =	stream.indirect.gather [hbm4b:s3+s17], $0x80, s8, s17, $0xb8;
	[tilespmem:$0x11800] =	vst v63  }
0x64: {  	_ =	swait.ge [sflag:s24], $0x2800  }
0x65: {  	s12 =	rddreg [dreg:$0x2];
	[sflag:s24] =	ssyncset.done $0x0  }
0x66: {  	[sflag:s24] =	ssyncadd.s32 $0xFFFFD800;
	s11 =	sadd.s32 s9, s12  }
0x67: {  	[hbm4b:s11+s2] =	stream.linear.scatter [tilespmem:s18], [sflag:$0x7], $0x2800, $0x38;
	[tilespmem:$0x11800] =	vst v63  }
0x68: {  	_ =	swait.ge [sflag:s25], $0x2800  }
0x69: {  	s12 =	rddreg [dreg:$0x3];
	[sflag:s25] =	ssyncset.done $0x0  }
0x6a: {  	[sflag:s25] =	ssyncadd.s32 $0xFFFFD800;
	s12 =	sadd.s32 s9, s12  }
0x6b: {  	[hbm4b:s12+s2] =	stream.linear.scatter [tilespmem:s19], [sflag:$0x8], $0x2800, $0x38;
	[tilespmem:$0x11800] =	vst v63  }
0x6c: {  	_ =	swait.ge [sflag:s26], $0x2800  }
0x6d: {  	s14 =	smov.u32 s13;
	[sflag:s26] =	ssyncset.done $0x0  }
0x6e: {  	s9 =	smov.u32 s14;
	s14 =	sadd.s32 $0x500, s11;
	[sflag:s26] =	ssyncadd.s32 $0xFFFFD800  }
0x6f: {  	[hbm4b:s14+s2] =	stream.linear.scatter [tilespmem:s20], [sflag:$0x9], $0x2800, $0x38;
	[tilespmem:$0x11800] =	vst v63  }
0x70: {  	_ =	swait.ge [sflag:s28], $0x2800  }
0x71: {  	[sflag:s28] =	ssyncset.done $0x0  }
0x72: {  	s14 =	sadd.s32 $0x500, s12;
	[sflag:s28] =	ssyncadd.s32 $0xFFFFD800  }
0x73: {  	[hbm4b:s14+s2] =	stream.linear.scatter [tilespmem:s21], [sflag:$0xA], $0x2800, $0x38;
	[tilespmem:$0x11800] =	vst v63  }
0x74: {  	_ =	swait.ge [sflag:s29], $0x2800  }
0x75: {  	[sflag:s29] =	ssyncset.done $0x0  }
0x76: {  	s11 =	sadd.s32 $0xA00, s11;
	[sflag:s29] =	ssyncadd.s32 $0xFFFFD800  }
0x77: {  	[hbm4b:s11+s2] =	stream.linear.scatter [tilespmem:s22], [sflag:$0xB], $0x2800, $0x38;
	[tilespmem:$0x11800] =	vst v63  }
0x78: {  	_ =	swait.ge [sflag:s30], $0x2800  }
0x79: {  	[sflag:s30] =	ssyncset.done $0x0  }
0x7a: {  	s14 =	sadd.s32 $0xA00, s12;
	[sflag:s30] =	ssyncadd.s32 $0xFFFFD800  }
0x7b: {  	[hbm4b:s14+s2] =	stream.linear.scatter [tilespmem:s23], [sflag:$0xC], $0x2800, $0x38;
	[tilespmem:$0x11800] =	vst v63  }
0x7c: {  	_ =	swait.ge [sflag:s31], $0x2800  }
0x7d: {  	[sflag:s31] =	ssyncset.done $0x0  }
0x7e: {  	[sflag:s31] =	ssyncadd.s32 $0xFFFFD800  }
0x7f: {  	_ =	swait.ge [sflag:s1], $0x2800  }
0x80: {  	[sflag:s1] =	ssyncset.done $0x0  }
0x81: {  	[sflag:s1] =	ssyncadd.s32 $0xFFFFD800  }
0x82: {  	_ =	swait.ge [sflag:s0], $0x2800  }
0x83: {  	[sflag:s0] =	ssyncset.done $0x0  }
0x84: {  	[sflag:s0] =	ssyncadd.s32 $0xFFFFD800  }
0x85: {  	_ =	swait.ge [sflag:s16], $0x2800  }
0x86: {  	[sflag:s16] =	ssyncset.done $0x0  }
0x87: {  	p0 =	sne.s32 s13, $0x11D00;
	[sflag:s16] =	ssyncadd.s32 $0xFFFFD800  }
.Ltmp0:
0x88: {  	_ =	swait.ge [sflag:s4], $0x2800;
	(pc) =	sbr.rel @p0 .LBB2_2-.Ltmp0, $4  }
0x89: {  	[sflag:s4] =	ssyncset.done $0x0  }
0x8a: {  	[sflag:s4] =	ssyncadd.s32 $0xFFFFD800  }
0x8b: {  	_ =	swait.ge [sflag:s5], $0x2800  }
0x8c: {  	s13 =	sadd.s32 $0xF00, s13;
	s10 =	sadd.s32 $0xF0, s10;
	[sflag:s5] =	ssyncset.done $0x0  }
0x8d: {  	s11 =	sadd.s32 $0xFFFFFF60, s10;
	[sflag:s5] =	ssyncadd.s32 $0xFFFFD800;
	s8 =	sadd.s32 $0xF0, s8  }
0x8e: {  	[tilespmem:s18], [sflag:$0x1] =	stream.indirect.gather [hbm4b:s3+s17], $0x80, s11, s17, $0xb8;
	[tilespmem:$0x11800] =	vst v63  }
0x8f: {  	s12 =	sadd.s32 $0xFFFFFF60, s8  }
0x90: {  	[tilespmem:s19], [sflag:$0x2] =	stream.indirect.gather [hbm4b:s3+s17], $0x80, s12, s17, $0xb8;
	[tilespmem:$0x11800] =	vst v63  }
0x91: {  	s13 =	sadd.s32 $0xFFFFFFB0, s10  }
0x92: {  	[tilespmem:s20], [sflag:$0x3] =	stream.indirect.gather [hbm4b:s3+s17], $0x80, s13, s17, $0xb8;
	[tilespmem:$0x11800] =	vst v63  }
0x93: {  	s14 =	sadd.s32 $0xFFFFFFB0, s8  }
0x94: {  	[tilespmem:s21], [sflag:$0x4] =	stream.indirect.gather [hbm4b:s3+s17], $0x80, s14, s17, $0xb8;
	[tilespmem:$0x11800] =	vst v63  }
0x95: {  	_ = 	snop  }
0x96: {  	[tilespmem:s22], [sflag:$0x5] =	stream.indirect.gather [hbm4b:s3+s17], $0x80, s10, s17, $0xb8;
	[tilespmem:$0x11800] =	vst v63  }
0x97: {  	_ = 	snop  }
0x98: {  	[tilespmem:s23], [sflag:$0x6] =	stream.indirect.gather [hbm4b:s3+s17], $0x80, s8, s17, $0xb8;
	[tilespmem:$0x11800] =	vst v63  }
0x99: {  	_ =	swait.ge [sflag:s24], $0x2800  }
0x9a: {  	s12 =	rddreg [dreg:$0x2];
	[sflag:s24] =	ssyncset.done $0x0  }
0x9b: {  	[sflag:s24] =	ssyncadd.s32 $0xFFFFD800;
	s8 =	sadd.s32 s9, s12  }
0x9c: {  	[hbm4b:s8+s2] =	stream.linear.scatter [tilespmem:s18], [sflag:$0x7], $0x2800, $0x38;
	[tilespmem:$0x11800] =	vst v63  }
0x9d: {  	_ =	swait.ge [sflag:s25], $0x2800  }
0x9e: {  	s13 =	rddreg [dreg:$0x3];
	[sflag:s25] =	ssyncset.done $0x0  }
0x9f: {  	[sflag:s25] =	ssyncadd.s32 $0xFFFFD800;
	s14 =	sadd.s32 s9, s13  }
0xa0: {  	[hbm4b:s14+s2] =	stream.linear.scatter [tilespmem:s19], [sflag:$0x8], $0x2800, $0x38;
	[tilespmem:$0x11800] =	vst v63  }
0xa1: {  	_ =	swait.ge [sflag:s26], $0x2800  }
0xa2: {  	[sflag:s26] =	ssyncset.done $0x0  }
0xa3: {  	s11 =	sadd.s32 $0x500, s8;
	[sflag:s26] =	ssyncadd.s32 $0xFFFFD800  }
0xa4: {  	[hbm4b:s11+s2] =	stream.linear.scatter [tilespmem:s20], [sflag:$0x9], $0x2800, $0x38;
	[tilespmem:$0x11800] =	vst v63  }
0xa5: {  	_ =	swait.ge [sflag:s28], $0x2800  }
0xa6: {  	[sflag:s28] =	ssyncset.done $0x0  }
0xa7: {  	s12 =	sadd.s32 $0x500, s14;
	[sflag:s28] =	ssyncadd.s32 $0xFFFFD800  }
0xa8: {  	[hbm4b:s12+s2] =	stream.linear.scatter [tilespmem:s21], [sflag:$0xA], $0x2800, $0x38;
	[tilespmem:$0x11800] =	vst v63  }
0xa9: {  	_ =	swait.ge [sflag:s29], $0x2800  }
0xaa: {  	[sflag:s29] =	ssyncset.done $0x0  }
0xab: {  	s8 =	sadd.s32 $0xA00, s8;
	[sflag:s29] =	ssyncadd.s32 $0xFFFFD800  }
0xac: {  	[hbm4b:s8+s2] =	stream.linear.scatter [tilespmem:s22], [sflag:$0xB], $0x2800, $0x38;
	[tilespmem:$0x11800] =	vst v63  }
0xad: {  	_ =	swait.ge [sflag:s30], $0x2800  }
0xae: {  	[sflag:s30] =	ssyncset.done $0x0  }
0xaf: {  	s13 =	sadd.s32 $0xA00, s14;
	[sflag:s30] =	ssyncadd.s32 $0xFFFFD800  }
0xb0: {  	[hbm4b:s13+s2] =	stream.linear.scatter [tilespmem:s23], [sflag:$0xC], $0x2800, $0x38;
	[tilespmem:$0x11800] =	vst v63  }
0xb1: {  	_ =	swait.ge [sflag:s31], $0x2800  }
0xb2: {  	[sflag:s31] =	ssyncset.done $0x0  }
0xb3: {  	[sflag:s31] =	ssyncadd.s32 $0xFFFFD800  }
0xb4: {  	_ =	swait.ge [sflag:s1], $0x2800  }
0xb5: {  	[sflag:s1] =	ssyncset.done $0x0  }
0xb6: {  	[sflag:s1] =	ssyncadd.s32 $0xFFFFD800  }
0xb7: {  	_ =	swait.ge [sflag:s0], $0x2800  }
0xb8: {  	[sflag:s0] =	ssyncset.done $0x0  }
0xb9: {  	[sflag:s0] =	ssyncadd.s32 $0xFFFFD800  }
0xba: {  	_ =	swait.ge [sflag:s16], $0x2800  }
0xbb: {  	[sflag:s16] =	ssyncset.done $0x0  }
0xbc: {  	[sflag:s16] =	ssyncadd.s32 $0xFFFFD800  }
0xbd: {  	_ =	swait.ge [sflag:s4], $0x2800  }
0xbe: {  	[sflag:s4] =	ssyncset.done $0x0  }
0xbf: {  	[sflag:s4] =	ssyncadd.s32 $0xFFFFD800  }
0xc0: {  	_ =	swait.ge [sflag:s5], $0x2800  }
0xc1: {  	[sflag:s5] =	ssyncset.done $0x0  }
0xc2: {  	s14 =	simm.s32 $0x12C0;
	[sflag:s5] =	ssyncadd.s32 $0xFFFFD800  }
0xc3: {  	[tilespmem:s18], [sflag:$0x1] =	stream.indirect.gather [hbm4b:s3+s17], $0x80, s14, s17, $0xb8;
	[tilespmem:$0x11800] =	vst v63  }
0xc4: {  	s9 =	simm.s32 $0x26C0  }
0xc5: {  	[tilespmem:s19], [sflag:$0x2] =	stream.indirect.gather [hbm4b:s3+s17], $0x80, s9, s17, $0xb8;
	[tilespmem:$0x11800] =	vst v63  }
0xc6: {  	_ =	swait.ge [sflag:s24], $0x2800  }
0xc7: {  	[sflag:s24] =	ssyncset.done $0x0  }
0xc8: {  	s10 =	rddreg [dreg:$0x6];
	[sflag:s24] =	ssyncadd.s32 $0xFFFFD800  }
0xc9: {  	[hbm4b:s10+s2] =	stream.linear.scatter [tilespmem:s18], [sflag:$0x7], $0x2800, $0x38;
	[tilespmem:$0x11800] =	vst v63  }
0xca: {  	_ =	swait.ge [sflag:s25], $0x2800  }
0xcb: {  	[sflag:s25] =	ssyncset.done $0x0  }
0xcc: {  	s11 =	rddreg [dreg:$0x7];
	[sflag:s25] =	ssyncadd.s32 $0xFFFFD800  }
0xcd: {  	[hbm4b:s11+s2] =	stream.linear.scatter [tilespmem:s19], [sflag:$0x8], $0x2800, $0x38;
	[tilespmem:$0x11800] =	vst v63  }
0xce: {  	_ =	swait.ge [sflag:s31], $0x2800  }
0xcf: {  	[sflag:s31] =	ssyncset.done $0x0  }
0xd0: {  	[sflag:s31] =	ssyncadd.s32 $0xFFFFD800  }
0xd1: {  	_ =	swait.ge [sflag:s1], $0x2800  }
0xd2: {  	[sflag:s1] =	ssyncset.done $0x0  }
0xd3: {  	s12 =	simm.s32 $0x1310;
	[sflag:s1] =	ssyncadd.s32 $0xFFFFD800  }
0xd4: {  	[tilespmem:s18], [sflag:$0x1] =	stream.indirect.gather [hbm4b:s3+s17], $0x80, s12, s17, $0xb8;
	[tilespmem:$0x11800] =	vst v63  }
0xd5: {  	s13 =	simm.s32 $0x2710  }
0xd6: {  	[tilespmem:s19], [sflag:$0x2] =	stream.indirect.gather [hbm4b:s3+s17], $0x80, s13, s17, $0xb8;
	[tilespmem:$0x11800] =	vst v63  }
0xd7: {  	_ =	swait.ge [sflag:s24], $0x2800  }
0xd8: {  	[sflag:s24] =	ssyncset.done $0x0  }
0xd9: {  	s14 =	rddreg [dreg:$0x8];
	[sflag:s24] =	ssyncadd.s32 $0xFFFFD800  }
0xda: {  	[hbm4b:s14+s2] =	stream.linear.scatter [tilespmem:s18], [sflag:$0x7], $0x2800, $0x38;
	[tilespmem:$0x11800] =	vst v63  }
0xdb: {  	_ =	swait.ge [sflag:s25], $0x2800  }
0xdc: {  	[sflag:s25] =	ssyncset.done $0x0  }
0xdd: {  	s9 =	rddreg [dreg:$0x9];
	[sflag:s25] =	ssyncadd.s32 $0xFFFFD800  }
0xde: {  	[hbm4b:s9+s2] =	stream.linear.scatter [tilespmem:s19], [sflag:$0x8], $0x2800, $0x38;
	[tilespmem:$0x11800] =	vst v63  }
0xdf: {  	_ =	swait.ge [sflag:s31], $0x2800  }
0xe0: {  	[sflag:s31] =	ssyncset.done $0x0  }
0xe1: {  	[sflag:s31] =	ssyncadd.s32 $0xFFFFD800  }
0xe2: {  	_ =	swait.ge [sflag:s1], $0x2800  }
0xe3: {  	[sflag:s1] =	ssyncset.done $0x0  }
0xe4: {  	s10 =	simm.s32 $0x1360;
	[sflag:s1] =	ssyncadd.s32 $0xFFFFD800  }
0xe5: {  	[tilespmem:s18], [sflag:$0x1] =	stream.indirect.gather [hbm4b:s3+s6], $0x80, s10, s6, $0xb8;
	[tilespmem:$0x11800] =	vst v63  }
0xe6: {  	s11 =	simm.s32 $0x2760  }
0xe7: {  	[tilespmem:s19], [sflag:$0x2] =	stream.indirect.gather [hbm4b:s3+s6], $0x80, s11, s6, $0xb8;
	[tilespmem:$0x11800] =	vst v63  }
0xe8: {  	_ =	swait.ge [sflag:s24], $0x1400  }
0xe9: {  	[sflag:s24] =	ssyncset.done $0x0  }
0xea: {  	s12 =	rddreg [dreg:$0xa];
	[sflag:s24] =	ssyncadd.s32 $0xFFFFEC00  }
0xeb: {  	[hbm4b:s12+s2] =	stream.linear.scatter [tilespmem:s18], [sflag:$0x7], $0x1400, $0x38;
	[tilespmem:$0x11800] =	vst v63  }
0xec: {  	_ =	swait.ge [sflag:s25], $0x1400  }
0xed: {  	[sflag:s25] =	ssyncset.done $0x0  }
0xee: {  	s13 =	rddreg [dreg:$0xb];
	[sflag:s25] =	ssyncadd.s32 $0xFFFFEC00  }
0xef: {  	[hbm4b:s13+s2] =	stream.linear.scatter [tilespmem:s19], [sflag:$0x8], $0x1400, $0x38;
	[tilespmem:$0x11800] =	vst v63  }
0xf0: {  	_ =	swait.ge [sflag:s31], $0x1400  }
0xf1: {  	[sflag:s31] =	ssyncset.done $0x0  }
0xf2: {  	[sflag:s31] =	ssyncadd.s32 $0xFFFFEC00  }
0xf3: {  	_ =	swait.ge [sflag:s1], $0x1400  }
0xf4: {  	s7 =	sadd.s32 $0x1, s7;
	s14 =	rddreg [dreg:$0xc]  }
0xf5: {  	p0 =	sne.s32 s7, s14  }
.Ltmp1:
0xf6: {  	_ = 	snop;
	(pc) =	sbr.rel @p0 .LBB2_1-.Ltmp1, $3  }
0xf7: {  	_ =	sdelay $0x1  }
0xf8: {  	[sflag:s1] =	ssyncset.done $0x0  }
0xf9: {  	[sflag:s1] =	ssyncadd.s32 $0xFFFFEC00  }
0xfa: {  	_ =	sfence.sel $0x180000  }
0xfb: {  	[bflag:$0x0] =	sbarrier.arrive $0xFFFF  }
0xfc: {  	_ =	strace $0x90000047  }
0xfd: {  	s0 =	stileid.u32;
	[bflag:$0x2] =	sbarrier.arrive $0xFFFF  }
0xfe: {  	p0 =	sne.s32 s0, $0x0;
	s0 =	rddreg [dreg:$0x1]  }
0xff: {  	s0 =	sadd.s32 @!p0 $0x100000, s0  }
0x100: {  	[sflag:s0] =	ssyncadd.tile.s32 @!p0 $0x1;
	_ =	shalt  }
.Lfunc_end2:
_tile_overlayer_lowered:
.L_overlay_start_2:
0x101: {  	(tag) =	ssettag $0x2  }
0x102: {  	s0 =	rddreg [dreg:$0x0];
	s2 =	stileid.u32  }
0x103: {  	s1 =	rddreg [dreg:$0x1];
	p0 =	sne.s32 s2, $0x0  }
0x104: {  	s3 =	rddreg [dreg:$0x2];
	[bflag:$0x3] =	sbarrier.arrive $0xFFFF;
	s2 =	simm.s32 @!p0 $0x1C0D  }
0x105: {  	[timem:s3], [sflag:s2] =	dma.local @!p0 [hbm:s0], s1  }
0x106: {  	s0 =	simm.s32 @!p0 $0xD  }
0x107: {  	_ =	swait.ge @!p0 [sflag:s0], s1  }
0x108: {  	s1 =	ssub.s32 @!p0 $0x0, s1;
	[sflag:s0] =	ssyncset.done @!p0 $0x0  }
0x109: {  	[sflag:s0] =	ssyncadd.s32 @!p0 s1  }
0x10a: {  	[bflag:$0x3] =	sbarrier.arrive $0xFFFF  }
0x10b: {  	_ =	shalt  }

</sc_bundles>
